<compile_context>
chip_gen: v7x
topology: tpu7x:2x2x1
jax: 0.10.2.dev20260603
libtpu: 0.0.44.dev20260713+nightly
codegen_flags: <defaults>
</compile_context>

<pallas_src>
import functools

import jax
import jax.numpy as jnp
from jax import lax
from jax.experimental import pallas as pl
from jax.experimental.pallas import tpu as pltpu
from jax.experimental.pallas import tpu_sc as plsc

_VOCAB = 100000
_D = 128
_SEQ = 128
_L = 122
_START = 99998
_END = 99999
_B = 1024
_CLIP = 512

_NC = 2
_NS = 16
_NW = _NC * _NS
_BPW = _B // _NW
_NBUF = 4
_LOOK = _NBUF - 1



def _proj_body(ex_ref, tg_ref, w_ref, b_ref, pos_ref, ids_ref, o_ref, idx_ref):
    w = w_ref[...]
    o_ref[:, 0, :] = jax.lax.dot_general(
        ex_ref[...], w, (((1,), (1,)), ((), ())),
        preferred_element_type=jnp.float32) + (b_ref[...] + pos_ref[pl.ds(3, 1), :])
    o_ref[:, 1, :] = jax.lax.dot_general(
        tg_ref[...], w, (((1,), (1,)), ((), ())),
        preferred_element_type=jnp.float32) + (b_ref[...] + pos_ref[pl.ds(6, 1), :])
    tb = ids_ref.shape[0]
    idx_ref[...] = jnp.concatenate(
        [ids_ref[...], jnp.zeros((tb, _SEQ - _L), jnp.int32)], axis=1)


def _proj(ex, tg, w, b, pos, ids):
    grid = 1
    tb = _B // grid
    return pl.pallas_call(
        _proj_body,
        grid=(grid,),
        in_specs=[
            pl.BlockSpec((tb, _CLIP), lambda i: (i, 0)),
            pl.BlockSpec((tb, _CLIP), lambda i: (i, 0)),
            pl.BlockSpec((_D, _CLIP), lambda i: (0, 0)),
            pl.BlockSpec((1, _D), lambda i: (0, 0)),
            pl.BlockSpec((8, _D), lambda i: (_SEQ // 8 - 1, 0)),
            pl.BlockSpec((tb, _L), lambda i: (i, 0)),
        ],
        out_specs=[
            pl.BlockSpec((tb, 2, _D), lambda i: (i, 0, 0)),
            pl.BlockSpec((tb, _SEQ), lambda i: (i, 0)),
        ],
        out_shape=[
            jax.ShapeDtypeStruct((_B, 2, _D), jnp.float32),
            jax.ShapeDtypeStruct((_B, _SEQ), jnp.int32),
        ],
    )(ex, tg, w, b, pos, ids)



_mesh = plsc.VectorSubcoreMesh(core_axis_name="c", subcore_axis_name="s")


@functools.partial(
    pl.kernel,
    mesh=_mesh,
    out_type=jax.ShapeDtypeStruct((_B, _SEQ, _D), jnp.float32),
    scratch_types=(
        [pltpu.VMEM((_BPW, _SEQ), jnp.int32),
         pltpu.VMEM((_BPW, 2, _D), jnp.float32),
         pltpu.VMEM((_SEQ, _D), jnp.float32),
         pltpu.VMEM((2, _D), jnp.float32)]
        + [pltpu.VMEM((_SEQ, _D), jnp.float32)] * _NBUF
        + [pltpu.SemaphoreType.DMA] * (2 * _NBUF)
    ),
)
def _sc_assemble(idx_hbm, table_hbm, proj_hbm, pos_hbm, out_hbm,
                 idx_v, proj_v, pos_v, se_v, buf0, buf1, buf2, buf3,
                 g0, g1, g2, g3, w0, w1, w2, w3):
    bufs = (buf0, buf1, buf2, buf3)
    gsems = (g0, g1, g2, g3)
    wsems = (w0, w1, w2, w3)
    wid = lax.axis_index("s") * _NC + lax.axis_index("c")
    base = wid * _BPW

    def fire(i, k):
        pltpu.async_copy(table_hbm.at[idx_v.at[i, pl.ds(0, _L)]],
                         bufs[k].at[pl.ds(0, _L)], gsems[k])

    def drain_gather(i, k):
        pltpu.make_async_copy(table_hbm.at[idx_v.at[i, pl.ds(0, _L)]],
                              bufs[k].at[pl.ds(0, _L)], gsems[k]).wait()

    pltpu.sync_copy(idx_hbm.at[pl.ds(base, _BPW)], idx_v)
    for k in range(_LOOK):
        fire(k, k)

    pltpu.sync_copy(proj_hbm.at[pl.ds(base, _BPW)], proj_v)
    pltpu.sync_copy(pos_hbm, pos_v)
    pltpu.sync_copy(table_hbm.at[pl.ds(_START, 2)], se_v)

    for u in range(_NBUF):
        for c in range(_D // 16):
            sl = pl.ds(c * 16, 16)
            bufs[u][122, sl] = se_v[0, sl] + pos_v[122, sl]
            bufs[u][124, sl] = se_v[1, sl] + pos_v[124, sl]
            bufs[u][125, sl] = se_v[0, sl] + pos_v[125, sl]
            bufs[u][127, sl] = se_v[1, sl] + pos_v[127, sl]

    def assemble(buf, i):
        def radd(r2, c2):
            for dr in range(2):
                r = r2 * 2 + dr
                for c in range(_D // 16):
                    sl = pl.ds(c * 16, 16)
                    buf[r, sl] = buf[r, sl] + pos_v[r, sl]
            return c2

        lax.fori_loop(0, _L // 2, radd, 0)
        for c in range(_D // 16):
            sl = pl.ds(c * 16, 16)
            buf[123, sl] = proj_v[i, 0, sl]
            buf[126, sl] = proj_v[i, 1, sl]

    def step(i, u):
        drain_gather(i, u)
        assemble(bufs[u], i)
        pltpu.async_copy(bufs[u], out_hbm.at[base + i], wsems[u])

        ku = (u + _LOOK) % _NBUF
        inext = i + _LOOK

        @pl.when(jnp.logical_and(i >= 1, inext < _BPW))
        def _drain():
            pltpu.make_async_copy(
                bufs[ku], out_hbm.at[base + i - 1], wsems[ku]).wait()

        @pl.when(inext < _BPW)
        def _fire():
            fire(inext, ku)

    def super_body(s, carry):
        for u in range(_NBUF):
            step(s * _NBUF + u, u)
        return carry

    lax.fori_loop(0, _BPW // _NBUF, super_body, 0)
    for t in range(_BPW % _NBUF):
        step((_BPW // _NBUF) * _NBUF + t, t)

    for u in range(_NBUF):
        pltpu.make_async_copy(bufs[u], out_hbm.at[base], wsems[u]).wait()



def kernel(full_prompt_ids, example_image_clip, target_image_clip,
           token_embed, clip_W, clip_b, pos_embed):
    ids = full_prompt_ids.astype(jnp.int32)
    proj, idx_full = _proj(example_image_clip, target_image_clip, clip_W,
                           clip_b.reshape(1, _D), pos_embed, ids)
    return _sc_assemble(idx_full, token_embed, proj, pos_embed)

# --- scband reference (transcript-rebuilt; emitter-appended) ---
"""Pipeline reference for scband-clipprompt-assembler-32341103738928 (READ-ONLY COPY).

The authoritative reference and input builder live on the scoring server;
editing this copy changes nothing except your own understanding.
"""

import jax, jax.numpy as jnp
import numpy as np

VOCAB = 100000
D_MODEL = 128
CLIP_DIM = 512
MAX_SEQ = 128
START_ID = 99998
END_ID = 99999
B = 1024
L = 122


def setup_inputs(seed: int = 0) -> dict:
    key = jax.random.key(seed)
    ks = jax.random.split(key, 7)
    return {
        "full_prompt_ids": jax.random.randint(ks[0], (B, L), 0, VOCAB),
        "example_image_clip": jax.random.normal(ks[1], (B, CLIP_DIM), dtype=jnp.float32),
        "target_image_clip": jax.random.normal(ks[2], (B, CLIP_DIM), dtype=jnp.float32),
        "token_embed": jax.random.normal(ks[3], (VOCAB, D_MODEL), dtype=jnp.float32) * 0.02,
        "clip_W": jax.random.normal(ks[4], (D_MODEL, CLIP_DIM), dtype=jnp.float32) * 0.02,
        "clip_b": jnp.zeros((D_MODEL,), dtype=jnp.float32),
        "pos_embed": jax.random.normal(ks[5], (MAX_SEQ, D_MODEL), dtype=jnp.float32) * 0.02,
    }


def reference(full_prompt_ids, example_image_clip, target_image_clip, token_embed, clip_W, clip_b, pos_embed):
    Bv = full_prompt_ids.shape[0]
    start_tok = jnp.full((Bv, 1), START_ID, dtype=full_prompt_ids.dtype)
    end_tok = jnp.full((Bv, 1), END_ID, dtype=full_prompt_ids.dtype)
    start_emb = jnp.take(token_embed, start_tok, axis=0)
    end_emb = jnp.take(token_embed, end_tok, axis=0)
    prompt_emb = jnp.take(token_embed, full_prompt_ids, axis=0)
    example_img_emb = (example_image_clip @ clip_W.T + clip_b)[:, None, :]
    target_img_emb = (target_image_clip @ clip_W.T + clip_b)[:, None, :]
    full_stream = jnp.concatenate(
        [prompt_emb, start_emb, example_img_emb, end_emb, start_emb, target_img_emb, end_emb],
        axis=1,
    )
    total_len = full_stream.shape[1]
    pos_ids = jnp.arange(total_len)
    pos_emb = jnp.take(pos_embed, pos_ids, axis=0)[None, :, :]
    return full_stream + pos_emb

if __name__ == "__main__":
    import jax
    _d = setup_inputs()
    print(jax.jit(kernel)(*tuple(_d.values())))

</pallas_src>

<mosaic_0001>
#map = affine_map<(d0, d1) -> (0, 0)>
#map1 = affine_map<(d0, d1) -> (0, 0, 0)>
module attributes {stable_mosaic.version = 14 : i64} {
  func.func @_sc_assemble(%arg0: i32, %arg1: i32, %arg2: memref<1024x128xi32, #tpu.memory_space<hbm>>, %arg3: memref<100000x128xf32, #tpu.memory_space<hbm>>, %arg4: memref<1024x2x128xf32, #tpu.memory_space<hbm>>, %arg5: memref<128x128xf32, #tpu.memory_space<hbm>>, %arg6: memref<1024x128x128xf32, #tpu.memory_space<hbm>>, %arg7: memref<32x128xi32, #tpu.memory_space<vmem>>, %arg8: memref<32x2x128xf32, #tpu.memory_space<vmem>>, %arg9: memref<128x128xf32, #tpu.memory_space<vmem>>, %arg10: memref<2x128xf32, #tpu.memory_space<vmem>>, %arg11: memref<128x128xf32, #tpu.memory_space<vmem>>, %arg12: memref<128x128xf32, #tpu.memory_space<vmem>>, %arg13: memref<128x128xf32, #tpu.memory_space<vmem>>, %arg14: memref<128x128xf32, #tpu.memory_space<vmem>>, %arg15: memref<!tpu.dma_semaphore, #tpu.memory_space<semaphore_mem>>, %arg16: memref<!tpu.dma_semaphore, #tpu.memory_space<semaphore_mem>>, %arg17: memref<!tpu.dma_semaphore, #tpu.memory_space<semaphore_mem>>, %arg18: memref<!tpu.dma_semaphore, #tpu.memory_space<semaphore_mem>>, %arg19: memref<!tpu.dma_semaphore, #tpu.memory_space<semaphore_mem>>, %arg20: memref<!tpu.dma_semaphore, #tpu.memory_space<semaphore_mem>>, %arg21: memref<!tpu.dma_semaphore, #tpu.memory_space<semaphore_mem>>, %arg22: memref<!tpu.dma_semaphore, #tpu.memory_space<semaphore_mem>>) attributes {dimension_semantics = [#tpu.dimension_semantics<core_parallel>, #tpu.dimension_semantics<subcore_parallel>], iteration_bounds = array<i64: 2, 16>, scalar_prefetch = 0 : i64, scratch_operands = 16 : i64, tpu.core_type = #tpu.core_type<sc_vector_subcore>, window_params = [{transform_indices = #map}, {transform_indices = #map}, {transform_indices = #map1}, {transform_indices = #map}, {transform_indices = #map1}]} {
    %mul3A = arith.constant 2 : i32
    %mul3A_0 = arith.muli %arg1, %mul3A : i32
    %add3A = arith.addi %mul3A_0, %arg0 : i32
    %mul3A_1 = arith.constant 32 : i32
    %mul3A_2 = arith.muli %add3A, %mul3A_1 : i32
    "tpu.region"() ({
      %run_scoped3A = tpu.sem_alloc : memref<!tpu.dma_semaphore, #tpu.memory_space<semaphore_mem>>
      %dma_start3A_2242 = arith.constant 0 : i32
      %dma_start3A_2243 = tpu.memref_slice %arg2[%mul3A_2, %dma_start3A_2242] : memref<1024x128xi32, #tpu.memory_space<hbm>> -> memref<32x128xi32, #tpu.memory_space<hbm>>
      %dma_start3A_2244 = arith.constant 0 : i32
      %dma_start3A_2245 = tpu.memref_slice %arg2[%mul3A_2, %dma_start3A_2244] : memref<1024x128xi32, #tpu.memory_space<hbm>> -> memref<32x128xi32, #tpu.memory_space<hbm>>
      tpu.enqueue_dma source(%dma_start3A_2245 : memref<32x128xi32, #tpu.memory_space<hbm>>) target(%arg7 : memref<32x128xi32, #tpu.memory_space<vmem>>) target_semaphore(%run_scoped3A : memref<!tpu.dma_semaphore, #tpu.memory_space<semaphore_mem>>)
      %dma_wait3A_2246 = arith.constant 0 : i32
      %dma_wait3A_2247 = tpu.memref_slice %arg2[%mul3A_2, %dma_wait3A_2246] : memref<1024x128xi32, #tpu.memory_space<hbm>> -> memref<32x128xi32, #tpu.memory_space<hbm>>
      %dma_wait3A_2248 = arith.constant 0 : i32
      %dma_wait3A_2249 = tpu.memref_slice %arg2[%mul3A_2, %dma_wait3A_2248] : memref<1024x128xi32, #tpu.memory_space<hbm>> -> memref<32x128xi32, #tpu.memory_space<hbm>>
      tpu.wait_dma2 semaphore(%run_scoped3A : memref<!tpu.dma_semaphore, #tpu.memory_space<semaphore_mem>>) src(%dma_wait3A_2249 : memref<32x128xi32, #tpu.memory_space<hbm>>) dst(%arg7 : memref<32x128xi32, #tpu.memory_space<vmem>>)
      tpu.yield
    }) : () -> ()
    %dma_start3A = arith.constant 0 : i32
    %dma_start3A_3 = arith.constant 0 : i32
    %dma_start3A_4 = arith.constant 0 : i32
    %dma_start3A_5 = tpu.memref_slice %arg11[%dma_start3A_3, %dma_start3A_4] : memref<128x128xf32, #tpu.memory_space<vmem>> -> memref<122x128xf32, #tpu.memory_space<vmem>>
    %dma_start3A_6 = arith.constant 0 : i32
    %dma_start3A_7 = tpu.memref_slice %arg7[%dma_start3A, %dma_start3A_6] : memref<32x128xi32, #tpu.memory_space<vmem>> -> memref<1x122xi32, #tpu.memory_space<vmem>>
    %dma_start3A_8 = tpu.memref_squeeze %dma_start3A_7 : memref<1x122xi32, #tpu.memory_space<vmem>> -> memref<122xi32, #tpu.memory_space<vmem>>
    %dma_start3A_9 = arith.constant 0 : i32
    %dma_start3A_10 = arith.constant 0 : i32
    %dma_start3A_11 = tpu.memref_slice %arg3[%dma_start3A_9, %dma_start3A_10] : memref<100000x128xf32, #tpu.memory_space<hbm>> -> memref<100000x128xf32, #tpu.memory_space<hbm>>
    tpu.enqueue_indirect_dma source(%dma_start3A_11 : memref<100000x128xf32, #tpu.memory_space<hbm>>) target(%dma_start3A_5 : memref<122x128xf32, #tpu.memory_space<vmem>>) offsets(%dma_start3A_8 : memref<122xi32, #tpu.memory_space<vmem>>) semaphore(%arg15 : memref<!tpu.dma_semaphore, #tpu.memory_space<semaphore_mem>>)
    %dma_start3A_12 = arith.constant 1 : i32
    %dma_start3A_13 = arith.constant 0 : i32
    %dma_start3A_14 = arith.constant 0 : i32
    %dma_start3A_15 = tpu.memref_slice %arg12[%dma_start3A_13, %dma_start3A_14] : memref<128x128xf32, #tpu.memory_space<vmem>> -> memref<122x128xf32, #tpu.memory_space<vmem>>
    %dma_start3A_16 = arith.constant 0 : i32
    %dma_start3A_17 = tpu.memref_slice %arg7[%dma_start3A_12, %dma_start3A_16] : memref<32x128xi32, #tpu.memory_space<vmem>> -> memref<1x122xi32, #tpu.memory_space<vmem>>
    %dma_start3A_18 = tpu.memref_squeeze %dma_start3A_17 : memref<1x122xi32, #tpu.memory_space<vmem>> -> memref<122xi32, #tpu.memory_space<vmem>>
    %dma_start3A_19 = arith.constant 0 : i32
    %dma_start3A_20 = arith.constant 0 : i32
    %dma_start3A_21 = tpu.memref_slice %arg3[%dma_start3A_19, %dma_start3A_20] : memref<100000x128xf32, #tpu.memory_space<hbm>> -> memref<100000x128xf32, #tpu.memory_space<hbm>>
    tpu.enqueue_indirect_dma source(%dma_start3A_21 : memref<100000x128xf32, #tpu.memory_space<hbm>>) target(%dma_start3A_15 : memref<122x128xf32, #tpu.memory_space<vmem>>) offsets(%dma_start3A_18 : memref<122xi32, #tpu.memory_space<vmem>>) semaphore(%arg16 : memref<!tpu.dma_semaphore, #tpu.memory_space<semaphore_mem>>)
    %dma_start3A_22 = arith.constant 2 : i32
    %dma_start3A_23 = arith.constant 0 : i32
    %dma_start3A_24 = arith.constant 0 : i32
    %dma_start3A_25 = tpu.memref_slice %arg13[%dma_start3A_23, %dma_start3A_24] : memref<128x128xf32, #tpu.memory_space<vmem>> -> memref<122x128xf32, #tpu.memory_space<vmem>>
    %dma_start3A_26 = arith.constant 0 : i32
    %dma_start3A_27 = tpu.memref_slice %arg7[%dma_start3A_22, %dma_start3A_26] : memref<32x128xi32, #tpu.memory_space<vmem>> -> memref<1x122xi32, #tpu.memory_space<vmem>>
    %dma_start3A_28 = tpu.memref_squeeze %dma_start3A_27 : memref<1x122xi32, #tpu.memory_space<vmem>> -> memref<122xi32, #tpu.memory_space<vmem>>
    %dma_start3A_29 = arith.constant 0 : i32
    %dma_start3A_30 = arith.constant 0 : i32
    %dma_start3A_31 = tpu.memref_slice %arg3[%dma_start3A_29, %dma_start3A_30] : memref<100000x128xf32, #tpu.memory_space<hbm>> -> memref<100000x128xf32, #tpu.memory_space<hbm>>
    tpu.enqueue_indirect_dma source(%dma_start3A_31 : memref<100000x128xf32, #tpu.memory_space<hbm>>) target(%dma_start3A_25 : memref<122x128xf32, #tpu.memory_space<vmem>>) offsets(%dma_start3A_28 : memref<122xi32, #tpu.memory_space<vmem>>) semaphore(%arg17 : memref<!tpu.dma_semaphore, #tpu.memory_space<semaphore_mem>>)
    "tpu.region"() ({
      %run_scoped3A = tpu.sem_alloc : memref<!tpu.dma_semaphore, #tpu.memory_space<semaphore_mem>>
      %dma_start3A_2242 = arith.constant 0 : i32
      %dma_start3A_2243 = arith.constant 0 : i32
      %dma_start3A_2244 = tpu.memref_slice %arg4[%mul3A_2, %dma_start3A_2242, %dma_start3A_2243] : memref<1024x2x128xf32, #tpu.memory_space<hbm>> -> memref<32x2x128xf32, #tpu.memory_space<hbm>>
      %dma_start3A_2245 = arith.constant 0 : i32
      %dma_start3A_2246 = arith.constant 0 : i32
      %dma_start3A_2247 = tpu.memref_slice %arg4[%mul3A_2, %dma_start3A_2245, %dma_start3A_2246] : memref<1024x2x128xf32, #tpu.memory_space<hbm>> -> memref<32x2x128xf32, #tpu.memory_space<hbm>>
      tpu.enqueue_dma source(%dma_start3A_2247 : memref<32x2x128xf32, #tpu.memory_space<hbm>>) target(%arg8 : memref<32x2x128xf32, #tpu.memory_space<vmem>>) target_semaphore(%run_scoped3A : memref<!tpu.dma_semaphore, #tpu.memory_space<semaphore_mem>>)
      %dma_wait3A_2248 = arith.constant 0 : i32
      %dma_wait3A_2249 = arith.constant 0 : i32
      %dma_wait3A_2250 = tpu.memref_slice %arg4[%mul3A_2, %dma_wait3A_2248, %dma_wait3A_2249] : memref<1024x2x128xf32, #tpu.memory_space<hbm>> -> memref<32x2x128xf32, #tpu.memory_space<hbm>>
      %dma_wait3A_2251 = arith.constant 0 : i32
      %dma_wait3A_2252 = arith.constant 0 : i32
      %dma_wait3A_2253 = tpu.memref_slice %arg4[%mul3A_2, %dma_wait3A_2251, %dma_wait3A_2252] : memref<1024x2x128xf32, #tpu.memory_space<hbm>> -> memref<32x2x128xf32, #tpu.memory_space<hbm>>
      tpu.wait_dma2 semaphore(%run_scoped3A : memref<!tpu.dma_semaphore, #tpu.memory_space<semaphore_mem>>) src(%dma_wait3A_2253 : memref<32x2x128xf32, #tpu.memory_space<hbm>>) dst(%arg8 : memref<32x2x128xf32, #tpu.memory_space<vmem>>)
      tpu.yield
    }) : () -> ()
    "tpu.region"() ({
      %run_scoped3A = tpu.sem_alloc : memref<!tpu.dma_semaphore, #tpu.memory_space<semaphore_mem>>
      tpu.enqueue_dma source(%arg5 : memref<128x128xf32, #tpu.memory_space<hbm>>) target(%arg9 : memref<128x128xf32, #tpu.memory_space<vmem>>) target_semaphore(%run_scoped3A : memref<!tpu.dma_semaphore, #tpu.memory_space<semaphore_mem>>)
      tpu.wait_dma2 semaphore(%run_scoped3A : memref<!tpu.dma_semaphore, #tpu.memory_space<semaphore_mem>>) src(%arg5 : memref<128x128xf32, #tpu.memory_space<hbm>>) dst(%arg9 : memref<128x128xf32, #tpu.memory_space<vmem>>)
      tpu.yield
    }) : () -> ()
    "tpu.region"() ({
      %run_scoped3A = tpu.sem_alloc : memref<!tpu.dma_semaphore, #tpu.memory_space<semaphore_mem>>
      %dma_start3A_2242 = arith.constant 99998 : i32
      %dma_start3A_2243 = arith.constant 0 : i32
      %dma_start3A_2244 = tpu.memref_slice %arg3[%dma_start3A_2242, %dma_start3A_2243] : memref<100000x128xf32, #tpu.memory_space<hbm>> -> memref<2x128xf32, #tpu.memory_space<hbm>>
      %dma_start3A_2245 = arith.constant 99998 : i32
      %dma_start3A_2246 = arith.constant 0 : i32
      %dma_start3A_2247 = tpu.memref_slice %arg3[%dma_start3A_2245, %dma_start3A_2246] : memref<100000x128xf32, #tpu.memory_space<hbm>> -> memref<2x128xf32, #tpu.memory_space<hbm>>
      tpu.enqueue_dma source(%dma_start3A_2247 : memref<2x128xf32, #tpu.memory_space<hbm>>) target(%arg10 : memref<2x128xf32, #tpu.memory_space<vmem>>) target_semaphore(%run_scoped3A : memref<!tpu.dma_semaphore, #tpu.memory_space<semaphore_mem>>)
      %dma_wait3A_2248 = arith.constant 99998 : i32
      %dma_wait3A_2249 = arith.constant 0 : i32
      %dma_wait3A_2250 = tpu.memref_slice %arg3[%dma_wait3A_2248, %dma_wait3A_2249] : memref<100000x128xf32, #tpu.memory_space<hbm>> -> memref<2x128xf32, #tpu.memory_space<hbm>>
      %dma_wait3A_2251 = arith.constant 99998 : i32
      %dma_wait3A_2252 = arith.constant 0 : i32
      %dma_wait3A_2253 = tpu.memref_slice %arg3[%dma_wait3A_2251, %dma_wait3A_2252] : memref<100000x128xf32, #tpu.memory_space<hbm>> -> memref<2x128xf32, #tpu.memory_space<hbm>>
      tpu.wait_dma2 semaphore(%run_scoped3A : memref<!tpu.dma_semaphore, #tpu.memory_space<semaphore_mem>>) src(%dma_wait3A_2253 : memref<2x128xf32, #tpu.memory_space<hbm>>) dst(%arg10 : memref<2x128xf32, #tpu.memory_space<vmem>>)
      tpu.yield
    }) : () -> ()
    %get3A = arith.constant 0 : i32
    %get3A_32 = arith.index_cast %get3A : i32 to index
    %get3A_33 = arith.constant 0 : index
    %get3A_34 = tpu.vector_load %arg10[%get3A_32, %get3A_33] {strides = array<i32>} : memref<2x128xf32, #tpu.memory_space<vmem>>, vector<1x16xf32>,
    %get3A_35 = vector.shape_cast %get3A_34 : vector<1x16xf32> to vector<16xf32>
    %get3A_36 = arith.constant 122 : i32
    %get3A_37 = arith.index_cast %get3A_36 : i32 to index
    %get3A_38 = arith.constant 0 : index
    %get3A_39 = tpu.vector_load %arg9[%get3A_37, %get3A_38] {strides = array<i32>} : memref<128x128xf32, #tpu.memory_space<vmem>>, vector<1x16xf32>,
    %get3A_40 = vector.shape_cast %get3A_39 : vector<1x16xf32> to vector<16xf32>
    %add3A_41 = arith.addf %get3A_35, %get3A_40 : vector<16xf32>
    %swap3A = arith.constant 122 : i32
    %swap3A_42 = arith.index_cast %swap3A : i32 to index
    %swap3A_43 = arith.constant 0 : index
    %swap3A_44 = tpu.vector_load %arg11[%swap3A_42, %swap3A_43] {strides = array<i32>} : memref<128x128xf32, #tpu.memory_space<vmem>>, vector<1x16xf32>,
    %swap3A_45 = vector.shape_cast %swap3A_44 : vector<1x16xf32> to vector<16xf32>
    %swap3A_46 = vector.shape_cast %add3A_41 : vector<16xf32> to vector<1x16xf32>
    tpu.vector_store %arg11[%swap3A_42, %swap3A_43], %swap3A_46 {strides = array<i32>} : memref<128x128xf32, #tpu.memory_space<vmem>>, vector<1x16xf32>,
    %get3A_47 = arith.constant 1 : i32
    %get3A_48 = arith.index_cast %get3A_47 : i32 to index
    %get3A_49 = arith.constant 0 : index
    %get3A_50 = tpu.vector_load %arg10[%get3A_48, %get3A_49] {strides = array<i32>} : memref<2x128xf32, #tpu.memory_space<vmem>>, vector<1x16xf32>,
    %get3A_51 = vector.shape_cast %get3A_50 : vector<1x16xf32> to vector<16xf32>
    %get3A_52 = arith.constant 124 : i32
    %get3A_53 = arith.index_cast %get3A_52 : i32 to index
    %get3A_54 = arith.constant 0 : index
    %get3A_55 = tpu.vector_load %arg9[%get3A_53, %get3A_54] {strides = array<i32>} : memref<128x128xf32, #tpu.memory_space<vmem>>, vector<1x16xf32>,
    %get3A_56 = vector.shape_cast %get3A_55 : vector<1x16xf32> to vector<16xf32>
    %add3A_57 = arith.addf %get3A_51, %get3A_56 : vector<16xf32>
    %swap3A_58 = arith.constant 124 : i32
    %swap3A_59 = arith.index_cast %swap3A_58 : i32 to index
    %swap3A_60 = arith.constant 0 : index
    %swap3A_61 = tpu.vector_load %arg11[%swap3A_59, %swap3A_60] {strides = array<i32>} : memref<128x128xf32, #tpu.memory_space<vmem>>, vector<1x16xf32>,
    %swap3A_62 = vector.shape_cast %swap3A_61 : vector<1x16xf32> to vector<16xf32>
    %swap3A_63 = vector.shape_cast %add3A_57 : vector<16xf32> to vector<1x16xf32>
    tpu.vector_store %arg11[%swap3A_59, %swap3A_60], %swap3A_63 {strides = array<i32>} : memref<128x128xf32, #tpu.memory_space<vmem>>, vector<1x16xf32>,
    %get3A_64 = arith.constant 0 : i32
    %get3A_65 = arith.index_cast %get3A_64 : i32 to index
    %get3A_66 = arith.constant 0 : index
    %get3A_67 = tpu.vector_load %arg10[%get3A_65, %get3A_66] {strides = array<i32>} : memref<2x128xf32, #tpu.memory_space<vmem>>, vector<1x16xf32>,
    %get3A_68 = vector.shape_cast %get3A_67 : vector<1x16xf32> to vector<16xf32>
    %get3A_69 = arith.constant 125 : i32
    %get3A_70 = arith.index_cast %get3A_69 : i32 to index
    %get3A_71 = arith.constant 0 : index
    %get3A_72 = tpu.vector_load %arg9[%get3A_70, %get3A_71] {strides = array<i32>} : memref<128x128xf32, #tpu.memory_space<vmem>>, vector<1x16xf32>,
    %get3A_73 = vector.shape_cast %get3A_72 : vector<1x16xf32> to vector<16xf32>
    %add3A_74 = arith.addf %get3A_68, %get3A_73 : vector<16xf32>
    %swap3A_75 = arith.constant 125 : i32
    %swap3A_76 = arith.index_cast %swap3A_75 : i32 to index
    %swap3A_77 = arith.constant 0 : index
    %swap3A_78 = tpu.vector_load %arg11[%swap3A_76, %swap3A_77] {strides = array<i32>} : memref<128x128xf32, #tpu.memory_space<vmem>>, vector<1x16xf32>,
    %swap3A_79 = vector.shape_cast %swap3A_78 : vector<1x16xf32> to vector<16xf32>
    %swap3A_80 = vector.shape_cast %add3A_74 : vector<16xf32> to vector<1x16xf32>
    tpu.vector_store %arg11[%swap3A_76, %swap3A_77], %swap3A_80 {strides = array<i32>} : memref<128x128xf32, #tpu.memory_space<vmem>>, vector<1x16xf32>,
    %get3A_81 = arith.constant 1 : i32
    %get3A_82 = arith.index_cast %get3A_81 : i32 to index
    %get3A_83 = arith.constant 0 : index
    %get3A_84 = tpu.vector_load %arg10[%get3A_82, %get3A_83] {strides = array<i32>} : memref<2x128xf32, #tpu.memory_space<vmem>>, vector<1x16xf32>,
    %get3A_85 = vector.shape_cast %get3A_84 : vector<1x16xf32> to vector<16xf32>
    %get3A_86 = arith.constant 127 : i32
    %get3A_87 = arith.index_cast %get3A_86 : i32 to index
    %get3A_88 = arith.constant 0 : index
    %get3A_89 = tpu.vector_load %arg9[%get3A_87, %get3A_88] {strides = array<i32>} : memref<128x128xf32, #tpu.memory_space<vmem>>, vector<1x16xf32>,
    %get3A_90 = vector.shape_cast %get3A_89 : vector<1x16xf32> to vector<16xf32>
    %add3A_91 = arith.addf %get3A_85, %get3A_90 : vector<16xf32>
    %swap3A_92 = arith.constant 127 : i32
    %swap3A_93 = arith.index_cast %swap3A_92 : i32 to index
    %swap3A_94 = arith.constant 0 : index
    %swap3A_95 = tpu.vector_load %arg11[%swap3A_93, %swap3A_94] {strides = array<i32>} : memref<128x128xf32, #tpu.memory_space<vmem>>, vector<1x16xf32>,
    %swap3A_96 = vector.shape_cast %swap3A_95 : vector<1x16xf32> to vector<16xf32>
    %swap3A_97 = vector.shape_cast %add3A_91 : vector<16xf32> to vector<1x16xf32>
    tpu.vector_store %arg11[%swap3A_93, %swap3A_94], %swap3A_97 {strides = array<i32>} : memref<128x128xf32, #tpu.memory_space<vmem>>, vector<1x16xf32>,
    %get3A_98 = arith.constant 0 : i32
    %get3A_99 = arith.index_cast %get3A_98 : i32 to index
    %get3A_100 = arith.constant 16 : index
    %get3A_101 = tpu.vector_load %arg10[%get3A_99, %get3A_100] {strides = array<i32>} : memref<2x128xf32, #tpu.memory_space<vmem>>, vector<1x16xf32>,
    %get3A_102 = vector.shape_cast %get3A_101 : vector<1x16xf32> to vector<16xf32>
    %get3A_103 = arith.constant 122 : i32
    %get3A_104 = arith.index_cast %get3A_103 : i32 to index
    %get3A_105 = arith.constant 16 : index
    %get3A_106 = tpu.vector_load %arg9[%get3A_104, %get3A_105] {strides = array<i32>} : memref<128x128xf32, #tpu.memory_space<vmem>>, vector<1x16xf32>,
    %get3A_107 = vector.shape_cast %get3A_106 : vector<1x16xf32> to vector<16xf32>
    %add3A_108 = arith.addf %get3A_102, %get3A_107 : vector<16xf32>
    %swap3A_109 = arith.constant 122 : i32
    %swap3A_110 = arith.index_cast %swap3A_109 : i32 to index
    %swap3A_111 = arith.constant 16 : index
    %swap3A_112 = tpu.vector_load %arg11[%swap3A_110, %swap3A_111] {strides = array<i32>} : memref<128x128xf32, #tpu.memory_space<vmem>>, vector<1x16xf32>,
    %swap3A_113 = vector.shape_cast %swap3A_112 : vector<1x16xf32> to vector<16xf32>
    %swap3A_114 = vector.shape_cast %add3A_108 : vector<16xf32> to vector<1x16xf32>
    tpu.vector_store %arg11[%swap3A_110, %swap3A_111], %swap3A_114 {strides = array<i32>} : memref<128x128xf32, #tpu.memory_space<vmem>>, vector<1x16xf32>,
    %get3A_115 = arith.constant 1 : i32
    %get3A_116 = arith.index_cast %get3A_115 : i32 to index
    %get3A_117 = arith.constant 16 : index
    %get3A_118 = tpu.vector_load %arg10[%get3A_116, %get3A_117] {strides = array<i32>} : memref<2x128xf32, #tpu.memory_space<vmem>>, vector<1x16xf32>,
    %get3A_119 = vector.shape_cast %get3A_118 : vector<1x16xf32> to vector<16xf32>
    %get3A_120 = arith.constant 124 : i32
    %get3A_121 = arith.index_cast %get3A_120 : i32 to index
    %get3A_122 = arith.constant 16 : index
    %get3A_123 = tpu.vector_load %arg9[%get3A_121, %get3A_122] {strides = array<i32>} : memref<128x128xf32, #tpu.memory_space<vmem>>, vector<1x16xf32>,
    %get3A_124 = vector.shape_cast %get3A_123 : vector<1x16xf32> to vector<16xf32>
    %add3A_125 = arith.addf %get3A_119, %get3A_124 : vector<16xf32>
    %swap3A_126 = arith.constant 124 : i32
    %swap3A_127 = arith.index_cast %swap3A_126 : i32 to index
    %swap3A_128 = arith.constant 16 : index
    %swap3A_129 = tpu.vector_load %arg11[%swap3A_127, %swap3A_128] {strides = array<i32>} : memref<128x128xf32, #tpu.memory_space<vmem>>, vector<1x16xf32>,
    %swap3A_130 = vector.shape_cast %swap3A_129 : vector<1x16xf32> to vector<16xf32>
    %swap3A_131 = vector.shape_cast %add3A_125 : vector<16xf32> to vector<1x16xf32>
    tpu.vector_store %arg11[%swap3A_127, %swap3A_128], %swap3A_131 {strides = array<i32>} : memref<128x128xf32, #tpu.memory_space<vmem>>, vector<1x16xf32>,
    %get3A_132 = arith.constant 0 : i32
    %get3A_133 = arith.index_cast %get3A_132 : i32 to index
    %get3A_134 = arith.constant 16 : index
    %get3A_135 = tpu.vector_load %arg10[%get3A_133, %get3A_134] {strides = array<i32>} : memref<2x128xf32, #tpu.memory_space<vmem>>, vector<1x16xf32>,
    %get3A_136 = vector.shape_cast %get3A_135 : vector<1x16xf32> to vector<16xf32>
    %get3A_137 = arith.constant 125 : i32
    %get3A_138 = arith.index_cast %get3A_137 : i32 to index
    %get3A_139 = arith.constant 16 : index
    %get3A_140 = tpu.vector_load %arg9[%get3A_138, %get3A_139] {strides = array<i32>} : memref<128x128xf32, #tpu.memory_space<vmem>>, vector<1x16xf32>,
    %get3A_141 = vector.shape_cast %get3A_140 : vector<1x16xf32> to vector<16xf32>
    %add3A_142 = arith.addf %get3A_136, %get3A_141 : vector<16xf32>
    %swap3A_143 = arith.constant 125 : i32
    %swap3A_144 = arith.index_cast %swap3A_143 : i32 to index
    %swap3A_145 = arith.constant 16 : index
    %swap3A_146 = tpu.vector_load %arg11[%swap3A_144, %swap3A_145] {strides = array<i32>} : memref<128x128xf32, #tpu.memory_space<vmem>>, vector<1x16xf32>,
    %swap3A_147 = vector.shape_cast %swap3A_146 : vector<1x16xf32> to vector<16xf32>
    %swap3A_148 = vector.shape_cast %add3A_142 : vector<16xf32> to vector<1x16xf32>
    tpu.vector_store %arg11[%swap3A_144, %swap3A_145], %swap3A_148 {strides = array<i32>} : memref<128x128xf32, #tpu.memory_space<vmem>>, vector<1x16xf32>,
    %get3A_149 = arith.constant 1 : i32
    %get3A_150 = arith.index_cast %get3A_149 : i32 to index
    %get3A_151 = arith.constant 16 : index
    %get3A_152 = tpu.vector_load %arg10[%get3A_150, %get3A_151] {strides = array<i32>} : memref<2x128xf32, #tpu.memory_space<vmem>>, vector<1x16xf32>,
    %get3A_153 = vector.shape_cast %get3A_152 : vector<1x16xf32> to vector<16xf32>
    %get3A_154 = arith.constant 127 : i32
    %get3A_155 = arith.index_cast %get3A_154 : i32 to index
    %get3A_156 = arith.constant 16 : index
    %get3A_157 = tpu.vector_load %arg9[%get3A_155, %get3A_156] {strides = array<i32>} : memref<128x128xf32, #tpu.memory_space<vmem>>, vector<1x16xf32>,
    %get3A_158 = vector.shape_cast %get3A_157 : vector<1x16xf32> to vector<16xf32>
    %add3A_159 = arith.addf %get3A_153, %get3A_158 : vector<16xf32>
    %swap3A_160 = arith.constant 127 : i32
    %swap3A_161 = arith.index_cast %swap3A_160 : i32 to index
    %swap3A_162 = arith.constant 16 : index
    %swap3A_163 = tpu.vector_load %arg11[%swap3A_161, %swap3A_162] {strides = array<i32>} : memref<128x128xf32, #tpu.memory_space<vmem>>, vector<1x16xf32>,
    %swap3A_164 = vector.shape_cast %swap3A_163 : vector<1x16xf32> to vector<16xf32>
    %swap3A_165 = vector.shape_cast %add3A_159 : vector<16xf32> to vector<1x16xf32>
    tpu.vector_store %arg11[%swap3A_161, %swap3A_162], %swap3A_165 {strides = array<i32>} : memref<128x128xf32, #tpu.memory_space<vmem>>, vector<1x16xf32>,
    %get3A_166 = arith.constant 0 : i32
    %get3A_167 = arith.index_cast %get3A_166 : i32 to index
    %get3A_168 = arith.constant 32 : index
    %get3A_169 = tpu.vector_load %arg10[%get3A_167, %get3A_168] {strides = array<i32>} : memref<2x128xf32, #tpu.memory_space<vmem>>, vector<1x16xf32>,
    %get3A_170 = vector.shape_cast %get3A_169 : vector<1x16xf32> to vector<16xf32>
    %get3A_171 = arith.constant 122 : i32
    %get3A_172 = arith.index_cast %get3A_171 : i32 to index
    %get3A_173 = arith.constant 32 : index
    %get3A_174 = tpu.vector_load %arg9[%get3A_172, %get3A_173] {strides = array<i32>} : memref<128x128xf32, #tpu.memory_space<vmem>>, vector<1x16xf32>,
    %get3A_175 = vector.shape_cast %get3A_174 : vector<1x16xf32> to vector<16xf32>
    %add3A_176 = arith.addf %get3A_170, %get3A_175 : vector<16xf32>
    %swap3A_177 = arith.constant 122 : i32
    %swap3A_178 = arith.index_cast %swap3A_177 : i32 to index
    %swap3A_179 = arith.constant 32 : index
    %swap3A_180 = tpu.vector_load %arg11[%swap3A_178, %swap3A_179] {strides = array<i32>} : memref<128x128xf32, #tpu.memory_space<vmem>>, vector<1x16xf32>,
    %swap3A_181 = vector.shape_cast %swap3A_180 : vector<1x16xf32> to vector<16xf32>
    %swap3A_182 = vector.shape_cast %add3A_176 : vector<16xf32> to vector<1x16xf32>
    tpu.vector_store %arg11[%swap3A_178, %swap3A_179], %swap3A_182 {strides = array<i32>} : memref<128x128xf32, #tpu.memory_space<vmem>>, vector<1x16xf32>,
    %get3A_183 = arith.constant 1 : i32
    %get3A_184 = arith.index_cast %get3A_183 : i32 to index
    %get3A_185 = arith.constant 32 : index
    %get3A_186 = tpu.vector_load %arg10[%get3A_184, %get3A_185] {strides = array<i32>} : memref<2x128xf32, #tpu.memory_space<vmem>>, vector<1x16xf32>,
    %get3A_187 = vector.shape_cast %get3A_186 : vector<1x16xf32> to vector<16xf32>
    %get3A_188 = arith.constant 124 : i32
    %get3A_189 = arith.index_cast %get3A_188 : i32 to index
    %get3A_190 = arith.constant 32 : index
    %get3A_191 = tpu.vector_load %arg9[%get3A_189, %get3A_190] {strides = array<i32>} : memref<128x128xf32, #tpu.memory_space<vmem>>, vector<1x16xf32>,
    %get3A_192 = vector.shape_cast %get3A_191 : vector<1x16xf32> to vector<16xf32>
    %add3A_193 = arith.addf %get3A_187, %get3A_192 : vector<16xf32>
    %swap3A_194 = arith.constant 124 : i32
    %swap3A_195 = arith.index_cast %swap3A_194 : i32 to index
    %swap3A_196 = arith.constant 32 : index
    %swap3A_197 = tpu.vector_load %arg11[%swap3A_195, %swap3A_196] {strides = array<i32>} : memref<128x128xf32, #tpu.memory_space<vmem>>, vector<1x16xf32>,
    %swap3A_198 = vector.shape_cast %swap3A_197 : vector<1x16xf32> to vector<16xf32>
    %swap3A_199 = vector.shape_cast %add3A_193 : vector<16xf32> to vector<1x16xf32>
    tpu.vector_store %arg11[%swap3A_195, %swap3A_196], %swap3A_199 {strides = array<i32>} : memref<128x128xf32, #tpu.memory_space<vmem>>, vector<1x16xf32>,
    %get3A_200 = arith.constant 0 : i32
    %get3A_201 = arith.index_cast %get3A_200 : i32 to index
    %get3A_202 = arith.constant 32 : index
    %get3A_203 = tpu.vector_load %arg10[%get3A_201, %get3A_202] {strides = array<i32>} : memref<2x128xf32, #tpu.memory_space<vmem>>, vector<1x16xf32>,
    %get3A_204 = vector.shape_cast %get3A_203 : vector<1x16xf32> to vector<16xf32>
    %get3A_205 = arith.constant 125 : i32
    %get3A_206 = arith.index_cast %get3A_205 : i32 to index
    %get3A_207 = arith.constant 32 : index
    %get3A_208 = tpu.vector_load %arg9[%get3A_206, %get3A_207] {strides = array<i32>} : memref<128x128xf32, #tpu.memory_space<vmem>>, vector<1x16xf32>,
    %get3A_209 = vector.shape_cast %get3A_208 : vector<1x16xf32> to vector<16xf32>
    %add3A_210 = arith.addf %get3A_204, %get3A_209 : vector<16xf32>
    %swap3A_211 = arith.constant 125 : i32
    %swap3A_212 = arith.index_cast %swap3A_211 : i32 to index
    %swap3A_213 = arith.constant 32 : index
    %swap3A_214 = tpu.vector_load %arg11[%swap3A_212, %swap3A_213] {strides = array<i32>} : memref<128x128xf32, #tpu.memory_space<vmem>>, vector<1x16xf32>,
    %swap3A_215 = vector.shape_cast %swap3A_214 : vector<1x16xf32> to vector<16xf32>
    %swap3A_216 = vector.shape_cast %add3A_210 : vector<16xf32> to vector<1x16xf32>
    tpu.vector_store %arg11[%swap3A_212, %swap3A_213], %swap3A_216 {strides = array<i32>} : memref<128x128xf32, #tpu.memory_space<vmem>>, vector<1x16xf32>,
    %get3A_217 = arith.constant 1 : i32
    %get3A_218 = arith.index_cast %get3A_217 : i32 to index
    %get3A_219 = arith.constant 32 : index
    %get3A_220 = tpu.vector_load %arg10[%get3A_218, %get3A_219] {strides = array<i32>} : memref<2x128xf32, #tpu.memory_space<vmem>>, vector<1x16xf32>,
    %get3A_221 = vector.shape_cast %get3A_220 : vector<1x16xf32> to vector<16xf32>
    %get3A_222 = arith.constant 127 : i32
    %get3A_223 = arith.index_cast %get3A_222 : i32 to index
    %get3A_224 = arith.constant 32 : index
    %get3A_225 = tpu.vector_load %arg9[%get3A_223, %get3A_224] {strides = array<i32>} : memref<128x128xf32, #tpu.memory_space<vmem>>, vector<1x16xf32>,
    %get3A_226 = vector.shape_cast %get3A_225 : vector<1x16xf32> to vector<16xf32>
    %add3A_227 = arith.addf %get3A_221, %get3A_226 : vector<16xf32>
    %swap3A_228 = arith.constant 127 : i32
    %swap3A_229 = arith.index_cast %swap3A_228 : i32 to index
    %swap3A_230 = arith.constant 32 : index
    %swap3A_231 = tpu.vector_load %arg11[%swap3A_229, %swap3A_230] {strides = array<i32>} : memref<128x128xf32, #tpu.memory_space<vmem>>, vector<1x16xf32>,
    %swap3A_232 = vector.shape_cast %swap3A_231 : vector<1x16xf32> to vector<16xf32>
    %swap3A_233 = vector.shape_cast %add3A_227 : vector<16xf32> to vector<1x16xf32>
    tpu.vector_store %arg11[%swap3A_229, %swap3A_230], %swap3A_233 {strides = array<i32>} : memref<128x128xf32, #tpu.memory_space<vmem>>, vector<1x16xf32>,
    %get3A_234 = arith.constant 0 : i32
    %get3A_235 = arith.index_cast %get3A_234 : i32 to index
    %get3A_236 = arith.constant 48 : index
    %get3A_237 = tpu.vector_load %arg10[%get3A_235, %get3A_236] {strides = array<i32>} : memref<2x128xf32, #tpu.memory_space<vmem>>, vector<1x16xf32>,
    %get3A_238 = vector.shape_cast %get3A_237 : vector<1x16xf32> to vector<16xf32>
    %get3A_239 = arith.constant 122 : i32
    %get3A_240 = arith.index_cast %get3A_239 : i32 to index
    %get3A_241 = arith.constant 48 : index
    %get3A_242 = tpu.vector_load %arg9[%get3A_240, %get3A_241] {strides = array<i32>} : memref<128x128xf32, #tpu.memory_space<vmem>>, vector<1x16xf32>,
    %get3A_243 = vector.shape_cast %get3A_242 : vector<1x16xf32> to vector<16xf32>
    %add3A_244 = arith.addf %get3A_238, %get3A_243 : vector<16xf32>
    %swap3A_245 = arith.constant 122 : i32
    %swap3A_246 = arith.index_cast %swap3A_245 : i32 to index
    %swap3A_247 = arith.constant 48 : index
    %swap3A_248 = tpu.vector_load %arg11[%swap3A_246, %swap3A_247] {strides = array<i32>} : memref<128x128xf32, #tpu.memory_space<vmem>>, vector<1x16xf32>,
    %swap3A_249 = vector.shape_cast %swap3A_248 : vector<1x16xf32> to vector<16xf32>
    %swap3A_250 = vector.shape_cast %add3A_244 : vector<16xf32> to vector<1x16xf32>
    tpu.vector_store %arg11[%swap3A_246, %swap3A_247], %swap3A_250 {strides = array<i32>} : memref<128x128xf32, #tpu.memory_space<vmem>>, vector<1x16xf32>,
    %get3A_251 = arith.constant 1 : i32
    %get3A_252 = arith.index_cast %get3A_251 : i32 to index
    %get3A_253 = arith.constant 48 : index
    %get3A_254 = tpu.vector_load %arg10[%get3A_252, %get3A_253] {strides = array<i32>} : memref<2x128xf32, #tpu.memory_space<vmem>>, vector<1x16xf32>,
    %get3A_255 = vector.shape_cast %get3A_254 : vector<1x16xf32> to vector<16xf32>
    %get3A_256 = arith.constant 124 : i32
    %get3A_257 = arith.index_cast %get3A_256 : i32 to index
    %get3A_258 = arith.constant 48 : index
    %get3A_259 = tpu.vector_load %arg9[%get3A_257, %get3A_258] {strides = array<i32>} : memref<128x128xf32, #tpu.memory_space<vmem>>, vector<1x16xf32>,
    %get3A_260 = vector.shape_cast %get3A_259 : vector<1x16xf32> to vector<16xf32>
    %add3A_261 = arith.addf %get3A_255, %get3A_260 : vector<16xf32>
    %swap3A_262 = arith.constant 124 : i32
    %swap3A_263 = arith.index_cast %swap3A_262 : i32 to index
    %swap3A_264 = arith.constant 48 : index
    %swap3A_265 = tpu.vector_load %arg11[%swap3A_263, %swap3A_264] {strides = array<i32>} : memref<128x128xf32, #tpu.memory_space<vmem>>, vector<1x16xf32>,
    %swap3A_266 = vector.shape_cast %swap3A_265 : vector<1x16xf32> to vector<16xf32>
    %swap3A_267 = vector.shape_cast %add3A_261 : vector<16xf32> to vector<1x16xf32>
    tpu.vector_store %arg11[%swap3A_263, %swap3A_264], %swap3A_267 {strides = array<i32>} : memref<128x128xf32, #tpu.memory_space<vmem>>, vector<1x16xf32>,
    %get3A_268 = arith.constant 0 : i32
    %get3A_269 = arith.index_cast %get3A_268 : i32 to index
    %get3A_270 = arith.constant 48 : index
    %get3A_271 = tpu.vector_load %arg10[%get3A_269, %get3A_270] {strides = array<i32>} : memref<2x128xf32, #tpu.memory_space<vmem>>, vector<1x16xf32>,
    %get3A_272 = vector.shape_cast %get3A_271 : vector<1x16xf32> to vector<16xf32>
    %get3A_273 = arith.constant 125 : i32
    %get3A_274 = arith.index_cast %get3A_273 : i32 to index
    %get3A_275 = arith.constant 48 : index
    %get3A_276 = tpu.vector_load %arg9[%get3A_274, %get3A_275] {strides = array<i32>} : memref<128x128xf32, #tpu.memory_space<vmem>>, vector<1x16xf32>,
    %get3A_277 = vector.shape_cast %get3A_276 : vector<1x16xf32> to vector<16xf32>
    %add3A_278 = arith.addf %get3A_272, %get3A_277 : vector<16xf32>
    %swap3A_279 = arith.constant 125 : i32
    %swap3A_280 = arith.index_cast %swap3A_279 : i32 to index
    %swap3A_281 = arith.constant 48 : index
    %swap3A_282 = tpu.vector_load %arg11[%swap3A_280, %swap3A_281] {strides = array<i32>} : memref<128x128xf32, #tpu.memory_space<vmem>>, vector<1x16xf32>,
    %swap3A_283 = vector.shape_cast %swap3A_282 : vector<1x16xf32> to vector<16xf32>
    %swap3A_284 = vector.shape_cast %add3A_278 : vector<16xf32> to vector<1x16xf32>
    tpu.vector_store %arg11[%swap3A_280, %swap3A_281], %swap3A_284 {strides = array<i32>} : memref<128x128xf32, #tpu.memory_space<vmem>>, vector<1x16xf32>,
    %get3A_285 = arith.constant 1 : i32
    %get3A_286 = arith.index_cast %get3A_285 : i32 to index
    %get3A_287 = arith.constant 48 : index
    %get3A_288 = tpu.vector_load %arg10[%get3A_286, %get3A_287] {strides = array<i32>} : memref<2x128xf32, #tpu.memory_space<vmem>>, vector<1x16xf32>,
    %get3A_289 = vector.shape_cast %get3A_288 : vector<1x16xf32> to vector<16xf32>
    %get3A_290 = arith.constant 127 : i32
    %get3A_291 = arith.index_cast %get3A_290 : i32 to index
    %get3A_292 = arith.constant 48 : index
    %get3A_293 = tpu.vector_load %arg9[%get3A_291, %get3A_292] {strides = array<i32>} : memref<128x128xf32, #tpu.memory_space<vmem>>, vector<1x16xf32>,
    %get3A_294 = vector.shape_cast %get3A_293 : vector<1x16xf32> to vector<16xf32>
    %add3A_295 = arith.addf %get3A_289, %get3A_294 : vector<16xf32>
    %swap3A_296 = arith.constant 127 : i32
    %swap3A_297 = arith.index_cast %swap3A_296 : i32 to index
    %swap3A_298 = arith.constant 48 : index
    %swap3A_299 = tpu.vector_load %arg11[%swap3A_297, %swap3A_298] {strides = array<i32>} : memref<128x128xf32, #tpu.memory_space<vmem>>, vector<1x16xf32>,
    %swap3A_300 = vector.shape_cast %swap3A_299 : vector<1x16xf32> to vector<16xf32>
    %swap3A_301 = vector.shape_cast %add3A_295 : vector<16xf32> to vector<1x16xf32>
    tpu.vector_store %arg11[%swap3A_297, %swap3A_298], %swap3A_301 {strides = array<i32>} : memref<128x128xf32, #tpu.memory_space<vmem>>, vector<1x16xf32>,
    %get3A_302 = arith.constant 0 : i32
    %get3A_303 = arith.index_cast %get3A_302 : i32 to index
    %get3A_304 = arith.constant 64 : index
    %get3A_305 = tpu.vector_load %arg10[%get3A_303, %get3A_304] {strides = array<i32>} : memref<2x128xf32, #tpu.memory_space<vmem>>, vector<1x16xf32>,
    %get3A_306 = vector.shape_cast %get3A_305 : vector<1x16xf32> to vector<16xf32>
    %get3A_307 = arith.constant 122 : i32
    %get3A_308 = arith.index_cast %get3A_307 : i32 to index
    %get3A_309 = arith.constant 64 : index
    %get3A_310 = tpu.vector_load %arg9[%get3A_308, %get3A_309] {strides = array<i32>} : memref<128x128xf32, #tpu.memory_space<vmem>>, vector<1x16xf32>,
    %get3A_311 = vector.shape_cast %get3A_310 : vector<1x16xf32> to vector<16xf32>
    %add3A_312 = arith.addf %get3A_306, %get3A_311 : vector<16xf32>
    %swap3A_313 = arith.constant 122 : i32
    %swap3A_314 = arith.index_cast %swap3A_313 : i32 to index
    %swap3A_315 = arith.constant 64 : index
    %swap3A_316 = tpu.vector_load %arg11[%swap3A_314, %swap3A_315] {strides = array<i32>} : memref<128x128xf32, #tpu.memory_space<vmem>>, vector<1x16xf32>,
    %swap3A_317 = vector.shape_cast %swap3A_316 : vector<1x16xf32> to vector<16xf32>
    %swap3A_318 = vector.shape_cast %add3A_312 : vector<16xf32> to vector<1x16xf32>
    tpu.vector_store %arg11[%swap3A_314, %swap3A_315], %swap3A_318 {strides = array<i32>} : memref<128x128xf32, #tpu.memory_space<vmem>>, vector<1x16xf32>,
    %get3A_319 = arith.constant 1 : i32
    %get3A_320 = arith.index_cast %get3A_319 : i32 to index
    %get3A_321 = arith.constant 64 : index
    %get3A_322 = tpu.vector_load %arg10[%get3A_320, %get3A_321] {strides = array<i32>} : memref<2x128xf32, #tpu.memory_space<vmem>>, vector<1x16xf32>,
    %get3A_323 = vector.shape_cast %get3A_322 : vector<1x16xf32> to vector<16xf32>
    %get3A_324 = arith.constant 124 : i32
    %get3A_325 = arith.index_cast %get3A_324 : i32 to index
    %get3A_326 = arith.constant 64 : index
    %get3A_327 = tpu.vector_load %arg9[%get3A_325, %get3A_326] {strides = array<i32>} : memref<128x128xf32, #tpu.memory_space<vmem>>, vector<1x16xf32>,
    %get3A_328 = vector.shape_cast %get3A_327 : vector<1x16xf32> to vector<16xf32>
    %add3A_329 = arith.addf %get3A_323, %get3A_328 : vector<16xf32>
    %swap3A_330 = arith.constant 124 : i32
    %swap3A_331 = arith.index_cast %swap3A_330 : i32 to index
    %swap3A_332 = arith.constant 64 : index
    %swap3A_333 = tpu.vector_load %arg11[%swap3A_331, %swap3A_332] {strides = array<i32>} : memref<128x128xf32, #tpu.memory_space<vmem>>, vector<1x16xf32>,
    %swap3A_334 = vector.shape_cast %swap3A_333 : vector<1x16xf32> to vector<16xf32>
    %swap3A_335 = vector.shape_cast %add3A_329 : vector<16xf32> to vector<1x16xf32>
    tpu.vector_store %arg11[%swap3A_331, %swap3A_332], %swap3A_335 {strides = array<i32>} : memref<128x128xf32, #tpu.memory_space<vmem>>, vector<1x16xf32>,
    %get3A_336 = arith.constant 0 : i32
    %get3A_337 = arith.index_cast %get3A_336 : i32 to index
    %get3A_338 = arith.constant 64 : index
    %get3A_339 = tpu.vector_load %arg10[%get3A_337, %get3A_338] {strides = array<i32>} : memref<2x128xf32, #tpu.memory_space<vmem>>, vector<1x16xf32>,
    %get3A_340 = vector.shape_cast %get3A_339 : vector<1x16xf32> to vector<16xf32>
    %get3A_341 = arith.constant 125 : i32
    %get3A_342 = arith.index_cast %get3A_341 : i32 to index
    %get3A_343 = arith.constant 64 : index
    %get3A_344 = tpu.vector_load %arg9[%get3A_342, %get3A_343] {strides = array<i32>} : memref<128x128xf32, #tpu.memory_space<vmem>>, vector<1x16xf32>,
    %get3A_345 = vector.shape_cast %get3A_344 : vector<1x16xf32> to vector<16xf32>
    %add3A_346 = arith.addf %get3A_340, %get3A_345 : vector<16xf32>
    %swap3A_347 = arith.constant 125 : i32
    %swap3A_348 = arith.index_cast %swap3A_347 : i32 to index
    %swap3A_349 = arith.constant 64 : index
    %swap3A_350 = tpu.vector_load %arg11[%swap3A_348, %swap3A_349] {strides = array<i32>} : memref<128x128xf32, #tpu.memory_space<vmem>>, vector<1x16xf32>,
    %swap3A_351 = vector.shape_cast %swap3A_350 : vector<1x16xf32> to vector<16xf32>
    %swap3A_352 = vector.shape_cast %add3A_346 : vector<16xf32> to vector<1x16xf32>
    tpu.vector_store %arg11[%swap3A_348, %swap3A_349], %swap3A_352 {strides = array<i32>} : memref<128x128xf32, #tpu.memory_space<vmem>>, vector<1x16xf32>,
    %get3A_353 = arith.constant 1 : i32
    %get3A_354 = arith.index_cast %get3A_353 : i32 to index
    %get3A_355 = arith.constant 64 : index
    %get3A_356 = tpu.vector_load %arg10[%get3A_354, %get3A_355] {strides = array<i32>} : memref<2x128xf32, #tpu.memory_space<vmem>>, vector<1x16xf32>,
    %get3A_357 = vector.shape_cast %get3A_356 : vector<1x16xf32> to vector<16xf32>
    %get3A_358 = arith.constant 127 : i32
    %get3A_359 = arith.index_cast %get3A_358 : i32 to index
    %get3A_360 = arith.constant 64 : index
    %get3A_361 = tpu.vector_load %arg9[%get3A_359, %get3A_360] {strides = array<i32>} : memref<128x128xf32, #tpu.memory_space<vmem>>, vector<1x16xf32>,
    %get3A_362 = vector.shape_cast %get3A_361 : vector<1x16xf32> to vector<16xf32>
    %add3A_363 = arith.addf %get3A_357, %get3A_362 : vector<16xf32>
    %swap3A_364 = arith.constant 127 : i32
    %swap3A_365 = arith.index_cast %swap3A_364 : i32 to index
    %swap3A_366 = arith.constant 64 : index
    %swap3A_367 = tpu.vector_load %arg11[%swap3A_365, %swap3A_366] {strides = array<i32>} : memref<128x128xf32, #tpu.memory_space<vmem>>, vector<1x16xf32>,
    %swap3A_368 = vector.shape_cast %swap3A_367 : vector<1x16xf32> to vector<16xf32>
    %swap3A_369 = vector.shape_cast %add3A_363 : vector<16xf32> to vector<1x16xf32>
    tpu.vector_store %arg11[%swap3A_365, %swap3A_366], %swap3A_369 {strides = array<i32>} : memref<128x128xf32, #tpu.memory_space<vmem>>, vector<1x16xf32>,
    %get3A_370 = arith.constant 0 : i32
    %get3A_371 = arith.index_cast %get3A_370 : i32 to index
    %get3A_372 = arith.constant 80 : index
    %get3A_373 = tpu.vector_load %arg10[%get3A_371, %get3A_372] {strides = array<i32>} : memref<2x128xf32, #tpu.memory_space<vmem>>, vector<1x16xf32>,
    %get3A_374 = vector.shape_cast %get3A_373 : vector<1x16xf32> to vector<16xf32>
    %get3A_375 = arith.constant 122 : i32
    %get3A_376 = arith.index_cast %get3A_375 : i32 to index
    %get3A_377 = arith.constant 80 : index
    %get3A_378 = tpu.vector_load %arg9[%get3A_376, %get3A_377] {strides = array<i32>} : memref<128x128xf32, #tpu.memory_space<vmem>>, vector<1x16xf32>,
    %get3A_379 = vector.shape_cast %get3A_378 : vector<1x16xf32> to vector<16xf32>
    %add3A_380 = arith.addf %get3A_374, %get3A_379 : vector<16xf32>
    %swap3A_381 = arith.constant 122 : i32
    %swap3A_382 = arith.index_cast %swap3A_381 : i32 to index
    %swap3A_383 = arith.constant 80 : index
    %swap3A_384 = tpu.vector_load %arg11[%swap3A_382, %swap3A_383] {strides = array<i32>} : memref<128x128xf32, #tpu.memory_space<vmem>>, vector<1x16xf32>,
    %swap3A_385 = vector.shape_cast %swap3A_384 : vector<1x16xf32> to vector<16xf32>
    %swap3A_386 = vector.shape_cast %add3A_380 : vector<16xf32> to vector<1x16xf32>
    tpu.vector_store %arg11[%swap3A_382, %swap3A_383], %swap3A_386 {strides = array<i32>} : memref<128x128xf32, #tpu.memory_space<vmem>>, vector<1x16xf32>,
    %get3A_387 = arith.constant 1 : i32
    %get3A_388 = arith.index_cast %get3A_387 : i32 to index
    %get3A_389 = arith.constant 80 : index
    %get3A_390 = tpu.vector_load %arg10[%get3A_388, %get3A_389] {strides = array<i32>} : memref<2x128xf32, #tpu.memory_space<vmem>>, vector<1x16xf32>,
    %get3A_391 = vector.shape_cast %get3A_390 : vector<1x16xf32> to vector<16xf32>
    %get3A_392 = arith.constant 124 : i32
    %get3A_393 = arith.index_cast %get3A_392 : i32 to index
    %get3A_394 = arith.constant 80 : index
    %get3A_395 = tpu.vector_load %arg9[%get3A_393, %get3A_394] {strides = array<i32>} : memref<128x128xf32, #tpu.memory_space<vmem>>, vector<1x16xf32>,
    %get3A_396 = vector.shape_cast %get3A_395 : vector<1x16xf32> to vector<16xf32>
    %add3A_397 = arith.addf %get3A_391, %get3A_396 : vector<16xf32>
    %swap3A_398 = arith.constant 124 : i32
    %swap3A_399 = arith.index_cast %swap3A_398 : i32 to index
    %swap3A_400 = arith.constant 80 : index
    %swap3A_401 = tpu.vector_load %arg11[%swap3A_399, %swap3A_400] {strides = array<i32>} : memref<128x128xf32, #tpu.memory_space<vmem>>, vector<1x16xf32>,
    %swap3A_402 = vector.shape_cast %swap3A_401 : vector<1x16xf32> to vector<16xf32>
    %swap3A_403 = vector.shape_cast %add3A_397 : vector<16xf32> to vector<1x16xf32>
    tpu.vector_store %arg11[%swap3A_399, %swap3A_400], %swap3A_403 {strides = array<i32>} : memref<128x128xf32, #tpu.memory_space<vmem>>, vector<1x16xf32>,
    %get3A_404 = arith.constant 0 : i32
    %get3A_405 = arith.index_cast %get3A_404 : i32 to index
    %get3A_406 = arith.constant 80 : index
    %get3A_407 = tpu.vector_load %arg10[%get3A_405, %get3A_406] {strides = array<i32>} : memref<2x128xf32, #tpu.memory_space<vmem>>, vector<1x16xf32>,
    %get3A_408 = vector.shape_cast %get3A_407 : vector<1x16xf32> to vector<16xf32>
    %get3A_409 = arith.constant 125 : i32
    %get3A_410 = arith.index_cast %get3A_409 : i32 to index
    %get3A_411 = arith.constant 80 : index
    %get3A_412 = tpu.vector_load %arg9[%get3A_410, %get3A_411] {strides = array<i32>} : memref<128x128xf32, #tpu.memory_space<vmem>>, vector<1x16xf32>,
    %get3A_413 = vector.shape_cast %get3A_412 : vector<1x16xf32> to vector<16xf32>
    %add3A_414 = arith.addf %get3A_408, %get3A_413 : vector<16xf32>
    %swap3A_415 = arith.constant 125 : i32
    %swap3A_416 = arith.index_cast %swap3A_415 : i32 to index
    %swap3A_417 = arith.constant 80 : index
    %swap3A_418 = tpu.vector_load %arg11[%swap3A_416, %swap3A_417] {strides = array<i32>} : memref<128x128xf32, #tpu.memory_space<vmem>>, vector<1x16xf32>,
    %swap3A_419 = vector.shape_cast %swap3A_418 : vector<1x16xf32> to vector<16xf32>
    %swap3A_420 = vector.shape_cast %add3A_414 : vector<16xf32> to vector<1x16xf32>
    tpu.vector_store %arg11[%swap3A_416, %swap3A_417], %swap3A_420 {strides = array<i32>} : memref<128x128xf32, #tpu.memory_space<vmem>>, vector<1x16xf32>,
    %get3A_421 = arith.constant 1 : i32
    %get3A_422 = arith.index_cast %get3A_421 : i32 to index
    %get3A_423 = arith.constant 80 : index
    %get3A_424 = tpu.vector_load %arg10[%get3A_422, %get3A_423] {strides = array<i32>} : memref<2x128xf32, #tpu.memory_space<vmem>>, vector<1x16xf32>,
    %get3A_425 = vector.shape_cast %get3A_424 : vector<1x16xf32> to vector<16xf32>
    %get3A_426 = arith.constant 127 : i32
    %get3A_427 = arith.index_cast %get3A_426 : i32 to index
    %get3A_428 = arith.constant 80 : index
    %get3A_429 = tpu.vector_load %arg9[%get3A_427, %get3A_428] {strides = array<i32>} : memref<128x128xf32, #tpu.memory_space<vmem>>, vector<1x16xf32>,
    %get3A_430 = vector.shape_cast %get3A_429 : vector<1x16xf32> to vector<16xf32>
    %add3A_431 = arith.addf %get3A_425, %get3A_430 : vector<16xf32>
    %swap3A_432 = arith.constant 127 : i32
    %swap3A_433 = arith.index_cast %swap3A_432 : i32 to index
    %swap3A_434 = arith.constant 80 : index
    %swap3A_435 = tpu.vector_load %arg11[%swap3A_433, %swap3A_434] {strides = array<i32>} : memref<128x128xf32, #tpu.memory_space<vmem>>, vector<1x16xf32>,
    %swap3A_436 = vector.shape_cast %swap3A_435 : vector<1x16xf32> to vector<16xf32>
    %swap3A_437 = vector.shape_cast %add3A_431 : vector<16xf32> to vector<1x16xf32>
    tpu.vector_store %arg11[%swap3A_433, %swap3A_434], %swap3A_437 {strides = array<i32>} : memref<128x128xf32, #tpu.memory_space<vmem>>, vector<1x16xf32>,
    %get3A_438 = arith.constant 0 : i32
    %get3A_439 = arith.index_cast %get3A_438 : i32 to index
    %get3A_440 = arith.constant 96 : index
    %get3A_441 = tpu.vector_load %arg10[%get3A_439, %get3A_440] {strides = array<i32>} : memref<2x128xf32, #tpu.memory_space<vmem>>, vector<1x16xf32>,
    %get3A_442 = vector.shape_cast %get3A_441 : vector<1x16xf32> to vector<16xf32>
    %get3A_443 = arith.constant 122 : i32
    %get3A_444 = arith.index_cast %get3A_443 : i32 to index
    %get3A_445 = arith.constant 96 : index
    %get3A_446 = tpu.vector_load %arg9[%get3A_444, %get3A_445] {strides = array<i32>} : memref<128x128xf32, #tpu.memory_space<vmem>>, vector<1x16xf32>,
    %get3A_447 = vector.shape_cast %get3A_446 : vector<1x16xf32> to vector<16xf32>
    %add3A_448 = arith.addf %get3A_442, %get3A_447 : vector<16xf32>
    %swap3A_449 = arith.constant 122 : i32
    %swap3A_450 = arith.index_cast %swap3A_449 : i32 to index
    %swap3A_451 = arith.constant 96 : index
    %swap3A_452 = tpu.vector_load %arg11[%swap3A_450, %swap3A_451] {strides = array<i32>} : memref<128x128xf32, #tpu.memory_space<vmem>>, vector<1x16xf32>,
    %swap3A_453 = vector.shape_cast %swap3A_452 : vector<1x16xf32> to vector<16xf32>
    %swap3A_454 = vector.shape_cast %add3A_448 : vector<16xf32> to vector<1x16xf32>
    tpu.vector_store %arg11[%swap3A_450, %swap3A_451], %swap3A_454 {strides = array<i32>} : memref<128x128xf32, #tpu.memory_space<vmem>>, vector<1x16xf32>,
    %get3A_455 = arith.constant 1 : i32
    %get3A_456 = arith.index_cast %get3A_455 : i32 to index
    %get3A_457 = arith.constant 96 : index
    %get3A_458 = tpu.vector_load %arg10[%get3A_456, %get3A_457] {strides = array<i32>} : memref<2x128xf32, #tpu.memory_space<vmem>>, vector<1x16xf32>,
    %get3A_459 = vector.shape_cast %get3A_458 : vector<1x16xf32> to vector<16xf32>
    %get3A_460 = arith.constant 124 : i32
    %get3A_461 = arith.index_cast %get3A_460 : i32 to index
    %get3A_462 = arith.constant 96 : index
    %get3A_463 = tpu.vector_load %arg9[%get3A_461, %get3A_462] {strides = array<i32>} : memref<128x128xf32, #tpu.memory_space<vmem>>, vector<1x16xf32>,
    %get3A_464 = vector.shape_cast %get3A_463 : vector<1x16xf32> to vector<16xf32>
    %add3A_465 = arith.addf %get3A_459, %get3A_464 : vector<16xf32>
    %swap3A_466 = arith.constant 124 : i32
    %swap3A_467 = arith.index_cast %swap3A_466 : i32 to index
    %swap3A_468 = arith.constant 96 : index
    %swap3A_469 = tpu.vector_load %arg11[%swap3A_467, %swap3A_468] {strides = array<i32>} : memref<128x128xf32, #tpu.memory_space<vmem>>, vector<1x16xf32>,
    %swap3A_470 = vector.shape_cast %swap3A_469 : vector<1x16xf32> to vector<16xf32>
    %swap3A_471 = vector.shape_cast %add3A_465 : vector<16xf32> to vector<1x16xf32>
    tpu.vector_store %arg11[%swap3A_467, %swap3A_468], %swap3A_471 {strides = array<i32>} : memref<128x128xf32, #tpu.memory_space<vmem>>, vector<1x16xf32>,
    %get3A_472 = arith.constant 0 : i32
    %get3A_473 = arith.index_cast %get3A_472 : i32 to index
    %get3A_474 = arith.constant 96 : index
    %get3A_475 = tpu.vector_load %arg10[%get3A_473, %get3A_474] {strides = array<i32>} : memref<2x128xf32, #tpu.memory_space<vmem>>, vector<1x16xf32>,
    %get3A_476 = vector.shape_cast %get3A_475 : vector<1x16xf32> to vector<16xf32>
    %get3A_477 = arith.constant 125 : i32
    %get3A_478 = arith.index_cast %get3A_477 : i32 to index
    %get3A_479 = arith.constant 96 : index
    %get3A_480 = tpu.vector_load %arg9[%get3A_478, %get3A_479] {strides = array<i32>} : memref<128x128xf32, #tpu.memory_space<vmem>>, vector<1x16xf32>,
    %get3A_481 = vector.shape_cast %get3A_480 : vector<1x16xf32> to vector<16xf32>
    %add3A_482 = arith.addf %get3A_476, %get3A_481 : vector<16xf32>
    %swap3A_483 = arith.constant 125 : i32
    %swap3A_484 = arith.index_cast %swap3A_483 : i32 to index
    %swap3A_485 = arith.constant 96 : index
    %swap3A_486 = tpu.vector_load %arg11[%swap3A_484, %swap3A_485] {strides = array<i32>} : memref<128x128xf32, #tpu.memory_space<vmem>>, vector<1x16xf32>,
    %swap3A_487 = vector.shape_cast %swap3A_486 : vector<1x16xf32> to vector<16xf32>
    %swap3A_488 = vector.shape_cast %add3A_482 : vector<16xf32> to vector<1x16xf32>
    tpu.vector_store %arg11[%swap3A_484, %swap3A_485], %swap3A_488 {strides = array<i32>} : memref<128x128xf32, #tpu.memory_space<vmem>>, vector<1x16xf32>,
    %get3A_489 = arith.constant 1 : i32
    %get3A_490 = arith.index_cast %get3A_489 : i32 to index
    %get3A_491 = arith.constant 96 : index
    %get3A_492 = tpu.vector_load %arg10[%get3A_490, %get3A_491] {strides = array<i32>} : memref<2x128xf32, #tpu.memory_space<vmem>>, vector<1x16xf32>,
    %get3A_493 = vector.shape_cast %get3A_492 : vector<1x16xf32> to vector<16xf32>
    %get3A_494 = arith.constant 127 : i32
    %get3A_495 = arith.index_cast %get3A_494 : i32 to index
    %get3A_496 = arith.constant 96 : index
    %get3A_497 = tpu.vector_load %arg9[%get3A_495, %get3A_496] {strides = array<i32>} : memref<128x128xf32, #tpu.memory_space<vmem>>, vector<1x16xf32>,
    %get3A_498 = vector.shape_cast %get3A_497 : vector<1x16xf32> to vector<16xf32>
    %add3A_499 = arith.addf %get3A_493, %get3A_498 : vector<16xf32>
    %swap3A_500 = arith.constant 127 : i32
    %swap3A_501 = arith.index_cast %swap3A_500 : i32 to index
    %swap3A_502 = arith.constant 96 : index
    %swap3A_503 = tpu.vector_load %arg11[%swap3A_501, %swap3A_502] {strides = array<i32>} : memref<128x128xf32, #tpu.memory_space<vmem>>, vector<1x16xf32>,
    %swap3A_504 = vector.shape_cast %swap3A_503 : vector<1x16xf32> to vector<16xf32>
    %swap3A_505 = vector.shape_cast %add3A_499 : vector<16xf32> to vector<1x16xf32>
    tpu.vector_store %arg11[%swap3A_501, %swap3A_502], %swap3A_505 {strides = array<i32>} : memref<128x128xf32, #tpu.memory_space<vmem>>, vector<1x16xf32>,
    %get3A_506 = arith.constant 0 : i32
    %get3A_507 = arith.index_cast %get3A_506 : i32 to index
    %get3A_508 = arith.constant 112 : index
    %get3A_509 = tpu.vector_load %arg10[%get3A_507, %get3A_508] {strides = array<i32>} : memref<2x128xf32, #tpu.memory_space<vmem>>, vector<1x16xf32>,
    %get3A_510 = vector.shape_cast %get3A_509 : vector<1x16xf32> to vector<16xf32>
    %get3A_511 = arith.constant 122 : i32
    %get3A_512 = arith.index_cast %get3A_511 : i32 to index
    %get3A_513 = arith.constant 112 : index
    %get3A_514 = tpu.vector_load %arg9[%get3A_512, %get3A_513] {strides = array<i32>} : memref<128x128xf32, #tpu.memory_space<vmem>>, vector<1x16xf32>,
    %get3A_515 = vector.shape_cast %get3A_514 : vector<1x16xf32> to vector<16xf32>
    %add3A_516 = arith.addf %get3A_510, %get3A_515 : vector<16xf32>
    %swap3A_517 = arith.constant 122 : i32
    %swap3A_518 = arith.index_cast %swap3A_517 : i32 to index
    %swap3A_519 = arith.constant 112 : index
    %swap3A_520 = tpu.vector_load %arg11[%swap3A_518, %swap3A_519] {strides = array<i32>} : memref<128x128xf32, #tpu.memory_space<vmem>>, vector<1x16xf32>,
    %swap3A_521 = vector.shape_cast %swap3A_520 : vector<1x16xf32> to vector<16xf32>
    %swap3A_522 = vector.shape_cast %add3A_516 : vector<16xf32> to vector<1x16xf32>
    tpu.vector_store %arg11[%swap3A_518, %swap3A_519], %swap3A_522 {strides = array<i32>} : memref<128x128xf32, #tpu.memory_space<vmem>>, vector<1x16xf32>,
    %get3A_523 = arith.constant 1 : i32
    %get3A_524 = arith.index_cast %get3A_523 : i32 to index
    %get3A_525 = arith.constant 112 : index
    %get3A_526 = tpu.vector_load %arg10[%get3A_524, %get3A_525] {strides = array<i32>} : memref<2x128xf32, #tpu.memory_space<vmem>>, vector<1x16xf32>,
    %get3A_527 = vector.shape_cast %get3A_526 : vector<1x16xf32> to vector<16xf32>
    %get3A_528 = arith.constant 124 : i32
    %get3A_529 = arith.index_cast %get3A_528 : i32 to index
    %get3A_530 = arith.constant 112 : index
    %get3A_531 = tpu.vector_load %arg9[%get3A_529, %get3A_530] {strides = array<i32>} : memref<128x128xf32, #tpu.memory_space<vmem>>, vector<1x16xf32>,
    %get3A_532 = vector.shape_cast %get3A_531 : vector<1x16xf32> to vector<16xf32>
    %add3A_533 = arith.addf %get3A_527, %get3A_532 : vector<16xf32>
    %swap3A_534 = arith.constant 124 : i32
    %swap3A_535 = arith.index_cast %swap3A_534 : i32 to index
    %swap3A_536 = arith.constant 112 : index
    %swap3A_537 = tpu.vector_load %arg11[%swap3A_535, %swap3A_536] {strides = array<i32>} : memref<128x128xf32, #tpu.memory_space<vmem>>, vector<1x16xf32>,
    %swap3A_538 = vector.shape_cast %swap3A_537 : vector<1x16xf32> to vector<16xf32>
    %swap3A_539 = vector.shape_cast %add3A_533 : vector<16xf32> to vector<1x16xf32>
    tpu.vector_store %arg11[%swap3A_535, %swap3A_536], %swap3A_539 {strides = array<i32>} : memref<128x128xf32, #tpu.memory_space<vmem>>, vector<1x16xf32>,
    %get3A_540 = arith.constant 0 : i32
    %get3A_541 = arith.index_cast %get3A_540 : i32 to index
    %get3A_542 = arith.constant 112 : index
    %get3A_543 = tpu.vector_load %arg10[%get3A_541, %get3A_542] {strides = array<i32>} : memref<2x128xf32, #tpu.memory_space<vmem>>, vector<1x16xf32>,
    %get3A_544 = vector.shape_cast %get3A_543 : vector<1x16xf32> to vector<16xf32>
    %get3A_545 = arith.constant 125 : i32
    %get3A_546 = arith.index_cast %get3A_545 : i32 to index
    %get3A_547 = arith.constant 112 : index
    %get3A_548 = tpu.vector_load %arg9[%get3A_546, %get3A_547] {strides = array<i32>} : memref<128x128xf32, #tpu.memory_space<vmem>>, vector<1x16xf32>,
    %get3A_549 = vector.shape_cast %get3A_548 : vector<1x16xf32> to vector<16xf32>
    %add3A_550 = arith.addf %get3A_544, %get3A_549 : vector<16xf32>
    %swap3A_551 = arith.constant 125 : i32
    %swap3A_552 = arith.index_cast %swap3A_551 : i32 to index
    %swap3A_553 = arith.constant 112 : index
    %swap3A_554 = tpu.vector_load %arg11[%swap3A_552, %swap3A_553] {strides = array<i32>} : memref<128x128xf32, #tpu.memory_space<vmem>>, vector<1x16xf32>,
    %swap3A_555 = vector.shape_cast %swap3A_554 : vector<1x16xf32> to vector<16xf32>
    %swap3A_556 = vector.shape_cast %add3A_550 : vector<16xf32> to vector<1x16xf32>
    tpu.vector_store %arg11[%swap3A_552, %swap3A_553], %swap3A_556 {strides = array<i32>} : memref<128x128xf32, #tpu.memory_space<vmem>>, vector<1x16xf32>,
    %get3A_557 = arith.constant 1 : i32
    %get3A_558 = arith.index_cast %get3A_557 : i32 to index
    %get3A_559 = arith.constant 112 : index
    %get3A_560 = tpu.vector_load %arg10[%get3A_558, %get3A_559] {strides = array<i32>} : memref<2x128xf32, #tpu.memory_space<vmem>>, vector<1x16xf32>,
    %get3A_561 = vector.shape_cast %get3A_560 : vector<1x16xf32> to vector<16xf32>
    %get3A_562 = arith.constant 127 : i32
    %get3A_563 = arith.index_cast %get3A_562 : i32 to index
    %get3A_564 = arith.constant 112 : index
    %get3A_565 = tpu.vector_load %arg9[%get3A_563, %get3A_564] {strides = array<i32>} : memref<128x128xf32, #tpu.memory_space<vmem>>, vector<1x16xf32>,
    %get3A_566 = vector.shape_cast %get3A_565 : vector<1x16xf32> to vector<16xf32>
    %add3A_567 = arith.addf %get3A_561, %get3A_566 : vector<16xf32>
    %swap3A_568 = arith.constant 127 : i32
    %swap3A_569 = arith.index_cast %swap3A_568 : i32 to index
    %swap3A_570 = arith.constant 112 : index
    %swap3A_571 = tpu.vector_load %arg11[%swap3A_569, %swap3A_570] {strides = array<i32>} : memref<128x128xf32, #tpu.memory_space<vmem>>, vector<1x16xf32>,
    %swap3A_572 = vector.shape_cast %swap3A_571 : vector<1x16xf32> to vector<16xf32>
    %swap3A_573 = vector.shape_cast %add3A_567 : vector<16xf32> to vector<1x16xf32>
    tpu.vector_store %arg11[%swap3A_569, %swap3A_570], %swap3A_573 {strides = array<i32>} : memref<128x128xf32, #tpu.memory_space<vmem>>, vector<1x16xf32>,
    %get3A_574 = arith.constant 0 : i32
    %get3A_575 = arith.index_cast %get3A_574 : i32 to index
    %get3A_576 = arith.constant 0 : index
    %get3A_577 = tpu.vector_load %arg10[%get3A_575, %get3A_576] {strides = array<i32>} : memref<2x128xf32, #tpu.memory_space<vmem>>, vector<1x16xf32>,
    %get3A_578 = vector.shape_cast %get3A_577 : vector<1x16xf32> to vector<16xf32>
    %get3A_579 = arith.constant 122 : i32
    %get3A_580 = arith.index_cast %get3A_579 : i32 to index
    %get3A_581 = arith.constant 0 : index
    %get3A_582 = tpu.vector_load %arg9[%get3A_580, %get3A_581] {strides = array<i32>} : memref<128x128xf32, #tpu.memory_space<vmem>>, vector<1x16xf32>,
    %get3A_583 = vector.shape_cast %get3A_582 : vector<1x16xf32> to vector<16xf32>
    %add3A_584 = arith.addf %get3A_578, %get3A_583 : vector<16xf32>
    %swap3A_585 = arith.constant 122 : i32
    %swap3A_586 = arith.index_cast %swap3A_585 : i32 to index
    %swap3A_587 = arith.constant 0 : index
    %swap3A_588 = tpu.vector_load %arg12[%swap3A_586, %swap3A_587] {strides = array<i32>} : memref<128x128xf32, #tpu.memory_space<vmem>>, vector<1x16xf32>,
    %swap3A_589 = vector.shape_cast %swap3A_588 : vector<1x16xf32> to vector<16xf32>
    %swap3A_590 = vector.shape_cast %add3A_584 : vector<16xf32> to vector<1x16xf32>
    tpu.vector_store %arg12[%swap3A_586, %swap3A_587], %swap3A_590 {strides = array<i32>} : memref<128x128xf32, #tpu.memory_space<vmem>>, vector<1x16xf32>,
    %get3A_591 = arith.constant 1 : i32
    %get3A_592 = arith.index_cast %get3A_591 : i32 to index
    %get3A_593 = arith.constant 0 : index
    %get3A_594 = tpu.vector_load %arg10[%get3A_592, %get3A_593] {strides = array<i32>} : memref<2x128xf32, #tpu.memory_space<vmem>>, vector<1x16xf32>,
    %get3A_595 = vector.shape_cast %get3A_594 : vector<1x16xf32> to vector<16xf32>
    %get3A_596 = arith.constant 124 : i32
    %get3A_597 = arith.index_cast %get3A_596 : i32 to index
    %get3A_598 = arith.constant 0 : index
    %get3A_599 = tpu.vector_load %arg9[%get3A_597, %get3A_598] {strides = array<i32>} : memref<128x128xf32, #tpu.memory_space<vmem>>, vector<1x16xf32>,
    %get3A_600 = vector.shape_cast %get3A_599 : vector<1x16xf32> to vector<16xf32>
    %add3A_601 = arith.addf %get3A_595, %get3A_600 : vector<16xf32>
    %swap3A_602 = arith.constant 124 : i32
    %swap3A_603 = arith.index_cast %swap3A_602 : i32 to index
    %swap3A_604 = arith.constant 0 : index
    %swap3A_605 = tpu.vector_load %arg12[%swap3A_603, %swap3A_604] {strides = array<i32>} : memref<128x128xf32, #tpu.memory_space<vmem>>, vector<1x16xf32>,
    %swap3A_606 = vector.shape_cast %swap3A_605 : vector<1x16xf32> to vector<16xf32>
    %swap3A_607 = vector.shape_cast %add3A_601 : vector<16xf32> to vector<1x16xf32>
    tpu.vector_store %arg12[%swap3A_603, %swap3A_604], %swap3A_607 {strides = array<i32>} : memref<128x128xf32, #tpu.memory_space<vmem>>, vector<1x16xf32>,
    %get3A_608 = arith.constant 0 : i32
    %get3A_609 = arith.index_cast %get3A_608 : i32 to index
    %get3A_610 = arith.constant 0 : index
    %get3A_611 = tpu.vector_load %arg10[%get3A_609, %get3A_610] {strides = array<i32>} : memref<2x128xf32, #tpu.memory_space<vmem>>, vector<1x16xf32>,
    %get3A_612 = vector.shape_cast %get3A_611 : vector<1x16xf32> to vector<16xf32>
    %get3A_613 = arith.constant 125 : i32
    %get3A_614 = arith.index_cast %get3A_613 : i32 to index
    %get3A_615 = arith.constant 0 : index
    %get3A_616 = tpu.vector_load %arg9[%get3A_614, %get3A_615] {strides = array<i32>} : memref<128x128xf32, #tpu.memory_space<vmem>>, vector<1x16xf32>,
    %get3A_617 = vector.shape_cast %get3A_616 : vector<1x16xf32> to vector<16xf32>
    %add3A_618 = arith.addf %get3A_612, %get3A_617 : vector<16xf32>
    %swap3A_619 = arith.constant 125 : i32
    %swap3A_620 = arith.index_cast %swap3A_619 : i32 to index
    %swap3A_621 = arith.constant 0 : index
    %swap3A_622 = tpu.vector_load %arg12[%swap3A_620, %swap3A_621] {strides = array<i32>} : memref<128x128xf32, #tpu.memory_space<vmem>>, vector<1x16xf32>,
    %swap3A_623 = vector.shape_cast %swap3A_622 : vector<1x16xf32> to vector<16xf32>
    %swap3A_624 = vector.shape_cast %add3A_618 : vector<16xf32> to vector<1x16xf32>
    tpu.vector_store %arg12[%swap3A_620, %swap3A_621], %swap3A_624 {strides = array<i32>} : memref<128x128xf32, #tpu.memory_space<vmem>>, vector<1x16xf32>,
    %get3A_625 = arith.constant 1 : i32
    %get3A_626 = arith.index_cast %get3A_625 : i32 to index
    %get3A_627 = arith.constant 0 : index
    %get3A_628 = tpu.vector_load %arg10[%get3A_626, %get3A_627] {strides = array<i32>} : memref<2x128xf32, #tpu.memory_space<vmem>>, vector<1x16xf32>,
    %get3A_629 = vector.shape_cast %get3A_628 : vector<1x16xf32> to vector<16xf32>
    %get3A_630 = arith.constant 127 : i32
    %get3A_631 = arith.index_cast %get3A_630 : i32 to index
    %get3A_632 = arith.constant 0 : index
    %get3A_633 = tpu.vector_load %arg9[%get3A_631, %get3A_632] {strides = array<i32>} : memref<128x128xf32, #tpu.memory_space<vmem>>, vector<1x16xf32>,
    %get3A_634 = vector.shape_cast %get3A_633 : vector<1x16xf32> to vector<16xf32>
    %add3A_635 = arith.addf %get3A_629, %get3A_634 : vector<16xf32>
    %swap3A_636 = arith.constant 127 : i32
    %swap3A_637 = arith.index_cast %swap3A_636 : i32 to index
    %swap3A_638 = arith.constant 0 : index
    %swap3A_639 = tpu.vector_load %arg12[%swap3A_637, %swap3A_638] {strides = array<i32>} : memref<128x128xf32, #tpu.memory_space<vmem>>, vector<1x16xf32>,
    %swap3A_640 = vector.shape_cast %swap3A_639 : vector<1x16xf32> to vector<16xf32>
    %swap3A_641 = vector.shape_cast %add3A_635 : vector<16xf32> to vector<1x16xf32>
    tpu.vector_store %arg12[%swap3A_637, %swap3A_638], %swap3A_641 {strides = array<i32>} : memref<128x128xf32, #tpu.memory_space<vmem>>, vector<1x16xf32>,
    %get3A_642 = arith.constant 0 : i32
    %get3A_643 = arith.index_cast %get3A_642 : i32 to index
    %get3A_644 = arith.constant 16 : index
    %get3A_645 = tpu.vector_load %arg10[%get3A_643, %get3A_644] {strides = array<i32>} : memref<2x128xf32, #tpu.memory_space<vmem>>, vector<1x16xf32>,
    %get3A_646 = vector.shape_cast %get3A_645 : vector<1x16xf32> to vector<16xf32>
    %get3A_647 = arith.constant 122 : i32
    %get3A_648 = arith.index_cast %get3A_647 : i32 to index
    %get3A_649 = arith.constant 16 : index
    %get3A_650 = tpu.vector_load %arg9[%get3A_648, %get3A_649] {strides = array<i32>} : memref<128x128xf32, #tpu.memory_space<vmem>>, vector<1x16xf32>,
    %get3A_651 = vector.shape_cast %get3A_650 : vector<1x16xf32> to vector<16xf32>
    %add3A_652 = arith.addf %get3A_646, %get3A_651 : vector<16xf32>
    %swap3A_653 = arith.constant 122 : i32
    %swap3A_654 = arith.index_cast %swap3A_653 : i32 to index
    %swap3A_655 = arith.constant 16 : index
    %swap3A_656 = tpu.vector_load %arg12[%swap3A_654, %swap3A_655] {strides = array<i32>} : memref<128x128xf32, #tpu.memory_space<vmem>>, vector<1x16xf32>,
    %swap3A_657 = vector.shape_cast %swap3A_656 : vector<1x16xf32> to vector<16xf32>
    %swap3A_658 = vector.shape_cast %add3A_652 : vector<16xf32> to vector<1x16xf32>
    tpu.vector_store %arg12[%swap3A_654, %swap3A_655], %swap3A_658 {strides = array<i32>} : memref<128x128xf32, #tpu.memory_space<vmem>>, vector<1x16xf32>,
    %get3A_659 = arith.constant 1 : i32
    %get3A_660 = arith.index_cast %get3A_659 : i32 to index
    %get3A_661 = arith.constant 16 : index
    %get3A_662 = tpu.vector_load %arg10[%get3A_660, %get3A_661] {strides = array<i32>} : memref<2x128xf32, #tpu.memory_space<vmem>>, vector<1x16xf32>,
    %get3A_663 = vector.shape_cast %get3A_662 : vector<1x16xf32> to vector<16xf32>
    %get3A_664 = arith.constant 124 : i32
    %get3A_665 = arith.index_cast %get3A_664 : i32 to index
    %get3A_666 = arith.constant 16 : index
    %get3A_667 = tpu.vector_load %arg9[%get3A_665, %get3A_666] {strides = array<i32>} : memref<128x128xf32, #tpu.memory_space<vmem>>, vector<1x16xf32>,
    %get3A_668 = vector.shape_cast %get3A_667 : vector<1x16xf32> to vector<16xf32>
    %add3A_669 = arith.addf %get3A_663, %get3A_668 : vector<16xf32>
    %swap3A_670 = arith.constant 124 : i32
    %swap3A_671 = arith.index_cast %swap3A_670 : i32 to index
    %swap3A_672 = arith.constant 16 : index
    %swap3A_673 = tpu.vector_load %arg12[%swap3A_671, %swap3A_672] {strides = array<i32>} : memref<128x128xf32, #tpu.memory_space<vmem>>, vector<1x16xf32>,
    %swap3A_674 = vector.shape_cast %swap3A_673 : vector<1x16xf32> to vector<16xf32>
    %swap3A_675 = vector.shape_cast %add3A_669 : vector<16xf32> to vector<1x16xf32>
    tpu.vector_store %arg12[%swap3A_671, %swap3A_672], %swap3A_675 {strides = array<i32>} : memref<128x128xf32, #tpu.memory_space<vmem>>, vector<1x16xf32>,
    %get3A_676 = arith.constant 0 : i32
    %get3A_677 = arith.index_cast %get3A_676 : i32 to index
    %get3A_678 = arith.constant 16 : index
    %get3A_679 = tpu.vector_load %arg10[%get3A_677, %get3A_678] {strides = array<i32>} : memref<2x128xf32, #tpu.memory_space<vmem>>, vector<1x16xf32>,
    %get3A_680 = vector.shape_cast %get3A_679 : vector<1x16xf32> to vector<16xf32>
    %get3A_681 = arith.constant 125 : i32
    %get3A_682 = arith.index_cast %get3A_681 : i32 to index
    %get3A_683 = arith.constant 16 : index
    %get3A_684 = tpu.vector_load %arg9[%get3A_682, %get3A_683] {strides = array<i32>} : memref<128x128xf32, #tpu.memory_space<vmem>>, vector<1x16xf32>,
    %get3A_685 = vector.shape_cast %get3A_684 : vector<1x16xf32> to vector<16xf32>
    %add3A_686 = arith.addf %get3A_680, %get3A_685 : vector<16xf32>
    %swap3A_687 = arith.constant 125 : i32
    %swap3A_688 = arith.index_cast %swap3A_687 : i32 to index
    %swap3A_689 = arith.constant 16 : index
    %swap3A_690 = tpu.vector_load %arg12[%swap3A_688, %swap3A_689] {strides = array<i32>} : memref<128x128xf32, #tpu.memory_space<vmem>>, vector<1x16xf32>,
    %swap3A_691 = vector.shape_cast %swap3A_690 : vector<1x16xf32> to vector<16xf32>
    %swap3A_692 = vector.shape_cast %add3A_686 : vector<16xf32> to vector<1x16xf32>
    tpu.vector_store %arg12[%swap3A_688, %swap3A_689], %swap3A_692 {strides = array<i32>} : memref<128x128xf32, #tpu.memory_space<vmem>>, vector<1x16xf32>,
    %get3A_693 = arith.constant 1 : i32
    %get3A_694 = arith.index_cast %get3A_693 : i32 to index
    %get3A_695 = arith.constant 16 : index
    %get3A_696 = tpu.vector_load %arg10[%get3A_694, %get3A_695] {strides = array<i32>} : memref<2x128xf32, #tpu.memory_space<vmem>>, vector<1x16xf32>,
    %get3A_697 = vector.shape_cast %get3A_696 : vector<1x16xf32> to vector<16xf32>
    %get3A_698 = arith.constant 127 : i32
    %get3A_699 = arith.index_cast %get3A_698 : i32 to index
    %get3A_700 = arith.constant 16 : index
    %get3A_701 = tpu.vector_load %arg9[%get3A_699, %get3A_700] {strides = array<i32>} : memref<128x128xf32, #tpu.memory_space<vmem>>, vector<1x16xf32>,
    %get3A_702 = vector.shape_cast %get3A_701 : vector<1x16xf32> to vector<16xf32>
    %add3A_703 = arith.addf %get3A_697, %get3A_702 : vector<16xf32>
    %swap3A_704 = arith.constant 127 : i32
    %swap3A_705 = arith.index_cast %swap3A_704 : i32 to index
    %swap3A_706 = arith.constant 16 : index
    %swap3A_707 = tpu.vector_load %arg12[%swap3A_705, %swap3A_706] {strides = array<i32>} : memref<128x128xf32, #tpu.memory_space<vmem>>, vector<1x16xf32>,
    %swap3A_708 = vector.shape_cast %swap3A_707 : vector<1x16xf32> to vector<16xf32>
    %swap3A_709 = vector.shape_cast %add3A_703 : vector<16xf32> to vector<1x16xf32>
    tpu.vector_store %arg12[%swap3A_705, %swap3A_706], %swap3A_709 {strides = array<i32>} : memref<128x128xf32, #tpu.memory_space<vmem>>, vector<1x16xf32>,
    %get3A_710 = arith.constant 0 : i32
    %get3A_711 = arith.index_cast %get3A_710 : i32 to index
    %get3A_712 = arith.constant 32 : index
    %get3A_713 = tpu.vector_load %arg10[%get3A_711, %get3A_712] {strides = array<i32>} : memref<2x128xf32, #tpu.memory_space<vmem>>, vector<1x16xf32>,
    %get3A_714 = vector.shape_cast %get3A_713 : vector<1x16xf32> to vector<16xf32>
    %get3A_715 = arith.constant 122 : i32
    %get3A_716 = arith.index_cast %get3A_715 : i32 to index
    %get3A_717 = arith.constant 32 : index
    %get3A_718 = tpu.vector_load %arg9[%get3A_716, %get3A_717] {strides = array<i32>} : memref<128x128xf32, #tpu.memory_space<vmem>>, vector<1x16xf32>,
    %get3A_719 = vector.shape_cast %get3A_718 : vector<1x16xf32> to vector<16xf32>
    %add3A_720 = arith.addf %get3A_714, %get3A_719 : vector<16xf32>
    %swap3A_721 = arith.constant 122 : i32
    %swap3A_722 = arith.index_cast %swap3A_721 : i32 to index
    %swap3A_723 = arith.constant 32 : index
    %swap3A_724 = tpu.vector_load %arg12[%swap3A_722, %swap3A_723] {strides = array<i32>} : memref<128x128xf32, #tpu.memory_space<vmem>>, vector<1x16xf32>,
    %swap3A_725 = vector.shape_cast %swap3A_724 : vector<1x16xf32> to vector<16xf32>
    %swap3A_726 = vector.shape_cast %add3A_720 : vector<16xf32> to vector<1x16xf32>
    tpu.vector_store %arg12[%swap3A_722, %swap3A_723], %swap3A_726 {strides = array<i32>} : memref<128x128xf32, #tpu.memory_space<vmem>>, vector<1x16xf32>,
    %get3A_727 = arith.constant 1 : i32
    %get3A_728 = arith.index_cast %get3A_727 : i32 to index
    %get3A_729 = arith.constant 32 : index
    %get3A_730 = tpu.vector_load %arg10[%get3A_728, %get3A_729] {strides = array<i32>} : memref<2x128xf32, #tpu.memory_space<vmem>>, vector<1x16xf32>,
    %get3A_731 = vector.shape_cast %get3A_730 : vector<1x16xf32> to vector<16xf32>
    %get3A_732 = arith.constant 124 : i32
    %get3A_733 = arith.index_cast %get3A_732 : i32 to index
    %get3A_734 = arith.constant 32 : index
    %get3A_735 = tpu.vector_load %arg9[%get3A_733, %get3A_734] {strides = array<i32>} : memref<128x128xf32, #tpu.memory_space<vmem>>, vector<1x16xf32>,
    %get3A_736 = vector.shape_cast %get3A_735 : vector<1x16xf32> to vector<16xf32>
    %add3A_737 = arith.addf %get3A_731, %get3A_736 : vector<16xf32>
    %swap3A_738 = arith.constant 124 : i32
    %swap3A_739 = arith.index_cast %swap3A_738 : i32 to index
    %swap3A_740 = arith.constant 32 : index
    %swap3A_741 = tpu.vector_load %arg12[%swap3A_739, %swap3A_740] {strides = array<i32>} : memref<128x128xf32, #tpu.memory_space<vmem>>, vector<1x16xf32>,
    %swap3A_742 = vector.shape_cast %swap3A_741 : vector<1x16xf32> to vector<16xf32>
    %swap3A_743 = vector.shape_cast %add3A_737 : vector<16xf32> to vector<1x16xf32>
    tpu.vector_store %arg12[%swap3A_739, %swap3A_740], %swap3A_743 {strides = array<i32>} : memref<128x128xf32, #tpu.memory_space<vmem>>, vector<1x16xf32>,
    %get3A_744 = arith.constant 0 : i32
    %get3A_745 = arith.index_cast %get3A_744 : i32 to index
    %get3A_746 = arith.constant 32 : index
    %get3A_747 = tpu.vector_load %arg10[%get3A_745, %get3A_746] {strides = array<i32>} : memref<2x128xf32, #tpu.memory_space<vmem>>, vector<1x16xf32>,
    %get3A_748 = vector.shape_cast %get3A_747 : vector<1x16xf32> to vector<16xf32>
    %get3A_749 = arith.constant 125 : i32
    %get3A_750 = arith.index_cast %get3A_749 : i32 to index
    %get3A_751 = arith.constant 32 : index
    %get3A_752 = tpu.vector_load %arg9[%get3A_750, %get3A_751] {strides = array<i32>} : memref<128x128xf32, #tpu.memory_space<vmem>>, vector<1x16xf32>,
    %get3A_753 = vector.shape_cast %get3A_752 : vector<1x16xf32> to vector<16xf32>
    %add3A_754 = arith.addf %get3A_748, %get3A_753 : vector<16xf32>
    %swap3A_755 = arith.constant 125 : i32
    %swap3A_756 = arith.index_cast %swap3A_755 : i32 to index
    %swap3A_757 = arith.constant 32 : index
    %swap3A_758 = tpu.vector_load %arg12[%swap3A_756, %swap3A_757] {strides = array<i32>} : memref<128x128xf32, #tpu.memory_space<vmem>>, vector<1x16xf32>,
    %swap3A_759 = vector.shape_cast %swap3A_758 : vector<1x16xf32> to vector<16xf32>
    %swap3A_760 = vector.shape_cast %add3A_754 : vector<16xf32> to vector<1x16xf32>
    tpu.vector_store %arg12[%swap3A_756, %swap3A_757], %swap3A_760 {strides = array<i32>} : memref<128x128xf32, #tpu.memory_space<vmem>>, vector<1x16xf32>,
    %get3A_761 = arith.constant 1 : i32
    %get3A_762 = arith.index_cast %get3A_761 : i32 to index
    %get3A_763 = arith.constant 32 : index
    %get3A_764 = tpu.vector_load %arg10[%get3A_762, %get3A_763] {strides = array<i32>} : memref<2x128xf32, #tpu.memory_space<vmem>>, vector<1x16xf32>,
    %get3A_765 = vector.shape_cast %get3A_764 : vector<1x16xf32> to vector<16xf32>
    %get3A_766 = arith.constant 127 : i32
    %get3A_767 = arith.index_cast %get3A_766 : i32 to index
    %get3A_768 = arith.constant 32 : index
    %get3A_769 = tpu.vector_load %arg9[%get3A_767, %get3A_768] {strides = array<i32>} : memref<128x128xf32, #tpu.memory_space<vmem>>, vector<1x16xf32>,
    %get3A_770 = vector.shape_cast %get3A_769 : vector<1x16xf32> to vector<16xf32>
    %add3A_771 = arith.addf %get3A_765, %get3A_770 : vector<16xf32>
    %swap3A_772 = arith.constant 127 : i32
    %swap3A_773 = arith.index_cast %swap3A_772 : i32 to index
    %swap3A_774 = arith.constant 32 : index
    %swap3A_775 = tpu.vector_load %arg12[%swap3A_773, %swap3A_774] {strides = array<i32>} : memref<128x128xf32, #tpu.memory_space<vmem>>, vector<1x16xf32>,
    %swap3A_776 = vector.shape_cast %swap3A_775 : vector<1x16xf32> to vector<16xf32>
    %swap3A_777 = vector.shape_cast %add3A_771 : vector<16xf32> to vector<1x16xf32>
    tpu.vector_store %arg12[%swap3A_773, %swap3A_774], %swap3A_777 {strides = array<i32>} : memref<128x128xf32, #tpu.memory_space<vmem>>, vector<1x16xf32>,
    %get3A_778 = arith.constant 0 : i32
    %get3A_779 = arith.index_cast %get3A_778 : i32 to index
    %get3A_780 = arith.constant 48 : index
    %get3A_781 = tpu.vector_load %arg10[%get3A_779, %get3A_780] {strides = array<i32>} : memref<2x128xf32, #tpu.memory_space<vmem>>, vector<1x16xf32>,
    %get3A_782 = vector.shape_cast %get3A_781 : vector<1x16xf32> to vector<16xf32>
    %get3A_783 = arith.constant 122 : i32
    %get3A_784 = arith.index_cast %get3A_783 : i32 to index
    %get3A_785 = arith.constant 48 : index
    %get3A_786 = tpu.vector_load %arg9[%get3A_784, %get3A_785] {strides = array<i32>} : memref<128x128xf32, #tpu.memory_space<vmem>>, vector<1x16xf32>,
    %get3A_787 = vector.shape_cast %get3A_786 : vector<1x16xf32> to vector<16xf32>
    %add3A_788 = arith.addf %get3A_782, %get3A_787 : vector<16xf32>
    %swap3A_789 = arith.constant 122 : i32
    %swap3A_790 = arith.index_cast %swap3A_789 : i32 to index
    %swap3A_791 = arith.constant 48 : index
    %swap3A_792 = tpu.vector_load %arg12[%swap3A_790, %swap3A_791] {strides = array<i32>} : memref<128x128xf32, #tpu.memory_space<vmem>>, vector<1x16xf32>,
    %swap3A_793 = vector.shape_cast %swap3A_792 : vector<1x16xf32> to vector<16xf32>
    %swap3A_794 = vector.shape_cast %add3A_788 : vector<16xf32> to vector<1x16xf32>
    tpu.vector_store %arg12[%swap3A_790, %swap3A_791], %swap3A_794 {strides = array<i32>} : memref<128x128xf32, #tpu.memory_space<vmem>>, vector<1x16xf32>,
    %get3A_795 = arith.constant 1 : i32
    %get3A_796 = arith.index_cast %get3A_795 : i32 to index
    %get3A_797 = arith.constant 48 : index
    %get3A_798 = tpu.vector_load %arg10[%get3A_796, %get3A_797] {strides = array<i32>} : memref<2x128xf32, #tpu.memory_space<vmem>>, vector<1x16xf32>,
    %get3A_799 = vector.shape_cast %get3A_798 : vector<1x16xf32> to vector<16xf32>
    %get3A_800 = arith.constant 124 : i32
    %get3A_801 = arith.index_cast %get3A_800 : i32 to index
    %get3A_802 = arith.constant 48 : index
    %get3A_803 = tpu.vector_load %arg9[%get3A_801, %get3A_802] {strides = array<i32>} : memref<128x128xf32, #tpu.memory_space<vmem>>, vector<1x16xf32>,
    %get3A_804 = vector.shape_cast %get3A_803 : vector<1x16xf32> to vector<16xf32>
    %add3A_805 = arith.addf %get3A_799, %get3A_804 : vector<16xf32>
    %swap3A_806 = arith.constant 124 : i32
    %swap3A_807 = arith.index_cast %swap3A_806 : i32 to index
    %swap3A_808 = arith.constant 48 : index
    %swap3A_809 = tpu.vector_load %arg12[%swap3A_807, %swap3A_808] {strides = array<i32>} : memref<128x128xf32, #tpu.memory_space<vmem>>, vector<1x16xf32>,
    %swap3A_810 = vector.shape_cast %swap3A_809 : vector<1x16xf32> to vector<16xf32>
    %swap3A_811 = vector.shape_cast %add3A_805 : vector<16xf32> to vector<1x16xf32>
    tpu.vector_store %arg12[%swap3A_807, %swap3A_808], %swap3A_811 {strides = array<i32>} : memref<128x128xf32, #tpu.memory_space<vmem>>, vector<1x16xf32>,
    %get3A_812 = arith.constant 0 : i32
    %get3A_813 = arith.index_cast %get3A_812 : i32 to index
    %get3A_814 = arith.constant 48 : index
    %get3A_815 = tpu.vector_load %arg10[%get3A_813, %get3A_814] {strides = array<i32>} : memref<2x128xf32, #tpu.memory_space<vmem>>, vector<1x16xf32>,
    %get3A_816 = vector.shape_cast %get3A_815 : vector<1x16xf32> to vector<16xf32>
    %get3A_817 = arith.constant 125 : i32
    %get3A_818 = arith.index_cast %get3A_817 : i32 to index
    %get3A_819 = arith.constant 48 : index
    %get3A_820 = tpu.vector_load %arg9[%get3A_818, %get3A_819] {strides = array<i32>} : memref<128x128xf32, #tpu.memory_space<vmem>>, vector<1x16xf32>,
    %get3A_821 = vector.shape_cast %get3A_820 : vector<1x16xf32> to vector<16xf32>
    %add3A_822 = arith.addf %get3A_816, %get3A_821 : vector<16xf32>
    %swap3A_823 = arith.constant 125 : i32
    %swap3A_824 = arith.index_cast %swap3A_823 : i32 to index
    %swap3A_825 = arith.constant 48 : index
    %swap3A_826 = tpu.vector_load %arg12[%swap3A_824, %swap3A_825] {strides = array<i32>} : memref<128x128xf32, #tpu.memory_space<vmem>>, vector<1x16xf32>,
    %swap3A_827 = vector.shape_cast %swap3A_826 : vector<1x16xf32> to vector<16xf32>
    %swap3A_828 = vector.shape_cast %add3A_822 : vector<16xf32> to vector<1x16xf32>
    tpu.vector_store %arg12[%swap3A_824, %swap3A_825], %swap3A_828 {strides = array<i32>} : memref<128x128xf32, #tpu.memory_space<vmem>>, vector<1x16xf32>,
    %get3A_829 = arith.constant 1 : i32
    %get3A_830 = arith.index_cast %get3A_829 : i32 to index
    %get3A_831 = arith.constant 48 : index
    %get3A_832 = tpu.vector_load %arg10[%get3A_830, %get3A_831] {strides = array<i32>} : memref<2x128xf32, #tpu.memory_space<vmem>>, vector<1x16xf32>,
    %get3A_833 = vector.shape_cast %get3A_832 : vector<1x16xf32> to vector<16xf32>
    %get3A_834 = arith.constant 127 : i32
    %get3A_835 = arith.index_cast %get3A_834 : i32 to index
    %get3A_836 = arith.constant 48 : index
    %get3A_837 = tpu.vector_load %arg9[%get3A_835, %get3A_836] {strides = array<i32>} : memref<128x128xf32, #tpu.memory_space<vmem>>, vector<1x16xf32>,
    %get3A_838 = vector.shape_cast %get3A_837 : vector<1x16xf32> to vector<16xf32>
    %add3A_839 = arith.addf %get3A_833, %get3A_838 : vector<16xf32>
    %swap3A_840 = arith.constant 127 : i32
    %swap3A_841 = arith.index_cast %swap3A_840 : i32 to index
    %swap3A_842 = arith.constant 48 : index
    %swap3A_843 = tpu.vector_load %arg12[%swap3A_841, %swap3A_842] {strides = array<i32>} : memref<128x128xf32, #tpu.memory_space<vmem>>, vector<1x16xf32>,
    %swap3A_844 = vector.shape_cast %swap3A_843 : vector<1x16xf32> to vector<16xf32>
    %swap3A_845 = vector.shape_cast %add3A_839 : vector<16xf32> to vector<1x16xf32>
    tpu.vector_store %arg12[%swap3A_841, %swap3A_842], %swap3A_845 {strides = array<i32>} : memref<128x128xf32, #tpu.memory_space<vmem>>, vector<1x16xf32>,
    %get3A_846 = arith.constant 0 : i32
    %get3A_847 = arith.index_cast %get3A_846 : i32 to index
    %get3A_848 = arith.constant 64 : index
    %get3A_849 = tpu.vector_load %arg10[%get3A_847, %get3A_848] {strides = array<i32>} : memref<2x128xf32, #tpu.memory_space<vmem>>, vector<1x16xf32>,
    %get3A_850 = vector.shape_cast %get3A_849 : vector<1x16xf32> to vector<16xf32>
    %get3A_851 = arith.constant 122 : i32
    %get3A_852 = arith.index_cast %get3A_851 : i32 to index
    %get3A_853 = arith.constant 64 : index
    %get3A_854 = tpu.vector_load %arg9[%get3A_852, %get3A_853] {strides = array<i32>} : memref<128x128xf32, #tpu.memory_space<vmem>>, vector<1x16xf32>,
    %get3A_855 = vector.shape_cast %get3A_854 : vector<1x16xf32> to vector<16xf32>
    %add3A_856 = arith.addf %get3A_850, %get3A_855 : vector<16xf32>
    %swap3A_857 = arith.constant 122 : i32
    %swap3A_858 = arith.index_cast %swap3A_857 : i32 to index
    %swap3A_859 = arith.constant 64 : index
    %swap3A_860 = tpu.vector_load %arg12[%swap3A_858, %swap3A_859] {strides = array<i32>} : memref<128x128xf32, #tpu.memory_space<vmem>>, vector<1x16xf32>,
    %swap3A_861 = vector.shape_cast %swap3A_860 : vector<1x16xf32> to vector<16xf32>
    %swap3A_862 = vector.shape_cast %add3A_856 : vector<16xf32> to vector<1x16xf32>
    tpu.vector_store %arg12[%swap3A_858, %swap3A_859], %swap3A_862 {strides = array<i32>} : memref<128x128xf32, #tpu.memory_space<vmem>>, vector<1x16xf32>,
    %get3A_863 = arith.constant 1 : i32
    %get3A_864 = arith.index_cast %get3A_863 : i32 to index
    %get3A_865 = arith.constant 64 : index
    %get3A_866 = tpu.vector_load %arg10[%get3A_864, %get3A_865] {strides = array<i32>} : memref<2x128xf32, #tpu.memory_space<vmem>>, vector<1x16xf32>,
    %get3A_867 = vector.shape_cast %get3A_866 : vector<1x16xf32> to vector<16xf32>
    %get3A_868 = arith.constant 124 : i32
    %get3A_869 = arith.index_cast %get3A_868 : i32 to index
    %get3A_870 = arith.constant 64 : index
    %get3A_871 = tpu.vector_load %arg9[%get3A_869, %get3A_870] {strides = array<i32>} : memref<128x128xf32, #tpu.memory_space<vmem>>, vector<1x16xf32>,
    %get3A_872 = vector.shape_cast %get3A_871 : vector<1x16xf32> to vector<16xf32>
    %add3A_873 = arith.addf %get3A_867, %get3A_872 : vector<16xf32>
    %swap3A_874 = arith.constant 124 : i32
    %swap3A_875 = arith.index_cast %swap3A_874 : i32 to index
    %swap3A_876 = arith.constant 64 : index
    %swap3A_877 = tpu.vector_load %arg12[%swap3A_875, %swap3A_876] {strides = array<i32>} : memref<128x128xf32, #tpu.memory_space<vmem>>, vector<1x16xf32>,
    %swap3A_878 = vector.shape_cast %swap3A_877 : vector<1x16xf32> to vector<16xf32>
    %swap3A_879 = vector.shape_cast %add3A_873 : vector<16xf32> to vector<1x16xf32>
    tpu.vector_store %arg12[%swap3A_875, %swap3A_876], %swap3A_879 {strides = array<i32>} : memref<128x128xf32, #tpu.memory_space<vmem>>, vector<1x16xf32>,
    %get3A_880 = arith.constant 0 : i32
    %get3A_881 = arith.index_cast %get3A_880 : i32 to index
    %get3A_882 = arith.constant 64 : index
    %get3A_883 = tpu.vector_load %arg10[%get3A_881, %get3A_882] {strides = array<i32>} : memref<2x128xf32, #tpu.memory_space<vmem>>, vector<1x16xf32>,
    %get3A_884 = vector.shape_cast %get3A_883 : vector<1x16xf32> to vector<16xf32>
    %get3A_885 = arith.constant 125 : i32
    %get3A_886 = arith.index_cast %get3A_885 : i32 to index
    %get3A_887 = arith.constant 64 : index
    %get3A_888 = tpu.vector_load %arg9[%get3A_886, %get3A_887] {strides = array<i32>} : memref<128x128xf32, #tpu.memory_space<vmem>>, vector<1x16xf32>,
    %get3A_889 = vector.shape_cast %get3A_888 : vector<1x16xf32> to vector<16xf32>
    %add3A_890 = arith.addf %get3A_884, %get3A_889 : vector<16xf32>
    %swap3A_891 = arith.constant 125 : i32
    %swap3A_892 = arith.index_cast %swap3A_891 : i32 to index
    %swap3A_893 = arith.constant 64 : index
    %swap3A_894 = tpu.vector_load %arg12[%swap3A_892, %swap3A_893] {strides = array<i32>} : memref<128x128xf32, #tpu.memory_space<vmem>>, vector<1x16xf32>,
    %swap3A_895 = vector.shape_cast %swap3A_894 : vector<1x16xf32> to vector<16xf32>
    %swap3A_896 = vector.shape_cast %add3A_890 : vector<16xf32> to vector<1x16xf32>
    tpu.vector_store %arg12[%swap3A_892, %swap3A_893], %swap3A_896 {strides = array<i32>} : memref<128x128xf32, #tpu.memory_space<vmem>>, vector<1x16xf32>,
    %get3A_897 = arith.constant 1 : i32
    %get3A_898 = arith.index_cast %get3A_897 : i32 to index
    %get3A_899 = arith.constant 64 : index
    %get3A_900 = tpu.vector_load %arg10[%get3A_898, %get3A_899] {strides = array<i32>} : memref<2x128xf32, #tpu.memory_space<vmem>>, vector<1x16xf32>,
    %get3A_901 = vector.shape_cast %get3A_900 : vector<1x16xf32> to vector<16xf32>
    %get3A_902 = arith.constant 127 : i32
    %get3A_903 = arith.index_cast %get3A_902 : i32 to index
    %get3A_904 = arith.constant 64 : index
    %get3A_905 = tpu.vector_load %arg9[%get3A_903, %get3A_904] {strides = array<i32>} : memref<128x128xf32, #tpu.memory_space<vmem>>, vector<1x16xf32>,
    %get3A_906 = vector.shape_cast %get3A_905 : vector<1x16xf32> to vector<16xf32>
    %add3A_907 = arith.addf %get3A_901, %get3A_906 : vector<16xf32>
    %swap3A_908 = arith.constant 127 : i32
    %swap3A_909 = arith.index_cast %swap3A_908 : i32 to index
    %swap3A_910 = arith.constant 64 : index
    %swap3A_911 = tpu.vector_load %arg12[%swap3A_909, %swap3A_910] {strides = array<i32>} : memref<128x128xf32, #tpu.memory_space<vmem>>, vector<1x16xf32>,
    %swap3A_912 = vector.shape_cast %swap3A_911 : vector<1x16xf32> to vector<16xf32>
    %swap3A_913 = vector.shape_cast %add3A_907 : vector<16xf32> to vector<1x16xf32>
    tpu.vector_store %arg12[%swap3A_909, %swap3A_910], %swap3A_913 {strides = array<i32>} : memref<128x128xf32, #tpu.memory_space<vmem>>, vector<1x16xf32>,
    %get3A_914 = arith.constant 0 : i32
    %get3A_915 = arith.index_cast %get3A_914 : i32 to index
    %get3A_916 = arith.constant 80 : index
    %get3A_917 = tpu.vector_load %arg10[%get3A_915, %get3A_916] {strides = array<i32>} : memref<2x128xf32, #tpu.memory_space<vmem>>, vector<1x16xf32>,
    %get3A_918 = vector.shape_cast %get3A_917 : vector<1x16xf32> to vector<16xf32>
    %get3A_919 = arith.constant 122 : i32
    %get3A_920 = arith.index_cast %get3A_919 : i32 to index
    %get3A_921 = arith.constant 80 : index
    %get3A_922 = tpu.vector_load %arg9[%get3A_920, %get3A_921] {strides = array<i32>} : memref<128x128xf32, #tpu.memory_space<vmem>>, vector<1x16xf32>,
    %get3A_923 = vector.shape_cast %get3A_922 : vector<1x16xf32> to vector<16xf32>
    %add3A_924 = arith.addf %get3A_918, %get3A_923 : vector<16xf32>
    %swap3A_925 = arith.constant 122 : i32
    %swap3A_926 = arith.index_cast %swap3A_925 : i32 to index
    %swap3A_927 = arith.constant 80 : index
    %swap3A_928 = tpu.vector_load %arg12[%swap3A_926, %swap3A_927] {strides = array<i32>} : memref<128x128xf32, #tpu.memory_space<vmem>>, vector<1x16xf32>,
    %swap3A_929 = vector.shape_cast %swap3A_928 : vector<1x16xf32> to vector<16xf32>
    %swap3A_930 = vector.shape_cast %add3A_924 : vector<16xf32> to vector<1x16xf32>
    tpu.vector_store %arg12[%swap3A_926, %swap3A_927], %swap3A_930 {strides = array<i32>} : memref<128x128xf32, #tpu.memory_space<vmem>>, vector<1x16xf32>,
    %get3A_931 = arith.constant 1 : i32
    %get3A_932 = arith.index_cast %get3A_931 : i32 to index
    %get3A_933 = arith.constant 80 : index
    %get3A_934 = tpu.vector_load %arg10[%get3A_932, %get3A_933] {strides = array<i32>} : memref<2x128xf32, #tpu.memory_space<vmem>>, vector<1x16xf32>,
    %get3A_935 = vector.shape_cast %get3A_934 : vector<1x16xf32> to vector<16xf32>
    %get3A_936 = arith.constant 124 : i32
    %get3A_937 = arith.index_cast %get3A_936 : i32 to index
    %get3A_938 = arith.constant 80 : index
    %get3A_939 = tpu.vector_load %arg9[%get3A_937, %get3A_938] {strides = array<i32>} : memref<128x128xf32, #tpu.memory_space<vmem>>, vector<1x16xf32>,
    %get3A_940 = vector.shape_cast %get3A_939 : vector<1x16xf32> to vector<16xf32>
    %add3A_941 = arith.addf %get3A_935, %get3A_940 : vector<16xf32>
    %swap3A_942 = arith.constant 124 : i32
    %swap3A_943 = arith.index_cast %swap3A_942 : i32 to index
    %swap3A_944 = arith.constant 80 : index
    %swap3A_945 = tpu.vector_load %arg12[%swap3A_943, %swap3A_944] {strides = array<i32>} : memref<128x128xf32, #tpu.memory_space<vmem>>, vector<1x16xf32>,
    %swap3A_946 = vector.shape_cast %swap3A_945 : vector<1x16xf32> to vector<16xf32>
    %swap3A_947 = vector.shape_cast %add3A_941 : vector<16xf32> to vector<1x16xf32>
    tpu.vector_store %arg12[%swap3A_943, %swap3A_944], %swap3A_947 {strides = array<i32>} : memref<128x128xf32, #tpu.memory_space<vmem>>, vector<1x16xf32>,
    %get3A_948 = arith.constant 0 : i32
    %get3A_949 = arith.index_cast %get3A_948 : i32 to index
    %get3A_950 = arith.constant 80 : index
    %get3A_951 = tpu.vector_load %arg10[%get3A_949, %get3A_950] {strides = array<i32>} : memref<2x128xf32, #tpu.memory_space<vmem>>, vector<1x16xf32>,
    %get3A_952 = vector.shape_cast %get3A_951 : vector<1x16xf32> to vector<16xf32>
    %get3A_953 = arith.constant 125 : i32
    %get3A_954 = arith.index_cast %get3A_953 : i32 to index
    %get3A_955 = arith.constant 80 : index
    %get3A_956 = tpu.vector_load %arg9[%get3A_954, %get3A_955] {strides = array<i32>} : memref<128x128xf32, #tpu.memory_space<vmem>>, vector<1x16xf32>,
    %get3A_957 = vector.shape_cast %get3A_956 : vector<1x16xf32> to vector<16xf32>
    %add3A_958 = arith.addf %get3A_952, %get3A_957 : vector<16xf32>
    %swap3A_959 = arith.constant 125 : i32
    %swap3A_960 = arith.index_cast %swap3A_959 : i32 to index
    %swap3A_961 = arith.constant 80 : index
    %swap3A_962 = tpu.vector_load %arg12[%swap3A_960, %swap3A_961] {strides = array<i32>} : memref<128x128xf32, #tpu.memory_space<vmem>>, vector<1x16xf32>,
    %swap3A_963 = vector.shape_cast %swap3A_962 : vector<1x16xf32> to vector<16xf32>
    %swap3A_964 = vector.shape_cast %add3A_958 : vector<16xf32> to vector<1x16xf32>
    tpu.vector_store %arg12[%swap3A_960, %swap3A_961], %swap3A_964 {strides = array<i32>} : memref<128x128xf32, #tpu.memory_space<vmem>>, vector<1x16xf32>,
    %get3A_965 = arith.constant 1 : i32
    %get3A_966 = arith.index_cast %get3A_965 : i32 to index
    %get3A_967 = arith.constant 80 : index
    %get3A_968 = tpu.vector_load %arg10[%get3A_966, %get3A_967] {strides = array<i32>} : memref<2x128xf32, #tpu.memory_space<vmem>>, vector<1x16xf32>,
    %get3A_969 = vector.shape_cast %get3A_968 : vector<1x16xf32> to vector<16xf32>
    %get3A_970 = arith.constant 127 : i32
    %get3A_971 = arith.index_cast %get3A_970 : i32 to index
    %get3A_972 = arith.constant 80 : index
    %get3A_973 = tpu.vector_load %arg9[%get3A_971, %get3A_972] {strides = array<i32>} : memref<128x128xf32, #tpu.memory_space<vmem>>, vector<1x16xf32>,
    %get3A_974 = vector.shape_cast %get3A_973 : vector<1x16xf32> to vector<16xf32>
    %add3A_975 = arith.addf %get3A_969, %get3A_974 : vector<16xf32>
    %swap3A_976 = arith.constant 127 : i32
    %swap3A_977 = arith.index_cast %swap3A_976 : i32 to index
    %swap3A_978 = arith.constant 80 : index
    %swap3A_979 = tpu.vector_load %arg12[%swap3A_977, %swap3A_978] {strides = array<i32>} : memref<128x128xf32, #tpu.memory_space<vmem>>, vector<1x16xf32>,
    %swap3A_980 = vector.shape_cast %swap3A_979 : vector<1x16xf32> to vector<16xf32>
    %swap3A_981 = vector.shape_cast %add3A_975 : vector<16xf32> to vector<1x16xf32>
    tpu.vector_store %arg12[%swap3A_977, %swap3A_978], %swap3A_981 {strides = array<i32>} : memref<128x128xf32, #tpu.memory_space<vmem>>, vector<1x16xf32>,
    %get3A_982 = arith.constant 0 : i32
    %get3A_983 = arith.index_cast %get3A_982 : i32 to index
    %get3A_984 = arith.constant 96 : index
    %get3A_985 = tpu.vector_load %arg10[%get3A_983, %get3A_984] {strides = array<i32>} : memref<2x128xf32, #tpu.memory_space<vmem>>, vector<1x16xf32>,
    %get3A_986 = vector.shape_cast %get3A_985 : vector<1x16xf32> to vector<16xf32>
    %get3A_987 = arith.constant 122 : i32
    %get3A_988 = arith.index_cast %get3A_987 : i32 to index
    %get3A_989 = arith.constant 96 : index
    %get3A_990 = tpu.vector_load %arg9[%get3A_988, %get3A_989] {strides = array<i32>} : memref<128x128xf32, #tpu.memory_space<vmem>>, vector<1x16xf32>,
    %get3A_991 = vector.shape_cast %get3A_990 : vector<1x16xf32> to vector<16xf32>
    %add3A_992 = arith.addf %get3A_986, %get3A_991 : vector<16xf32>
    %swap3A_993 = arith.constant 122 : i32
    %swap3A_994 = arith.index_cast %swap3A_993 : i32 to index
    %swap3A_995 = arith.constant 96 : index
    %swap3A_996 = tpu.vector_load %arg12[%swap3A_994, %swap3A_995] {strides = array<i32>} : memref<128x128xf32, #tpu.memory_space<vmem>>, vector<1x16xf32>,
    %swap3A_997 = vector.shape_cast %swap3A_996 : vector<1x16xf32> to vector<16xf32>
    %swap3A_998 = vector.shape_cast %add3A_992 : vector<16xf32> to vector<1x16xf32>
    tpu.vector_store %arg12[%swap3A_994, %swap3A_995], %swap3A_998 {strides = array<i32>} : memref<128x128xf32, #tpu.memory_space<vmem>>, vector<1x16xf32>,
    %get3A_999 = arith.constant 1 : i32
    %get3A_1000 = arith.index_cast %get3A_999 : i32 to index
    %get3A_1001 = arith.constant 96 : index
    %get3A_1002 = tpu.vector_load %arg10[%get3A_1000, %get3A_1001] {strides = array<i32>} : memref<2x128xf32, #tpu.memory_space<vmem>>, vector<1x16xf32>,
    %get3A_1003 = vector.shape_cast %get3A_1002 : vector<1x16xf32> to vector<16xf32>
    %get3A_1004 = arith.constant 124 : i32
    %get3A_1005 = arith.index_cast %get3A_1004 : i32 to index
    %get3A_1006 = arith.constant 96 : index
    %get3A_1007 = tpu.vector_load %arg9[%get3A_1005, %get3A_1006] {strides = array<i32>} : memref<128x128xf32, #tpu.memory_space<vmem>>, vector<1x16xf32>,
    %get3A_1008 = vector.shape_cast %get3A_1007 : vector<1x16xf32> to vector<16xf32>
    %add3A_1009 = arith.addf %get3A_1003, %get3A_1008 : vector<16xf32>
    %swap3A_1010 = arith.constant 124 : i32
    %swap3A_1011 = arith.index_cast %swap3A_1010 : i32 to index
    %swap3A_1012 = arith.constant 96 : index
    %swap3A_1013 = tpu.vector_load %arg12[%swap3A_1011, %swap3A_1012] {strides = array<i32>} : memref<128x128xf32, #tpu.memory_space<vmem>>, vector<1x16xf32>,
    %swap3A_1014 = vector.shape_cast %swap3A_1013 : vector<1x16xf32> to vector<16xf32>
    %swap3A_1015 = vector.shape_cast %add3A_1009 : vector<16xf32> to vector<1x16xf32>
    tpu.vector_store %arg12[%swap3A_1011, %swap3A_1012], %swap3A_1015 {strides = array<i32>} : memref<128x128xf32, #tpu.memory_space<vmem>>, vector<1x16xf32>,
    %get3A_1016 = arith.constant 0 : i32
    %get3A_1017 = arith.index_cast %get3A_1016 : i32 to index
    %get3A_1018 = arith.constant 96 : index
    %get3A_1019 = tpu.vector_load %arg10[%get3A_1017, %get3A_1018] {strides = array<i32>} : memref<2x128xf32, #tpu.memory_space<vmem>>, vector<1x16xf32>,
    %get3A_1020 = vector.shape_cast %get3A_1019 : vector<1x16xf32> to vector<16xf32>
    %get3A_1021 = arith.constant 125 : i32
    %get3A_1022 = arith.index_cast %get3A_1021 : i32 to index
    %get3A_1023 = arith.constant 96 : index
    %get3A_1024 = tpu.vector_load %arg9[%get3A_1022, %get3A_1023] {strides = array<i32>} : memref<128x128xf32, #tpu.memory_space<vmem>>, vector<1x16xf32>,
    %get3A_1025 = vector.shape_cast %get3A_1024 : vector<1x16xf32> to vector<16xf32>
    %add3A_1026 = arith.addf %get3A_1020, %get3A_1025 : vector<16xf32>
    %swap3A_1027 = arith.constant 125 : i32
    %swap3A_1028 = arith.index_cast %swap3A_1027 : i32 to index
    %swap3A_1029 = arith.constant 96 : index
    %swap3A_1030 = tpu.vector_load %arg12[%swap3A_1028, %swap3A_1029] {strides = array<i32>} : memref<128x128xf32, #tpu.memory_space<vmem>>, vector<1x16xf32>,
    %swap3A_1031 = vector.shape_cast %swap3A_1030 : vector<1x16xf32> to vector<16xf32>
    %swap3A_1032 = vector.shape_cast %add3A_1026 : vector<16xf32> to vector<1x16xf32>
    tpu.vector_store %arg12[%swap3A_1028, %swap3A_1029], %swap3A_1032 {strides = array<i32>} : memref<128x128xf32, #tpu.memory_space<vmem>>, vector<1x16xf32>,
    %get3A_1033 = arith.constant 1 : i32
    %get3A_1034 = arith.index_cast %get3A_1033 : i32 to index
    %get3A_1035 = arith.constant 96 : index
    %get3A_1036 = tpu.vector_load %arg10[%get3A_1034, %get3A_1035] {strides = array<i32>} : memref<2x128xf32, #tpu.memory_space<vmem>>, vector<1x16xf32>,
    %get3A_1037 = vector.shape_cast %get3A_1036 : vector<1x16xf32> to vector<16xf32>
    %get3A_1038 = arith.constant 127 : i32
    %get3A_1039 = arith.index_cast %get3A_1038 : i32 to index
    %get3A_1040 = arith.constant 96 : index
    %get3A_1041 = tpu.vector_load %arg9[%get3A_1039, %get3A_1040] {strides = array<i32>} : memref<128x128xf32, #tpu.memory_space<vmem>>, vector<1x16xf32>,
    %get3A_1042 = vector.shape_cast %get3A_1041 : vector<1x16xf32> to vector<16xf32>
    %add3A_1043 = arith.addf %get3A_1037, %get3A_1042 : vector<16xf32>
    %swap3A_1044 = arith.constant 127 : i32
    %swap3A_1045 = arith.index_cast %swap3A_1044 : i32 to index
    %swap3A_1046 = arith.constant 96 : index
    %swap3A_1047 = tpu.vector_load %arg12[%swap3A_1045, %swap3A_1046] {strides = array<i32>} : memref<128x128xf32, #tpu.memory_space<vmem>>, vector<1x16xf32>,
    %swap3A_1048 = vector.shape_cast %swap3A_1047 : vector<1x16xf32> to vector<16xf32>
    %swap3A_1049 = vector.shape_cast %add3A_1043 : vector<16xf32> to vector<1x16xf32>
    tpu.vector_store %arg12[%swap3A_1045, %swap3A_1046], %swap3A_1049 {strides = array<i32>} : memref<128x128xf32, #tpu.memory_space<vmem>>, vector<1x16xf32>,
    %get3A_1050 = arith.constant 0 : i32
    %get3A_1051 = arith.index_cast %get3A_1050 : i32 to index
    %get3A_1052 = arith.constant 112 : index
    %get3A_1053 = tpu.vector_load %arg10[%get3A_1051, %get3A_1052] {strides = array<i32>} : memref<2x128xf32, #tpu.memory_space<vmem>>, vector<1x16xf32>,
    %get3A_1054 = vector.shape_cast %get3A_1053 : vector<1x16xf32> to vector<16xf32>
    %get3A_1055 = arith.constant 122 : i32
    %get3A_1056 = arith.index_cast %get3A_1055 : i32 to index
    %get3A_1057 = arith.constant 112 : index
    %get3A_1058 = tpu.vector_load %arg9[%get3A_1056, %get3A_1057] {strides = array<i32>} : memref<128x128xf32, #tpu.memory_space<vmem>>, vector<1x16xf32>,
    %get3A_1059 = vector.shape_cast %get3A_1058 : vector<1x16xf32> to vector<16xf32>
    %add3A_1060 = arith.addf %get3A_1054, %get3A_1059 : vector<16xf32>
    %swap3A_1061 = arith.constant 122 : i32
    %swap3A_1062 = arith.index_cast %swap3A_1061 : i32 to index
    %swap3A_1063 = arith.constant 112 : index
    %swap3A_1064 = tpu.vector_load %arg12[%swap3A_1062, %swap3A_1063] {strides = array<i32>} : memref<128x128xf32, #tpu.memory_space<vmem>>, vector<1x16xf32>,
    %swap3A_1065 = vector.shape_cast %swap3A_1064 : vector<1x16xf32> to vector<16xf32>
    %swap3A_1066 = vector.shape_cast %add3A_1060 : vector<16xf32> to vector<1x16xf32>
    tpu.vector_store %arg12[%swap3A_1062, %swap3A_1063], %swap3A_1066 {strides = array<i32>} : memref<128x128xf32, #tpu.memory_space<vmem>>, vector<1x16xf32>,
    %get3A_1067 = arith.constant 1 : i32
    %get3A_1068 = arith.index_cast %get3A_1067 : i32 to index
    %get3A_1069 = arith.constant 112 : index
    %get3A_1070 = tpu.vector_load %arg10[%get3A_1068, %get3A_1069] {strides = array<i32>} : memref<2x128xf32, #tpu.memory_space<vmem>>, vector<1x16xf32>,
    %get3A_1071 = vector.shape_cast %get3A_1070 : vector<1x16xf32> to vector<16xf32>
    %get3A_1072 = arith.constant 124 : i32
    %get3A_1073 = arith.index_cast %get3A_1072 : i32 to index
    %get3A_1074 = arith.constant 112 : index
    %get3A_1075 = tpu.vector_load %arg9[%get3A_1073, %get3A_1074] {strides = array<i32>} : memref<128x128xf32, #tpu.memory_space<vmem>>, vector<1x16xf32>,
    %get3A_1076 = vector.shape_cast %get3A_1075 : vector<1x16xf32> to vector<16xf32>
    %add3A_1077 = arith.addf %get3A_1071, %get3A_1076 : vector<16xf32>
    %swap3A_1078 = arith.constant 124 : i32
    %swap3A_1079 = arith.index_cast %swap3A_1078 : i32 to index
    %swap3A_1080 = arith.constant 112 : index
    %swap3A_1081 = tpu.vector_load %arg12[%swap3A_1079, %swap3A_1080] {strides = array<i32>} : memref<128x128xf32, #tpu.memory_space<vmem>>, vector<1x16xf32>,
    %swap3A_1082 = vector.shape_cast %swap3A_1081 : vector<1x16xf32> to vector<16xf32>
    %swap3A_1083 = vector.shape_cast %add3A_1077 : vector<16xf32> to vector<1x16xf32>
    tpu.vector_store %arg12[%swap3A_1079, %swap3A_1080], %swap3A_1083 {strides = array<i32>} : memref<128x128xf32, #tpu.memory_space<vmem>>, vector<1x16xf32>,
    %get3A_1084 = arith.constant 0 : i32
    %get3A_1085 = arith.index_cast %get3A_1084 : i32 to index
    %get3A_1086 = arith.constant 112 : index
    %get3A_1087 = tpu.vector_load %arg10[%get3A_1085, %get3A_1086] {strides = array<i32>} : memref<2x128xf32, #tpu.memory_space<vmem>>, vector<1x16xf32>,
    %get3A_1088 = vector.shape_cast %get3A_1087 : vector<1x16xf32> to vector<16xf32>
    %get3A_1089 = arith.constant 125 : i32
    %get3A_1090 = arith.index_cast %get3A_1089 : i32 to index
    %get3A_1091 = arith.constant 112 : index
    %get3A_1092 = tpu.vector_load %arg9[%get3A_1090, %get3A_1091] {strides = array<i32>} : memref<128x128xf32, #tpu.memory_space<vmem>>, vector<1x16xf32>,
    %get3A_1093 = vector.shape_cast %get3A_1092 : vector<1x16xf32> to vector<16xf32>
    %add3A_1094 = arith.addf %get3A_1088, %get3A_1093 : vector<16xf32>
    %swap3A_1095 = arith.constant 125 : i32
    %swap3A_1096 = arith.index_cast %swap3A_1095 : i32 to index
    %swap3A_1097 = arith.constant 112 : index
    %swap3A_1098 = tpu.vector_load %arg12[%swap3A_1096, %swap3A_1097] {strides = array<i32>} : memref<128x128xf32, #tpu.memory_space<vmem>>, vector<1x16xf32>,
    %swap3A_1099 = vector.shape_cast %swap3A_1098 : vector<1x16xf32> to vector<16xf32>
    %swap3A_1100 = vector.shape_cast %add3A_1094 : vector<16xf32> to vector<1x16xf32>
    tpu.vector_store %arg12[%swap3A_1096, %swap3A_1097], %swap3A_1100 {strides = array<i32>} : memref<128x128xf32, #tpu.memory_space<vmem>>, vector<1x16xf32>,
    %get3A_1101 = arith.constant 1 : i32
    %get3A_1102 = arith.index_cast %get3A_1101 : i32 to index
    %get3A_1103 = arith.constant 112 : index
    %get3A_1104 = tpu.vector_load %arg10[%get3A_1102, %get3A_1103] {strides = array<i32>} : memref<2x128xf32, #tpu.memory_space<vmem>>, vector<1x16xf32>,
    %get3A_1105 = vector.shape_cast %get3A_1104 : vector<1x16xf32> to vector<16xf32>
    %get3A_1106 = arith.constant 127 : i32
    %get3A_1107 = arith.index_cast %get3A_1106 : i32 to index
    %get3A_1108 = arith.constant 112 : index
    %get3A_1109 = tpu.vector_load %arg9[%get3A_1107, %get3A_1108] {strides = array<i32>} : memref<128x128xf32, #tpu.memory_space<vmem>>, vector<1x16xf32>,
    %get3A_1110 = vector.shape_cast %get3A_1109 : vector<1x16xf32> to vector<16xf32>
    %add3A_1111 = arith.addf %get3A_1105, %get3A_1110 : vector<16xf32>
    %swap3A_1112 = arith.constant 127 : i32
    %swap3A_1113 = arith.index_cast %swap3A_1112 : i32 to index
    %swap3A_1114 = arith.constant 112 : index
    %swap3A_1115 = tpu.vector_load %arg12[%swap3A_1113, %swap3A_1114] {strides = array<i32>} : memref<128x128xf32, #tpu.memory_space<vmem>>, vector<1x16xf32>,
    %swap3A_1116 = vector.shape_cast %swap3A_1115 : vector<1x16xf32> to vector<16xf32>
    %swap3A_1117 = vector.shape_cast %add3A_1111 : vector<16xf32> to vector<1x16xf32>
    tpu.vector_store %arg12[%swap3A_1113, %swap3A_1114], %swap3A_1117 {strides = array<i32>} : memref<128x128xf32, #tpu.memory_space<vmem>>, vector<1x16xf32>,
    %get3A_1118 = arith.constant 0 : i32
    %get3A_1119 = arith.index_cast %get3A_1118 : i32 to index
    %get3A_1120 = arith.constant 0 : index
    %get3A_1121 = tpu.vector_load %arg10[%get3A_1119, %get3A_1120] {strides = array<i32>} : memref<2x128xf32, #tpu.memory_space<vmem>>, vector<1x16xf32>,
    %get3A_1122 = vector.shape_cast %get3A_1121 : vector<1x16xf32> to vector<16xf32>
    %get3A_1123 = arith.constant 122 : i32
    %get3A_1124 = arith.index_cast %get3A_1123 : i32 to index
    %get3A_1125 = arith.constant 0 : index
    %get3A_1126 = tpu.vector_load %arg9[%get3A_1124, %get3A_1125] {strides = array<i32>} : memref<128x128xf32, #tpu.memory_space<vmem>>, vector<1x16xf32>,
    %get3A_1127 = vector.shape_cast %get3A_1126 : vector<1x16xf32> to vector<16xf32>
    %add3A_1128 = arith.addf %get3A_1122, %get3A_1127 : vector<16xf32>
    %swap3A_1129 = arith.constant 122 : i32
    %swap3A_1130 = arith.index_cast %swap3A_1129 : i32 to index
    %swap3A_1131 = arith.constant 0 : index
    %swap3A_1132 = tpu.vector_load %arg13[%swap3A_1130, %swap3A_1131] {strides = array<i32>} : memref<128x128xf32, #tpu.memory_space<vmem>>, vector<1x16xf32>,
    %swap3A_1133 = vector.shape_cast %swap3A_1132 : vector<1x16xf32> to vector<16xf32>
    %swap3A_1134 = vector.shape_cast %add3A_1128 : vector<16xf32> to vector<1x16xf32>
    tpu.vector_store %arg13[%swap3A_1130, %swap3A_1131], %swap3A_1134 {strides = array<i32>} : memref<128x128xf32, #tpu.memory_space<vmem>>, vector<1x16xf32>,
    %get3A_1135 = arith.constant 1 : i32
    %get3A_1136 = arith.index_cast %get3A_1135 : i32 to index
    %get3A_1137 = arith.constant 0 : index
    %get3A_1138 = tpu.vector_load %arg10[%get3A_1136, %get3A_1137] {strides = array<i32>} : memref<2x128xf32, #tpu.memory_space<vmem>>, vector<1x16xf32>,
    %get3A_1139 = vector.shape_cast %get3A_1138 : vector<1x16xf32> to vector<16xf32>
    %get3A_1140 = arith.constant 124 : i32
    %get3A_1141 = arith.index_cast %get3A_1140 : i32 to index
    %get3A_1142 = arith.constant 0 : index
    %get3A_1143 = tpu.vector_load %arg9[%get3A_1141, %get3A_1142] {strides = array<i32>} : memref<128x128xf32, #tpu.memory_space<vmem>>, vector<1x16xf32>,
    %get3A_1144 = vector.shape_cast %get3A_1143 : vector<1x16xf32> to vector<16xf32>
    %add3A_1145 = arith.addf %get3A_1139, %get3A_1144 : vector<16xf32>
    %swap3A_1146 = arith.constant 124 : i32
    %swap3A_1147 = arith.index_cast %swap3A_1146 : i32 to index
    %swap3A_1148 = arith.constant 0 : index
    %swap3A_1149 = tpu.vector_load %arg13[%swap3A_1147, %swap3A_1148] {strides = array<i32>} : memref<128x128xf32, #tpu.memory_space<vmem>>, vector<1x16xf32>,
    %swap3A_1150 = vector.shape_cast %swap3A_1149 : vector<1x16xf32> to vector<16xf32>
    %swap3A_1151 = vector.shape_cast %add3A_1145 : vector<16xf32> to vector<1x16xf32>
    tpu.vector_store %arg13[%swap3A_1147, %swap3A_1148], %swap3A_1151 {strides = array<i32>} : memref<128x128xf32, #tpu.memory_space<vmem>>, vector<1x16xf32>,
    %get3A_1152 = arith.constant 0 : i32
    %get3A_1153 = arith.index_cast %get3A_1152 : i32 to index
    %get3A_1154 = arith.constant 0 : index
    %get3A_1155 = tpu.vector_load %arg10[%get3A_1153, %get3A_1154] {strides = array<i32>} : memref<2x128xf32, #tpu.memory_space<vmem>>, vector<1x16xf32>,
    %get3A_1156 = vector.shape_cast %get3A_1155 : vector<1x16xf32> to vector<16xf32>
    %get3A_1157 = arith.constant 125 : i32
    %get3A_1158 = arith.index_cast %get3A_1157 : i32 to index
    %get3A_1159 = arith.constant 0 : index
    %get3A_1160 = tpu.vector_load %arg9[%get3A_1158, %get3A_1159] {strides = array<i32>} : memref<128x128xf32, #tpu.memory_space<vmem>>, vector<1x16xf32>,
    %get3A_1161 = vector.shape_cast %get3A_1160 : vector<1x16xf32> to vector<16xf32>
    %add3A_1162 = arith.addf %get3A_1156, %get3A_1161 : vector<16xf32>
    %swap3A_1163 = arith.constant 125 : i32
    %swap3A_1164 = arith.index_cast %swap3A_1163 : i32 to index
    %swap3A_1165 = arith.constant 0 : index
    %swap3A_1166 = tpu.vector_load %arg13[%swap3A_1164, %swap3A_1165] {strides = array<i32>} : memref<128x128xf32, #tpu.memory_space<vmem>>, vector<1x16xf32>,
    %swap3A_1167 = vector.shape_cast %swap3A_1166 : vector<1x16xf32> to vector<16xf32>
    %swap3A_1168 = vector.shape_cast %add3A_1162 : vector<16xf32> to vector<1x16xf32>
    tpu.vector_store %arg13[%swap3A_1164, %swap3A_1165], %swap3A_1168 {strides = array<i32>} : memref<128x128xf32, #tpu.memory_space<vmem>>, vector<1x16xf32>,
    %get3A_1169 = arith.constant 1 : i32
    %get3A_1170 = arith.index_cast %get3A_1169 : i32 to index
    %get3A_1171 = arith.constant 0 : index
    %get3A_1172 = tpu.vector_load %arg10[%get3A_1170, %get3A_1171] {strides = array<i32>} : memref<2x128xf32, #tpu.memory_space<vmem>>, vector<1x16xf32>,
    %get3A_1173 = vector.shape_cast %get3A_1172 : vector<1x16xf32> to vector<16xf32>
    %get3A_1174 = arith.constant 127 : i32
    %get3A_1175 = arith.index_cast %get3A_1174 : i32 to index
    %get3A_1176 = arith.constant 0 : index
    %get3A_1177 = tpu.vector_load %arg9[%get3A_1175, %get3A_1176] {strides = array<i32>} : memref<128x128xf32, #tpu.memory_space<vmem>>, vector<1x16xf32>,
    %get3A_1178 = vector.shape_cast %get3A_1177 : vector<1x16xf32> to vector<16xf32>
    %add3A_1179 = arith.addf %get3A_1173, %get3A_1178 : vector<16xf32>
    %swap3A_1180 = arith.constant 127 : i32
    %swap3A_1181 = arith.index_cast %swap3A_1180 : i32 to index
    %swap3A_1182 = arith.constant 0 : index
    %swap3A_1183 = tpu.vector_load %arg13[%swap3A_1181, %swap3A_1182] {strides = array<i32>} : memref<128x128xf32, #tpu.memory_space<vmem>>, vector<1x16xf32>,
    %swap3A_1184 = vector.shape_cast %swap3A_1183 : vector<1x16xf32> to vector<16xf32>
    %swap3A_1185 = vector.shape_cast %add3A_1179 : vector<16xf32> to vector<1x16xf32>
    tpu.vector_store %arg13[%swap3A_1181, %swap3A_1182], %swap3A_1185 {strides = array<i32>} : memref<128x128xf32, #tpu.memory_space<vmem>>, vector<1x16xf32>,
    %get3A_1186 = arith.constant 0 : i32
    %get3A_1187 = arith.index_cast %get3A_1186 : i32 to index
    %get3A_1188 = arith.constant 16 : index
    %get3A_1189 = tpu.vector_load %arg10[%get3A_1187, %get3A_1188] {strides = array<i32>} : memref<2x128xf32, #tpu.memory_space<vmem>>, vector<1x16xf32>,
    %get3A_1190 = vector.shape_cast %get3A_1189 : vector<1x16xf32> to vector<16xf32>
    %get3A_1191 = arith.constant 122 : i32
    %get3A_1192 = arith.index_cast %get3A_1191 : i32 to index
    %get3A_1193 = arith.constant 16 : index
    %get3A_1194 = tpu.vector_load %arg9[%get3A_1192, %get3A_1193] {strides = array<i32>} : memref<128x128xf32, #tpu.memory_space<vmem>>, vector<1x16xf32>,
    %get3A_1195 = vector.shape_cast %get3A_1194 : vector<1x16xf32> to vector<16xf32>
    %add3A_1196 = arith.addf %get3A_1190, %get3A_1195 : vector<16xf32>
    %swap3A_1197 = arith.constant 122 : i32
    %swap3A_1198 = arith.index_cast %swap3A_1197 : i32 to index
    %swap3A_1199 = arith.constant 16 : index
    %swap3A_1200 = tpu.vector_load %arg13[%swap3A_1198, %swap3A_1199] {strides = array<i32>} : memref<128x128xf32, #tpu.memory_space<vmem>>, vector<1x16xf32>,
    %swap3A_1201 = vector.shape_cast %swap3A_1200 : vector<1x16xf32> to vector<16xf32>
    %swap3A_1202 = vector.shape_cast %add3A_1196 : vector<16xf32> to vector<1x16xf32>
    tpu.vector_store %arg13[%swap3A_1198, %swap3A_1199], %swap3A_1202 {strides = array<i32>} : memref<128x128xf32, #tpu.memory_space<vmem>>, vector<1x16xf32>,
    %get3A_1203 = arith.constant 1 : i32
    %get3A_1204 = arith.index_cast %get3A_1203 : i32 to index
    %get3A_1205 = arith.constant 16 : index
    %get3A_1206 = tpu.vector_load %arg10[%get3A_1204, %get3A_1205] {strides = array<i32>} : memref<2x128xf32, #tpu.memory_space<vmem>>, vector<1x16xf32>,
    %get3A_1207 = vector.shape_cast %get3A_1206 : vector<1x16xf32> to vector<16xf32>
    %get3A_1208 = arith.constant 124 : i32
    %get3A_1209 = arith.index_cast %get3A_1208 : i32 to index
    %get3A_1210 = arith.constant 16 : index
    %get3A_1211 = tpu.vector_load %arg9[%get3A_1209, %get3A_1210] {strides = array<i32>} : memref<128x128xf32, #tpu.memory_space<vmem>>, vector<1x16xf32>,
    %get3A_1212 = vector.shape_cast %get3A_1211 : vector<1x16xf32> to vector<16xf32>
    %add3A_1213 = arith.addf %get3A_1207, %get3A_1212 : vector<16xf32>
    %swap3A_1214 = arith.constant 124 : i32
    %swap3A_1215 = arith.index_cast %swap3A_1214 : i32 to index
    %swap3A_1216 = arith.constant 16 : index
    %swap3A_1217 = tpu.vector_load %arg13[%swap3A_1215, %swap3A_1216] {strides = array<i32>} : memref<128x128xf32, #tpu.memory_space<vmem>>, vector<1x16xf32>,
    %swap3A_1218 = vector.shape_cast %swap3A_1217 : vector<1x16xf32> to vector<16xf32>
    %swap3A_1219 = vector.shape_cast %add3A_1213 : vector<16xf32> to vector<1x16xf32>
    tpu.vector_store %arg13[%swap3A_1215, %swap3A_1216], %swap3A_1219 {strides = array<i32>} : memref<128x128xf32, #tpu.memory_space<vmem>>, vector<1x16xf32>,
    %get3A_1220 = arith.constant 0 : i32
    %get3A_1221 = arith.index_cast %get3A_1220 : i32 to index
    %get3A_1222 = arith.constant 16 : index
    %get3A_1223 = tpu.vector_load %arg10[%get3A_1221, %get3A_1222] {strides = array<i32>} : memref<2x128xf32, #tpu.memory_space<vmem>>, vector<1x16xf32>,
    %get3A_1224 = vector.shape_cast %get3A_1223 : vector<1x16xf32> to vector<16xf32>
    %get3A_1225 = arith.constant 125 : i32
    %get3A_1226 = arith.index_cast %get3A_1225 : i32 to index
    %get3A_1227 = arith.constant 16 : index
    %get3A_1228 = tpu.vector_load %arg9[%get3A_1226, %get3A_1227] {strides = array<i32>} : memref<128x128xf32, #tpu.memory_space<vmem>>, vector<1x16xf32>,
    %get3A_1229 = vector.shape_cast %get3A_1228 : vector<1x16xf32> to vector<16xf32>
    %add3A_1230 = arith.addf %get3A_1224, %get3A_1229 : vector<16xf32>
    %swap3A_1231 = arith.constant 125 : i32
    %swap3A_1232 = arith.index_cast %swap3A_1231 : i32 to index
    %swap3A_1233 = arith.constant 16 : index
    %swap3A_1234 = tpu.vector_load %arg13[%swap3A_1232, %swap3A_1233] {strides = array<i32>} : memref<128x128xf32, #tpu.memory_space<vmem>>, vector<1x16xf32>,
    %swap3A_1235 = vector.shape_cast %swap3A_1234 : vector<1x16xf32> to vector<16xf32>
    %swap3A_1236 = vector.shape_cast %add3A_1230 : vector<16xf32> to vector<1x16xf32>
    tpu.vector_store %arg13[%swap3A_1232, %swap3A_1233], %swap3A_1236 {strides = array<i32>} : memref<128x128xf32, #tpu.memory_space<vmem>>, vector<1x16xf32>,
    %get3A_1237 = arith.constant 1 : i32
    %get3A_1238 = arith.index_cast %get3A_1237 : i32 to index
    %get3A_1239 = arith.constant 16 : index
    %get3A_1240 = tpu.vector_load %arg10[%get3A_1238, %get3A_1239] {strides = array<i32>} : memref<2x128xf32, #tpu.memory_space<vmem>>, vector<1x16xf32>,
    %get3A_1241 = vector.shape_cast %get3A_1240 : vector<1x16xf32> to vector<16xf32>
    %get3A_1242 = arith.constant 127 : i32
    %get3A_1243 = arith.index_cast %get3A_1242 : i32 to index
    %get3A_1244 = arith.constant 16 : index
    %get3A_1245 = tpu.vector_load %arg9[%get3A_1243, %get3A_1244] {strides = array<i32>} : memref<128x128xf32, #tpu.memory_space<vmem>>, vector<1x16xf32>,
    %get3A_1246 = vector.shape_cast %get3A_1245 : vector<1x16xf32> to vector<16xf32>
    %add3A_1247 = arith.addf %get3A_1241, %get3A_1246 : vector<16xf32>
    %swap3A_1248 = arith.constant 127 : i32
    %swap3A_1249 = arith.index_cast %swap3A_1248 : i32 to index
    %swap3A_1250 = arith.constant 16 : index
    %swap3A_1251 = tpu.vector_load %arg13[%swap3A_1249, %swap3A_1250] {strides = array<i32>} : memref<128x128xf32, #tpu.memory_space<vmem>>, vector<1x16xf32>,
    %swap3A_1252 = vector.shape_cast %swap3A_1251 : vector<1x16xf32> to vector<16xf32>
    %swap3A_1253 = vector.shape_cast %add3A_1247 : vector<16xf32> to vector<1x16xf32>
    tpu.vector_store %arg13[%swap3A_1249, %swap3A_1250], %swap3A_1253 {strides = array<i32>} : memref<128x128xf32, #tpu.memory_space<vmem>>, vector<1x16xf32>,
    %get3A_1254 = arith.constant 0 : i32
    %get3A_1255 = arith.index_cast %get3A_1254 : i32 to index
    %get3A_1256 = arith.constant 32 : index
    %get3A_1257 = tpu.vector_load %arg10[%get3A_1255, %get3A_1256] {strides = array<i32>} : memref<2x128xf32, #tpu.memory_space<vmem>>, vector<1x16xf32>,
    %get3A_1258 = vector.shape_cast %get3A_1257 : vector<1x16xf32> to vector<16xf32>
    %get3A_1259 = arith.constant 122 : i32
    %get3A_1260 = arith.index_cast %get3A_1259 : i32 to index
    %get3A_1261 = arith.constant 32 : index
    %get3A_1262 = tpu.vector_load %arg9[%get3A_1260, %get3A_1261] {strides = array<i32>} : memref<128x128xf32, #tpu.memory_space<vmem>>, vector<1x16xf32>,
    %get3A_1263 = vector.shape_cast %get3A_1262 : vector<1x16xf32> to vector<16xf32>
    %add3A_1264 = arith.addf %get3A_1258, %get3A_1263 : vector<16xf32>
    %swap3A_1265 = arith.constant 122 : i32
    %swap3A_1266 = arith.index_cast %swap3A_1265 : i32 to index
    %swap3A_1267 = arith.constant 32 : index
    %swap3A_1268 = tpu.vector_load %arg13[%swap3A_1266, %swap3A_1267] {strides = array<i32>} : memref<128x128xf32, #tpu.memory_space<vmem>>, vector<1x16xf32>,
    %swap3A_1269 = vector.shape_cast %swap3A_1268 : vector<1x16xf32> to vector<16xf32>
    %swap3A_1270 = vector.shape_cast %add3A_1264 : vector<16xf32> to vector<1x16xf32>
    tpu.vector_store %arg13[%swap3A_1266, %swap3A_1267], %swap3A_1270 {strides = array<i32>} : memref<128x128xf32, #tpu.memory_space<vmem>>, vector<1x16xf32>,
    %get3A_1271 = arith.constant 1 : i32
    %get3A_1272 = arith.index_cast %get3A_1271 : i32 to index
    %get3A_1273 = arith.constant 32 : index
    %get3A_1274 = tpu.vector_load %arg10[%get3A_1272, %get3A_1273] {strides = array<i32>} : memref<2x128xf32, #tpu.memory_space<vmem>>, vector<1x16xf32>,
    %get3A_1275 = vector.shape_cast %get3A_1274 : vector<1x16xf32> to vector<16xf32>
    %get3A_1276 = arith.constant 124 : i32
    %get3A_1277 = arith.index_cast %get3A_1276 : i32 to index
    %get3A_1278 = arith.constant 32 : index
    %get3A_1279 = tpu.vector_load %arg9[%get3A_1277, %get3A_1278] {strides = array<i32>} : memref<128x128xf32, #tpu.memory_space<vmem>>, vector<1x16xf32>,
    %get3A_1280 = vector.shape_cast %get3A_1279 : vector<1x16xf32> to vector<16xf32>
    %add3A_1281 = arith.addf %get3A_1275, %get3A_1280 : vector<16xf32>
    %swap3A_1282 = arith.constant 124 : i32
    %swap3A_1283 = arith.index_cast %swap3A_1282 : i32 to index
    %swap3A_1284 = arith.constant 32 : index
    %swap3A_1285 = tpu.vector_load %arg13[%swap3A_1283, %swap3A_1284] {strides = array<i32>} : memref<128x128xf32, #tpu.memory_space<vmem>>, vector<1x16xf32>,
    %swap3A_1286 = vector.shape_cast %swap3A_1285 : vector<1x16xf32> to vector<16xf32>
    %swap3A_1287 = vector.shape_cast %add3A_1281 : vector<16xf32> to vector<1x16xf32>
    tpu.vector_store %arg13[%swap3A_1283, %swap3A_1284], %swap3A_1287 {strides = array<i32>} : memref<128x128xf32, #tpu.memory_space<vmem>>, vector<1x16xf32>,
    %get3A_1288 = arith.constant 0 : i32
    %get3A_1289 = arith.index_cast %get3A_1288 : i32 to index
    %get3A_1290 = arith.constant 32 : index
    %get3A_1291 = tpu.vector_load %arg10[%get3A_1289, %get3A_1290] {strides = array<i32>} : memref<2x128xf32, #tpu.memory_space<vmem>>, vector<1x16xf32>,
    %get3A_1292 = vector.shape_cast %get3A_1291 : vector<1x16xf32> to vector<16xf32>
    %get3A_1293 = arith.constant 125 : i32
    %get3A_1294 = arith.index_cast %get3A_1293 : i32 to index
    %get3A_1295 = arith.constant 32 : index
    %get3A_1296 = tpu.vector_load %arg9[%get3A_1294, %get3A_1295] {strides = array<i32>} : memref<128x128xf32, #tpu.memory_space<vmem>>, vector<1x16xf32>,
    %get3A_1297 = vector.shape_cast %get3A_1296 : vector<1x16xf32> to vector<16xf32>
    %add3A_1298 = arith.addf %get3A_1292, %get3A_1297 : vector<16xf32>
    %swap3A_1299 = arith.constant 125 : i32
    %swap3A_1300 = arith.index_cast %swap3A_1299 : i32 to index
    %swap3A_1301 = arith.constant 32 : index
    %swap3A_1302 = tpu.vector_load %arg13[%swap3A_1300, %swap3A_1301] {strides = array<i32>} : memref<128x128xf32, #tpu.memory_space<vmem>>, vector<1x16xf32>,
    %swap3A_1303 = vector.shape_cast %swap3A_1302 : vector<1x16xf32> to vector<16xf32>
    %swap3A_1304 = vector.shape_cast %add3A_1298 : vector<16xf32> to vector<1x16xf32>
    tpu.vector_store %arg13[%swap3A_1300, %swap3A_1301], %swap3A_1304 {strides = array<i32>} : memref<128x128xf32, #tpu.memory_space<vmem>>, vector<1x16xf32>,
    %get3A_1305 = arith.constant 1 : i32
    %get3A_1306 = arith.index_cast %get3A_1305 : i32 to index
    %get3A_1307 = arith.constant 32 : index
    %get3A_1308 = tpu.vector_load %arg10[%get3A_1306, %get3A_1307] {strides = array<i32>} : memref<2x128xf32, #tpu.memory_space<vmem>>, vector<1x16xf32>,
    %get3A_1309 = vector.shape_cast %get3A_1308 : vector<1x16xf32> to vector<16xf32>
    %get3A_1310 = arith.constant 127 : i32
    %get3A_1311 = arith.index_cast %get3A_1310 : i32 to index
    %get3A_1312 = arith.constant 32 : index
    %get3A_1313 = tpu.vector_load %arg9[%get3A_1311, %get3A_1312] {strides = array<i32>} : memref<128x128xf32, #tpu.memory_space<vmem>>, vector<1x16xf32>,
    %get3A_1314 = vector.shape_cast %get3A_1313 : vector<1x16xf32> to vector<16xf32>
    %add3A_1315 = arith.addf %get3A_1309, %get3A_1314 : vector<16xf32>
    %swap3A_1316 = arith.constant 127 : i32
    %swap3A_1317 = arith.index_cast %swap3A_1316 : i32 to index
    %swap3A_1318 = arith.constant 32 : index
    %swap3A_1319 = tpu.vector_load %arg13[%swap3A_1317, %swap3A_1318] {strides = array<i32>} : memref<128x128xf32, #tpu.memory_space<vmem>>, vector<1x16xf32>,
    %swap3A_1320 = vector.shape_cast %swap3A_1319 : vector<1x16xf32> to vector<16xf32>
    %swap3A_1321 = vector.shape_cast %add3A_1315 : vector<16xf32> to vector<1x16xf32>
    tpu.vector_store %arg13[%swap3A_1317, %swap3A_1318], %swap3A_1321 {strides = array<i32>} : memref<128x128xf32, #tpu.memory_space<vmem>>, vector<1x16xf32>,
    %get3A_1322 = arith.constant 0 : i32
    %get3A_1323 = arith.index_cast %get3A_1322 : i32 to index
    %get3A_1324 = arith.constant 48 : index
    %get3A_1325 = tpu.vector_load %arg10[%get3A_1323, %get3A_1324] {strides = array<i32>} : memref<2x128xf32, #tpu.memory_space<vmem>>, vector<1x16xf32>,
    %get3A_1326 = vector.shape_cast %get3A_1325 : vector<1x16xf32> to vector<16xf32>
    %get3A_1327 = arith.constant 122 : i32
    %get3A_1328 = arith.index_cast %get3A_1327 : i32 to index
    %get3A_1329 = arith.constant 48 : index
    %get3A_1330 = tpu.vector_load %arg9[%get3A_1328, %get3A_1329] {strides = array<i32>} : memref<128x128xf32, #tpu.memory_space<vmem>>, vector<1x16xf32>,
    %get3A_1331 = vector.shape_cast %get3A_1330 : vector<1x16xf32> to vector<16xf32>
    %add3A_1332 = arith.addf %get3A_1326, %get3A_1331 : vector<16xf32>
    %swap3A_1333 = arith.constant 122 : i32
    %swap3A_1334 = arith.index_cast %swap3A_1333 : i32 to index
    %swap3A_1335 = arith.constant 48 : index
    %swap3A_1336 = tpu.vector_load %arg13[%swap3A_1334, %swap3A_1335] {strides = array<i32>} : memref<128x128xf32, #tpu.memory_space<vmem>>, vector<1x16xf32>,
    %swap3A_1337 = vector.shape_cast %swap3A_1336 : vector<1x16xf32> to vector<16xf32>
    %swap3A_1338 = vector.shape_cast %add3A_1332 : vector<16xf32> to vector<1x16xf32>
    tpu.vector_store %arg13[%swap3A_1334, %swap3A_1335], %swap3A_1338 {strides = array<i32>} : memref<128x128xf32, #tpu.memory_space<vmem>>, vector<1x16xf32>,
    %get3A_1339 = arith.constant 1 : i32
    %get3A_1340 = arith.index_cast %get3A_1339 : i32 to index
    %get3A_1341 = arith.constant 48 : index
    %get3A_1342 = tpu.vector_load %arg10[%get3A_1340, %get3A_1341] {strides = array<i32>} : memref<2x128xf32, #tpu.memory_space<vmem>>, vector<1x16xf32>,
    %get3A_1343 = vector.shape_cast %get3A_1342 : vector<1x16xf32> to vector<16xf32>
    %get3A_1344 = arith.constant 124 : i32
    %get3A_1345 = arith.index_cast %get3A_1344 : i32 to index
    %get3A_1346 = arith.constant 48 : index
    %get3A_1347 = tpu.vector_load %arg9[%get3A_1345, %get3A_1346] {strides = array<i32>} : memref<128x128xf32, #tpu.memory_space<vmem>>, vector<1x16xf32>,
    %get3A_1348 = vector.shape_cast %get3A_1347 : vector<1x16xf32> to vector<16xf32>
    %add3A_1349 = arith.addf %get3A_1343, %get3A_1348 : vector<16xf32>
    %swap3A_1350 = arith.constant 124 : i32
    %swap3A_1351 = arith.index_cast %swap3A_1350 : i32 to index
    %swap3A_1352 = arith.constant 48 : index
    %swap3A_1353 = tpu.vector_load %arg13[%swap3A_1351, %swap3A_1352] {strides = array<i32>} : memref<128x128xf32, #tpu.memory_space<vmem>>, vector<1x16xf32>,
    %swap3A_1354 = vector.shape_cast %swap3A_1353 : vector<1x16xf32> to vector<16xf32>
    %swap3A_1355 = vector.shape_cast %add3A_1349 : vector<16xf32> to vector<1x16xf32>
    tpu.vector_store %arg13[%swap3A_1351, %swap3A_1352], %swap3A_1355 {strides = array<i32>} : memref<128x128xf32, #tpu.memory_space<vmem>>, vector<1x16xf32>,
    %get3A_1356 = arith.constant 0 : i32
    %get3A_1357 = arith.index_cast %get3A_1356 : i32 to index
    %get3A_1358 = arith.constant 48 : index
    %get3A_1359 = tpu.vector_load %arg10[%get3A_1357, %get3A_1358] {strides = array<i32>} : memref<2x128xf32, #tpu.memory_space<vmem>>, vector<1x16xf32>,
    %get3A_1360 = vector.shape_cast %get3A_1359 : vector<1x16xf32> to vector<16xf32>
    %get3A_1361 = arith.constant 125 : i32
    %get3A_1362 = arith.index_cast %get3A_1361 : i32 to index
    %get3A_1363 = arith.constant 48 : index
    %get3A_1364 = tpu.vector_load %arg9[%get3A_1362, %get3A_1363] {strides = array<i32>} : memref<128x128xf32, #tpu.memory_space<vmem>>, vector<1x16xf32>,
    %get3A_1365 = vector.shape_cast %get3A_1364 : vector<1x16xf32> to vector<16xf32>
    %add3A_1366 = arith.addf %get3A_1360, %get3A_1365 : vector<16xf32>
    %swap3A_1367 = arith.constant 125 : i32
    %swap3A_1368 = arith.index_cast %swap3A_1367 : i32 to index
    %swap3A_1369 = arith.constant 48 : index
    %swap3A_1370 = tpu.vector_load %arg13[%swap3A_1368, %swap3A_1369] {strides = array<i32>} : memref<128x128xf32, #tpu.memory_space<vmem>>, vector<1x16xf32>,
    %swap3A_1371 = vector.shape_cast %swap3A_1370 : vector<1x16xf32> to vector<16xf32>
    %swap3A_1372 = vector.shape_cast %add3A_1366 : vector<16xf32> to vector<1x16xf32>
    tpu.vector_store %arg13[%swap3A_1368, %swap3A_1369], %swap3A_1372 {strides = array<i32>} : memref<128x128xf32, #tpu.memory_space<vmem>>, vector<1x16xf32>,
    %get3A_1373 = arith.constant 1 : i32
    %get3A_1374 = arith.index_cast %get3A_1373 : i32 to index
    %get3A_1375 = arith.constant 48 : index
    %get3A_1376 = tpu.vector_load %arg10[%get3A_1374, %get3A_1375] {strides = array<i32>} : memref<2x128xf32, #tpu.memory_space<vmem>>, vector<1x16xf32>,
    %get3A_1377 = vector.shape_cast %get3A_1376 : vector<1x16xf32> to vector<16xf32>
    %get3A_1378 = arith.constant 127 : i32
    %get3A_1379 = arith.index_cast %get3A_1378 : i32 to index
    %get3A_1380 = arith.constant 48 : index
    %get3A_1381 = tpu.vector_load %arg9[%get3A_1379, %get3A_1380] {strides = array<i32>} : memref<128x128xf32, #tpu.memory_space<vmem>>, vector<1x16xf32>,
    %get3A_1382 = vector.shape_cast %get3A_1381 : vector<1x16xf32> to vector<16xf32>
    %add3A_1383 = arith.addf %get3A_1377, %get3A_1382 : vector<16xf32>
    %swap3A_1384 = arith.constant 127 : i32
    %swap3A_1385 = arith.index_cast %swap3A_1384 : i32 to index
    %swap3A_1386 = arith.constant 48 : index
    %swap3A_1387 = tpu.vector_load %arg13[%swap3A_1385, %swap3A_1386] {strides = array<i32>} : memref<128x128xf32, #tpu.memory_space<vmem>>, vector<1x16xf32>,
    %swap3A_1388 = vector.shape_cast %swap3A_1387 : vector<1x16xf32> to vector<16xf32>
    %swap3A_1389 = vector.shape_cast %add3A_1383 : vector<16xf32> to vector<1x16xf32>
    tpu.vector_store %arg13[%swap3A_1385, %swap3A_1386], %swap3A_1389 {strides = array<i32>} : memref<128x128xf32, #tpu.memory_space<vmem>>, vector<1x16xf32>,
    %get3A_1390 = arith.constant 0 : i32
    %get3A_1391 = arith.index_cast %get3A_1390 : i32 to index
    %get3A_1392 = arith.constant 64 : index
    %get3A_1393 = tpu.vector_load %arg10[%get3A_1391, %get3A_1392] {strides = array<i32>} : memref<2x128xf32, #tpu.memory_space<vmem>>, vector<1x16xf32>,
    %get3A_1394 = vector.shape_cast %get3A_1393 : vector<1x16xf32> to vector<16xf32>
    %get3A_1395 = arith.constant 122 : i32
    %get3A_1396 = arith.index_cast %get3A_1395 : i32 to index
    %get3A_1397 = arith.constant 64 : index
    %get3A_1398 = tpu.vector_load %arg9[%get3A_1396, %get3A_1397] {strides = array<i32>} : memref<128x128xf32, #tpu.memory_space<vmem>>, vector<1x16xf32>,
    %get3A_1399 = vector.shape_cast %get3A_1398 : vector<1x16xf32> to vector<16xf32>
    %add3A_1400 = arith.addf %get3A_1394, %get3A_1399 : vector<16xf32>
    %swap3A_1401 = arith.constant 122 : i32
    %swap3A_1402 = arith.index_cast %swap3A_1401 : i32 to index
    %swap3A_1403 = arith.constant 64 : index
    %swap3A_1404 = tpu.vector_load %arg13[%swap3A_1402, %swap3A_1403] {strides = array<i32>} : memref<128x128xf32, #tpu.memory_space<vmem>>, vector<1x16xf32>,
    %swap3A_1405 = vector.shape_cast %swap3A_1404 : vector<1x16xf32> to vector<16xf32>
    %swap3A_1406 = vector.shape_cast %add3A_1400 : vector<16xf32> to vector<1x16xf32>
    tpu.vector_store %arg13[%swap3A_1402, %swap3A_1403], %swap3A_1406 {strides = array<i32>} : memref<128x128xf32, #tpu.memory_space<vmem>>, vector<1x16xf32>,
    %get3A_1407 = arith.constant 1 : i32
    %get3A_1408 = arith.index_cast %get3A_1407 : i32 to index
    %get3A_1409 = arith.constant 64 : index
    %get3A_1410 = tpu.vector_load %arg10[%get3A_1408, %get3A_1409] {strides = array<i32>} : memref<2x128xf32, #tpu.memory_space<vmem>>, vector<1x16xf32>,
    %get3A_1411 = vector.shape_cast %get3A_1410 : vector<1x16xf32> to vector<16xf32>
    %get3A_1412 = arith.constant 124 : i32
    %get3A_1413 = arith.index_cast %get3A_1412 : i32 to index
    %get3A_1414 = arith.constant 64 : index
    %get3A_1415 = tpu.vector_load %arg9[%get3A_1413, %get3A_1414] {strides = array<i32>} : memref<128x128xf32, #tpu.memory_space<vmem>>, vector<1x16xf32>,
    %get3A_1416 = vector.shape_cast %get3A_1415 : vector<1x16xf32> to vector<16xf32>
    %add3A_1417 = arith.addf %get3A_1411, %get3A_1416 : vector<16xf32>
    %swap3A_1418 = arith.constant 124 : i32
    %swap3A_1419 = arith.index_cast %swap3A_1418 : i32 to index
    %swap3A_1420 = arith.constant 64 : index
    %swap3A_1421 = tpu.vector_load %arg13[%swap3A_1419, %swap3A_1420] {strides = array<i32>} : memref<128x128xf32, #tpu.memory_space<vmem>>, vector<1x16xf32>,
    %swap3A_1422 = vector.shape_cast %swap3A_1421 : vector<1x16xf32> to vector<16xf32>
    %swap3A_1423 = vector.shape_cast %add3A_1417 : vector<16xf32> to vector<1x16xf32>
    tpu.vector_store %arg13[%swap3A_1419, %swap3A_1420], %swap3A_1423 {strides = array<i32>} : memref<128x128xf32, #tpu.memory_space<vmem>>, vector<1x16xf32>,
    %get3A_1424 = arith.constant 0 : i32
    %get3A_1425 = arith.index_cast %get3A_1424 : i32 to index
    %get3A_1426 = arith.constant 64 : index
    %get3A_1427 = tpu.vector_load %arg10[%get3A_1425, %get3A_1426] {strides = array<i32>} : memref<2x128xf32, #tpu.memory_space<vmem>>, vector<1x16xf32>,
    %get3A_1428 = vector.shape_cast %get3A_1427 : vector<1x16xf32> to vector<16xf32>
    %get3A_1429 = arith.constant 125 : i32
    %get3A_1430 = arith.index_cast %get3A_1429 : i32 to index
    %get3A_1431 = arith.constant 64 : index
    %get3A_1432 = tpu.vector_load %arg9[%get3A_1430, %get3A_1431] {strides = array<i32>} : memref<128x128xf32, #tpu.memory_space<vmem>>, vector<1x16xf32>,
    %get3A_1433 = vector.shape_cast %get3A_1432 : vector<1x16xf32> to vector<16xf32>
    %add3A_1434 = arith.addf %get3A_1428, %get3A_1433 : vector<16xf32>
    %swap3A_1435 = arith.constant 125 : i32
    %swap3A_1436 = arith.index_cast %swap3A_1435 : i32 to index
    %swap3A_1437 = arith.constant 64 : index
    %swap3A_1438 = tpu.vector_load %arg13[%swap3A_1436, %swap3A_1437] {strides = array<i32>} : memref<128x128xf32, #tpu.memory_space<vmem>>, vector<1x16xf32>,
    %swap3A_1439 = vector.shape_cast %swap3A_1438 : vector<1x16xf32> to vector<16xf32>
    %swap3A_1440 = vector.shape_cast %add3A_1434 : vector<16xf32> to vector<1x16xf32>
    tpu.vector_store %arg13[%swap3A_1436, %swap3A_1437], %swap3A_1440 {strides = array<i32>} : memref<128x128xf32, #tpu.memory_space<vmem>>, vector<1x16xf32>,
    %get3A_1441 = arith.constant 1 : i32
    %get3A_1442 = arith.index_cast %get3A_1441 : i32 to index
    %get3A_1443 = arith.constant 64 : index
    %get3A_1444 = tpu.vector_load %arg10[%get3A_1442, %get3A_1443] {strides = array<i32>} : memref<2x128xf32, #tpu.memory_space<vmem>>, vector<1x16xf32>,
    %get3A_1445 = vector.shape_cast %get3A_1444 : vector<1x16xf32> to vector<16xf32>
    %get3A_1446 = arith.constant 127 : i32
    %get3A_1447 = arith.index_cast %get3A_1446 : i32 to index
    %get3A_1448 = arith.constant 64 : index
    %get3A_1449 = tpu.vector_load %arg9[%get3A_1447, %get3A_1448] {strides = array<i32>} : memref<128x128xf32, #tpu.memory_space<vmem>>, vector<1x16xf32>,
    %get3A_1450 = vector.shape_cast %get3A_1449 : vector<1x16xf32> to vector<16xf32>
    %add3A_1451 = arith.addf %get3A_1445, %get3A_1450 : vector<16xf32>
    %swap3A_1452 = arith.constant 127 : i32
    %swap3A_1453 = arith.index_cast %swap3A_1452 : i32 to index
    %swap3A_1454 = arith.constant 64 : index
    %swap3A_1455 = tpu.vector_load %arg13[%swap3A_1453, %swap3A_1454] {strides = array<i32>} : memref<128x128xf32, #tpu.memory_space<vmem>>, vector<1x16xf32>,
    %swap3A_1456 = vector.shape_cast %swap3A_1455 : vector<1x16xf32> to vector<16xf32>
    %swap3A_1457 = vector.shape_cast %add3A_1451 : vector<16xf32> to vector<1x16xf32>
    tpu.vector_store %arg13[%swap3A_1453, %swap3A_1454], %swap3A_1457 {strides = array<i32>} : memref<128x128xf32, #tpu.memory_space<vmem>>, vector<1x16xf32>,
    %get3A_1458 = arith.constant 0 : i32
    %get3A_1459 = arith.index_cast %get3A_1458 : i32 to index
    %get3A_1460 = arith.constant 80 : index
    %get3A_1461 = tpu.vector_load %arg10[%get3A_1459, %get3A_1460] {strides = array<i32>} : memref<2x128xf32, #tpu.memory_space<vmem>>, vector<1x16xf32>,
    %get3A_1462 = vector.shape_cast %get3A_1461 : vector<1x16xf32> to vector<16xf32>
    %get3A_1463 = arith.constant 122 : i32
    %get3A_1464 = arith.index_cast %get3A_1463 : i32 to index
    %get3A_1465 = arith.constant 80 : index
    %get3A_1466 = tpu.vector_load %arg9[%get3A_1464, %get3A_1465] {strides = array<i32>} : memref<128x128xf32, #tpu.memory_space<vmem>>, vector<1x16xf32>,
    %get3A_1467 = vector.shape_cast %get3A_1466 : vector<1x16xf32> to vector<16xf32>
    %add3A_1468 = arith.addf %get3A_1462, %get3A_1467 : vector<16xf32>
    %swap3A_1469 = arith.constant 122 : i32
    %swap3A_1470 = arith.index_cast %swap3A_1469 : i32 to index
    %swap3A_1471 = arith.constant 80 : index
    %swap3A_1472 = tpu.vector_load %arg13[%swap3A_1470, %swap3A_1471] {strides = array<i32>} : memref<128x128xf32, #tpu.memory_space<vmem>>, vector<1x16xf32>,
    %swap3A_1473 = vector.shape_cast %swap3A_1472 : vector<1x16xf32> to vector<16xf32>
    %swap3A_1474 = vector.shape_cast %add3A_1468 : vector<16xf32> to vector<1x16xf32>
    tpu.vector_store %arg13[%swap3A_1470, %swap3A_1471], %swap3A_1474 {strides = array<i32>} : memref<128x128xf32, #tpu.memory_space<vmem>>, vector<1x16xf32>,
    %get3A_1475 = arith.constant 1 : i32
    %get3A_1476 = arith.index_cast %get3A_1475 : i32 to index
    %get3A_1477 = arith.constant 80 : index
    %get3A_1478 = tpu.vector_load %arg10[%get3A_1476, %get3A_1477] {strides = array<i32>} : memref<2x128xf32, #tpu.memory_space<vmem>>, vector<1x16xf32>,
    %get3A_1479 = vector.shape_cast %get3A_1478 : vector<1x16xf32> to vector<16xf32>
    %get3A_1480 = arith.constant 124 : i32
    %get3A_1481 = arith.index_cast %get3A_1480 : i32 to index
    %get3A_1482 = arith.constant 80 : index
    %get3A_1483 = tpu.vector_load %arg9[%get3A_1481, %get3A_1482] {strides = array<i32>} : memref<128x128xf32, #tpu.memory_space<vmem>>, vector<1x16xf32>,
    %get3A_1484 = vector.shape_cast %get3A_1483 : vector<1x16xf32> to vector<16xf32>
    %add3A_1485 = arith.addf %get3A_1479, %get3A_1484 : vector<16xf32>
    %swap3A_1486 = arith.constant 124 : i32
    %swap3A_1487 = arith.index_cast %swap3A_1486 : i32 to index
    %swap3A_1488 = arith.constant 80 : index
    %swap3A_1489 = tpu.vector_load %arg13[%swap3A_1487, %swap3A_1488] {strides = array<i32>} : memref<128x128xf32, #tpu.memory_space<vmem>>, vector<1x16xf32>,
    %swap3A_1490 = vector.shape_cast %swap3A_1489 : vector<1x16xf32> to vector<16xf32>
    %swap3A_1491 = vector.shape_cast %add3A_1485 : vector<16xf32> to vector<1x16xf32>
    tpu.vector_store %arg13[%swap3A_1487, %swap3A_1488], %swap3A_1491 {strides = array<i32>} : memref<128x128xf32, #tpu.memory_space<vmem>>, vector<1x16xf32>,
    %get3A_1492 = arith.constant 0 : i32
    %get3A_1493 = arith.index_cast %get3A_1492 : i32 to index
    %get3A_1494 = arith.constant 80 : index
    %get3A_1495 = tpu.vector_load %arg10[%get3A_1493, %get3A_1494] {strides = array<i32>} : memref<2x128xf32, #tpu.memory_space<vmem>>, vector<1x16xf32>,
    %get3A_1496 = vector.shape_cast %get3A_1495 : vector<1x16xf32> to vector<16xf32>
    %get3A_1497 = arith.constant 125 : i32
    %get3A_1498 = arith.index_cast %get3A_1497 : i32 to index
    %get3A_1499 = arith.constant 80 : index
    %get3A_1500 = tpu.vector_load %arg9[%get3A_1498, %get3A_1499] {strides = array<i32>} : memref<128x128xf32, #tpu.memory_space<vmem>>, vector<1x16xf32>,
    %get3A_1501 = vector.shape_cast %get3A_1500 : vector<1x16xf32> to vector<16xf32>
    %add3A_1502 = arith.addf %get3A_1496, %get3A_1501 : vector<16xf32>
    %swap3A_1503 = arith.constant 125 : i32
    %swap3A_1504 = arith.index_cast %swap3A_1503 : i32 to index
    %swap3A_1505 = arith.constant 80 : index
    %swap3A_1506 = tpu.vector_load %arg13[%swap3A_1504, %swap3A_1505] {strides = array<i32>} : memref<128x128xf32, #tpu.memory_space<vmem>>, vector<1x16xf32>,
    %swap3A_1507 = vector.shape_cast %swap3A_1506 : vector<1x16xf32> to vector<16xf32>
    %swap3A_1508 = vector.shape_cast %add3A_1502 : vector<16xf32> to vector<1x16xf32>
    tpu.vector_store %arg13[%swap3A_1504, %swap3A_1505], %swap3A_1508 {strides = array<i32>} : memref<128x128xf32, #tpu.memory_space<vmem>>, vector<1x16xf32>,
    %get3A_1509 = arith.constant 1 : i32
    %get3A_1510 = arith.index_cast %get3A_1509 : i32 to index
    %get3A_1511 = arith.constant 80 : index
    %get3A_1512 = tpu.vector_load %arg10[%get3A_1510, %get3A_1511] {strides = array<i32>} : memref<2x128xf32, #tpu.memory_space<vmem>>, vector<1x16xf32>,
    %get3A_1513 = vector.shape_cast %get3A_1512 : vector<1x16xf32> to vector<16xf32>
    %get3A_1514 = arith.constant 127 : i32
    %get3A_1515 = arith.index_cast %get3A_1514 : i32 to index
    %get3A_1516 = arith.constant 80 : index
    %get3A_1517 = tpu.vector_load %arg9[%get3A_1515, %get3A_1516] {strides = array<i32>} : memref<128x128xf32, #tpu.memory_space<vmem>>, vector<1x16xf32>,
    %get3A_1518 = vector.shape_cast %get3A_1517 : vector<1x16xf32> to vector<16xf32>
    %add3A_1519 = arith.addf %get3A_1513, %get3A_1518 : vector<16xf32>
    %swap3A_1520 = arith.constant 127 : i32
    %swap3A_1521 = arith.index_cast %swap3A_1520 : i32 to index
    %swap3A_1522 = arith.constant 80 : index
    %swap3A_1523 = tpu.vector_load %arg13[%swap3A_1521, %swap3A_1522] {strides = array<i32>} : memref<128x128xf32, #tpu.memory_space<vmem>>, vector<1x16xf32>,
    %swap3A_1524 = vector.shape_cast %swap3A_1523 : vector<1x16xf32> to vector<16xf32>
    %swap3A_1525 = vector.shape_cast %add3A_1519 : vector<16xf32> to vector<1x16xf32>
    tpu.vector_store %arg13[%swap3A_1521, %swap3A_1522], %swap3A_1525 {strides = array<i32>} : memref<128x128xf32, #tpu.memory_space<vmem>>, vector<1x16xf32>,
    %get3A_1526 = arith.constant 0 : i32
    %get3A_1527 = arith.index_cast %get3A_1526 : i32 to index
    %get3A_1528 = arith.constant 96 : index
    %get3A_1529 = tpu.vector_load %arg10[%get3A_1527, %get3A_1528] {strides = array<i32>} : memref<2x128xf32, #tpu.memory_space<vmem>>, vector<1x16xf32>,
    %get3A_1530 = vector.shape_cast %get3A_1529 : vector<1x16xf32> to vector<16xf32>
    %get3A_1531 = arith.constant 122 : i32
    %get3A_1532 = arith.index_cast %get3A_1531 : i32 to index
    %get3A_1533 = arith.constant 96 : index
    %get3A_1534 = tpu.vector_load %arg9[%get3A_1532, %get3A_1533] {strides = array<i32>} : memref<128x128xf32, #tpu.memory_space<vmem>>, vector<1x16xf32>,
    %get3A_1535 = vector.shape_cast %get3A_1534 : vector<1x16xf32> to vector<16xf32>
    %add3A_1536 = arith.addf %get3A_1530, %get3A_1535 : vector<16xf32>
    %swap3A_1537 = arith.constant 122 : i32
    %swap3A_1538 = arith.index_cast %swap3A_1537 : i32 to index
    %swap3A_1539 = arith.constant 96 : index
    %swap3A_1540 = tpu.vector_load %arg13[%swap3A_1538, %swap3A_1539] {strides = array<i32>} : memref<128x128xf32, #tpu.memory_space<vmem>>, vector<1x16xf32>,
    %swap3A_1541 = vector.shape_cast %swap3A_1540 : vector<1x16xf32> to vector<16xf32>
    %swap3A_1542 = vector.shape_cast %add3A_1536 : vector<16xf32> to vector<1x16xf32>
    tpu.vector_store %arg13[%swap3A_1538, %swap3A_1539], %swap3A_1542 {strides = array<i32>} : memref<128x128xf32, #tpu.memory_space<vmem>>, vector<1x16xf32>,
    %get3A_1543 = arith.constant 1 : i32
    %get3A_1544 = arith.index_cast %get3A_1543 : i32 to index
    %get3A_1545 = arith.constant 96 : index
    %get3A_1546 = tpu.vector_load %arg10[%get3A_1544, %get3A_1545] {strides = array<i32>} : memref<2x128xf32, #tpu.memory_space<vmem>>, vector<1x16xf32>,
    %get3A_1547 = vector.shape_cast %get3A_1546 : vector<1x16xf32> to vector<16xf32>
    %get3A_1548 = arith.constant 124 : i32
    %get3A_1549 = arith.index_cast %get3A_1548 : i32 to index
    %get3A_1550 = arith.constant 96 : index
    %get3A_1551 = tpu.vector_load %arg9[%get3A_1549, %get3A_1550] {strides = array<i32>} : memref<128x128xf32, #tpu.memory_space<vmem>>, vector<1x16xf32>,
    %get3A_1552 = vector.shape_cast %get3A_1551 : vector<1x16xf32> to vector<16xf32>
    %add3A_1553 = arith.addf %get3A_1547, %get3A_1552 : vector<16xf32>
    %swap3A_1554 = arith.constant 124 : i32
    %swap3A_1555 = arith.index_cast %swap3A_1554 : i32 to index
    %swap3A_1556 = arith.constant 96 : index
    %swap3A_1557 = tpu.vector_load %arg13[%swap3A_1555, %swap3A_1556] {strides = array<i32>} : memref<128x128xf32, #tpu.memory_space<vmem>>, vector<1x16xf32>,
    %swap3A_1558 = vector.shape_cast %swap3A_1557 : vector<1x16xf32> to vector<16xf32>
    %swap3A_1559 = vector.shape_cast %add3A_1553 : vector<16xf32> to vector<1x16xf32>
    tpu.vector_store %arg13[%swap3A_1555, %swap3A_1556], %swap3A_1559 {strides = array<i32>} : memref<128x128xf32, #tpu.memory_space<vmem>>, vector<1x16xf32>,
    %get3A_1560 = arith.constant 0 : i32
    %get3A_1561 = arith.index_cast %get3A_1560 : i32 to index
    %get3A_1562 = arith.constant 96 : index
    %get3A_1563 = tpu.vector_load %arg10[%get3A_1561, %get3A_1562] {strides = array<i32>} : memref<2x128xf32, #tpu.memory_space<vmem>>, vector<1x16xf32>,
    %get3A_1564 = vector.shape_cast %get3A_1563 : vector<1x16xf32> to vector<16xf32>
    %get3A_1565 = arith.constant 125 : i32
    %get3A_1566 = arith.index_cast %get3A_1565 : i32 to index
    %get3A_1567 = arith.constant 96 : index
    %get3A_1568 = tpu.vector_load %arg9[%get3A_1566, %get3A_1567] {strides = array<i32>} : memref<128x128xf32, #tpu.memory_space<vmem>>, vector<1x16xf32>,
    %get3A_1569 = vector.shape_cast %get3A_1568 : vector<1x16xf32> to vector<16xf32>
    %add3A_1570 = arith.addf %get3A_1564, %get3A_1569 : vector<16xf32>
    %swap3A_1571 = arith.constant 125 : i32
    %swap3A_1572 = arith.index_cast %swap3A_1571 : i32 to index
    %swap3A_1573 = arith.constant 96 : index
    %swap3A_1574 = tpu.vector_load %arg13[%swap3A_1572, %swap3A_1573] {strides = array<i32>} : memref<128x128xf32, #tpu.memory_space<vmem>>, vector<1x16xf32>,
    %swap3A_1575 = vector.shape_cast %swap3A_1574 : vector<1x16xf32> to vector<16xf32>
    %swap3A_1576 = vector.shape_cast %add3A_1570 : vector<16xf32> to vector<1x16xf32>
    tpu.vector_store %arg13[%swap3A_1572, %swap3A_1573], %swap3A_1576 {strides = array<i32>} : memref<128x128xf32, #tpu.memory_space<vmem>>, vector<1x16xf32>,
    %get3A_1577 = arith.constant 1 : i32
    %get3A_1578 = arith.index_cast %get3A_1577 : i32 to index
    %get3A_1579 = arith.constant 96 : index
    %get3A_1580 = tpu.vector_load %arg10[%get3A_1578, %get3A_1579] {strides = array<i32>} : memref<2x128xf32, #tpu.memory_space<vmem>>, vector<1x16xf32>,
    %get3A_1581 = vector.shape_cast %get3A_1580 : vector<1x16xf32> to vector<16xf32>
    %get3A_1582 = arith.constant 127 : i32
    %get3A_1583 = arith.index_cast %get3A_1582 : i32 to index
    %get3A_1584 = arith.constant 96 : index
    %get3A_1585 = tpu.vector_load %arg9[%get3A_1583, %get3A_1584] {strides = array<i32>} : memref<128x128xf32, #tpu.memory_space<vmem>>, vector<1x16xf32>,
    %get3A_1586 = vector.shape_cast %get3A_1585 : vector<1x16xf32> to vector<16xf32>
    %add3A_1587 = arith.addf %get3A_1581, %get3A_1586 : vector<16xf32>
    %swap3A_1588 = arith.constant 127 : i32
    %swap3A_1589 = arith.index_cast %swap3A_1588 : i32 to index
    %swap3A_1590 = arith.constant 96 : index
    %swap3A_1591 = tpu.vector_load %arg13[%swap3A_1589, %swap3A_1590] {strides = array<i32>} : memref<128x128xf32, #tpu.memory_space<vmem>>, vector<1x16xf32>,
    %swap3A_1592 = vector.shape_cast %swap3A_1591 : vector<1x16xf32> to vector<16xf32>
    %swap3A_1593 = vector.shape_cast %add3A_1587 : vector<16xf32> to vector<1x16xf32>
    tpu.vector_store %arg13[%swap3A_1589, %swap3A_1590], %swap3A_1593 {strides = array<i32>} : memref<128x128xf32, #tpu.memory_space<vmem>>, vector<1x16xf32>,
    %get3A_1594 = arith.constant 0 : i32
    %get3A_1595 = arith.index_cast %get3A_1594 : i32 to index
    %get3A_1596 = arith.constant 112 : index
    %get3A_1597 = tpu.vector_load %arg10[%get3A_1595, %get3A_1596] {strides = array<i32>} : memref<2x128xf32, #tpu.memory_space<vmem>>, vector<1x16xf32>,
    %get3A_1598 = vector.shape_cast %get3A_1597 : vector<1x16xf32> to vector<16xf32>
    %get3A_1599 = arith.constant 122 : i32
    %get3A_1600 = arith.index_cast %get3A_1599 : i32 to index
    %get3A_1601 = arith.constant 112 : index
    %get3A_1602 = tpu.vector_load %arg9[%get3A_1600, %get3A_1601] {strides = array<i32>} : memref<128x128xf32, #tpu.memory_space<vmem>>, vector<1x16xf32>,
    %get3A_1603 = vector.shape_cast %get3A_1602 : vector<1x16xf32> to vector<16xf32>
    %add3A_1604 = arith.addf %get3A_1598, %get3A_1603 : vector<16xf32>
    %swap3A_1605 = arith.constant 122 : i32
    %swap3A_1606 = arith.index_cast %swap3A_1605 : i32 to index
    %swap3A_1607 = arith.constant 112 : index
    %swap3A_1608 = tpu.vector_load %arg13[%swap3A_1606, %swap3A_1607] {strides = array<i32>} : memref<128x128xf32, #tpu.memory_space<vmem>>, vector<1x16xf32>,
    %swap3A_1609 = vector.shape_cast %swap3A_1608 : vector<1x16xf32> to vector<16xf32>
    %swap3A_1610 = vector.shape_cast %add3A_1604 : vector<16xf32> to vector<1x16xf32>
    tpu.vector_store %arg13[%swap3A_1606, %swap3A_1607], %swap3A_1610 {strides = array<i32>} : memref<128x128xf32, #tpu.memory_space<vmem>>, vector<1x16xf32>,
    %get3A_1611 = arith.constant 1 : i32
    %get3A_1612 = arith.index_cast %get3A_1611 : i32 to index
    %get3A_1613 = arith.constant 112 : index
    %get3A_1614 = tpu.vector_load %arg10[%get3A_1612, %get3A_1613] {strides = array<i32>} : memref<2x128xf32, #tpu.memory_space<vmem>>, vector<1x16xf32>,
    %get3A_1615 = vector.shape_cast %get3A_1614 : vector<1x16xf32> to vector<16xf32>
    %get3A_1616 = arith.constant 124 : i32
    %get3A_1617 = arith.index_cast %get3A_1616 : i32 to index
    %get3A_1618 = arith.constant 112 : index
    %get3A_1619 = tpu.vector_load %arg9[%get3A_1617, %get3A_1618] {strides = array<i32>} : memref<128x128xf32, #tpu.memory_space<vmem>>, vector<1x16xf32>,
    %get3A_1620 = vector.shape_cast %get3A_1619 : vector<1x16xf32> to vector<16xf32>
    %add3A_1621 = arith.addf %get3A_1615, %get3A_1620 : vector<16xf32>
    %swap3A_1622 = arith.constant 124 : i32
    %swap3A_1623 = arith.index_cast %swap3A_1622 : i32 to index
    %swap3A_1624 = arith.constant 112 : index
    %swap3A_1625 = tpu.vector_load %arg13[%swap3A_1623, %swap3A_1624] {strides = array<i32>} : memref<128x128xf32, #tpu.memory_space<vmem>>, vector<1x16xf32>,
    %swap3A_1626 = vector.shape_cast %swap3A_1625 : vector<1x16xf32> to vector<16xf32>
    %swap3A_1627 = vector.shape_cast %add3A_1621 : vector<16xf32> to vector<1x16xf32>
    tpu.vector_store %arg13[%swap3A_1623, %swap3A_1624], %swap3A_1627 {strides = array<i32>} : memref<128x128xf32, #tpu.memory_space<vmem>>, vector<1x16xf32>,
    %get3A_1628 = arith.constant 0 : i32
    %get3A_1629 = arith.index_cast %get3A_1628 : i32 to index
    %get3A_1630 = arith.constant 112 : index
    %get3A_1631 = tpu.vector_load %arg10[%get3A_1629, %get3A_1630] {strides = array<i32>} : memref<2x128xf32, #tpu.memory_space<vmem>>, vector<1x16xf32>,
    %get3A_1632 = vector.shape_cast %get3A_1631 : vector<1x16xf32> to vector<16xf32>
    %get3A_1633 = arith.constant 125 : i32
    %get3A_1634 = arith.index_cast %get3A_1633 : i32 to index
    %get3A_1635 = arith.constant 112 : index
    %get3A_1636 = tpu.vector_load %arg9[%get3A_1634, %get3A_1635] {strides = array<i32>} : memref<128x128xf32, #tpu.memory_space<vmem>>, vector<1x16xf32>,
    %get3A_1637 = vector.shape_cast %get3A_1636 : vector<1x16xf32> to vector<16xf32>
    %add3A_1638 = arith.addf %get3A_1632, %get3A_1637 : vector<16xf32>
    %swap3A_1639 = arith.constant 125 : i32
    %swap3A_1640 = arith.index_cast %swap3A_1639 : i32 to index
    %swap3A_1641 = arith.constant 112 : index
    %swap3A_1642 = tpu.vector_load %arg13[%swap3A_1640, %swap3A_1641] {strides = array<i32>} : memref<128x128xf32, #tpu.memory_space<vmem>>, vector<1x16xf32>,
    %swap3A_1643 = vector.shape_cast %swap3A_1642 : vector<1x16xf32> to vector<16xf32>
    %swap3A_1644 = vector.shape_cast %add3A_1638 : vector<16xf32> to vector<1x16xf32>
    tpu.vector_store %arg13[%swap3A_1640, %swap3A_1641], %swap3A_1644 {strides = array<i32>} : memref<128x128xf32, #tpu.memory_space<vmem>>, vector<1x16xf32>,
    %get3A_1645 = arith.constant 1 : i32
    %get3A_1646 = arith.index_cast %get3A_1645 : i32 to index
    %get3A_1647 = arith.constant 112 : index
    %get3A_1648 = tpu.vector_load %arg10[%get3A_1646, %get3A_1647] {strides = array<i32>} : memref<2x128xf32, #tpu.memory_space<vmem>>, vector<1x16xf32>,
    %get3A_1649 = vector.shape_cast %get3A_1648 : vector<1x16xf32> to vector<16xf32>
    %get3A_1650 = arith.constant 127 : i32
    %get3A_1651 = arith.index_cast %get3A_1650 : i32 to index
    %get3A_1652 = arith.constant 112 : index
    %get3A_1653 = tpu.vector_load %arg9[%get3A_1651, %get3A_1652] {strides = array<i32>} : memref<128x128xf32, #tpu.memory_space<vmem>>, vector<1x16xf32>,
    %get3A_1654 = vector.shape_cast %get3A_1653 : vector<1x16xf32> to vector<16xf32>
    %add3A_1655 = arith.addf %get3A_1649, %get3A_1654 : vector<16xf32>
    %swap3A_1656 = arith.constant 127 : i32
    %swap3A_1657 = arith.index_cast %swap3A_1656 : i32 to index
    %swap3A_1658 = arith.constant 112 : index
    %swap3A_1659 = tpu.vector_load %arg13[%swap3A_1657, %swap3A_1658] {strides = array<i32>} : memref<128x128xf32, #tpu.memory_space<vmem>>, vector<1x16xf32>,
    %swap3A_1660 = vector.shape_cast %swap3A_1659 : vector<1x16xf32> to vector<16xf32>
    %swap3A_1661 = vector.shape_cast %add3A_1655 : vector<16xf32> to vector<1x16xf32>
    tpu.vector_store %arg13[%swap3A_1657, %swap3A_1658], %swap3A_1661 {strides = array<i32>} : memref<128x128xf32, #tpu.memory_space<vmem>>, vector<1x16xf32>,
    %get3A_1662 = arith.constant 0 : i32
    %get3A_1663 = arith.index_cast %get3A_1662 : i32 to index
    %get3A_1664 = arith.constant 0 : index
    %get3A_1665 = tpu.vector_load %arg10[%get3A_1663, %get3A_1664] {strides = array<i32>} : memref<2x128xf32, #tpu.memory_space<vmem>>, vector<1x16xf32>,
    %get3A_1666 = vector.shape_cast %get3A_1665 : vector<1x16xf32> to vector<16xf32>
    %get3A_1667 = arith.constant 122 : i32
    %get3A_1668 = arith.index_cast %get3A_1667 : i32 to index
    %get3A_1669 = arith.constant 0 : index
    %get3A_1670 = tpu.vector_load %arg9[%get3A_1668, %get3A_1669] {strides = array<i32>} : memref<128x128xf32, #tpu.memory_space<vmem>>, vector<1x16xf32>,
    %get3A_1671 = vector.shape_cast %get3A_1670 : vector<1x16xf32> to vector<16xf32>
    %add3A_1672 = arith.addf %get3A_1666, %get3A_1671 : vector<16xf32>
    %swap3A_1673 = arith.constant 122 : i32
    %swap3A_1674 = arith.index_cast %swap3A_1673 : i32 to index
    %swap3A_1675 = arith.constant 0 : index
    %swap3A_1676 = tpu.vector_load %arg14[%swap3A_1674, %swap3A_1675] {strides = array<i32>} : memref<128x128xf32, #tpu.memory_space<vmem>>, vector<1x16xf32>,
    %swap3A_1677 = vector.shape_cast %swap3A_1676 : vector<1x16xf32> to vector<16xf32>
    %swap3A_1678 = vector.shape_cast %add3A_1672 : vector<16xf32> to vector<1x16xf32>
    tpu.vector_store %arg14[%swap3A_1674, %swap3A_1675], %swap3A_1678 {strides = array<i32>} : memref<128x128xf32, #tpu.memory_space<vmem>>, vector<1x16xf32>,
    %get3A_1679 = arith.constant 1 : i32
    %get3A_1680 = arith.index_cast %get3A_1679 : i32 to index
    %get3A_1681 = arith.constant 0 : index
    %get3A_1682 = tpu.vector_load %arg10[%get3A_1680, %get3A_1681] {strides = array<i32>} : memref<2x128xf32, #tpu.memory_space<vmem>>, vector<1x16xf32>,
    %get3A_1683 = vector.shape_cast %get3A_1682 : vector<1x16xf32> to vector<16xf32>
    %get3A_1684 = arith.constant 124 : i32
    %get3A_1685 = arith.index_cast %get3A_1684 : i32 to index
    %get3A_1686 = arith.constant 0 : index
    %get3A_1687 = tpu.vector_load %arg9[%get3A_1685, %get3A_1686] {strides = array<i32>} : memref<128x128xf32, #tpu.memory_space<vmem>>, vector<1x16xf32>,
    %get3A_1688 = vector.shape_cast %get3A_1687 : vector<1x16xf32> to vector<16xf32>
    %add3A_1689 = arith.addf %get3A_1683, %get3A_1688 : vector<16xf32>
    %swap3A_1690 = arith.constant 124 : i32
    %swap3A_1691 = arith.index_cast %swap3A_1690 : i32 to index
    %swap3A_1692 = arith.constant 0 : index
    %swap3A_1693 = tpu.vector_load %arg14[%swap3A_1691, %swap3A_1692] {strides = array<i32>} : memref<128x128xf32, #tpu.memory_space<vmem>>, vector<1x16xf32>,
    %swap3A_1694 = vector.shape_cast %swap3A_1693 : vector<1x16xf32> to vector<16xf32>
    %swap3A_1695 = vector.shape_cast %add3A_1689 : vector<16xf32> to vector<1x16xf32>
    tpu.vector_store %arg14[%swap3A_1691, %swap3A_1692], %swap3A_1695 {strides = array<i32>} : memref<128x128xf32, #tpu.memory_space<vmem>>, vector<1x16xf32>,
    %get3A_1696 = arith.constant 0 : i32
    %get3A_1697 = arith.index_cast %get3A_1696 : i32 to index
    %get3A_1698 = arith.constant 0 : index
    %get3A_1699 = tpu.vector_load %arg10[%get3A_1697, %get3A_1698] {strides = array<i32>} : memref<2x128xf32, #tpu.memory_space<vmem>>, vector<1x16xf32>,
    %get3A_1700 = vector.shape_cast %get3A_1699 : vector<1x16xf32> to vector<16xf32>
    %get3A_1701 = arith.constant 125 : i32
    %get3A_1702 = arith.index_cast %get3A_1701 : i32 to index
    %get3A_1703 = arith.constant 0 : index
    %get3A_1704 = tpu.vector_load %arg9[%get3A_1702, %get3A_1703] {strides = array<i32>} : memref<128x128xf32, #tpu.memory_space<vmem>>, vector<1x16xf32>,
    %get3A_1705 = vector.shape_cast %get3A_1704 : vector<1x16xf32> to vector<16xf32>
    %add3A_1706 = arith.addf %get3A_1700, %get3A_1705 : vector<16xf32>
    %swap3A_1707 = arith.constant 125 : i32
    %swap3A_1708 = arith.index_cast %swap3A_1707 : i32 to index
    %swap3A_1709 = arith.constant 0 : index
    %swap3A_1710 = tpu.vector_load %arg14[%swap3A_1708, %swap3A_1709] {strides = array<i32>} : memref<128x128xf32, #tpu.memory_space<vmem>>, vector<1x16xf32>,
    %swap3A_1711 = vector.shape_cast %swap3A_1710 : vector<1x16xf32> to vector<16xf32>
    %swap3A_1712 = vector.shape_cast %add3A_1706 : vector<16xf32> to vector<1x16xf32>
    tpu.vector_store %arg14[%swap3A_1708, %swap3A_1709], %swap3A_1712 {strides = array<i32>} : memref<128x128xf32, #tpu.memory_space<vmem>>, vector<1x16xf32>,
    %get3A_1713 = arith.constant 1 : i32
    %get3A_1714 = arith.index_cast %get3A_1713 : i32 to index
    %get3A_1715 = arith.constant 0 : index
    %get3A_1716 = tpu.vector_load %arg10[%get3A_1714, %get3A_1715] {strides = array<i32>} : memref<2x128xf32, #tpu.memory_space<vmem>>, vector<1x16xf32>,
    %get3A_1717 = vector.shape_cast %get3A_1716 : vector<1x16xf32> to vector<16xf32>
    %get3A_1718 = arith.constant 127 : i32
    %get3A_1719 = arith.index_cast %get3A_1718 : i32 to index
    %get3A_1720 = arith.constant 0 : index
    %get3A_1721 = tpu.vector_load %arg9[%get3A_1719, %get3A_1720] {strides = array<i32>} : memref<128x128xf32, #tpu.memory_space<vmem>>, vector<1x16xf32>,
    %get3A_1722 = vector.shape_cast %get3A_1721 : vector<1x16xf32> to vector<16xf32>
    %add3A_1723 = arith.addf %get3A_1717, %get3A_1722 : vector<16xf32>
    %swap3A_1724 = arith.constant 127 : i32
    %swap3A_1725 = arith.index_cast %swap3A_1724 : i32 to index
    %swap3A_1726 = arith.constant 0 : index
    %swap3A_1727 = tpu.vector_load %arg14[%swap3A_1725, %swap3A_1726] {strides = array<i32>} : memref<128x128xf32, #tpu.memory_space<vmem>>, vector<1x16xf32>,
    %swap3A_1728 = vector.shape_cast %swap3A_1727 : vector<1x16xf32> to vector<16xf32>
    %swap3A_1729 = vector.shape_cast %add3A_1723 : vector<16xf32> to vector<1x16xf32>
    tpu.vector_store %arg14[%swap3A_1725, %swap3A_1726], %swap3A_1729 {strides = array<i32>} : memref<128x128xf32, #tpu.memory_space<vmem>>, vector<1x16xf32>,
    %get3A_1730 = arith.constant 0 : i32
    %get3A_1731 = arith.index_cast %get3A_1730 : i32 to index
    %get3A_1732 = arith.constant 16 : index
    %get3A_1733 = tpu.vector_load %arg10[%get3A_1731, %get3A_1732] {strides = array<i32>} : memref<2x128xf32, #tpu.memory_space<vmem>>, vector<1x16xf32>,
    %get3A_1734 = vector.shape_cast %get3A_1733 : vector<1x16xf32> to vector<16xf32>
    %get3A_1735 = arith.constant 122 : i32
    %get3A_1736 = arith.index_cast %get3A_1735 : i32 to index
    %get3A_1737 = arith.constant 16 : index
    %get3A_1738 = tpu.vector_load %arg9[%get3A_1736, %get3A_1737] {strides = array<i32>} : memref<128x128xf32, #tpu.memory_space<vmem>>, vector<1x16xf32>,
    %get3A_1739 = vector.shape_cast %get3A_1738 : vector<1x16xf32> to vector<16xf32>
    %add3A_1740 = arith.addf %get3A_1734, %get3A_1739 : vector<16xf32>
    %swap3A_1741 = arith.constant 122 : i32
    %swap3A_1742 = arith.index_cast %swap3A_1741 : i32 to index
    %swap3A_1743 = arith.constant 16 : index
    %swap3A_1744 = tpu.vector_load %arg14[%swap3A_1742, %swap3A_1743] {strides = array<i32>} : memref<128x128xf32, #tpu.memory_space<vmem>>, vector<1x16xf32>,
    %swap3A_1745 = vector.shape_cast %swap3A_1744 : vector<1x16xf32> to vector<16xf32>
    %swap3A_1746 = vector.shape_cast %add3A_1740 : vector<16xf32> to vector<1x16xf32>
    tpu.vector_store %arg14[%swap3A_1742, %swap3A_1743], %swap3A_1746 {strides = array<i32>} : memref<128x128xf32, #tpu.memory_space<vmem>>, vector<1x16xf32>,
    %get3A_1747 = arith.constant 1 : i32
    %get3A_1748 = arith.index_cast %get3A_1747 : i32 to index
    %get3A_1749 = arith.constant 16 : index
    %get3A_1750 = tpu.vector_load %arg10[%get3A_1748, %get3A_1749] {strides = array<i32>} : memref<2x128xf32, #tpu.memory_space<vmem>>, vector<1x16xf32>,
    %get3A_1751 = vector.shape_cast %get3A_1750 : vector<1x16xf32> to vector<16xf32>
    %get3A_1752 = arith.constant 124 : i32
    %get3A_1753 = arith.index_cast %get3A_1752 : i32 to index
    %get3A_1754 = arith.constant 16 : index
    %get3A_1755 = tpu.vector_load %arg9[%get3A_1753, %get3A_1754] {strides = array<i32>} : memref<128x128xf32, #tpu.memory_space<vmem>>, vector<1x16xf32>,
    %get3A_1756 = vector.shape_cast %get3A_1755 : vector<1x16xf32> to vector<16xf32>
    %add3A_1757 = arith.addf %get3A_1751, %get3A_1756 : vector<16xf32>
    %swap3A_1758 = arith.constant 124 : i32
    %swap3A_1759 = arith.index_cast %swap3A_1758 : i32 to index
    %swap3A_1760 = arith.constant 16 : index
    %swap3A_1761 = tpu.vector_load %arg14[%swap3A_1759, %swap3A_1760] {strides = array<i32>} : memref<128x128xf32, #tpu.memory_space<vmem>>, vector<1x16xf32>,
    %swap3A_1762 = vector.shape_cast %swap3A_1761 : vector<1x16xf32> to vector<16xf32>
    %swap3A_1763 = vector.shape_cast %add3A_1757 : vector<16xf32> to vector<1x16xf32>
    tpu.vector_store %arg14[%swap3A_1759, %swap3A_1760], %swap3A_1763 {strides = array<i32>} : memref<128x128xf32, #tpu.memory_space<vmem>>, vector<1x16xf32>,
    %get3A_1764 = arith.constant 0 : i32
    %get3A_1765 = arith.index_cast %get3A_1764 : i32 to index
    %get3A_1766 = arith.constant 16 : index
    %get3A_1767 = tpu.vector_load %arg10[%get3A_1765, %get3A_1766] {strides = array<i32>} : memref<2x128xf32, #tpu.memory_space<vmem>>, vector<1x16xf32>,
    %get3A_1768 = vector.shape_cast %get3A_1767 : vector<1x16xf32> to vector<16xf32>
    %get3A_1769 = arith.constant 125 : i32
    %get3A_1770 = arith.index_cast %get3A_1769 : i32 to index
    %get3A_1771 = arith.constant 16 : index
    %get3A_1772 = tpu.vector_load %arg9[%get3A_1770, %get3A_1771] {strides = array<i32>} : memref<128x128xf32, #tpu.memory_space<vmem>>, vector<1x16xf32>,
    %get3A_1773 = vector.shape_cast %get3A_1772 : vector<1x16xf32> to vector<16xf32>
    %add3A_1774 = arith.addf %get3A_1768, %get3A_1773 : vector<16xf32>
    %swap3A_1775 = arith.constant 125 : i32
    %swap3A_1776 = arith.index_cast %swap3A_1775 : i32 to index
    %swap3A_1777 = arith.constant 16 : index
    %swap3A_1778 = tpu.vector_load %arg14[%swap3A_1776, %swap3A_1777] {strides = array<i32>} : memref<128x128xf32, #tpu.memory_space<vmem>>, vector<1x16xf32>,
    %swap3A_1779 = vector.shape_cast %swap3A_1778 : vector<1x16xf32> to vector<16xf32>
    %swap3A_1780 = vector.shape_cast %add3A_1774 : vector<16xf32> to vector<1x16xf32>
    tpu.vector_store %arg14[%swap3A_1776, %swap3A_1777], %swap3A_1780 {strides = array<i32>} : memref<128x128xf32, #tpu.memory_space<vmem>>, vector<1x16xf32>,
    %get3A_1781 = arith.constant 1 : i32
    %get3A_1782 = arith.index_cast %get3A_1781 : i32 to index
    %get3A_1783 = arith.constant 16 : index
    %get3A_1784 = tpu.vector_load %arg10[%get3A_1782, %get3A_1783] {strides = array<i32>} : memref<2x128xf32, #tpu.memory_space<vmem>>, vector<1x16xf32>,
    %get3A_1785 = vector.shape_cast %get3A_1784 : vector<1x16xf32> to vector<16xf32>
    %get3A_1786 = arith.constant 127 : i32
    %get3A_1787 = arith.index_cast %get3A_1786 : i32 to index
    %get3A_1788 = arith.constant 16 : index
    %get3A_1789 = tpu.vector_load %arg9[%get3A_1787, %get3A_1788] {strides = array<i32>} : memref<128x128xf32, #tpu.memory_space<vmem>>, vector<1x16xf32>,
    %get3A_1790 = vector.shape_cast %get3A_1789 : vector<1x16xf32> to vector<16xf32>
    %add3A_1791 = arith.addf %get3A_1785, %get3A_1790 : vector<16xf32>
    %swap3A_1792 = arith.constant 127 : i32
    %swap3A_1793 = arith.index_cast %swap3A_1792 : i32 to index
    %swap3A_1794 = arith.constant 16 : index
    %swap3A_1795 = tpu.vector_load %arg14[%swap3A_1793, %swap3A_1794] {strides = array<i32>} : memref<128x128xf32, #tpu.memory_space<vmem>>, vector<1x16xf32>,
    %swap3A_1796 = vector.shape_cast %swap3A_1795 : vector<1x16xf32> to vector<16xf32>
    %swap3A_1797 = vector.shape_cast %add3A_1791 : vector<16xf32> to vector<1x16xf32>
    tpu.vector_store %arg14[%swap3A_1793, %swap3A_1794], %swap3A_1797 {strides = array<i32>} : memref<128x128xf32, #tpu.memory_space<vmem>>, vector<1x16xf32>,
    %get3A_1798 = arith.constant 0 : i32
    %get3A_1799 = arith.index_cast %get3A_1798 : i32 to index
    %get3A_1800 = arith.constant 32 : index
    %get3A_1801 = tpu.vector_load %arg10[%get3A_1799, %get3A_1800] {strides = array<i32>} : memref<2x128xf32, #tpu.memory_space<vmem>>, vector<1x16xf32>,
    %get3A_1802 = vector.shape_cast %get3A_1801 : vector<1x16xf32> to vector<16xf32>
    %get3A_1803 = arith.constant 122 : i32
    %get3A_1804 = arith.index_cast %get3A_1803 : i32 to index
    %get3A_1805 = arith.constant 32 : index
    %get3A_1806 = tpu.vector_load %arg9[%get3A_1804, %get3A_1805] {strides = array<i32>} : memref<128x128xf32, #tpu.memory_space<vmem>>, vector<1x16xf32>,
    %get3A_1807 = vector.shape_cast %get3A_1806 : vector<1x16xf32> to vector<16xf32>
    %add3A_1808 = arith.addf %get3A_1802, %get3A_1807 : vector<16xf32>
    %swap3A_1809 = arith.constant 122 : i32
    %swap3A_1810 = arith.index_cast %swap3A_1809 : i32 to index
    %swap3A_1811 = arith.constant 32 : index
    %swap3A_1812 = tpu.vector_load %arg14[%swap3A_1810, %swap3A_1811] {strides = array<i32>} : memref<128x128xf32, #tpu.memory_space<vmem>>, vector<1x16xf32>,
    %swap3A_1813 = vector.shape_cast %swap3A_1812 : vector<1x16xf32> to vector<16xf32>
    %swap3A_1814 = vector.shape_cast %add3A_1808 : vector<16xf32> to vector<1x16xf32>
    tpu.vector_store %arg14[%swap3A_1810, %swap3A_1811], %swap3A_1814 {strides = array<i32>} : memref<128x128xf32, #tpu.memory_space<vmem>>, vector<1x16xf32>,
    %get3A_1815 = arith.constant 1 : i32
    %get3A_1816 = arith.index_cast %get3A_1815 : i32 to index
    %get3A_1817 = arith.constant 32 : index
    %get3A_1818 = tpu.vector_load %arg10[%get3A_1816, %get3A_1817] {strides = array<i32>} : memref<2x128xf32, #tpu.memory_space<vmem>>, vector<1x16xf32>,
    %get3A_1819 = vector.shape_cast %get3A_1818 : vector<1x16xf32> to vector<16xf32>
    %get3A_1820 = arith.constant 124 : i32
    %get3A_1821 = arith.index_cast %get3A_1820 : i32 to index
    %get3A_1822 = arith.constant 32 : index
    %get3A_1823 = tpu.vector_load %arg9[%get3A_1821, %get3A_1822] {strides = array<i32>} : memref<128x128xf32, #tpu.memory_space<vmem>>, vector<1x16xf32>,
    %get3A_1824 = vector.shape_cast %get3A_1823 : vector<1x16xf32> to vector<16xf32>
    %add3A_1825 = arith.addf %get3A_1819, %get3A_1824 : vector<16xf32>
    %swap3A_1826 = arith.constant 124 : i32
    %swap3A_1827 = arith.index_cast %swap3A_1826 : i32 to index
    %swap3A_1828 = arith.constant 32 : index
    %swap3A_1829 = tpu.vector_load %arg14[%swap3A_1827, %swap3A_1828] {strides = array<i32>} : memref<128x128xf32, #tpu.memory_space<vmem>>, vector<1x16xf32>,
    %swap3A_1830 = vector.shape_cast %swap3A_1829 : vector<1x16xf32> to vector<16xf32>
    %swap3A_1831 = vector.shape_cast %add3A_1825 : vector<16xf32> to vector<1x16xf32>
    tpu.vector_store %arg14[%swap3A_1827, %swap3A_1828], %swap3A_1831 {strides = array<i32>} : memref<128x128xf32, #tpu.memory_space<vmem>>, vector<1x16xf32>,
    %get3A_1832 = arith.constant 0 : i32
    %get3A_1833 = arith.index_cast %get3A_1832 : i32 to index
    %get3A_1834 = arith.constant 32 : index
    %get3A_1835 = tpu.vector_load %arg10[%get3A_1833, %get3A_1834] {strides = array<i32>} : memref<2x128xf32, #tpu.memory_space<vmem>>, vector<1x16xf32>,
    %get3A_1836 = vector.shape_cast %get3A_1835 : vector<1x16xf32> to vector<16xf32>
    %get3A_1837 = arith.constant 125 : i32
    %get3A_1838 = arith.index_cast %get3A_1837 : i32 to index
    %get3A_1839 = arith.constant 32 : index
    %get3A_1840 = tpu.vector_load %arg9[%get3A_1838, %get3A_1839] {strides = array<i32>} : memref<128x128xf32, #tpu.memory_space<vmem>>, vector<1x16xf32>,
    %get3A_1841 = vector.shape_cast %get3A_1840 : vector<1x16xf32> to vector<16xf32>
    %add3A_1842 = arith.addf %get3A_1836, %get3A_1841 : vector<16xf32>
    %swap3A_1843 = arith.constant 125 : i32
    %swap3A_1844 = arith.index_cast %swap3A_1843 : i32 to index
    %swap3A_1845 = arith.constant 32 : index
    %swap3A_1846 = tpu.vector_load %arg14[%swap3A_1844, %swap3A_1845] {strides = array<i32>} : memref<128x128xf32, #tpu.memory_space<vmem>>, vector<1x16xf32>,
    %swap3A_1847 = vector.shape_cast %swap3A_1846 : vector<1x16xf32> to vector<16xf32>
    %swap3A_1848 = vector.shape_cast %add3A_1842 : vector<16xf32> to vector<1x16xf32>
    tpu.vector_store %arg14[%swap3A_1844, %swap3A_1845], %swap3A_1848 {strides = array<i32>} : memref<128x128xf32, #tpu.memory_space<vmem>>, vector<1x16xf32>,
    %get3A_1849 = arith.constant 1 : i32
    %get3A_1850 = arith.index_cast %get3A_1849 : i32 to index
    %get3A_1851 = arith.constant 32 : index
    %get3A_1852 = tpu.vector_load %arg10[%get3A_1850, %get3A_1851] {strides = array<i32>} : memref<2x128xf32, #tpu.memory_space<vmem>>, vector<1x16xf32>,
    %get3A_1853 = vector.shape_cast %get3A_1852 : vector<1x16xf32> to vector<16xf32>
    %get3A_1854 = arith.constant 127 : i32
    %get3A_1855 = arith.index_cast %get3A_1854 : i32 to index
    %get3A_1856 = arith.constant 32 : index
    %get3A_1857 = tpu.vector_load %arg9[%get3A_1855, %get3A_1856] {strides = array<i32>} : memref<128x128xf32, #tpu.memory_space<vmem>>, vector<1x16xf32>,
    %get3A_1858 = vector.shape_cast %get3A_1857 : vector<1x16xf32> to vector<16xf32>
    %add3A_1859 = arith.addf %get3A_1853, %get3A_1858 : vector<16xf32>
    %swap3A_1860 = arith.constant 127 : i32
    %swap3A_1861 = arith.index_cast %swap3A_1860 : i32 to index
    %swap3A_1862 = arith.constant 32 : index
    %swap3A_1863 = tpu.vector_load %arg14[%swap3A_1861, %swap3A_1862] {strides = array<i32>} : memref<128x128xf32, #tpu.memory_space<vmem>>, vector<1x16xf32>,
    %swap3A_1864 = vector.shape_cast %swap3A_1863 : vector<1x16xf32> to vector<16xf32>
    %swap3A_1865 = vector.shape_cast %add3A_1859 : vector<16xf32> to vector<1x16xf32>
    tpu.vector_store %arg14[%swap3A_1861, %swap3A_1862], %swap3A_1865 {strides = array<i32>} : memref<128x128xf32, #tpu.memory_space<vmem>>, vector<1x16xf32>,
    %get3A_1866 = arith.constant 0 : i32
    %get3A_1867 = arith.index_cast %get3A_1866 : i32 to index
    %get3A_1868 = arith.constant 48 : index
    %get3A_1869 = tpu.vector_load %arg10[%get3A_1867, %get3A_1868] {strides = array<i32>} : memref<2x128xf32, #tpu.memory_space<vmem>>, vector<1x16xf32>,
    %get3A_1870 = vector.shape_cast %get3A_1869 : vector<1x16xf32> to vector<16xf32>
    %get3A_1871 = arith.constant 122 : i32
    %get3A_1872 = arith.index_cast %get3A_1871 : i32 to index
    %get3A_1873 = arith.constant 48 : index
    %get3A_1874 = tpu.vector_load %arg9[%get3A_1872, %get3A_1873] {strides = array<i32>} : memref<128x128xf32, #tpu.memory_space<vmem>>, vector<1x16xf32>,
    %get3A_1875 = vector.shape_cast %get3A_1874 : vector<1x16xf32> to vector<16xf32>
    %add3A_1876 = arith.addf %get3A_1870, %get3A_1875 : vector<16xf32>
    %swap3A_1877 = arith.constant 122 : i32
    %swap3A_1878 = arith.index_cast %swap3A_1877 : i32 to index
    %swap3A_1879 = arith.constant 48 : index
    %swap3A_1880 = tpu.vector_load %arg14[%swap3A_1878, %swap3A_1879] {strides = array<i32>} : memref<128x128xf32, #tpu.memory_space<vmem>>, vector<1x16xf32>,
    %swap3A_1881 = vector.shape_cast %swap3A_1880 : vector<1x16xf32> to vector<16xf32>
    %swap3A_1882 = vector.shape_cast %add3A_1876 : vector<16xf32> to vector<1x16xf32>
    tpu.vector_store %arg14[%swap3A_1878, %swap3A_1879], %swap3A_1882 {strides = array<i32>} : memref<128x128xf32, #tpu.memory_space<vmem>>, vector<1x16xf32>,
    %get3A_1883 = arith.constant 1 : i32
    %get3A_1884 = arith.index_cast %get3A_1883 : i32 to index
    %get3A_1885 = arith.constant 48 : index
    %get3A_1886 = tpu.vector_load %arg10[%get3A_1884, %get3A_1885] {strides = array<i32>} : memref<2x128xf32, #tpu.memory_space<vmem>>, vector<1x16xf32>,
    %get3A_1887 = vector.shape_cast %get3A_1886 : vector<1x16xf32> to vector<16xf32>
    %get3A_1888 = arith.constant 124 : i32
    %get3A_1889 = arith.index_cast %get3A_1888 : i32 to index
    %get3A_1890 = arith.constant 48 : index
    %get3A_1891 = tpu.vector_load %arg9[%get3A_1889, %get3A_1890] {strides = array<i32>} : memref<128x128xf32, #tpu.memory_space<vmem>>, vector<1x16xf32>,
    %get3A_1892 = vector.shape_cast %get3A_1891 : vector<1x16xf32> to vector<16xf32>
    %add3A_1893 = arith.addf %get3A_1887, %get3A_1892 : vector<16xf32>
    %swap3A_1894 = arith.constant 124 : i32
    %swap3A_1895 = arith.index_cast %swap3A_1894 : i32 to index
    %swap3A_1896 = arith.constant 48 : index
    %swap3A_1897 = tpu.vector_load %arg14[%swap3A_1895, %swap3A_1896] {strides = array<i32>} : memref<128x128xf32, #tpu.memory_space<vmem>>, vector<1x16xf32>,
    %swap3A_1898 = vector.shape_cast %swap3A_1897 : vector<1x16xf32> to vector<16xf32>
    %swap3A_1899 = vector.shape_cast %add3A_1893 : vector<16xf32> to vector<1x16xf32>
    tpu.vector_store %arg14[%swap3A_1895, %swap3A_1896], %swap3A_1899 {strides = array<i32>} : memref<128x128xf32, #tpu.memory_space<vmem>>, vector<1x16xf32>,
    %get3A_1900 = arith.constant 0 : i32
    %get3A_1901 = arith.index_cast %get3A_1900 : i32 to index
    %get3A_1902 = arith.constant 48 : index
    %get3A_1903 = tpu.vector_load %arg10[%get3A_1901, %get3A_1902] {strides = array<i32>} : memref<2x128xf32, #tpu.memory_space<vmem>>, vector<1x16xf32>,
    %get3A_1904 = vector.shape_cast %get3A_1903 : vector<1x16xf32> to vector<16xf32>
    %get3A_1905 = arith.constant 125 : i32
    %get3A_1906 = arith.index_cast %get3A_1905 : i32 to index
    %get3A_1907 = arith.constant 48 : index
    %get3A_1908 = tpu.vector_load %arg9[%get3A_1906, %get3A_1907] {strides = array<i32>} : memref<128x128xf32, #tpu.memory_space<vmem>>, vector<1x16xf32>,
    %get3A_1909 = vector.shape_cast %get3A_1908 : vector<1x16xf32> to vector<16xf32>
    %add3A_1910 = arith.addf %get3A_1904, %get3A_1909 : vector<16xf32>
    %swap3A_1911 = arith.constant 125 : i32
    %swap3A_1912 = arith.index_cast %swap3A_1911 : i32 to index
    %swap3A_1913 = arith.constant 48 : index
    %swap3A_1914 = tpu.vector_load %arg14[%swap3A_1912, %swap3A_1913] {strides = array<i32>} : memref<128x128xf32, #tpu.memory_space<vmem>>, vector<1x16xf32>,
    %swap3A_1915 = vector.shape_cast %swap3A_1914 : vector<1x16xf32> to vector<16xf32>
    %swap3A_1916 = vector.shape_cast %add3A_1910 : vector<16xf32> to vector<1x16xf32>
    tpu.vector_store %arg14[%swap3A_1912, %swap3A_1913], %swap3A_1916 {strides = array<i32>} : memref<128x128xf32, #tpu.memory_space<vmem>>, vector<1x16xf32>,
    %get3A_1917 = arith.constant 1 : i32
    %get3A_1918 = arith.index_cast %get3A_1917 : i32 to index
    %get3A_1919 = arith.constant 48 : index
    %get3A_1920 = tpu.vector_load %arg10[%get3A_1918, %get3A_1919] {strides = array<i32>} : memref<2x128xf32, #tpu.memory_space<vmem>>, vector<1x16xf32>,
    %get3A_1921 = vector.shape_cast %get3A_1920 : vector<1x16xf32> to vector<16xf32>
    %get3A_1922 = arith.constant 127 : i32
    %get3A_1923 = arith.index_cast %get3A_1922 : i32 to index
    %get3A_1924 = arith.constant 48 : index
    %get3A_1925 = tpu.vector_load %arg9[%get3A_1923, %get3A_1924] {strides = array<i32>} : memref<128x128xf32, #tpu.memory_space<vmem>>, vector<1x16xf32>,
    %get3A_1926 = vector.shape_cast %get3A_1925 : vector<1x16xf32> to vector<16xf32>
    %add3A_1927 = arith.addf %get3A_1921, %get3A_1926 : vector<16xf32>
    %swap3A_1928 = arith.constant 127 : i32
    %swap3A_1929 = arith.index_cast %swap3A_1928 : i32 to index
    %swap3A_1930 = arith.constant 48 : index
    %swap3A_1931 = tpu.vector_load %arg14[%swap3A_1929, %swap3A_1930] {strides = array<i32>} : memref<128x128xf32, #tpu.memory_space<vmem>>, vector<1x16xf32>,
    %swap3A_1932 = vector.shape_cast %swap3A_1931 : vector<1x16xf32> to vector<16xf32>
    %swap3A_1933 = vector.shape_cast %add3A_1927 : vector<16xf32> to vector<1x16xf32>
    tpu.vector_store %arg14[%swap3A_1929, %swap3A_1930], %swap3A_1933 {strides = array<i32>} : memref<128x128xf32, #tpu.memory_space<vmem>>, vector<1x16xf32>,
    %get3A_1934 = arith.constant 0 : i32
    %get3A_1935 = arith.index_cast %get3A_1934 : i32 to index
    %get3A_1936 = arith.constant 64 : index
    %get3A_1937 = tpu.vector_load %arg10[%get3A_1935, %get3A_1936] {strides = array<i32>} : memref<2x128xf32, #tpu.memory_space<vmem>>, vector<1x16xf32>,
    %get3A_1938 = vector.shape_cast %get3A_1937 : vector<1x16xf32> to vector<16xf32>
    %get3A_1939 = arith.constant 122 : i32
    %get3A_1940 = arith.index_cast %get3A_1939 : i32 to index
    %get3A_1941 = arith.constant 64 : index
    %get3A_1942 = tpu.vector_load %arg9[%get3A_1940, %get3A_1941] {strides = array<i32>} : memref<128x128xf32, #tpu.memory_space<vmem>>, vector<1x16xf32>,
    %get3A_1943 = vector.shape_cast %get3A_1942 : vector<1x16xf32> to vector<16xf32>
    %add3A_1944 = arith.addf %get3A_1938, %get3A_1943 : vector<16xf32>
    %swap3A_1945 = arith.constant 122 : i32
    %swap3A_1946 = arith.index_cast %swap3A_1945 : i32 to index
    %swap3A_1947 = arith.constant 64 : index
    %swap3A_1948 = tpu.vector_load %arg14[%swap3A_1946, %swap3A_1947] {strides = array<i32>} : memref<128x128xf32, #tpu.memory_space<vmem>>, vector<1x16xf32>,
    %swap3A_1949 = vector.shape_cast %swap3A_1948 : vector<1x16xf32> to vector<16xf32>
    %swap3A_1950 = vector.shape_cast %add3A_1944 : vector<16xf32> to vector<1x16xf32>
    tpu.vector_store %arg14[%swap3A_1946, %swap3A_1947], %swap3A_1950 {strides = array<i32>} : memref<128x128xf32, #tpu.memory_space<vmem>>, vector<1x16xf32>,
    %get3A_1951 = arith.constant 1 : i32
    %get3A_1952 = arith.index_cast %get3A_1951 : i32 to index
    %get3A_1953 = arith.constant 64 : index
    %get3A_1954 = tpu.vector_load %arg10[%get3A_1952, %get3A_1953] {strides = array<i32>} : memref<2x128xf32, #tpu.memory_space<vmem>>, vector<1x16xf32>,
    %get3A_1955 = vector.shape_cast %get3A_1954 : vector<1x16xf32> to vector<16xf32>
    %get3A_1956 = arith.constant 124 : i32
    %get3A_1957 = arith.index_cast %get3A_1956 : i32 to index
    %get3A_1958 = arith.constant 64 : index
    %get3A_1959 = tpu.vector_load %arg9[%get3A_1957, %get3A_1958] {strides = array<i32>} : memref<128x128xf32, #tpu.memory_space<vmem>>, vector<1x16xf32>,
    %get3A_1960 = vector.shape_cast %get3A_1959 : vector<1x16xf32> to vector<16xf32>
    %add3A_1961 = arith.addf %get3A_1955, %get3A_1960 : vector<16xf32>
    %swap3A_1962 = arith.constant 124 : i32
    %swap3A_1963 = arith.index_cast %swap3A_1962 : i32 to index
    %swap3A_1964 = arith.constant 64 : index
    %swap3A_1965 = tpu.vector_load %arg14[%swap3A_1963, %swap3A_1964] {strides = array<i32>} : memref<128x128xf32, #tpu.memory_space<vmem>>, vector<1x16xf32>,
    %swap3A_1966 = vector.shape_cast %swap3A_1965 : vector<1x16xf32> to vector<16xf32>
    %swap3A_1967 = vector.shape_cast %add3A_1961 : vector<16xf32> to vector<1x16xf32>
    tpu.vector_store %arg14[%swap3A_1963, %swap3A_1964], %swap3A_1967 {strides = array<i32>} : memref<128x128xf32, #tpu.memory_space<vmem>>, vector<1x16xf32>,
    %get3A_1968 = arith.constant 0 : i32
    %get3A_1969 = arith.index_cast %get3A_1968 : i32 to index
    %get3A_1970 = arith.constant 64 : index
    %get3A_1971 = tpu.vector_load %arg10[%get3A_1969, %get3A_1970] {strides = array<i32>} : memref<2x128xf32, #tpu.memory_space<vmem>>, vector<1x16xf32>,
    %get3A_1972 = vector.shape_cast %get3A_1971 : vector<1x16xf32> to vector<16xf32>
    %get3A_1973 = arith.constant 125 : i32
    %get3A_1974 = arith.index_cast %get3A_1973 : i32 to index
    %get3A_1975 = arith.constant 64 : index
    %get3A_1976 = tpu.vector_load %arg9[%get3A_1974, %get3A_1975] {strides = array<i32>} : memref<128x128xf32, #tpu.memory_space<vmem>>, vector<1x16xf32>,
    %get3A_1977 = vector.shape_cast %get3A_1976 : vector<1x16xf32> to vector<16xf32>
    %add3A_1978 = arith.addf %get3A_1972, %get3A_1977 : vector<16xf32>
    %swap3A_1979 = arith.constant 125 : i32
    %swap3A_1980 = arith.index_cast %swap3A_1979 : i32 to index
    %swap3A_1981 = arith.constant 64 : index
    %swap3A_1982 = tpu.vector_load %arg14[%swap3A_1980, %swap3A_1981] {strides = array<i32>} : memref<128x128xf32, #tpu.memory_space<vmem>>, vector<1x16xf32>,
    %swap3A_1983 = vector.shape_cast %swap3A_1982 : vector<1x16xf32> to vector<16xf32>
    %swap3A_1984 = vector.shape_cast %add3A_1978 : vector<16xf32> to vector<1x16xf32>
    tpu.vector_store %arg14[%swap3A_1980, %swap3A_1981], %swap3A_1984 {strides = array<i32>} : memref<128x128xf32, #tpu.memory_space<vmem>>, vector<1x16xf32>,
    %get3A_1985 = arith.constant 1 : i32
    %get3A_1986 = arith.index_cast %get3A_1985 : i32 to index
    %get3A_1987 = arith.constant 64 : index
    %get3A_1988 = tpu.vector_load %arg10[%get3A_1986, %get3A_1987] {strides = array<i32>} : memref<2x128xf32, #tpu.memory_space<vmem>>, vector<1x16xf32>,
    %get3A_1989 = vector.shape_cast %get3A_1988 : vector<1x16xf32> to vector<16xf32>
    %get3A_1990 = arith.constant 127 : i32
    %get3A_1991 = arith.index_cast %get3A_1990 : i32 to index
    %get3A_1992 = arith.constant 64 : index
    %get3A_1993 = tpu.vector_load %arg9[%get3A_1991, %get3A_1992] {strides = array<i32>} : memref<128x128xf32, #tpu.memory_space<vmem>>, vector<1x16xf32>,
    %get3A_1994 = vector.shape_cast %get3A_1993 : vector<1x16xf32> to vector<16xf32>
    %add3A_1995 = arith.addf %get3A_1989, %get3A_1994 : vector<16xf32>
    %swap3A_1996 = arith.constant 127 : i32
    %swap3A_1997 = arith.index_cast %swap3A_1996 : i32 to index
    %swap3A_1998 = arith.constant 64 : index
    %swap3A_1999 = tpu.vector_load %arg14[%swap3A_1997, %swap3A_1998] {strides = array<i32>} : memref<128x128xf32, #tpu.memory_space<vmem>>, vector<1x16xf32>,
    %swap3A_2000 = vector.shape_cast %swap3A_1999 : vector<1x16xf32> to vector<16xf32>
    %swap3A_2001 = vector.shape_cast %add3A_1995 : vector<16xf32> to vector<1x16xf32>
    tpu.vector_store %arg14[%swap3A_1997, %swap3A_1998], %swap3A_2001 {strides = array<i32>} : memref<128x128xf32, #tpu.memory_space<vmem>>, vector<1x16xf32>,
    %get3A_2002 = arith.constant 0 : i32
    %get3A_2003 = arith.index_cast %get3A_2002 : i32 to index
    %get3A_2004 = arith.constant 80 : index
    %get3A_2005 = tpu.vector_load %arg10[%get3A_2003, %get3A_2004] {strides = array<i32>} : memref<2x128xf32, #tpu.memory_space<vmem>>, vector<1x16xf32>,
    %get3A_2006 = vector.shape_cast %get3A_2005 : vector<1x16xf32> to vector<16xf32>
    %get3A_2007 = arith.constant 122 : i32
    %get3A_2008 = arith.index_cast %get3A_2007 : i32 to index
    %get3A_2009 = arith.constant 80 : index
    %get3A_2010 = tpu.vector_load %arg9[%get3A_2008, %get3A_2009] {strides = array<i32>} : memref<128x128xf32, #tpu.memory_space<vmem>>, vector<1x16xf32>,
    %get3A_2011 = vector.shape_cast %get3A_2010 : vector<1x16xf32> to vector<16xf32>
    %add3A_2012 = arith.addf %get3A_2006, %get3A_2011 : vector<16xf32>
    %swap3A_2013 = arith.constant 122 : i32
    %swap3A_2014 = arith.index_cast %swap3A_2013 : i32 to index
    %swap3A_2015 = arith.constant 80 : index
    %swap3A_2016 = tpu.vector_load %arg14[%swap3A_2014, %swap3A_2015] {strides = array<i32>} : memref<128x128xf32, #tpu.memory_space<vmem>>, vector<1x16xf32>,
    %swap3A_2017 = vector.shape_cast %swap3A_2016 : vector<1x16xf32> to vector<16xf32>
    %swap3A_2018 = vector.shape_cast %add3A_2012 : vector<16xf32> to vector<1x16xf32>
    tpu.vector_store %arg14[%swap3A_2014, %swap3A_2015], %swap3A_2018 {strides = array<i32>} : memref<128x128xf32, #tpu.memory_space<vmem>>, vector<1x16xf32>,
    %get3A_2019 = arith.constant 1 : i32
    %get3A_2020 = arith.index_cast %get3A_2019 : i32 to index
    %get3A_2021 = arith.constant 80 : index
    %get3A_2022 = tpu.vector_load %arg10[%get3A_2020, %get3A_2021] {strides = array<i32>} : memref<2x128xf32, #tpu.memory_space<vmem>>, vector<1x16xf32>,
    %get3A_2023 = vector.shape_cast %get3A_2022 : vector<1x16xf32> to vector<16xf32>
    %get3A_2024 = arith.constant 124 : i32
    %get3A_2025 = arith.index_cast %get3A_2024 : i32 to index
    %get3A_2026 = arith.constant 80 : index
    %get3A_2027 = tpu.vector_load %arg9[%get3A_2025, %get3A_2026] {strides = array<i32>} : memref<128x128xf32, #tpu.memory_space<vmem>>, vector<1x16xf32>,
    %get3A_2028 = vector.shape_cast %get3A_2027 : vector<1x16xf32> to vector<16xf32>
    %add3A_2029 = arith.addf %get3A_2023, %get3A_2028 : vector<16xf32>
    %swap3A_2030 = arith.constant 124 : i32
    %swap3A_2031 = arith.index_cast %swap3A_2030 : i32 to index
    %swap3A_2032 = arith.constant 80 : index
    %swap3A_2033 = tpu.vector_load %arg14[%swap3A_2031, %swap3A_2032] {strides = array<i32>} : memref<128x128xf32, #tpu.memory_space<vmem>>, vector<1x16xf32>,
    %swap3A_2034 = vector.shape_cast %swap3A_2033 : vector<1x16xf32> to vector<16xf32>
    %swap3A_2035 = vector.shape_cast %add3A_2029 : vector<16xf32> to vector<1x16xf32>
    tpu.vector_store %arg14[%swap3A_2031, %swap3A_2032], %swap3A_2035 {strides = array<i32>} : memref<128x128xf32, #tpu.memory_space<vmem>>, vector<1x16xf32>,
    %get3A_2036 = arith.constant 0 : i32
    %get3A_2037 = arith.index_cast %get3A_2036 : i32 to index
    %get3A_2038 = arith.constant 80 : index
    %get3A_2039 = tpu.vector_load %arg10[%get3A_2037, %get3A_2038] {strides = array<i32>} : memref<2x128xf32, #tpu.memory_space<vmem>>, vector<1x16xf32>,
    %get3A_2040 = vector.shape_cast %get3A_2039 : vector<1x16xf32> to vector<16xf32>
    %get3A_2041 = arith.constant 125 : i32
    %get3A_2042 = arith.index_cast %get3A_2041 : i32 to index
    %get3A_2043 = arith.constant 80 : index
    %get3A_2044 = tpu.vector_load %arg9[%get3A_2042, %get3A_2043] {strides = array<i32>} : memref<128x128xf32, #tpu.memory_space<vmem>>, vector<1x16xf32>,
    %get3A_2045 = vector.shape_cast %get3A_2044 : vector<1x16xf32> to vector<16xf32>
    %add3A_2046 = arith.addf %get3A_2040, %get3A_2045 : vector<16xf32>
    %swap3A_2047 = arith.constant 125 : i32
    %swap3A_2048 = arith.index_cast %swap3A_2047 : i32 to index
    %swap3A_2049 = arith.constant 80 : index
    %swap3A_2050 = tpu.vector_load %arg14[%swap3A_2048, %swap3A_2049] {strides = array<i32>} : memref<128x128xf32, #tpu.memory_space<vmem>>, vector<1x16xf32>,
    %swap3A_2051 = vector.shape_cast %swap3A_2050 : vector<1x16xf32> to vector<16xf32>
    %swap3A_2052 = vector.shape_cast %add3A_2046 : vector<16xf32> to vector<1x16xf32>
    tpu.vector_store %arg14[%swap3A_2048, %swap3A_2049], %swap3A_2052 {strides = array<i32>} : memref<128x128xf32, #tpu.memory_space<vmem>>, vector<1x16xf32>,
    %get3A_2053 = arith.constant 1 : i32
    %get3A_2054 = arith.index_cast %get3A_2053 : i32 to index
    %get3A_2055 = arith.constant 80 : index
    %get3A_2056 = tpu.vector_load %arg10[%get3A_2054, %get3A_2055] {strides = array<i32>} : memref<2x128xf32, #tpu.memory_space<vmem>>, vector<1x16xf32>,
    %get3A_2057 = vector.shape_cast %get3A_2056 : vector<1x16xf32> to vector<16xf32>
    %get3A_2058 = arith.constant 127 : i32
    %get3A_2059 = arith.index_cast %get3A_2058 : i32 to index
    %get3A_2060 = arith.constant 80 : index
    %get3A_2061 = tpu.vector_load %arg9[%get3A_2059, %get3A_2060] {strides = array<i32>} : memref<128x128xf32, #tpu.memory_space<vmem>>, vector<1x16xf32>,
    %get3A_2062 = vector.shape_cast %get3A_2061 : vector<1x16xf32> to vector<16xf32>
    %add3A_2063 = arith.addf %get3A_2057, %get3A_2062 : vector<16xf32>
    %swap3A_2064 = arith.constant 127 : i32
    %swap3A_2065 = arith.index_cast %swap3A_2064 : i32 to index
    %swap3A_2066 = arith.constant 80 : index
    %swap3A_2067 = tpu.vector_load %arg14[%swap3A_2065, %swap3A_2066] {strides = array<i32>} : memref<128x128xf32, #tpu.memory_space<vmem>>, vector<1x16xf32>,
    %swap3A_2068 = vector.shape_cast %swap3A_2067 : vector<1x16xf32> to vector<16xf32>
    %swap3A_2069 = vector.shape_cast %add3A_2063 : vector<16xf32> to vector<1x16xf32>
    tpu.vector_store %arg14[%swap3A_2065, %swap3A_2066], %swap3A_2069 {strides = array<i32>} : memref<128x128xf32, #tpu.memory_space<vmem>>, vector<1x16xf32>,
    %get3A_2070 = arith.constant 0 : i32
    %get3A_2071 = arith.index_cast %get3A_2070 : i32 to index
    %get3A_2072 = arith.constant 96 : index
    %get3A_2073 = tpu.vector_load %arg10[%get3A_2071, %get3A_2072] {strides = array<i32>} : memref<2x128xf32, #tpu.memory_space<vmem>>, vector<1x16xf32>,
    %get3A_2074 = vector.shape_cast %get3A_2073 : vector<1x16xf32> to vector<16xf32>
    %get3A_2075 = arith.constant 122 : i32
    %get3A_2076 = arith.index_cast %get3A_2075 : i32 to index
    %get3A_2077 = arith.constant 96 : index
    %get3A_2078 = tpu.vector_load %arg9[%get3A_2076, %get3A_2077] {strides = array<i32>} : memref<128x128xf32, #tpu.memory_space<vmem>>, vector<1x16xf32>,
    %get3A_2079 = vector.shape_cast %get3A_2078 : vector<1x16xf32> to vector<16xf32>
    %add3A_2080 = arith.addf %get3A_2074, %get3A_2079 : vector<16xf32>
    %swap3A_2081 = arith.constant 122 : i32
    %swap3A_2082 = arith.index_cast %swap3A_2081 : i32 to index
    %swap3A_2083 = arith.constant 96 : index
    %swap3A_2084 = tpu.vector_load %arg14[%swap3A_2082, %swap3A_2083] {strides = array<i32>} : memref<128x128xf32, #tpu.memory_space<vmem>>, vector<1x16xf32>,
    %swap3A_2085 = vector.shape_cast %swap3A_2084 : vector<1x16xf32> to vector<16xf32>
    %swap3A_2086 = vector.shape_cast %add3A_2080 : vector<16xf32> to vector<1x16xf32>
    tpu.vector_store %arg14[%swap3A_2082, %swap3A_2083], %swap3A_2086 {strides = array<i32>} : memref<128x128xf32, #tpu.memory_space<vmem>>, vector<1x16xf32>,
    %get3A_2087 = arith.constant 1 : i32
    %get3A_2088 = arith.index_cast %get3A_2087 : i32 to index
    %get3A_2089 = arith.constant 96 : index
    %get3A_2090 = tpu.vector_load %arg10[%get3A_2088, %get3A_2089] {strides = array<i32>} : memref<2x128xf32, #tpu.memory_space<vmem>>, vector<1x16xf32>,
    %get3A_2091 = vector.shape_cast %get3A_2090 : vector<1x16xf32> to vector<16xf32>
    %get3A_2092 = arith.constant 124 : i32
    %get3A_2093 = arith.index_cast %get3A_2092 : i32 to index
    %get3A_2094 = arith.constant 96 : index
    %get3A_2095 = tpu.vector_load %arg9[%get3A_2093, %get3A_2094] {strides = array<i32>} : memref<128x128xf32, #tpu.memory_space<vmem>>, vector<1x16xf32>,
    %get3A_2096 = vector.shape_cast %get3A_2095 : vector<1x16xf32> to vector<16xf32>
    %add3A_2097 = arith.addf %get3A_2091, %get3A_2096 : vector<16xf32>
    %swap3A_2098 = arith.constant 124 : i32
    %swap3A_2099 = arith.index_cast %swap3A_2098 : i32 to index
    %swap3A_2100 = arith.constant 96 : index
    %swap3A_2101 = tpu.vector_load %arg14[%swap3A_2099, %swap3A_2100] {strides = array<i32>} : memref<128x128xf32, #tpu.memory_space<vmem>>, vector<1x16xf32>,
    %swap3A_2102 = vector.shape_cast %swap3A_2101 : vector<1x16xf32> to vector<16xf32>
    %swap3A_2103 = vector.shape_cast %add3A_2097 : vector<16xf32> to vector<1x16xf32>
    tpu.vector_store %arg14[%swap3A_2099, %swap3A_2100], %swap3A_2103 {strides = array<i32>} : memref<128x128xf32, #tpu.memory_space<vmem>>, vector<1x16xf32>,
    %get3A_2104 = arith.constant 0 : i32
    %get3A_2105 = arith.index_cast %get3A_2104 : i32 to index
    %get3A_2106 = arith.constant 96 : index
    %get3A_2107 = tpu.vector_load %arg10[%get3A_2105, %get3A_2106] {strides = array<i32>} : memref<2x128xf32, #tpu.memory_space<vmem>>, vector<1x16xf32>,
    %get3A_2108 = vector.shape_cast %get3A_2107 : vector<1x16xf32> to vector<16xf32>
    %get3A_2109 = arith.constant 125 : i32
    %get3A_2110 = arith.index_cast %get3A_2109 : i32 to index
    %get3A_2111 = arith.constant 96 : index
    %get3A_2112 = tpu.vector_load %arg9[%get3A_2110, %get3A_2111] {strides = array<i32>} : memref<128x128xf32, #tpu.memory_space<vmem>>, vector<1x16xf32>,
    %get3A_2113 = vector.shape_cast %get3A_2112 : vector<1x16xf32> to vector<16xf32>
    %add3A_2114 = arith.addf %get3A_2108, %get3A_2113 : vector<16xf32>
    %swap3A_2115 = arith.constant 125 : i32
    %swap3A_2116 = arith.index_cast %swap3A_2115 : i32 to index
    %swap3A_2117 = arith.constant 96 : index
    %swap3A_2118 = tpu.vector_load %arg14[%swap3A_2116, %swap3A_2117] {strides = array<i32>} : memref<128x128xf32, #tpu.memory_space<vmem>>, vector<1x16xf32>,
    %swap3A_2119 = vector.shape_cast %swap3A_2118 : vector<1x16xf32> to vector<16xf32>
    %swap3A_2120 = vector.shape_cast %add3A_2114 : vector<16xf32> to vector<1x16xf32>
    tpu.vector_store %arg14[%swap3A_2116, %swap3A_2117], %swap3A_2120 {strides = array<i32>} : memref<128x128xf32, #tpu.memory_space<vmem>>, vector<1x16xf32>,
    %get3A_2121 = arith.constant 1 : i32
    %get3A_2122 = arith.index_cast %get3A_2121 : i32 to index
    %get3A_2123 = arith.constant 96 : index
    %get3A_2124 = tpu.vector_load %arg10[%get3A_2122, %get3A_2123] {strides = array<i32>} : memref<2x128xf32, #tpu.memory_space<vmem>>, vector<1x16xf32>,
    %get3A_2125 = vector.shape_cast %get3A_2124 : vector<1x16xf32> to vector<16xf32>
    %get3A_2126 = arith.constant 127 : i32
    %get3A_2127 = arith.index_cast %get3A_2126 : i32 to index
    %get3A_2128 = arith.constant 96 : index
    %get3A_2129 = tpu.vector_load %arg9[%get3A_2127, %get3A_2128] {strides = array<i32>} : memref<128x128xf32, #tpu.memory_space<vmem>>, vector<1x16xf32>,
    %get3A_2130 = vector.shape_cast %get3A_2129 : vector<1x16xf32> to vector<16xf32>
    %add3A_2131 = arith.addf %get3A_2125, %get3A_2130 : vector<16xf32>
    %swap3A_2132 = arith.constant 127 : i32
    %swap3A_2133 = arith.index_cast %swap3A_2132 : i32 to index
    %swap3A_2134 = arith.constant 96 : index
    %swap3A_2135 = tpu.vector_load %arg14[%swap3A_2133, %swap3A_2134] {strides = array<i32>} : memref<128x128xf32, #tpu.memory_space<vmem>>, vector<1x16xf32>,
    %swap3A_2136 = vector.shape_cast %swap3A_2135 : vector<1x16xf32> to vector<16xf32>
    %swap3A_2137 = vector.shape_cast %add3A_2131 : vector<16xf32> to vector<1x16xf32>
    tpu.vector_store %arg14[%swap3A_2133, %swap3A_2134], %swap3A_2137 {strides = array<i32>} : memref<128x128xf32, #tpu.memory_space<vmem>>, vector<1x16xf32>,
    %get3A_2138 = arith.constant 0 : i32
    %get3A_2139 = arith.index_cast %get3A_2138 : i32 to index
    %get3A_2140 = arith.constant 112 : index
    %get3A_2141 = tpu.vector_load %arg10[%get3A_2139, %get3A_2140] {strides = array<i32>} : memref<2x128xf32, #tpu.memory_space<vmem>>, vector<1x16xf32>,
    %get3A_2142 = vector.shape_cast %get3A_2141 : vector<1x16xf32> to vector<16xf32>
    %get3A_2143 = arith.constant 122 : i32
    %get3A_2144 = arith.index_cast %get3A_2143 : i32 to index
    %get3A_2145 = arith.constant 112 : index
    %get3A_2146 = tpu.vector_load %arg9[%get3A_2144, %get3A_2145] {strides = array<i32>} : memref<128x128xf32, #tpu.memory_space<vmem>>, vector<1x16xf32>,
    %get3A_2147 = vector.shape_cast %get3A_2146 : vector<1x16xf32> to vector<16xf32>
    %add3A_2148 = arith.addf %get3A_2142, %get3A_2147 : vector<16xf32>
    %swap3A_2149 = arith.constant 122 : i32
    %swap3A_2150 = arith.index_cast %swap3A_2149 : i32 to index
    %swap3A_2151 = arith.constant 112 : index
    %swap3A_2152 = tpu.vector_load %arg14[%swap3A_2150, %swap3A_2151] {strides = array<i32>} : memref<128x128xf32, #tpu.memory_space<vmem>>, vector<1x16xf32>,
    %swap3A_2153 = vector.shape_cast %swap3A_2152 : vector<1x16xf32> to vector<16xf32>
    %swap3A_2154 = vector.shape_cast %add3A_2148 : vector<16xf32> to vector<1x16xf32>
    tpu.vector_store %arg14[%swap3A_2150, %swap3A_2151], %swap3A_2154 {strides = array<i32>} : memref<128x128xf32, #tpu.memory_space<vmem>>, vector<1x16xf32>,
    %get3A_2155 = arith.constant 1 : i32
    %get3A_2156 = arith.index_cast %get3A_2155 : i32 to index
    %get3A_2157 = arith.constant 112 : index
    %get3A_2158 = tpu.vector_load %arg10[%get3A_2156, %get3A_2157] {strides = array<i32>} : memref<2x128xf32, #tpu.memory_space<vmem>>, vector<1x16xf32>,
    %get3A_2159 = vector.shape_cast %get3A_2158 : vector<1x16xf32> to vector<16xf32>
    %get3A_2160 = arith.constant 124 : i32
    %get3A_2161 = arith.index_cast %get3A_2160 : i32 to index
    %get3A_2162 = arith.constant 112 : index
    %get3A_2163 = tpu.vector_load %arg9[%get3A_2161, %get3A_2162] {strides = array<i32>} : memref<128x128xf32, #tpu.memory_space<vmem>>, vector<1x16xf32>,
    %get3A_2164 = vector.shape_cast %get3A_2163 : vector<1x16xf32> to vector<16xf32>
    %add3A_2165 = arith.addf %get3A_2159, %get3A_2164 : vector<16xf32>
    %swap3A_2166 = arith.constant 124 : i32
    %swap3A_2167 = arith.index_cast %swap3A_2166 : i32 to index
    %swap3A_2168 = arith.constant 112 : index
    %swap3A_2169 = tpu.vector_load %arg14[%swap3A_2167, %swap3A_2168] {strides = array<i32>} : memref<128x128xf32, #tpu.memory_space<vmem>>, vector<1x16xf32>,
    %swap3A_2170 = vector.shape_cast %swap3A_2169 : vector<1x16xf32> to vector<16xf32>
    %swap3A_2171 = vector.shape_cast %add3A_2165 : vector<16xf32> to vector<1x16xf32>
    tpu.vector_store %arg14[%swap3A_2167, %swap3A_2168], %swap3A_2171 {strides = array<i32>} : memref<128x128xf32, #tpu.memory_space<vmem>>, vector<1x16xf32>,
    %get3A_2172 = arith.constant 0 : i32
    %get3A_2173 = arith.index_cast %get3A_2172 : i32 to index
    %get3A_2174 = arith.constant 112 : index
    %get3A_2175 = tpu.vector_load %arg10[%get3A_2173, %get3A_2174] {strides = array<i32>} : memref<2x128xf32, #tpu.memory_space<vmem>>, vector<1x16xf32>,
    %get3A_2176 = vector.shape_cast %get3A_2175 : vector<1x16xf32> to vector<16xf32>
    %get3A_2177 = arith.constant 125 : i32
    %get3A_2178 = arith.index_cast %get3A_2177 : i32 to index
    %get3A_2179 = arith.constant 112 : index
    %get3A_2180 = tpu.vector_load %arg9[%get3A_2178, %get3A_2179] {strides = array<i32>} : memref<128x128xf32, #tpu.memory_space<vmem>>, vector<1x16xf32>,
    %get3A_2181 = vector.shape_cast %get3A_2180 : vector<1x16xf32> to vector<16xf32>
    %add3A_2182 = arith.addf %get3A_2176, %get3A_2181 : vector<16xf32>
    %swap3A_2183 = arith.constant 125 : i32
    %swap3A_2184 = arith.index_cast %swap3A_2183 : i32 to index
    %swap3A_2185 = arith.constant 112 : index
    %swap3A_2186 = tpu.vector_load %arg14[%swap3A_2184, %swap3A_2185] {strides = array<i32>} : memref<128x128xf32, #tpu.memory_space<vmem>>, vector<1x16xf32>,
    %swap3A_2187 = vector.shape_cast %swap3A_2186 : vector<1x16xf32> to vector<16xf32>
    %swap3A_2188 = vector.shape_cast %add3A_2182 : vector<16xf32> to vector<1x16xf32>
    tpu.vector_store %arg14[%swap3A_2184, %swap3A_2185], %swap3A_2188 {strides = array<i32>} : memref<128x128xf32, #tpu.memory_space<vmem>>, vector<1x16xf32>,
    %get3A_2189 = arith.constant 1 : i32
    %get3A_2190 = arith.index_cast %get3A_2189 : i32 to index
    %get3A_2191 = arith.constant 112 : index
    %get3A_2192 = tpu.vector_load %arg10[%get3A_2190, %get3A_2191] {strides = array<i32>} : memref<2x128xf32, #tpu.memory_space<vmem>>, vector<1x16xf32>,
    %get3A_2193 = vector.shape_cast %get3A_2192 : vector<1x16xf32> to vector<16xf32>
    %get3A_2194 = arith.constant 127 : i32
    %get3A_2195 = arith.index_cast %get3A_2194 : i32 to index
    %get3A_2196 = arith.constant 112 : index
    %get3A_2197 = tpu.vector_load %arg9[%get3A_2195, %get3A_2196] {strides = array<i32>} : memref<128x128xf32, #tpu.memory_space<vmem>>, vector<1x16xf32>,
    %get3A_2198 = vector.shape_cast %get3A_2197 : vector<1x16xf32> to vector<16xf32>
    %add3A_2199 = arith.addf %get3A_2193, %get3A_2198 : vector<16xf32>
    %swap3A_2200 = arith.constant 127 : i32
    %swap3A_2201 = arith.index_cast %swap3A_2200 : i32 to index
    %swap3A_2202 = arith.constant 112 : index
    %swap3A_2203 = tpu.vector_load %arg14[%swap3A_2201, %swap3A_2202] {strides = array<i32>} : memref<128x128xf32, #tpu.memory_space<vmem>>, vector<1x16xf32>,
    %swap3A_2204 = vector.shape_cast %swap3A_2203 : vector<1x16xf32> to vector<16xf32>
    %swap3A_2205 = vector.shape_cast %add3A_2199 : vector<16xf32> to vector<1x16xf32>
    tpu.vector_store %arg14[%swap3A_2201, %swap3A_2202], %swap3A_2205 {strides = array<i32>} : memref<128x128xf32, #tpu.memory_space<vmem>>, vector<1x16xf32>,
    %scan3A = arith.constant 0 : i32
    %scan3A_2206 = arith.constant 0 : i32
    %scan3A_2207 = arith.constant 8 : i32
    %scan3A_2208 = arith.addi %scan3A_2206, %scan3A_2207 : i32
    %scan3A_2209 = arith.constant 1 : i32
    scf.for %scan3A_2242 = %scan3A_2206 to %scan3A_2208 step %scan3A_2209  : i32 {
      %mul3A_2243 = arith.constant 4 : i32
      %mul3A_2244 = arith.muli %scan3A_2242, %mul3A_2243 : i32
      %add3A_2245 = arith.constant 0 : i32
      %add3A_2246 = arith.addi %mul3A_2244, %add3A_2245 : i32
      %dma_wait3A_2247 = arith.constant 0 : i32
      %dma_wait3A_2248 = arith.constant 0 : i32
      %dma_wait3A_2249 = tpu.memref_slice %arg11[%dma_wait3A_2247, %dma_wait3A_2248] : memref<128x128xf32, #tpu.memory_space<vmem>> -> memref<122x128xf32, #tpu.memory_space<vmem>>
      %dma_wait3A_2250 = arith.constant 0 : i32
      %dma_wait3A_2251 = tpu.memref_slice %arg7[%add3A_2246, %dma_wait3A_2250] : memref<32x128xi32, #tpu.memory_space<vmem>> -> memref<1x122xi32, #tpu.memory_space<vmem>>
      %dma_wait3A_2252 = tpu.memref_squeeze %dma_wait3A_2251 : memref<1x122xi32, #tpu.memory_space<vmem>> -> memref<122xi32, #tpu.memory_space<vmem>>
      %dma_wait3A_2253 = arith.constant 0 : i32
      %dma_wait3A_2254 = arith.constant 0 : i32
      %dma_wait3A_2255 = tpu.memref_slice %arg3[%dma_wait3A_2253, %dma_wait3A_2254] : memref<100000x128xf32, #tpu.memory_space<hbm>> -> memref<100000x128xf32, #tpu.memory_space<hbm>>
      tpu.wait_indirect_dma semaphore(%arg15 : memref<!tpu.dma_semaphore, #tpu.memory_space<semaphore_mem>>) src(%dma_wait3A_2255 : memref<100000x128xf32, #tpu.memory_space<hbm>>) dst(%dma_wait3A_2249 : memref<122x128xf32, #tpu.memory_space<vmem>>)
      %scan3A_2256 = arith.constant 0 : i32
      %scan3A_2257 = arith.constant 0 : i32
      %scan3A_2258 = arith.constant 61 : i32
      %scan3A_2259 = arith.addi %scan3A_2257, %scan3A_2258 : i32
      %scan3A_2260 = arith.constant 1 : i32
      scf.for %scan3A_3178 = %scan3A_2257 to %scan3A_2259 step %scan3A_2260  : i32 {
        %mul3A_3179 = arith.constant 2 : i32
        %mul3A_3180 = arith.muli %scan3A_3178, %mul3A_3179 : i32
        %add3A_3181 = arith.constant 0 : i32
        %add3A_3182 = arith.addi %mul3A_3180, %add3A_3181 : i32
        %get3A_3183 = arith.index_cast %add3A_3182 : i32 to index
        %get3A_3184 = arith.constant 0 : index
        %get3A_3185 = tpu.vector_load %arg11[%get3A_3183, %get3A_3184] {strides = array<i32>} : memref<128x128xf32, #tpu.memory_space<vmem>>, vector<1x16xf32>,
        %get3A_3186 = vector.shape_cast %get3A_3185 : vector<1x16xf32> to vector<16xf32>
        %get3A_3187 = arith.index_cast %add3A_3182 : i32 to index
        %get3A_3188 = arith.constant 0 : index
        %get3A_3189 = tpu.vector_load %arg9[%get3A_3187, %get3A_3188] {strides = array<i32>} : memref<128x128xf32, #tpu.memory_space<vmem>>, vector<1x16xf32>,
        %get3A_3190 = vector.shape_cast %get3A_3189 : vector<1x16xf32> to vector<16xf32>
        %add3A_3191 = arith.addf %get3A_3186, %get3A_3190 : vector<16xf32>
        %swap3A_3192 = arith.index_cast %add3A_3182 : i32 to index
        %swap3A_3193 = arith.constant 0 : index
        %swap3A_3194 = tpu.vector_load %arg11[%swap3A_3192, %swap3A_3193] {strides = array<i32>} : memref<128x128xf32, #tpu.memory_space<vmem>>, vector<1x16xf32>,
        %swap3A_3195 = vector.shape_cast %swap3A_3194 : vector<1x16xf32> to vector<16xf32>
        %swap3A_3196 = vector.shape_cast %add3A_3191 : vector<16xf32> to vector<1x16xf32>
        tpu.vector_store %arg11[%swap3A_3192, %swap3A_3193], %swap3A_3196 {strides = array<i32>} : memref<128x128xf32, #tpu.memory_space<vmem>>, vector<1x16xf32>,
        %get3A_3197 = arith.index_cast %add3A_3182 : i32 to index
        %get3A_3198 = arith.constant 16 : index
        %get3A_3199 = tpu.vector_load %arg11[%get3A_3197, %get3A_3198] {strides = array<i32>} : memref<128x128xf32, #tpu.memory_space<vmem>>, vector<1x16xf32>,
        %get3A_3200 = vector.shape_cast %get3A_3199 : vector<1x16xf32> to vector<16xf32>
        %get3A_3201 = arith.index_cast %add3A_3182 : i32 to index
        %get3A_3202 = arith.constant 16 : index
        %get3A_3203 = tpu.vector_load %arg9[%get3A_3201, %get3A_3202] {strides = array<i32>} : memref<128x128xf32, #tpu.memory_space<vmem>>, vector<1x16xf32>,
        %get3A_3204 = vector.shape_cast %get3A_3203 : vector<1x16xf32> to vector<16xf32>
        %add3A_3205 = arith.addf %get3A_3200, %get3A_3204 : vector<16xf32>
        %swap3A_3206 = arith.index_cast %add3A_3182 : i32 to index
        %swap3A_3207 = arith.constant 16 : index
        %swap3A_3208 = tpu.vector_load %arg11[%swap3A_3206, %swap3A_3207] {strides = array<i32>} : memref<128x128xf32, #tpu.memory_space<vmem>>, vector<1x16xf32>,
        %swap3A_3209 = vector.shape_cast %swap3A_3208 : vector<1x16xf32> to vector<16xf32>
        %swap3A_3210 = vector.shape_cast %add3A_3205 : vector<16xf32> to vector<1x16xf32>
        tpu.vector_store %arg11[%swap3A_3206, %swap3A_3207], %swap3A_3210 {strides = array<i32>} : memref<128x128xf32, #tpu.memory_space<vmem>>, vector<1x16xf32>,
        %get3A_3211 = arith.index_cast %add3A_3182 : i32 to index
        %get3A_3212 = arith.constant 32 : index
        %get3A_3213 = tpu.vector_load %arg11[%get3A_3211, %get3A_3212] {strides = array<i32>} : memref<128x128xf32, #tpu.memory_space<vmem>>, vector<1x16xf32>,
        %get3A_3214 = vector.shape_cast %get3A_3213 : vector<1x16xf32> to vector<16xf32>
        %get3A_3215 = arith.index_cast %add3A_3182 : i32 to index
        %get3A_3216 = arith.constant 32 : index
        %get3A_3217 = tpu.vector_load %arg9[%get3A_3215, %get3A_3216] {strides = array<i32>} : memref<128x128xf32, #tpu.memory_space<vmem>>, vector<1x16xf32>,
        %get3A_3218 = vector.shape_cast %get3A_3217 : vector<1x16xf32> to vector<16xf32>
        %add3A_3219 = arith.addf %get3A_3214, %get3A_3218 : vector<16xf32>
        %swap3A_3220 = arith.index_cast %add3A_3182 : i32 to index
        %swap3A_3221 = arith.constant 32 : index
        %swap3A_3222 = tpu.vector_load %arg11[%swap3A_3220, %swap3A_3221] {strides = array<i32>} : memref<128x128xf32, #tpu.memory_space<vmem>>, vector<1x16xf32>,
        %swap3A_3223 = vector.shape_cast %swap3A_3222 : vector<1x16xf32> to vector<16xf32>
        %swap3A_3224 = vector.shape_cast %add3A_3219 : vector<16xf32> to vector<1x16xf32>
        tpu.vector_store %arg11[%swap3A_3220, %swap3A_3221], %swap3A_3224 {strides = array<i32>} : memref<128x128xf32, #tpu.memory_space<vmem>>, vector<1x16xf32>,
        %get3A_3225 = arith.index_cast %add3A_3182 : i32 to index
        %get3A_3226 = arith.constant 48 : index
        %get3A_3227 = tpu.vector_load %arg11[%get3A_3225, %get3A_3226] {strides = array<i32>} : memref<128x128xf32, #tpu.memory_space<vmem>>, vector<1x16xf32>,
        %get3A_3228 = vector.shape_cast %get3A_3227 : vector<1x16xf32> to vector<16xf32>
        %get3A_3229 = arith.index_cast %add3A_3182 : i32 to index
        %get3A_3230 = arith.constant 48 : index
        %get3A_3231 = tpu.vector_load %arg9[%get3A_3229, %get3A_3230] {strides = array<i32>} : memref<128x128xf32, #tpu.memory_space<vmem>>, vector<1x16xf32>,
        %get3A_3232 = vector.shape_cast %get3A_3231 : vector<1x16xf32> to vector<16xf32>
        %add3A_3233 = arith.addf %get3A_3228, %get3A_3232 : vector<16xf32>
        %swap3A_3234 = arith.index_cast %add3A_3182 : i32 to index
        %swap3A_3235 = arith.constant 48 : index
        %swap3A_3236 = tpu.vector_load %arg11[%swap3A_3234, %swap3A_3235] {strides = array<i32>} : memref<128x128xf32, #tpu.memory_space<vmem>>, vector<1x16xf32>,
        %swap3A_3237 = vector.shape_cast %swap3A_3236 : vector<1x16xf32> to vector<16xf32>
        %swap3A_3238 = vector.shape_cast %add3A_3233 : vector<16xf32> to vector<1x16xf32>
        tpu.vector_store %arg11[%swap3A_3234, %swap3A_3235], %swap3A_3238 {strides = array<i32>} : memref<128x128xf32, #tpu.memory_space<vmem>>, vector<1x16xf32>,
        %get3A_3239 = arith.index_cast %add3A_3182 : i32 to index
        %get3A_3240 = arith.constant 64 : index
        %get3A_3241 = tpu.vector_load %arg11[%get3A_3239, %get3A_3240] {strides = array<i32>} : memref<128x128xf32, #tpu.memory_space<vmem>>, vector<1x16xf32>,
        %get3A_3242 = vector.shape_cast %get3A_3241 : vector<1x16xf32> to vector<16xf32>
        %get3A_3243 = arith.index_cast %add3A_3182 : i32 to index
        %get3A_3244 = arith.constant 64 : index
        %get3A_3245 = tpu.vector_load %arg9[%get3A_3243, %get3A_3244] {strides = array<i32>} : memref<128x128xf32, #tpu.memory_space<vmem>>, vector<1x16xf32>,
        %get3A_3246 = vector.shape_cast %get3A_3245 : vector<1x16xf32> to vector<16xf32>
        %add3A_3247 = arith.addf %get3A_3242, %get3A_3246 : vector<16xf32>
        %swap3A_3248 = arith.index_cast %add3A_3182 : i32 to index
        %swap3A_3249 = arith.constant 64 : index
        %swap3A_3250 = tpu.vector_load %arg11[%swap3A_3248, %swap3A_3249] {strides = array<i32>} : memref<128x128xf32, #tpu.memory_space<vmem>>, vector<1x16xf32>,
        %swap3A_3251 = vector.shape_cast %swap3A_3250 : vector<1x16xf32> to vector<16xf32>
        %swap3A_3252 = vector.shape_cast %add3A_3247 : vector<16xf32> to vector<1x16xf32>
        tpu.vector_store %arg11[%swap3A_3248, %swap3A_3249], %swap3A_3252 {strides = array<i32>} : memref<128x128xf32, #tpu.memory_space<vmem>>, vector<1x16xf32>,
        %get3A_3253 = arith.index_cast %add3A_3182 : i32 to index
        %get3A_3254 = arith.constant 80 : index
        %get3A_3255 = tpu.vector_load %arg11[%get3A_3253, %get3A_3254] {strides = array<i32>} : memref<128x128xf32, #tpu.memory_space<vmem>>, vector<1x16xf32>,
        %get3A_3256 = vector.shape_cast %get3A_3255 : vector<1x16xf32> to vector<16xf32>
        %get3A_3257 = arith.index_cast %add3A_3182 : i32 to index
        %get3A_3258 = arith.constant 80 : index
        %get3A_3259 = tpu.vector_load %arg9[%get3A_3257, %get3A_3258] {strides = array<i32>} : memref<128x128xf32, #tpu.memory_space<vmem>>, vector<1x16xf32>,
        %get3A_3260 = vector.shape_cast %get3A_3259 : vector<1x16xf32> to vector<16xf32>
        %add3A_3261 = arith.addf %get3A_3256, %get3A_3260 : vector<16xf32>
        %swap3A_3262 = arith.index_cast %add3A_3182 : i32 to index
        %swap3A_3263 = arith.constant 80 : index
        %swap3A_3264 = tpu.vector_load %arg11[%swap3A_3262, %swap3A_3263] {strides = array<i32>} : memref<128x128xf32, #tpu.memory_space<vmem>>, vector<1x16xf32>,
        %swap3A_3265 = vector.shape_cast %swap3A_3264 : vector<1x16xf32> to vector<16xf32>
        %swap3A_3266 = vector.shape_cast %add3A_3261 : vector<16xf32> to vector<1x16xf32>
        tpu.vector_store %arg11[%swap3A_3262, %swap3A_3263], %swap3A_3266 {strides = array<i32>} : memref<128x128xf32, #tpu.memory_space<vmem>>, vector<1x16xf32>,
        %get3A_3267 = arith.index_cast %add3A_3182 : i32 to index
        %get3A_3268 = arith.constant 96 : index
        %get3A_3269 = tpu.vector_load %arg11[%get3A_3267, %get3A_3268] {strides = array<i32>} : memref<128x128xf32, #tpu.memory_space<vmem>>, vector<1x16xf32>,
        %get3A_3270 = vector.shape_cast %get3A_3269 : vector<1x16xf32> to vector<16xf32>
        %get3A_3271 = arith.index_cast %add3A_3182 : i32 to index
        %get3A_3272 = arith.constant 96 : index
        %get3A_3273 = tpu.vector_load %arg9[%get3A_3271, %get3A_3272] {strides = array<i32>} : memref<128x128xf32, #tpu.memory_space<vmem>>, vector<1x16xf32>,
        %get3A_3274 = vector.shape_cast %get3A_3273 : vector<1x16xf32> to vector<16xf32>
        %add3A_3275 = arith.addf %get3A_3270, %get3A_3274 : vector<16xf32>
        %swap3A_3276 = arith.index_cast %add3A_3182 : i32 to index
        %swap3A_3277 = arith.constant 96 : index
        %swap3A_3278 = tpu.vector_load %arg11[%swap3A_3276, %swap3A_3277] {strides = array<i32>} : memref<128x128xf32, #tpu.memory_space<vmem>>, vector<1x16xf32>,
        %swap3A_3279 = vector.shape_cast %swap3A_3278 : vector<1x16xf32> to vector<16xf32>
        %swap3A_3280 = vector.shape_cast %add3A_3275 : vector<16xf32> to vector<1x16xf32>
        tpu.vector_store %arg11[%swap3A_3276, %swap3A_3277], %swap3A_3280 {strides = array<i32>} : memref<128x128xf32, #tpu.memory_space<vmem>>, vector<1x16xf32>,
        %get3A_3281 = arith.index_cast %add3A_3182 : i32 to index
        %get3A_3282 = arith.constant 112 : index
        %get3A_3283 = tpu.vector_load %arg11[%get3A_3281, %get3A_3282] {strides = array<i32>} : memref<128x128xf32, #tpu.memory_space<vmem>>, vector<1x16xf32>,
        %get3A_3284 = vector.shape_cast %get3A_3283 : vector<1x16xf32> to vector<16xf32>
        %get3A_3285 = arith.index_cast %add3A_3182 : i32 to index
        %get3A_3286 = arith.constant 112 : index
        %get3A_3287 = tpu.vector_load %arg9[%get3A_3285, %get3A_3286] {strides = array<i32>} : memref<128x128xf32, #tpu.memory_space<vmem>>, vector<1x16xf32>,
        %get3A_3288 = vector.shape_cast %get3A_3287 : vector<1x16xf32> to vector<16xf32>
        %add3A_3289 = arith.addf %get3A_3284, %get3A_3288 : vector<16xf32>
        %swap3A_3290 = arith.index_cast %add3A_3182 : i32 to index
        %swap3A_3291 = arith.constant 112 : index
        %swap3A_3292 = tpu.vector_load %arg11[%swap3A_3290, %swap3A_3291] {strides = array<i32>} : memref<128x128xf32, #tpu.memory_space<vmem>>, vector<1x16xf32>,
        %swap3A_3293 = vector.shape_cast %swap3A_3292 : vector<1x16xf32> to vector<16xf32>
        %swap3A_3294 = vector.shape_cast %add3A_3289 : vector<16xf32> to vector<1x16xf32>
        tpu.vector_store %arg11[%swap3A_3290, %swap3A_3291], %swap3A_3294 {strides = array<i32>} : memref<128x128xf32, #tpu.memory_space<vmem>>, vector<1x16xf32>,
        %mul3A_3295 = arith.constant 2 : i32
        %mul3A_3296 = arith.muli %scan3A_3178, %mul3A_3295 : i32
        %add3A_3297 = arith.constant 1 : i32
        %add3A_3298 = arith.addi %mul3A_3296, %add3A_3297 : i32
        %get3A_3299 = arith.index_cast %add3A_3298 : i32 to index
        %get3A_3300 = arith.constant 0 : index
        %get3A_3301 = tpu.vector_load %arg11[%get3A_3299, %get3A_3300] {strides = array<i32>} : memref<128x128xf32, #tpu.memory_space<vmem>>, vector<1x16xf32>,
        %get3A_3302 = vector.shape_cast %get3A_3301 : vector<1x16xf32> to vector<16xf32>
        %get3A_3303 = arith.index_cast %add3A_3298 : i32 to index
        %get3A_3304 = arith.constant 0 : index
        %get3A_3305 = tpu.vector_load %arg9[%get3A_3303, %get3A_3304] {strides = array<i32>} : memref<128x128xf32, #tpu.memory_space<vmem>>, vector<1x16xf32>,
        %get3A_3306 = vector.shape_cast %get3A_3305 : vector<1x16xf32> to vector<16xf32>
        %add3A_3307 = arith.addf %get3A_3302, %get3A_3306 : vector<16xf32>
        %swap3A_3308 = arith.index_cast %add3A_3298 : i32 to index
        %swap3A_3309 = arith.constant 0 : index
        %swap3A_3310 = tpu.vector_load %arg11[%swap3A_3308, %swap3A_3309] {strides = array<i32>} : memref<128x128xf32, #tpu.memory_space<vmem>>, vector<1x16xf32>,
        %swap3A_3311 = vector.shape_cast %swap3A_3310 : vector<1x16xf32> to vector<16xf32>
        %swap3A_3312 = vector.shape_cast %add3A_3307 : vector<16xf32> to vector<1x16xf32>
        tpu.vector_store %arg11[%swap3A_3308, %swap3A_3309], %swap3A_3312 {strides = array<i32>} : memref<128x128xf32, #tpu.memory_space<vmem>>, vector<1x16xf32>,
        %get3A_3313 = arith.index_cast %add3A_3298 : i32 to index
        %get3A_3314 = arith.constant 16 : index
        %get3A_3315 = tpu.vector_load %arg11[%get3A_3313, %get3A_3314] {strides = array<i32>} : memref<128x128xf32, #tpu.memory_space<vmem>>, vector<1x16xf32>,
        %get3A_3316 = vector.shape_cast %get3A_3315 : vector<1x16xf32> to vector<16xf32>
        %get3A_3317 = arith.index_cast %add3A_3298 : i32 to index
        %get3A_3318 = arith.constant 16 : index
        %get3A_3319 = tpu.vector_load %arg9[%get3A_3317, %get3A_3318] {strides = array<i32>} : memref<128x128xf32, #tpu.memory_space<vmem>>, vector<1x16xf32>,
        %get3A_3320 = vector.shape_cast %get3A_3319 : vector<1x16xf32> to vector<16xf32>
        %add3A_3321 = arith.addf %get3A_3316, %get3A_3320 : vector<16xf32>
        %swap3A_3322 = arith.index_cast %add3A_3298 : i32 to index
        %swap3A_3323 = arith.constant 16 : index
        %swap3A_3324 = tpu.vector_load %arg11[%swap3A_3322, %swap3A_3323] {strides = array<i32>} : memref<128x128xf32, #tpu.memory_space<vmem>>, vector<1x16xf32>,
        %swap3A_3325 = vector.shape_cast %swap3A_3324 : vector<1x16xf32> to vector<16xf32>
        %swap3A_3326 = vector.shape_cast %add3A_3321 : vector<16xf32> to vector<1x16xf32>
        tpu.vector_store %arg11[%swap3A_3322, %swap3A_3323], %swap3A_3326 {strides = array<i32>} : memref<128x128xf32, #tpu.memory_space<vmem>>, vector<1x16xf32>,
        %get3A_3327 = arith.index_cast %add3A_3298 : i32 to index
        %get3A_3328 = arith.constant 32 : index
        %get3A_3329 = tpu.vector_load %arg11[%get3A_3327, %get3A_3328] {strides = array<i32>} : memref<128x128xf32, #tpu.memory_space<vmem>>, vector<1x16xf32>,
        %get3A_3330 = vector.shape_cast %get3A_3329 : vector<1x16xf32> to vector<16xf32>
        %get3A_3331 = arith.index_cast %add3A_3298 : i32 to index
        %get3A_3332 = arith.constant 32 : index
        %get3A_3333 = tpu.vector_load %arg9[%get3A_3331, %get3A_3332] {strides = array<i32>} : memref<128x128xf32, #tpu.memory_space<vmem>>, vector<1x16xf32>,
        %get3A_3334 = vector.shape_cast %get3A_3333 : vector<1x16xf32> to vector<16xf32>
        %add3A_3335 = arith.addf %get3A_3330, %get3A_3334 : vector<16xf32>
        %swap3A_3336 = arith.index_cast %add3A_3298 : i32 to index
        %swap3A_3337 = arith.constant 32 : index
        %swap3A_3338 = tpu.vector_load %arg11[%swap3A_3336, %swap3A_3337] {strides = array<i32>} : memref<128x128xf32, #tpu.memory_space<vmem>>, vector<1x16xf32>,
        %swap3A_3339 = vector.shape_cast %swap3A_3338 : vector<1x16xf32> to vector<16xf32>
        %swap3A_3340 = vector.shape_cast %add3A_3335 : vector<16xf32> to vector<1x16xf32>
        tpu.vector_store %arg11[%swap3A_3336, %swap3A_3337], %swap3A_3340 {strides = array<i32>} : memref<128x128xf32, #tpu.memory_space<vmem>>, vector<1x16xf32>,
        %get3A_3341 = arith.index_cast %add3A_3298 : i32 to index
        %get3A_3342 = arith.constant 48 : index
        %get3A_3343 = tpu.vector_load %arg11[%get3A_3341, %get3A_3342] {strides = array<i32>} : memref<128x128xf32, #tpu.memory_space<vmem>>, vector<1x16xf32>,
        %get3A_3344 = vector.shape_cast %get3A_3343 : vector<1x16xf32> to vector<16xf32>
        %get3A_3345 = arith.index_cast %add3A_3298 : i32 to index
        %get3A_3346 = arith.constant 48 : index
        %get3A_3347 = tpu.vector_load %arg9[%get3A_3345, %get3A_3346] {strides = array<i32>} : memref<128x128xf32, #tpu.memory_space<vmem>>, vector<1x16xf32>,
        %get3A_3348 = vector.shape_cast %get3A_3347 : vector<1x16xf32> to vector<16xf32>
        %add3A_3349 = arith.addf %get3A_3344, %get3A_3348 : vector<16xf32>
        %swap3A_3350 = arith.index_cast %add3A_3298 : i32 to index
        %swap3A_3351 = arith.constant 48 : index
        %swap3A_3352 = tpu.vector_load %arg11[%swap3A_3350, %swap3A_3351] {strides = array<i32>} : memref<128x128xf32, #tpu.memory_space<vmem>>, vector<1x16xf32>,
        %swap3A_3353 = vector.shape_cast %swap3A_3352 : vector<1x16xf32> to vector<16xf32>
        %swap3A_3354 = vector.shape_cast %add3A_3349 : vector<16xf32> to vector<1x16xf32>
        tpu.vector_store %arg11[%swap3A_3350, %swap3A_3351], %swap3A_3354 {strides = array<i32>} : memref<128x128xf32, #tpu.memory_space<vmem>>, vector<1x16xf32>,
        %get3A_3355 = arith.index_cast %add3A_3298 : i32 to index
        %get3A_3356 = arith.constant 64 : index
        %get3A_3357 = tpu.vector_load %arg11[%get3A_3355, %get3A_3356] {strides = array<i32>} : memref<128x128xf32, #tpu.memory_space<vmem>>, vector<1x16xf32>,
        %get3A_3358 = vector.shape_cast %get3A_3357 : vector<1x16xf32> to vector<16xf32>
        %get3A_3359 = arith.index_cast %add3A_3298 : i32 to index
        %get3A_3360 = arith.constant 64 : index
        %get3A_3361 = tpu.vector_load %arg9[%get3A_3359, %get3A_3360] {strides = array<i32>} : memref<128x128xf32, #tpu.memory_space<vmem>>, vector<1x16xf32>,
        %get3A_3362 = vector.shape_cast %get3A_3361 : vector<1x16xf32> to vector<16xf32>
        %add3A_3363 = arith.addf %get3A_3358, %get3A_3362 : vector<16xf32>
        %swap3A_3364 = arith.index_cast %add3A_3298 : i32 to index
        %swap3A_3365 = arith.constant 64 : index
        %swap3A_3366 = tpu.vector_load %arg11[%swap3A_3364, %swap3A_3365] {strides = array<i32>} : memref<128x128xf32, #tpu.memory_space<vmem>>, vector<1x16xf32>,
        %swap3A_3367 = vector.shape_cast %swap3A_3366 : vector<1x16xf32> to vector<16xf32>
        %swap3A_3368 = vector.shape_cast %add3A_3363 : vector<16xf32> to vector<1x16xf32>
        tpu.vector_store %arg11[%swap3A_3364, %swap3A_3365], %swap3A_3368 {strides = array<i32>} : memref<128x128xf32, #tpu.memory_space<vmem>>, vector<1x16xf32>,
        %get3A_3369 = arith.index_cast %add3A_3298 : i32 to index
        %get3A_3370 = arith.constant 80 : index
        %get3A_3371 = tpu.vector_load %arg11[%get3A_3369, %get3A_3370] {strides = array<i32>} : memref<128x128xf32, #tpu.memory_space<vmem>>, vector<1x16xf32>,
        %get3A_3372 = vector.shape_cast %get3A_3371 : vector<1x16xf32> to vector<16xf32>
        %get3A_3373 = arith.index_cast %add3A_3298 : i32 to index
        %get3A_3374 = arith.constant 80 : index
        %get3A_3375 = tpu.vector_load %arg9[%get3A_3373, %get3A_3374] {strides = array<i32>} : memref<128x128xf32, #tpu.memory_space<vmem>>, vector<1x16xf32>,
        %get3A_3376 = vector.shape_cast %get3A_3375 : vector<1x16xf32> to vector<16xf32>
        %add3A_3377 = arith.addf %get3A_3372, %get3A_3376 : vector<16xf32>
        %swap3A_3378 = arith.index_cast %add3A_3298 : i32 to index
        %swap3A_3379 = arith.constant 80 : index
        %swap3A_3380 = tpu.vector_load %arg11[%swap3A_3378, %swap3A_3379] {strides = array<i32>} : memref<128x128xf32, #tpu.memory_space<vmem>>, vector<1x16xf32>,
        %swap3A_3381 = vector.shape_cast %swap3A_3380 : vector<1x16xf32> to vector<16xf32>
        %swap3A_3382 = vector.shape_cast %add3A_3377 : vector<16xf32> to vector<1x16xf32>
        tpu.vector_store %arg11[%swap3A_3378, %swap3A_3379], %swap3A_3382 {strides = array<i32>} : memref<128x128xf32, #tpu.memory_space<vmem>>, vector<1x16xf32>,
        %get3A_3383 = arith.index_cast %add3A_3298 : i32 to index
        %get3A_3384 = arith.constant 96 : index
        %get3A_3385 = tpu.vector_load %arg11[%get3A_3383, %get3A_3384] {strides = array<i32>} : memref<128x128xf32, #tpu.memory_space<vmem>>, vector<1x16xf32>,
        %get3A_3386 = vector.shape_cast %get3A_3385 : vector<1x16xf32> to vector<16xf32>
        %get3A_3387 = arith.index_cast %add3A_3298 : i32 to index
        %get3A_3388 = arith.constant 96 : index
        %get3A_3389 = tpu.vector_load %arg9[%get3A_3387, %get3A_3388] {strides = array<i32>} : memref<128x128xf32, #tpu.memory_space<vmem>>, vector<1x16xf32>,
        %get3A_3390 = vector.shape_cast %get3A_3389 : vector<1x16xf32> to vector<16xf32>
        %add3A_3391 = arith.addf %get3A_3386, %get3A_3390 : vector<16xf32>
        %swap3A_3392 = arith.index_cast %add3A_3298 : i32 to index
        %swap3A_3393 = arith.constant 96 : index
        %swap3A_3394 = tpu.vector_load %arg11[%swap3A_3392, %swap3A_3393] {strides = array<i32>} : memref<128x128xf32, #tpu.memory_space<vmem>>, vector<1x16xf32>,
        %swap3A_3395 = vector.shape_cast %swap3A_3394 : vector<1x16xf32> to vector<16xf32>
        %swap3A_3396 = vector.shape_cast %add3A_3391 : vector<16xf32> to vector<1x16xf32>
        tpu.vector_store %arg11[%swap3A_3392, %swap3A_3393], %swap3A_3396 {strides = array<i32>} : memref<128x128xf32, #tpu.memory_space<vmem>>, vector<1x16xf32>,
        %get3A_3397 = arith.index_cast %add3A_3298 : i32 to index
        %get3A_3398 = arith.constant 112 : index
        %get3A_3399 = tpu.vector_load %arg11[%get3A_3397, %get3A_3398] {strides = array<i32>} : memref<128x128xf32, #tpu.memory_space<vmem>>, vector<1x16xf32>,
        %get3A_3400 = vector.shape_cast %get3A_3399 : vector<1x16xf32> to vector<16xf32>
        %get3A_3401 = arith.index_cast %add3A_3298 : i32 to index
        %get3A_3402 = arith.constant 112 : index
        %get3A_3403 = tpu.vector_load %arg9[%get3A_3401, %get3A_3402] {strides = array<i32>} : memref<128x128xf32, #tpu.memory_space<vmem>>, vector<1x16xf32>,
        %get3A_3404 = vector.shape_cast %get3A_3403 : vector<1x16xf32> to vector<16xf32>
        %add3A_3405 = arith.addf %get3A_3400, %get3A_3404 : vector<16xf32>
        %swap3A_3406 = arith.index_cast %add3A_3298 : i32 to index
        %swap3A_3407 = arith.constant 112 : index
        %swap3A_3408 = tpu.vector_load %arg11[%swap3A_3406, %swap3A_3407] {strides = array<i32>} : memref<128x128xf32, #tpu.memory_space<vmem>>, vector<1x16xf32>,
        %swap3A_3409 = vector.shape_cast %swap3A_3408 : vector<1x16xf32> to vector<16xf32>
        %swap3A_3410 = vector.shape_cast %add3A_3405 : vector<16xf32> to vector<1x16xf32>
        tpu.vector_store %arg11[%swap3A_3406, %swap3A_3407], %swap3A_3410 {strides = array<i32>} : memref<128x128xf32, #tpu.memory_space<vmem>>, vector<1x16xf32>,
      }
      %scan3A_2261 = arith.constant 61 : i32
      %get3A_2262 = arith.constant 0 : i32
      %get3A_2263 = arith.index_cast %add3A_2246 : i32 to index
      %get3A_2264 = arith.index_cast %get3A_2262 : i32 to index
      %get3A_2265 = arith.constant 0 : index
      %get3A_2266 = tpu.vector_load %arg8[%get3A_2263, %get3A_2264, %get3A_2265] {strides = array<i32>} : memref<32x2x128xf32, #tpu.memory_space<vmem>>, vector<1x1x16xf32>,
      %get3A_2267 = vector.shape_cast %get3A_2266 : vector<1x1x16xf32> to vector<16xf32>
      %swap3A_2268 = arith.constant 123 : i32
      %swap3A_2269 = arith.index_cast %swap3A_2268 : i32 to index
      %swap3A_2270 = arith.constant 0 : index
      %swap3A_2271 = tpu.vector_load %arg11[%swap3A_2269, %swap3A_2270] {strides = array<i32>} : memref<128x128xf32, #tpu.memory_space<vmem>>, vector<1x16xf32>,
      %swap3A_2272 = vector.shape_cast %swap3A_2271 : vector<1x16xf32> to vector<16xf32>
      %swap3A_2273 = vector.shape_cast %get3A_2267 : vector<16xf32> to vector<1x16xf32>
      tpu.vector_store %arg11[%swap3A_2269, %swap3A_2270], %swap3A_2273 {strides = array<i32>} : memref<128x128xf32, #tpu.memory_space<vmem>>, vector<1x16xf32>,
      %get3A_2274 = arith.constant 1 : i32
      %get3A_2275 = arith.index_cast %add3A_2246 : i32 to index
      %get3A_2276 = arith.index_cast %get3A_2274 : i32 to index
      %get3A_2277 = arith.constant 0 : index
      %get3A_2278 = tpu.vector_load %arg8[%get3A_2275, %get3A_2276, %get3A_2277] {strides = array<i32>} : memref<32x2x128xf32, #tpu.memory_space<vmem>>, vector<1x1x16xf32>,
      %get3A_2279 = vector.shape_cast %get3A_2278 : vector<1x1x16xf32> to vector<16xf32>
      %swap3A_2280 = arith.constant 126 : i32
      %swap3A_2281 = arith.index_cast %swap3A_2280 : i32 to index
      %swap3A_2282 = arith.constant 0 : index
      %swap3A_2283 = tpu.vector_load %arg11[%swap3A_2281, %swap3A_2282] {strides = array<i32>} : memref<128x128xf32, #tpu.memory_space<vmem>>, vector<1x16xf32>,
      %swap3A_2284 = vector.shape_cast %swap3A_2283 : vector<1x16xf32> to vector<16xf32>
      %swap3A_2285 = vector.shape_cast %get3A_2279 : vector<16xf32> to vector<1x16xf32>
      tpu.vector_store %arg11[%swap3A_2281, %swap3A_2282], %swap3A_2285 {strides = array<i32>} : memref<128x128xf32, #tpu.memory_space<vmem>>, vector<1x16xf32>,
      %get3A_2286 = arith.constant 0 : i32
      %get3A_2287 = arith.index_cast %add3A_2246 : i32 to index
      %get3A_2288 = arith.index_cast %get3A_2286 : i32 to index
      %get3A_2289 = arith.constant 16 : index
      %get3A_2290 = tpu.vector_load %arg8[%get3A_2287, %get3A_2288, %get3A_2289] {strides = array<i32>} : memref<32x2x128xf32, #tpu.memory_space<vmem>>, vector<1x1x16xf32>,
      %get3A_2291 = vector.shape_cast %get3A_2290 : vector<1x1x16xf32> to vector<16xf32>
      %swap3A_2292 = arith.constant 123 : i32
      %swap3A_2293 = arith.index_cast %swap3A_2292 : i32 to index
      %swap3A_2294 = arith.constant 16 : index
      %swap3A_2295 = tpu.vector_load %arg11[%swap3A_2293, %swap3A_2294] {strides = array<i32>} : memref<128x128xf32, #tpu.memory_space<vmem>>, vector<1x16xf32>,
      %swap3A_2296 = vector.shape_cast %swap3A_2295 : vector<1x16xf32> to vector<16xf32>
      %swap3A_2297 = vector.shape_cast %get3A_2291 : vector<16xf32> to vector<1x16xf32>
      tpu.vector_store %arg11[%swap3A_2293, %swap3A_2294], %swap3A_2297 {strides = array<i32>} : memref<128x128xf32, #tpu.memory_space<vmem>>, vector<1x16xf32>,
      %get3A_2298 = arith.constant 1 : i32
      %get3A_2299 = arith.index_cast %add3A_2246 : i32 to index
      %get3A_2300 = arith.index_cast %get3A_2298 : i32 to index
      %get3A_2301 = arith.constant 16 : index
      %get3A_2302 = tpu.vector_load %arg8[%get3A_2299, %get3A_2300, %get3A_2301] {strides = array<i32>} : memref<32x2x128xf32, #tpu.memory_space<vmem>>, vector<1x1x16xf32>,
      %get3A_2303 = vector.shape_cast %get3A_2302 : vector<1x1x16xf32> to vector<16xf32>
      %swap3A_2304 = arith.constant 126 : i32
      %swap3A_2305 = arith.index_cast %swap3A_2304 : i32 to index
      %swap3A_2306 = arith.constant 16 : index
      %swap3A_2307 = tpu.vector_load %arg11[%swap3A_2305, %swap3A_2306] {strides = array<i32>} : memref<128x128xf32, #tpu.memory_space<vmem>>, vector<1x16xf32>,
      %swap3A_2308 = vector.shape_cast %swap3A_2307 : vector<1x16xf32> to vector<16xf32>
      %swap3A_2309 = vector.shape_cast %get3A_2303 : vector<16xf32> to vector<1x16xf32>
      tpu.vector_store %arg11[%swap3A_2305, %swap3A_2306], %swap3A_2309 {strides = array<i32>} : memref<128x128xf32, #tpu.memory_space<vmem>>, vector<1x16xf32>,
      %get3A_2310 = arith.constant 0 : i32
      %get3A_2311 = arith.index_cast %add3A_2246 : i32 to index
      %get3A_2312 = arith.index_cast %get3A_2310 : i32 to index
      %get3A_2313 = arith.constant 32 : index
      %get3A_2314 = tpu.vector_load %arg8[%get3A_2311, %get3A_2312, %get3A_2313] {strides = array<i32>} : memref<32x2x128xf32, #tpu.memory_space<vmem>>, vector<1x1x16xf32>,
      %get3A_2315 = vector.shape_cast %get3A_2314 : vector<1x1x16xf32> to vector<16xf32>
      %swap3A_2316 = arith.constant 123 : i32
      %swap3A_2317 = arith.index_cast %swap3A_2316 : i32 to index
      %swap3A_2318 = arith.constant 32 : index
      %swap3A_2319 = tpu.vector_load %arg11[%swap3A_2317, %swap3A_2318] {strides = array<i32>} : memref<128x128xf32, #tpu.memory_space<vmem>>, vector<1x16xf32>,
      %swap3A_2320 = vector.shape_cast %swap3A_2319 : vector<1x16xf32> to vector<16xf32>
      %swap3A_2321 = vector.shape_cast %get3A_2315 : vector<16xf32> to vector<1x16xf32>
      tpu.vector_store %arg11[%swap3A_2317, %swap3A_2318], %swap3A_2321 {strides = array<i32>} : memref<128x128xf32, #tpu.memory_space<vmem>>, vector<1x16xf32>,
      %get3A_2322 = arith.constant 1 : i32
      %get3A_2323 = arith.index_cast %add3A_2246 : i32 to index
      %get3A_2324 = arith.index_cast %get3A_2322 : i32 to index
      %get3A_2325 = arith.constant 32 : index
      %get3A_2326 = tpu.vector_load %arg8[%get3A_2323, %get3A_2324, %get3A_2325] {strides = array<i32>} : memref<32x2x128xf32, #tpu.memory_space<vmem>>, vector<1x1x16xf32>,
      %get3A_2327 = vector.shape_cast %get3A_2326 : vector<1x1x16xf32> to vector<16xf32>
      %swap3A_2328 = arith.constant 126 : i32
      %swap3A_2329 = arith.index_cast %swap3A_2328 : i32 to index
      %swap3A_2330 = arith.constant 32 : index
      %swap3A_2331 = tpu.vector_load %arg11[%swap3A_2329, %swap3A_2330] {strides = array<i32>} : memref<128x128xf32, #tpu.memory_space<vmem>>, vector<1x16xf32>,
      %swap3A_2332 = vector.shape_cast %swap3A_2331 : vector<1x16xf32> to vector<16xf32>
      %swap3A_2333 = vector.shape_cast %get3A_2327 : vector<16xf32> to vector<1x16xf32>
      tpu.vector_store %arg11[%swap3A_2329, %swap3A_2330], %swap3A_2333 {strides = array<i32>} : memref<128x128xf32, #tpu.memory_space<vmem>>, vector<1x16xf32>,
      %get3A_2334 = arith.constant 0 : i32
      %get3A_2335 = arith.index_cast %add3A_2246 : i32 to index
      %get3A_2336 = arith.index_cast %get3A_2334 : i32 to index
      %get3A_2337 = arith.constant 48 : index
      %get3A_2338 = tpu.vector_load %arg8[%get3A_2335, %get3A_2336, %get3A_2337] {strides = array<i32>} : memref<32x2x128xf32, #tpu.memory_space<vmem>>, vector<1x1x16xf32>,
      %get3A_2339 = vector.shape_cast %get3A_2338 : vector<1x1x16xf32> to vector<16xf32>
      %swap3A_2340 = arith.constant 123 : i32
      %swap3A_2341 = arith.index_cast %swap3A_2340 : i32 to index
      %swap3A_2342 = arith.constant 48 : index
      %swap3A_2343 = tpu.vector_load %arg11[%swap3A_2341, %swap3A_2342] {strides = array<i32>} : memref<128x128xf32, #tpu.memory_space<vmem>>, vector<1x16xf32>,
      %swap3A_2344 = vector.shape_cast %swap3A_2343 : vector<1x16xf32> to vector<16xf32>
      %swap3A_2345 = vector.shape_cast %get3A_2339 : vector<16xf32> to vector<1x16xf32>
      tpu.vector_store %arg11[%swap3A_2341, %swap3A_2342], %swap3A_2345 {strides = array<i32>} : memref<128x128xf32, #tpu.memory_space<vmem>>, vector<1x16xf32>,
      %get3A_2346 = arith.constant 1 : i32
      %get3A_2347 = arith.index_cast %add3A_2246 : i32 to index
      %get3A_2348 = arith.index_cast %get3A_2346 : i32 to index
      %get3A_2349 = arith.constant 48 : index
      %get3A_2350 = tpu.vector_load %arg8[%get3A_2347, %get3A_2348, %get3A_2349] {strides = array<i32>} : memref<32x2x128xf32, #tpu.memory_space<vmem>>, vector<1x1x16xf32>,
      %get3A_2351 = vector.shape_cast %get3A_2350 : vector<1x1x16xf32> to vector<16xf32>
      %swap3A_2352 = arith.constant 126 : i32
      %swap3A_2353 = arith.index_cast %swap3A_2352 : i32 to index
      %swap3A_2354 = arith.constant 48 : index
      %swap3A_2355 = tpu.vector_load %arg11[%swap3A_2353, %swap3A_2354] {strides = array<i32>} : memref<128x128xf32, #tpu.memory_space<vmem>>, vector<1x16xf32>,
      %swap3A_2356 = vector.shape_cast %swap3A_2355 : vector<1x16xf32> to vector<16xf32>
      %swap3A_2357 = vector.shape_cast %get3A_2351 : vector<16xf32> to vector<1x16xf32>
      tpu.vector_store %arg11[%swap3A_2353, %swap3A_2354], %swap3A_2357 {strides = array<i32>} : memref<128x128xf32, #tpu.memory_space<vmem>>, vector<1x16xf32>,
      %get3A_2358 = arith.constant 0 : i32
      %get3A_2359 = arith.index_cast %add3A_2246 : i32 to index
      %get3A_2360 = arith.index_cast %get3A_2358 : i32 to index
      %get3A_2361 = arith.constant 64 : index
      %get3A_2362 = tpu.vector_load %arg8[%get3A_2359, %get3A_2360, %get3A_2361] {strides = array<i32>} : memref<32x2x128xf32, #tpu.memory_space<vmem>>, vector<1x1x16xf32>,
      %get3A_2363 = vector.shape_cast %get3A_2362 : vector<1x1x16xf32> to vector<16xf32>
      %swap3A_2364 = arith.constant 123 : i32
      %swap3A_2365 = arith.index_cast %swap3A_2364 : i32 to index
      %swap3A_2366 = arith.constant 64 : index
      %swap3A_2367 = tpu.vector_load %arg11[%swap3A_2365, %swap3A_2366] {strides = array<i32>} : memref<128x128xf32, #tpu.memory_space<vmem>>, vector<1x16xf32>,
      %swap3A_2368 = vector.shape_cast %swap3A_2367 : vector<1x16xf32> to vector<16xf32>
      %swap3A_2369 = vector.shape_cast %get3A_2363 : vector<16xf32> to vector<1x16xf32>
      tpu.vector_store %arg11[%swap3A_2365, %swap3A_2366], %swap3A_2369 {strides = array<i32>} : memref<128x128xf32, #tpu.memory_space<vmem>>, vector<1x16xf32>,
      %get3A_2370 = arith.constant 1 : i32
      %get3A_2371 = arith.index_cast %add3A_2246 : i32 to index
      %get3A_2372 = arith.index_cast %get3A_2370 : i32 to index
      %get3A_2373 = arith.constant 64 : index
      %get3A_2374 = tpu.vector_load %arg8[%get3A_2371, %get3A_2372, %get3A_2373] {strides = array<i32>} : memref<32x2x128xf32, #tpu.memory_space<vmem>>, vector<1x1x16xf32>,
      %get3A_2375 = vector.shape_cast %get3A_2374 : vector<1x1x16xf32> to vector<16xf32>
      %swap3A_2376 = arith.constant 126 : i32
      %swap3A_2377 = arith.index_cast %swap3A_2376 : i32 to index
      %swap3A_2378 = arith.constant 64 : index
      %swap3A_2379 = tpu.vector_load %arg11[%swap3A_2377, %swap3A_2378] {strides = array<i32>} : memref<128x128xf32, #tpu.memory_space<vmem>>, vector<1x16xf32>,
      %swap3A_2380 = vector.shape_cast %swap3A_2379 : vector<1x16xf32> to vector<16xf32>
      %swap3A_2381 = vector.shape_cast %get3A_2375 : vector<16xf32> to vector<1x16xf32>
      tpu.vector_store %arg11[%swap3A_2377, %swap3A_2378], %swap3A_2381 {strides = array<i32>} : memref<128x128xf32, #tpu.memory_space<vmem>>, vector<1x16xf32>,
      %get3A_2382 = arith.constant 0 : i32
      %get3A_2383 = arith.index_cast %add3A_2246 : i32 to index
      %get3A_2384 = arith.index_cast %get3A_2382 : i32 to index
      %get3A_2385 = arith.constant 80 : index
      %get3A_2386 = tpu.vector_load %arg8[%get3A_2383, %get3A_2384, %get3A_2385] {strides = array<i32>} : memref<32x2x128xf32, #tpu.memory_space<vmem>>, vector<1x1x16xf32>,
      %get3A_2387 = vector.shape_cast %get3A_2386 : vector<1x1x16xf32> to vector<16xf32>
      %swap3A_2388 = arith.constant 123 : i32
      %swap3A_2389 = arith.index_cast %swap3A_2388 : i32 to index
      %swap3A_2390 = arith.constant 80 : index
      %swap3A_2391 = tpu.vector_load %arg11[%swap3A_2389, %swap3A_2390] {strides = array<i32>} : memref<128x128xf32, #tpu.memory_space<vmem>>, vector<1x16xf32>,
      %swap3A_2392 = vector.shape_cast %swap3A_2391 : vector<1x16xf32> to vector<16xf32>
      %swap3A_2393 = vector.shape_cast %get3A_2387 : vector<16xf32> to vector<1x16xf32>
      tpu.vector_store %arg11[%swap3A_2389, %swap3A_2390], %swap3A_2393 {strides = array<i32>} : memref<128x128xf32, #tpu.memory_space<vmem>>, vector<1x16xf32>,
      %get3A_2394 = arith.constant 1 : i32
      %get3A_2395 = arith.index_cast %add3A_2246 : i32 to index
      %get3A_2396 = arith.index_cast %get3A_2394 : i32 to index
      %get3A_2397 = arith.constant 80 : index
      %get3A_2398 = tpu.vector_load %arg8[%get3A_2395, %get3A_2396, %get3A_2397] {strides = array<i32>} : memref<32x2x128xf32, #tpu.memory_space<vmem>>, vector<1x1x16xf32>,
      %get3A_2399 = vector.shape_cast %get3A_2398 : vector<1x1x16xf32> to vector<16xf32>
      %swap3A_2400 = arith.constant 126 : i32
      %swap3A_2401 = arith.index_cast %swap3A_2400 : i32 to index
      %swap3A_2402 = arith.constant 80 : index
      %swap3A_2403 = tpu.vector_load %arg11[%swap3A_2401, %swap3A_2402] {strides = array<i32>} : memref<128x128xf32, #tpu.memory_space<vmem>>, vector<1x16xf32>,
      %swap3A_2404 = vector.shape_cast %swap3A_2403 : vector<1x16xf32> to vector<16xf32>
      %swap3A_2405 = vector.shape_cast %get3A_2399 : vector<16xf32> to vector<1x16xf32>
      tpu.vector_store %arg11[%swap3A_2401, %swap3A_2402], %swap3A_2405 {strides = array<i32>} : memref<128x128xf32, #tpu.memory_space<vmem>>, vector<1x16xf32>,
      %get3A_2406 = arith.constant 0 : i32
      %get3A_2407 = arith.index_cast %add3A_2246 : i32 to index
      %get3A_2408 = arith.index_cast %get3A_2406 : i32 to index
      %get3A_2409 = arith.constant 96 : index
      %get3A_2410 = tpu.vector_load %arg8[%get3A_2407, %get3A_2408, %get3A_2409] {strides = array<i32>} : memref<32x2x128xf32, #tpu.memory_space<vmem>>, vector<1x1x16xf32>,
      %get3A_2411 = vector.shape_cast %get3A_2410 : vector<1x1x16xf32> to vector<16xf32>
      %swap3A_2412 = arith.constant 123 : i32
      %swap3A_2413 = arith.index_cast %swap3A_2412 : i32 to index
      %swap3A_2414 = arith.constant 96 : index
      %swap3A_2415 = tpu.vector_load %arg11[%swap3A_2413, %swap3A_2414] {strides = array<i32>} : memref<128x128xf32, #tpu.memory_space<vmem>>, vector<1x16xf32>,
      %swap3A_2416 = vector.shape_cast %swap3A_2415 : vector<1x16xf32> to vector<16xf32>
      %swap3A_2417 = vector.shape_cast %get3A_2411 : vector<16xf32> to vector<1x16xf32>
      tpu.vector_store %arg11[%swap3A_2413, %swap3A_2414], %swap3A_2417 {strides = array<i32>} : memref<128x128xf32, #tpu.memory_space<vmem>>, vector<1x16xf32>,
      %get3A_2418 = arith.constant 1 : i32
      %get3A_2419 = arith.index_cast %add3A_2246 : i32 to index
      %get3A_2420 = arith.index_cast %get3A_2418 : i32 to index
      %get3A_2421 = arith.constant 96 : index
      %get3A_2422 = tpu.vector_load %arg8[%get3A_2419, %get3A_2420, %get3A_2421] {strides = array<i32>} : memref<32x2x128xf32, #tpu.memory_space<vmem>>, vector<1x1x16xf32>,
      %get3A_2423 = vector.shape_cast %get3A_2422 : vector<1x1x16xf32> to vector<16xf32>
      %swap3A_2424 = arith.constant 126 : i32
      %swap3A_2425 = arith.index_cast %swap3A_2424 : i32 to index
      %swap3A_2426 = arith.constant 96 : index
      %swap3A_2427 = tpu.vector_load %arg11[%swap3A_2425, %swap3A_2426] {strides = array<i32>} : memref<128x128xf32, #tpu.memory_space<vmem>>, vector<1x16xf32>,
      %swap3A_2428 = vector.shape_cast %swap3A_2427 : vector<1x16xf32> to vector<16xf32>
      %swap3A_2429 = vector.shape_cast %get3A_2423 : vector<16xf32> to vector<1x16xf32>
      tpu.vector_store %arg11[%swap3A_2425, %swap3A_2426], %swap3A_2429 {strides = array<i32>} : memref<128x128xf32, #tpu.memory_space<vmem>>, vector<1x16xf32>,
      %get3A_2430 = arith.constant 0 : i32
      %get3A_2431 = arith.index_cast %add3A_2246 : i32 to index
      %get3A_2432 = arith.index_cast %get3A_2430 : i32 to index
      %get3A_2433 = arith.constant 112 : index
      %get3A_2434 = tpu.vector_load %arg8[%get3A_2431, %get3A_2432, %get3A_2433] {strides = array<i32>} : memref<32x2x128xf32, #tpu.memory_space<vmem>>, vector<1x1x16xf32>,
      %get3A_2435 = vector.shape_cast %get3A_2434 : vector<1x1x16xf32> to vector<16xf32>
      %swap3A_2436 = arith.constant 123 : i32
      %swap3A_2437 = arith.index_cast %swap3A_2436 : i32 to index
      %swap3A_2438 = arith.constant 112 : index
      %swap3A_2439 = tpu.vector_load %arg11[%swap3A_2437, %swap3A_2438] {strides = array<i32>} : memref<128x128xf32, #tpu.memory_space<vmem>>, vector<1x16xf32>,
      %swap3A_2440 = vector.shape_cast %swap3A_2439 : vector<1x16xf32> to vector<16xf32>
      %swap3A_2441 = vector.shape_cast %get3A_2435 : vector<16xf32> to vector<1x16xf32>
      tpu.vector_store %arg11[%swap3A_2437, %swap3A_2438], %swap3A_2441 {strides = array<i32>} : memref<128x128xf32, #tpu.memory_space<vmem>>, vector<1x16xf32>,
      %get3A_2442 = arith.constant 1 : i32
      %get3A_2443 = arith.index_cast %add3A_2246 : i32 to index
      %get3A_2444 = arith.index_cast %get3A_2442 : i32 to index
      %get3A_2445 = arith.constant 112 : index
      %get3A_2446 = tpu.vector_load %arg8[%get3A_2443, %get3A_2444, %get3A_2445] {strides = array<i32>} : memref<32x2x128xf32, #tpu.memory_space<vmem>>, vector<1x1x16xf32>,
      %get3A_2447 = vector.shape_cast %get3A_2446 : vector<1x1x16xf32> to vector<16xf32>
      %swap3A_2448 = arith.constant 126 : i32
      %swap3A_2449 = arith.index_cast %swap3A_2448 : i32 to index
      %swap3A_2450 = arith.constant 112 : index
      %swap3A_2451 = tpu.vector_load %arg11[%swap3A_2449, %swap3A_2450] {strides = array<i32>} : memref<128x128xf32, #tpu.memory_space<vmem>>, vector<1x16xf32>,
      %swap3A_2452 = vector.shape_cast %swap3A_2451 : vector<1x16xf32> to vector<16xf32>
      %swap3A_2453 = vector.shape_cast %get3A_2447 : vector<16xf32> to vector<1x16xf32>
      tpu.vector_store %arg11[%swap3A_2449, %swap3A_2450], %swap3A_2453 {strides = array<i32>} : memref<128x128xf32, #tpu.memory_space<vmem>>, vector<1x16xf32>,
      %add3A_2454 = arith.addi %mul3A_2, %add3A_2246 : i32
      %dma_start3A_2455 = arith.constant 0 : i32
      %dma_start3A_2456 = arith.constant 0 : i32
      %dma_start3A_2457 = tpu.memref_slice %arg6[%add3A_2454, %dma_start3A_2455, %dma_start3A_2456] : memref<1024x128x128xf32, #tpu.memory_space<hbm>> -> memref<1x128x128xf32, #tpu.memory_space<hbm>>
      %dma_start3A_2458 = tpu.memref_squeeze %dma_start3A_2457 : memref<1x128x128xf32, #tpu.memory_space<hbm>> -> memref<128x128xf32, #tpu.memory_space<hbm>>
      %dma_start3A_2459 = arith.constant 0 : i32
      %dma_start3A_2460 = arith.constant 0 : i32
      %dma_start3A_2461 = tpu.memref_slice %arg6[%add3A_2454, %dma_start3A_2459, %dma_start3A_2460] : memref<1024x128x128xf32, #tpu.memory_space<hbm>> -> memref<1x128x128xf32, #tpu.memory_space<hbm>>
      %dma_start3A_2462 = tpu.memref_squeeze %dma_start3A_2461 : memref<1x128x128xf32, #tpu.memory_space<hbm>> -> memref<128x128xf32, #tpu.memory_space<hbm>>
      tpu.enqueue_dma source(%arg11 : memref<128x128xf32, #tpu.memory_space<vmem>>) target(%dma_start3A_2462 : memref<128x128xf32, #tpu.memory_space<hbm>>) target_semaphore(%arg19 : memref<!tpu.dma_semaphore, #tpu.memory_space<semaphore_mem>>)
      %add3A_2463 = arith.constant 3 : i32
      %add3A_2464 = arith.addi %add3A_2246, %add3A_2463 : i32
      %ge3A = arith.constant 1 : i32
      %ge3A_2465 = arith.cmpi sge, %add3A_2246, %ge3A : i32
      %lt3A = arith.constant 32 : i32
      %lt3A_2466 = arith.cmpi slt, %add3A_2464, %lt3A : i32
      %and3A = arith.andi %ge3A_2465, %lt3A_2466 : i1
      %convert_element_type3A = arith.extui %and3A : i1 to i32
      %cond3A = arith.constant 0 : i32
      %cond3A_2467 = arith.cmpi ne, %convert_element_type3A, %cond3A : i32
      scf.if %cond3A_2467 {
        %add3A_3178 = arith.addi %mul3A_2, %add3A_2246 : i32
        %sub3A = arith.constant 1 : i32
        %sub3A_3179 = arith.subi %add3A_3178, %sub3A : i32
        %dma_wait3A_3180 = arith.constant 0 : i32
        %dma_wait3A_3181 = arith.constant 0 : i32
        %dma_wait3A_3182 = tpu.memref_slice %arg6[%sub3A_3179, %dma_wait3A_3180, %dma_wait3A_3181] : memref<1024x128x128xf32, #tpu.memory_space<hbm>> -> memref<1x128x128xf32, #tpu.memory_space<hbm>>
        %dma_wait3A_3183 = tpu.memref_squeeze %dma_wait3A_3182 : memref<1x128x128xf32, #tpu.memory_space<hbm>> -> memref<128x128xf32, #tpu.memory_space<hbm>>
        %dma_wait3A_3184 = arith.constant 0 : i32
        %dma_wait3A_3185 = arith.constant 0 : i32
        %dma_wait3A_3186 = tpu.memref_slice %arg6[%sub3A_3179, %dma_wait3A_3184, %dma_wait3A_3185] : memref<1024x128x128xf32, #tpu.memory_space<hbm>> -> memref<1x128x128xf32, #tpu.memory_space<hbm>>
        %dma_wait3A_3187 = tpu.memref_squeeze %dma_wait3A_3186 : memref<1x128x128xf32, #tpu.memory_space<hbm>> -> memref<128x128xf32, #tpu.memory_space<hbm>>
        tpu.wait_dma2 semaphore(%arg22 : memref<!tpu.dma_semaphore, #tpu.memory_space<semaphore_mem>>) src(%arg14 : memref<128x128xf32, #tpu.memory_space<vmem>>) dst(%dma_wait3A_3187 : memref<128x128xf32, #tpu.memory_space<hbm>>)
      } else {
      }
      %lt3A_2468 = arith.constant 32 : i32
      %lt3A_2469 = arith.cmpi slt, %add3A_2464, %lt3A_2468 : i32
      %convert_element_type3A_2470 = arith.extui %lt3A_2469 : i1 to i32
      %cond3A_2471 = arith.constant 0 : i32
      %cond3A_2472 = arith.cmpi ne, %convert_element_type3A_2470, %cond3A_2471 : i32
      scf.if %cond3A_2472 {
        %dma_start3A_3178 = arith.constant 0 : i32
        %dma_start3A_3179 = arith.constant 0 : i32
        %dma_start3A_3180 = tpu.memref_slice %arg14[%dma_start3A_3178, %dma_start3A_3179] : memref<128x128xf32, #tpu.memory_space<vmem>> -> memref<122x128xf32, #tpu.memory_space<vmem>>
        %dma_start3A_3181 = arith.constant 0 : i32
        %dma_start3A_3182 = tpu.memref_slice %arg7[%add3A_2464, %dma_start3A_3181] : memref<32x128xi32, #tpu.memory_space<vmem>> -> memref<1x122xi32, #tpu.memory_space<vmem>>
        %dma_start3A_3183 = tpu.memref_squeeze %dma_start3A_3182 : memref<1x122xi32, #tpu.memory_space<vmem>> -> memref<122xi32, #tpu.memory_space<vmem>>
        %dma_start3A_3184 = arith.constant 0 : i32
        %dma_start3A_3185 = arith.constant 0 : i32
        %dma_start3A_3186 = tpu.memref_slice %arg3[%dma_start3A_3184, %dma_start3A_3185] : memref<100000x128xf32, #tpu.memory_space<hbm>> -> memref<100000x128xf32, #tpu.memory_space<hbm>>
        tpu.enqueue_indirect_dma source(%dma_start3A_3186 : memref<100000x128xf32, #tpu.memory_space<hbm>>) target(%dma_start3A_3180 : memref<122x128xf32, #tpu.memory_space<vmem>>) offsets(%dma_start3A_3183 : memref<122xi32, #tpu.memory_space<vmem>>) semaphore(%arg18 : memref<!tpu.dma_semaphore, #tpu.memory_space<semaphore_mem>>)
      } else {
      }
      %mul3A_2473 = arith.constant 4 : i32
      %mul3A_2474 = arith.muli %scan3A_2242, %mul3A_2473 : i32
      %add3A_2475 = arith.constant 1 : i32
      %add3A_2476 = arith.addi %mul3A_2474, %add3A_2475 : i32
      %dma_wait3A_2477 = arith.constant 0 : i32
      %dma_wait3A_2478 = arith.constant 0 : i32
      %dma_wait3A_2479 = tpu.memref_slice %arg12[%dma_wait3A_2477, %dma_wait3A_2478] : memref<128x128xf32, #tpu.memory_space<vmem>> -> memref<122x128xf32, #tpu.memory_space<vmem>>
      %dma_wait3A_2480 = arith.constant 0 : i32
      %dma_wait3A_2481 = tpu.memref_slice %arg7[%add3A_2476, %dma_wait3A_2480] : memref<32x128xi32, #tpu.memory_space<vmem>> -> memref<1x122xi32, #tpu.memory_space<vmem>>
      %dma_wait3A_2482 = tpu.memref_squeeze %dma_wait3A_2481 : memref<1x122xi32, #tpu.memory_space<vmem>> -> memref<122xi32, #tpu.memory_space<vmem>>
      %dma_wait3A_2483 = arith.constant 0 : i32
      %dma_wait3A_2484 = arith.constant 0 : i32
      %dma_wait3A_2485 = tpu.memref_slice %arg3[%dma_wait3A_2483, %dma_wait3A_2484] : memref<100000x128xf32, #tpu.memory_space<hbm>> -> memref<100000x128xf32, #tpu.memory_space<hbm>>
      tpu.wait_indirect_dma semaphore(%arg16 : memref<!tpu.dma_semaphore, #tpu.memory_space<semaphore_mem>>) src(%dma_wait3A_2485 : memref<100000x128xf32, #tpu.memory_space<hbm>>) dst(%dma_wait3A_2479 : memref<122x128xf32, #tpu.memory_space<vmem>>)
      %scan3A_2486 = arith.constant 0 : i32
      %scan3A_2487 = arith.constant 0 : i32
      %scan3A_2488 = arith.constant 61 : i32
      %scan3A_2489 = arith.addi %scan3A_2487, %scan3A_2488 : i32
      %scan3A_2490 = arith.constant 1 : i32
      scf.for %scan3A_3178 = %scan3A_2487 to %scan3A_2489 step %scan3A_2490  : i32 {
        %mul3A_3179 = arith.constant 2 : i32
        %mul3A_3180 = arith.muli %scan3A_3178, %mul3A_3179 : i32
        %add3A_3181 = arith.constant 0 : i32
        %add3A_3182 = arith.addi %mul3A_3180, %add3A_3181 : i32
        %get3A_3183 = arith.index_cast %add3A_3182 : i32 to index
        %get3A_3184 = arith.constant 0 : index
        %get3A_3185 = tpu.vector_load %arg12[%get3A_3183, %get3A_3184] {strides = array<i32>} : memref<128x128xf32, #tpu.memory_space<vmem>>, vector<1x16xf32>,
        %get3A_3186 = vector.shape_cast %get3A_3185 : vector<1x16xf32> to vector<16xf32>
        %get3A_3187 = arith.index_cast %add3A_3182 : i32 to index
        %get3A_3188 = arith.constant 0 : index
        %get3A_3189 = tpu.vector_load %arg9[%get3A_3187, %get3A_3188] {strides = array<i32>} : memref<128x128xf32, #tpu.memory_space<vmem>>, vector<1x16xf32>,
        %get3A_3190 = vector.shape_cast %get3A_3189 : vector<1x16xf32> to vector<16xf32>
        %add3A_3191 = arith.addf %get3A_3186, %get3A_3190 : vector<16xf32>
        %swap3A_3192 = arith.index_cast %add3A_3182 : i32 to index
        %swap3A_3193 = arith.constant 0 : index
        %swap3A_3194 = tpu.vector_load %arg12[%swap3A_3192, %swap3A_3193] {strides = array<i32>} : memref<128x128xf32, #tpu.memory_space<vmem>>, vector<1x16xf32>,
        %swap3A_3195 = vector.shape_cast %swap3A_3194 : vector<1x16xf32> to vector<16xf32>
        %swap3A_3196 = vector.shape_cast %add3A_3191 : vector<16xf32> to vector<1x16xf32>
        tpu.vector_store %arg12[%swap3A_3192, %swap3A_3193], %swap3A_3196 {strides = array<i32>} : memref<128x128xf32, #tpu.memory_space<vmem>>, vector<1x16xf32>,
        %get3A_3197 = arith.index_cast %add3A_3182 : i32 to index
        %get3A_3198 = arith.constant 16 : index
        %get3A_3199 = tpu.vector_load %arg12[%get3A_3197, %get3A_3198] {strides = array<i32>} : memref<128x128xf32, #tpu.memory_space<vmem>>, vector<1x16xf32>,
        %get3A_3200 = vector.shape_cast %get3A_3199 : vector<1x16xf32> to vector<16xf32>
        %get3A_3201 = arith.index_cast %add3A_3182 : i32 to index
        %get3A_3202 = arith.constant 16 : index
        %get3A_3203 = tpu.vector_load %arg9[%get3A_3201, %get3A_3202] {strides = array<i32>} : memref<128x128xf32, #tpu.memory_space<vmem>>, vector<1x16xf32>,
        %get3A_3204 = vector.shape_cast %get3A_3203 : vector<1x16xf32> to vector<16xf32>
        %add3A_3205 = arith.addf %get3A_3200, %get3A_3204 : vector<16xf32>
        %swap3A_3206 = arith.index_cast %add3A_3182 : i32 to index
        %swap3A_3207 = arith.constant 16 : index
        %swap3A_3208 = tpu.vector_load %arg12[%swap3A_3206, %swap3A_3207] {strides = array<i32>} : memref<128x128xf32, #tpu.memory_space<vmem>>, vector<1x16xf32>,
        %swap3A_3209 = vector.shape_cast %swap3A_3208 : vector<1x16xf32> to vector<16xf32>
        %swap3A_3210 = vector.shape_cast %add3A_3205 : vector<16xf32> to vector<1x16xf32>
        tpu.vector_store %arg12[%swap3A_3206, %swap3A_3207], %swap3A_3210 {strides = array<i32>} : memref<128x128xf32, #tpu.memory_space<vmem>>, vector<1x16xf32>,
        %get3A_3211 = arith.index_cast %add3A_3182 : i32 to index
        %get3A_3212 = arith.constant 32 : index
        %get3A_3213 = tpu.vector_load %arg12[%get3A_3211, %get3A_3212] {strides = array<i32>} : memref<128x128xf32, #tpu.memory_space<vmem>>, vector<1x16xf32>,
        %get3A_3214 = vector.shape_cast %get3A_3213 : vector<1x16xf32> to vector<16xf32>
        %get3A_3215 = arith.index_cast %add3A_3182 : i32 to index
        %get3A_3216 = arith.constant 32 : index
        %get3A_3217 = tpu.vector_load %arg9[%get3A_3215, %get3A_3216] {strides = array<i32>} : memref<128x128xf32, #tpu.memory_space<vmem>>, vector<1x16xf32>,
        %get3A_3218 = vector.shape_cast %get3A_3217 : vector<1x16xf32> to vector<16xf32>
        %add3A_3219 = arith.addf %get3A_3214, %get3A_3218 : vector<16xf32>
        %swap3A_3220 = arith.index_cast %add3A_3182 : i32 to index
        %swap3A_3221 = arith.constant 32 : index
        %swap3A_3222 = tpu.vector_load %arg12[%swap3A_3220, %swap3A_3221] {strides = array<i32>} : memref<128x128xf32, #tpu.memory_space<vmem>>, vector<1x16xf32>,
        %swap3A_3223 = vector.shape_cast %swap3A_3222 : vector<1x16xf32> to vector<16xf32>
        %swap3A_3224 = vector.shape_cast %add3A_3219 : vector<16xf32> to vector<1x16xf32>
        tpu.vector_store %arg12[%swap3A_3220, %swap3A_3221], %swap3A_3224 {strides = array<i32>} : memref<128x128xf32, #tpu.memory_space<vmem>>, vector<1x16xf32>,
        %get3A_3225 = arith.index_cast %add3A_3182 : i32 to index
        %get3A_3226 = arith.constant 48 : index
        %get3A_3227 = tpu.vector_load %arg12[%get3A_3225, %get3A_3226] {strides = array<i32>} : memref<128x128xf32, #tpu.memory_space<vmem>>, vector<1x16xf32>,
        %get3A_3228 = vector.shape_cast %get3A_3227 : vector<1x16xf32> to vector<16xf32>
        %get3A_3229 = arith.index_cast %add3A_3182 : i32 to index
        %get3A_3230 = arith.constant 48 : index
        %get3A_3231 = tpu.vector_load %arg9[%get3A_3229, %get3A_3230] {strides = array<i32>} : memref<128x128xf32, #tpu.memory_space<vmem>>, vector<1x16xf32>,
        %get3A_3232 = vector.shape_cast %get3A_3231 : vector<1x16xf32> to vector<16xf32>
        %add3A_3233 = arith.addf %get3A_3228, %get3A_3232 : vector<16xf32>
        %swap3A_3234 = arith.index_cast %add3A_3182 : i32 to index
        %swap3A_3235 = arith.constant 48 : index
        %swap3A_3236 = tpu.vector_load %arg12[%swap3A_3234, %swap3A_3235] {strides = array<i32>} : memref<128x128xf32, #tpu.memory_space<vmem>>, vector<1x16xf32>,
        %swap3A_3237 = vector.shape_cast %swap3A_3236 : vector<1x16xf32> to vector<16xf32>
        %swap3A_3238 = vector.shape_cast %add3A_3233 : vector<16xf32> to vector<1x16xf32>
        tpu.vector_store %arg12[%swap3A_3234, %swap3A_3235], %swap3A_3238 {strides = array<i32>} : memref<128x128xf32, #tpu.memory_space<vmem>>, vector<1x16xf32>,
        %get3A_3239 = arith.index_cast %add3A_3182 : i32 to index
        %get3A_3240 = arith.constant 64 : index
        %get3A_3241 = tpu.vector_load %arg12[%get3A_3239, %get3A_3240] {strides = array<i32>} : memref<128x128xf32, #tpu.memory_space<vmem>>, vector<1x16xf32>,
        %get3A_3242 = vector.shape_cast %get3A_3241 : vector<1x16xf32> to vector<16xf32>
        %get3A_3243 = arith.index_cast %add3A_3182 : i32 to index
        %get3A_3244 = arith.constant 64 : index
        %get3A_3245 = tpu.vector_load %arg9[%get3A_3243, %get3A_3244] {strides = array<i32>} : memref<128x128xf32, #tpu.memory_space<vmem>>, vector<1x16xf32>,
        %get3A_3246 = vector.shape_cast %get3A_3245 : vector<1x16xf32> to vector<16xf32>
        %add3A_3247 = arith.addf %get3A_3242, %get3A_3246 : vector<16xf32>
        %swap3A_3248 = arith.index_cast %add3A_3182 : i32 to index
        %swap3A_3249 = arith.constant 64 : index
        %swap3A_3250 = tpu.vector_load %arg12[%swap3A_3248, %swap3A_3249] {strides = array<i32>} : memref<128x128xf32, #tpu.memory_space<vmem>>, vector<1x16xf32>,
        %swap3A_3251 = vector.shape_cast %swap3A_3250 : vector<1x16xf32> to vector<16xf32>
        %swap3A_3252 = vector.shape_cast %add3A_3247 : vector<16xf32> to vector<1x16xf32>
        tpu.vector_store %arg12[%swap3A_3248, %swap3A_3249], %swap3A_3252 {strides = array<i32>} : memref<128x128xf32, #tpu.memory_space<vmem>>, vector<1x16xf32>,
        %get3A_3253 = arith.index_cast %add3A_3182 : i32 to index
        %get3A_3254 = arith.constant 80 : index
        %get3A_3255 = tpu.vector_load %arg12[%get3A_3253, %get3A_3254] {strides = array<i32>} : memref<128x128xf32, #tpu.memory_space<vmem>>, vector<1x16xf32>,
        %get3A_3256 = vector.shape_cast %get3A_3255 : vector<1x16xf32> to vector<16xf32>
        %get3A_3257 = arith.index_cast %add3A_3182 : i32 to index
        %get3A_3258 = arith.constant 80 : index
        %get3A_3259 = tpu.vector_load %arg9[%get3A_3257, %get3A_3258] {strides = array<i32>} : memref<128x128xf32, #tpu.memory_space<vmem>>, vector<1x16xf32>,
        %get3A_3260 = vector.shape_cast %get3A_3259 : vector<1x16xf32> to vector<16xf32>
        %add3A_3261 = arith.addf %get3A_3256, %get3A_3260 : vector<16xf32>
        %swap3A_3262 = arith.index_cast %add3A_3182 : i32 to index
        %swap3A_3263 = arith.constant 80 : index
        %swap3A_3264 = tpu.vector_load %arg12[%swap3A_3262, %swap3A_3263] {strides = array<i32>} : memref<128x128xf32, #tpu.memory_space<vmem>>, vector<1x16xf32>,
        %swap3A_3265 = vector.shape_cast %swap3A_3264 : vector<1x16xf32> to vector<16xf32>
        %swap3A_3266 = vector.shape_cast %add3A_3261 : vector<16xf32> to vector<1x16xf32>
        tpu.vector_store %arg12[%swap3A_3262, %swap3A_3263], %swap3A_3266 {strides = array<i32>} : memref<128x128xf32, #tpu.memory_space<vmem>>, vector<1x16xf32>,
        %get3A_3267 = arith.index_cast %add3A_3182 : i32 to index
        %get3A_3268 = arith.constant 96 : index
        %get3A_3269 = tpu.vector_load %arg12[%get3A_3267, %get3A_3268] {strides = array<i32>} : memref<128x128xf32, #tpu.memory_space<vmem>>, vector<1x16xf32>,
        %get3A_3270 = vector.shape_cast %get3A_3269 : vector<1x16xf32> to vector<16xf32>
        %get3A_3271 = arith.index_cast %add3A_3182 : i32 to index
        %get3A_3272 = arith.constant 96 : index
        %get3A_3273 = tpu.vector_load %arg9[%get3A_3271, %get3A_3272] {strides = array<i32>} : memref<128x128xf32, #tpu.memory_space<vmem>>, vector<1x16xf32>,
        %get3A_3274 = vector.shape_cast %get3A_3273 : vector<1x16xf32> to vector<16xf32>
        %add3A_3275 = arith.addf %get3A_3270, %get3A_3274 : vector<16xf32>
        %swap3A_3276 = arith.index_cast %add3A_3182 : i32 to index
        %swap3A_3277 = arith.constant 96 : index
        %swap3A_3278 = tpu.vector_load %arg12[%swap3A_3276, %swap3A_3277] {strides = array<i32>} : memref<128x128xf32, #tpu.memory_space<vmem>>, vector<1x16xf32>,
        %swap3A_3279 = vector.shape_cast %swap3A_3278 : vector<1x16xf32> to vector<16xf32>
        %swap3A_3280 = vector.shape_cast %add3A_3275 : vector<16xf32> to vector<1x16xf32>
        tpu.vector_store %arg12[%swap3A_3276, %swap3A_3277], %swap3A_3280 {strides = array<i32>} : memref<128x128xf32, #tpu.memory_space<vmem>>, vector<1x16xf32>,
        %get3A_3281 = arith.index_cast %add3A_3182 : i32 to index
        %get3A_3282 = arith.constant 112 : index
        %get3A_3283 = tpu.vector_load %arg12[%get3A_3281, %get3A_3282] {strides = array<i32>} : memref<128x128xf32, #tpu.memory_space<vmem>>, vector<1x16xf32>,
        %get3A_3284 = vector.shape_cast %get3A_3283 : vector<1x16xf32> to vector<16xf32>
        %get3A_3285 = arith.index_cast %add3A_3182 : i32 to index
        %get3A_3286 = arith.constant 112 : index
        %get3A_3287 = tpu.vector_load %arg9[%get3A_3285, %get3A_3286] {strides = array<i32>} : memref<128x128xf32, #tpu.memory_space<vmem>>, vector<1x16xf32>,
        %get3A_3288 = vector.shape_cast %get3A_3287 : vector<1x16xf32> to vector<16xf32>
        %add3A_3289 = arith.addf %get3A_3284, %get3A_3288 : vector<16xf32>
        %swap3A_3290 = arith.index_cast %add3A_3182 : i32 to index
        %swap3A_3291 = arith.constant 112 : index
        %swap3A_3292 = tpu.vector_load %arg12[%swap3A_3290, %swap3A_3291] {strides = array<i32>} : memref<128x128xf32, #tpu.memory_space<vmem>>, vector<1x16xf32>,
        %swap3A_3293 = vector.shape_cast %swap3A_3292 : vector<1x16xf32> to vector<16xf32>
        %swap3A_3294 = vector.shape_cast %add3A_3289 : vector<16xf32> to vector<1x16xf32>
        tpu.vector_store %arg12[%swap3A_3290, %swap3A_3291], %swap3A_3294 {strides = array<i32>} : memref<128x128xf32, #tpu.memory_space<vmem>>, vector<1x16xf32>,
        %mul3A_3295 = arith.constant 2 : i32
        %mul3A_3296 = arith.muli %scan3A_3178, %mul3A_3295 : i32
        %add3A_3297 = arith.constant 1 : i32
        %add3A_3298 = arith.addi %mul3A_3296, %add3A_3297 : i32
        %get3A_3299 = arith.index_cast %add3A_3298 : i32 to index
        %get3A_3300 = arith.constant 0 : index
        %get3A_3301 = tpu.vector_load %arg12[%get3A_3299, %get3A_3300] {strides = array<i32>} : memref<128x128xf32, #tpu.memory_space<vmem>>, vector<1x16xf32>,
        %get3A_3302 = vector.shape_cast %get3A_3301 : vector<1x16xf32> to vector<16xf32>
        %get3A_3303 = arith.index_cast %add3A_3298 : i32 to index
        %get3A_3304 = arith.constant 0 : index
        %get3A_3305 = tpu.vector_load %arg9[%get3A_3303, %get3A_3304] {strides = array<i32>} : memref<128x128xf32, #tpu.memory_space<vmem>>, vector<1x16xf32>,
        %get3A_3306 = vector.shape_cast %get3A_3305 : vector<1x16xf32> to vector<16xf32>
        %add3A_3307 = arith.addf %get3A_3302, %get3A_3306 : vector<16xf32>
        %swap3A_3308 = arith.index_cast %add3A_3298 : i32 to index
        %swap3A_3309 = arith.constant 0 : index
        %swap3A_3310 = tpu.vector_load %arg12[%swap3A_3308, %swap3A_3309] {strides = array<i32>} : memref<128x128xf32, #tpu.memory_space<vmem>>, vector<1x16xf32>,
        %swap3A_3311 = vector.shape_cast %swap3A_3310 : vector<1x16xf32> to vector<16xf32>
        %swap3A_3312 = vector.shape_cast %add3A_3307 : vector<16xf32> to vector<1x16xf32>
        tpu.vector_store %arg12[%swap3A_3308, %swap3A_3309], %swap3A_3312 {strides = array<i32>} : memref<128x128xf32, #tpu.memory_space<vmem>>, vector<1x16xf32>,
        %get3A_3313 = arith.index_cast %add3A_3298 : i32 to index
        %get3A_3314 = arith.constant 16 : index
        %get3A_3315 = tpu.vector_load %arg12[%get3A_3313, %get3A_3314] {strides = array<i32>} : memref<128x128xf32, #tpu.memory_space<vmem>>, vector<1x16xf32>,
        %get3A_3316 = vector.shape_cast %get3A_3315 : vector<1x16xf32> to vector<16xf32>
        %get3A_3317 = arith.index_cast %add3A_3298 : i32 to index
        %get3A_3318 = arith.constant 16 : index
        %get3A_3319 = tpu.vector_load %arg9[%get3A_3317, %get3A_3318] {strides = array<i32>} : memref<128x128xf32, #tpu.memory_space<vmem>>, vector<1x16xf32>,
        %get3A_3320 = vector.shape_cast %get3A_3319 : vector<1x16xf32> to vector<16xf32>
        %add3A_3321 = arith.addf %get3A_3316, %get3A_3320 : vector<16xf32>
        %swap3A_3322 = arith.index_cast %add3A_3298 : i32 to index
        %swap3A_3323 = arith.constant 16 : index
        %swap3A_3324 = tpu.vector_load %arg12[%swap3A_3322, %swap3A_3323] {strides = array<i32>} : memref<128x128xf32, #tpu.memory_space<vmem>>, vector<1x16xf32>,
        %swap3A_3325 = vector.shape_cast %swap3A_3324 : vector<1x16xf32> to vector<16xf32>
        %swap3A_3326 = vector.shape_cast %add3A_3321 : vector<16xf32> to vector<1x16xf32>
        tpu.vector_store %arg12[%swap3A_3322, %swap3A_3323], %swap3A_3326 {strides = array<i32>} : memref<128x128xf32, #tpu.memory_space<vmem>>, vector<1x16xf32>,
        %get3A_3327 = arith.index_cast %add3A_3298 : i32 to index
        %get3A_3328 = arith.constant 32 : index
        %get3A_3329 = tpu.vector_load %arg12[%get3A_3327, %get3A_3328] {strides = array<i32>} : memref<128x128xf32, #tpu.memory_space<vmem>>, vector<1x16xf32>,
        %get3A_3330 = vector.shape_cast %get3A_3329 : vector<1x16xf32> to vector<16xf32>
        %get3A_3331 = arith.index_cast %add3A_3298 : i32 to index
        %get3A_3332 = arith.constant 32 : index
        %get3A_3333 = tpu.vector_load %arg9[%get3A_3331, %get3A_3332] {strides = array<i32>} : memref<128x128xf32, #tpu.memory_space<vmem>>, vector<1x16xf32>,
        %get3A_3334 = vector.shape_cast %get3A_3333 : vector<1x16xf32> to vector<16xf32>
        %add3A_3335 = arith.addf %get3A_3330, %get3A_3334 : vector<16xf32>
        %swap3A_3336 = arith.index_cast %add3A_3298 : i32 to index
        %swap3A_3337 = arith.constant 32 : index
        %swap3A_3338 = tpu.vector_load %arg12[%swap3A_3336, %swap3A_3337] {strides = array<i32>} : memref<128x128xf32, #tpu.memory_space<vmem>>, vector<1x16xf32>,
        %swap3A_3339 = vector.shape_cast %swap3A_3338 : vector<1x16xf32> to vector<16xf32>
        %swap3A_3340 = vector.shape_cast %add3A_3335 : vector<16xf32> to vector<1x16xf32>
        tpu.vector_store %arg12[%swap3A_3336, %swap3A_3337], %swap3A_3340 {strides = array<i32>} : memref<128x128xf32, #tpu.memory_space<vmem>>, vector<1x16xf32>,
        %get3A_3341 = arith.index_cast %add3A_3298 : i32 to index
        %get3A_3342 = arith.constant 48 : index
        %get3A_3343 = tpu.vector_load %arg12[%get3A_3341, %get3A_3342] {strides = array<i32>} : memref<128x128xf32, #tpu.memory_space<vmem>>, vector<1x16xf32>,
        %get3A_3344 = vector.shape_cast %get3A_3343 : vector<1x16xf32> to vector<16xf32>
        %get3A_3345 = arith.index_cast %add3A_3298 : i32 to index
        %get3A_3346 = arith.constant 48 : index
        %get3A_3347 = tpu.vector_load %arg9[%get3A_3345, %get3A_3346] {strides = array<i32>} : memref<128x128xf32, #tpu.memory_space<vmem>>, vector<1x16xf32>,
        %get3A_3348 = vector.shape_cast %get3A_3347 : vector<1x16xf32> to vector<16xf32>
        %add3A_3349 = arith.addf %get3A_3344, %get3A_3348 : vector<16xf32>
        %swap3A_3350 = arith.index_cast %add3A_3298 : i32 to index
        %swap3A_3351 = arith.constant 48 : index
        %swap3A_3352 = tpu.vector_load %arg12[%swap3A_3350, %swap3A_3351] {strides = array<i32>} : memref<128x128xf32, #tpu.memory_space<vmem>>, vector<1x16xf32>,
        %swap3A_3353 = vector.shape_cast %swap3A_3352 : vector<1x16xf32> to vector<16xf32>
        %swap3A_3354 = vector.shape_cast %add3A_3349 : vector<16xf32> to vector<1x16xf32>
        tpu.vector_store %arg12[%swap3A_3350, %swap3A_3351], %swap3A_3354 {strides = array<i32>} : memref<128x128xf32, #tpu.memory_space<vmem>>, vector<1x16xf32>,
        %get3A_3355 = arith.index_cast %add3A_3298 : i32 to index
        %get3A_3356 = arith.constant 64 : index
        %get3A_3357 = tpu.vector_load %arg12[%get3A_3355, %get3A_3356] {strides = array<i32>} : memref<128x128xf32, #tpu.memory_space<vmem>>, vector<1x16xf32>,
        %get3A_3358 = vector.shape_cast %get3A_3357 : vector<1x16xf32> to vector<16xf32>
        %get3A_3359 = arith.index_cast %add3A_3298 : i32 to index
        %get3A_3360 = arith.constant 64 : index
        %get3A_3361 = tpu.vector_load %arg9[%get3A_3359, %get3A_3360] {strides = array<i32>} : memref<128x128xf32, #tpu.memory_space<vmem>>, vector<1x16xf32>,
        %get3A_3362 = vector.shape_cast %get3A_3361 : vector<1x16xf32> to vector<16xf32>
        %add3A_3363 = arith.addf %get3A_3358, %get3A_3362 : vector<16xf32>
        %swap3A_3364 = arith.index_cast %add3A_3298 : i32 to index
        %swap3A_3365 = arith.constant 64 : index
        %swap3A_3366 = tpu.vector_load %arg12[%swap3A_3364, %swap3A_3365] {strides = array<i32>} : memref<128x128xf32, #tpu.memory_space<vmem>>, vector<1x16xf32>,
        %swap3A_3367 = vector.shape_cast %swap3A_3366 : vector<1x16xf32> to vector<16xf32>
        %swap3A_3368 = vector.shape_cast %add3A_3363 : vector<16xf32> to vector<1x16xf32>
        tpu.vector_store %arg12[%swap3A_3364, %swap3A_3365], %swap3A_3368 {strides = array<i32>} : memref<128x128xf32, #tpu.memory_space<vmem>>, vector<1x16xf32>,
        %get3A_3369 = arith.index_cast %add3A_3298 : i32 to index
        %get3A_3370 = arith.constant 80 : index
        %get3A_3371 = tpu.vector_load %arg12[%get3A_3369, %get3A_3370] {strides = array<i32>} : memref<128x128xf32, #tpu.memory_space<vmem>>, vector<1x16xf32>,
        %get3A_3372 = vector.shape_cast %get3A_3371 : vector<1x16xf32> to vector<16xf32>
        %get3A_3373 = arith.index_cast %add3A_3298 : i32 to index
        %get3A_3374 = arith.constant 80 : index
        %get3A_3375 = tpu.vector_load %arg9[%get3A_3373, %get3A_3374] {strides = array<i32>} : memref<128x128xf32, #tpu.memory_space<vmem>>, vector<1x16xf32>,
        %get3A_3376 = vector.shape_cast %get3A_3375 : vector<1x16xf32> to vector<16xf32>
        %add3A_3377 = arith.addf %get3A_3372, %get3A_3376 : vector<16xf32>
        %swap3A_3378 = arith.index_cast %add3A_3298 : i32 to index
        %swap3A_3379 = arith.constant 80 : index
        %swap3A_3380 = tpu.vector_load %arg12[%swap3A_3378, %swap3A_3379] {strides = array<i32>} : memref<128x128xf32, #tpu.memory_space<vmem>>, vector<1x16xf32>,
        %swap3A_3381 = vector.shape_cast %swap3A_3380 : vector<1x16xf32> to vector<16xf32>
        %swap3A_3382 = vector.shape_cast %add3A_3377 : vector<16xf32> to vector<1x16xf32>
        tpu.vector_store %arg12[%swap3A_3378, %swap3A_3379], %swap3A_3382 {strides = array<i32>} : memref<128x128xf32, #tpu.memory_space<vmem>>, vector<1x16xf32>,
        %get3A_3383 = arith.index_cast %add3A_3298 : i32 to index
        %get3A_3384 = arith.constant 96 : index
        %get3A_3385 = tpu.vector_load %arg12[%get3A_3383, %get3A_3384] {strides = array<i32>} : memref<128x128xf32, #tpu.memory_space<vmem>>, vector<1x16xf32>,
        %get3A_3386 = vector.shape_cast %get3A_3385 : vector<1x16xf32> to vector<16xf32>
        %get3A_3387 = arith.index_cast %add3A_3298 : i32 to index
        %get3A_3388 = arith.constant 96 : index
        %get3A_3389 = tpu.vector_load %arg9[%get3A_3387, %get3A_3388] {strides = array<i32>} : memref<128x128xf32, #tpu.memory_space<vmem>>, vector<1x16xf32>,
        %get3A_3390 = vector.shape_cast %get3A_3389 : vector<1x16xf32> to vector<16xf32>
        %add3A_3391 = arith.addf %get3A_3386, %get3A_3390 : vector<16xf32>
        %swap3A_3392 = arith.index_cast %add3A_3298 : i32 to index
        %swap3A_3393 = arith.constant 96 : index
        %swap3A_3394 = tpu.vector_load %arg12[%swap3A_3392, %swap3A_3393] {strides = array<i32>} : memref<128x128xf32, #tpu.memory_space<vmem>>, vector<1x16xf32>,
        %swap3A_3395 = vector.shape_cast %swap3A_3394 : vector<1x16xf32> to vector<16xf32>
        %swap3A_3396 = vector.shape_cast %add3A_3391 : vector<16xf32> to vector<1x16xf32>
        tpu.vector_store %arg12[%swap3A_3392, %swap3A_3393], %swap3A_3396 {strides = array<i32>} : memref<128x128xf32, #tpu.memory_space<vmem>>, vector<1x16xf32>,
        %get3A_3397 = arith.index_cast %add3A_3298 : i32 to index
        %get3A_3398 = arith.constant 112 : index
        %get3A_3399 = tpu.vector_load %arg12[%get3A_3397, %get3A_3398] {strides = array<i32>} : memref<128x128xf32, #tpu.memory_space<vmem>>, vector<1x16xf32>,
        %get3A_3400 = vector.shape_cast %get3A_3399 : vector<1x16xf32> to vector<16xf32>
        %get3A_3401 = arith.index_cast %add3A_3298 : i32 to index
        %get3A_3402 = arith.constant 112 : index
        %get3A_3403 = tpu.vector_load %arg9[%get3A_3401, %get3A_3402] {strides = array<i32>} : memref<128x128xf32, #tpu.memory_space<vmem>>, vector<1x16xf32>,
        %get3A_3404 = vector.shape_cast %get3A_3403 : vector<1x16xf32> to vector<16xf32>
        %add3A_3405 = arith.addf %get3A_3400, %get3A_3404 : vector<16xf32>
        %swap3A_3406 = arith.index_cast %add3A_3298 : i32 to index
        %swap3A_3407 = arith.constant 112 : index
        %swap3A_3408 = tpu.vector_load %arg12[%swap3A_3406, %swap3A_3407] {strides = array<i32>} : memref<128x128xf32, #tpu.memory_space<vmem>>, vector<1x16xf32>,
        %swap3A_3409 = vector.shape_cast %swap3A_3408 : vector<1x16xf32> to vector<16xf32>
        %swap3A_3410 = vector.shape_cast %add3A_3405 : vector<16xf32> to vector<1x16xf32>
        tpu.vector_store %arg12[%swap3A_3406, %swap3A_3407], %swap3A_3410 {strides = array<i32>} : memref<128x128xf32, #tpu.memory_space<vmem>>, vector<1x16xf32>,
      }
      %scan3A_2491 = arith.constant 61 : i32
      %get3A_2492 = arith.constant 0 : i32
      %get3A_2493 = arith.index_cast %add3A_2476 : i32 to index
      %get3A_2494 = arith.index_cast %get3A_2492 : i32 to index
      %get3A_2495 = arith.constant 0 : index
      %get3A_2496 = tpu.vector_load %arg8[%get3A_2493, %get3A_2494, %get3A_2495] {strides = array<i32>} : memref<32x2x128xf32, #tpu.memory_space<vmem>>, vector<1x1x16xf32>,
      %get3A_2497 = vector.shape_cast %get3A_2496 : vector<1x1x16xf32> to vector<16xf32>
      %swap3A_2498 = arith.constant 123 : i32
      %swap3A_2499 = arith.index_cast %swap3A_2498 : i32 to index
      %swap3A_2500 = arith.constant 0 : index
      %swap3A_2501 = tpu.vector_load %arg12[%swap3A_2499, %swap3A_2500] {strides = array<i32>} : memref<128x128xf32, #tpu.memory_space<vmem>>, vector<1x16xf32>,
      %swap3A_2502 = vector.shape_cast %swap3A_2501 : vector<1x16xf32> to vector<16xf32>
      %swap3A_2503 = vector.shape_cast %get3A_2497 : vector<16xf32> to vector<1x16xf32>
      tpu.vector_store %arg12[%swap3A_2499, %swap3A_2500], %swap3A_2503 {strides = array<i32>} : memref<128x128xf32, #tpu.memory_space<vmem>>, vector<1x16xf32>,
      %get3A_2504 = arith.constant 1 : i32
      %get3A_2505 = arith.index_cast %add3A_2476 : i32 to index
      %get3A_2506 = arith.index_cast %get3A_2504 : i32 to index
      %get3A_2507 = arith.constant 0 : index
      %get3A_2508 = tpu.vector_load %arg8[%get3A_2505, %get3A_2506, %get3A_2507] {strides = array<i32>} : memref<32x2x128xf32, #tpu.memory_space<vmem>>, vector<1x1x16xf32>,
      %get3A_2509 = vector.shape_cast %get3A_2508 : vector<1x1x16xf32> to vector<16xf32>
      %swap3A_2510 = arith.constant 126 : i32
      %swap3A_2511 = arith.index_cast %swap3A_2510 : i32 to index
      %swap3A_2512 = arith.constant 0 : index
      %swap3A_2513 = tpu.vector_load %arg12[%swap3A_2511, %swap3A_2512] {strides = array<i32>} : memref<128x128xf32, #tpu.memory_space<vmem>>, vector<1x16xf32>,
      %swap3A_2514 = vector.shape_cast %swap3A_2513 : vector<1x16xf32> to vector<16xf32>
      %swap3A_2515 = vector.shape_cast %get3A_2509 : vector<16xf32> to vector<1x16xf32>
      tpu.vector_store %arg12[%swap3A_2511, %swap3A_2512], %swap3A_2515 {strides = array<i32>} : memref<128x128xf32, #tpu.memory_space<vmem>>, vector<1x16xf32>,
      %get3A_2516 = arith.constant 0 : i32
      %get3A_2517 = arith.index_cast %add3A_2476 : i32 to index
      %get3A_2518 = arith.index_cast %get3A_2516 : i32 to index
      %get3A_2519 = arith.constant 16 : index
      %get3A_2520 = tpu.vector_load %arg8[%get3A_2517, %get3A_2518, %get3A_2519] {strides = array<i32>} : memref<32x2x128xf32, #tpu.memory_space<vmem>>, vector<1x1x16xf32>,
      %get3A_2521 = vector.shape_cast %get3A_2520 : vector<1x1x16xf32> to vector<16xf32>
      %swap3A_2522 = arith.constant 123 : i32
      %swap3A_2523 = arith.index_cast %swap3A_2522 : i32 to index
      %swap3A_2524 = arith.constant 16 : index
      %swap3A_2525 = tpu.vector_load %arg12[%swap3A_2523, %swap3A_2524] {strides = array<i32>} : memref<128x128xf32, #tpu.memory_space<vmem>>, vector<1x16xf32>,
      %swap3A_2526 = vector.shape_cast %swap3A_2525 : vector<1x16xf32> to vector<16xf32>
      %swap3A_2527 = vector.shape_cast %get3A_2521 : vector<16xf32> to vector<1x16xf32>
      tpu.vector_store %arg12[%swap3A_2523, %swap3A_2524], %swap3A_2527 {strides = array<i32>} : memref<128x128xf32, #tpu.memory_space<vmem>>, vector<1x16xf32>,
      %get3A_2528 = arith.constant 1 : i32
      %get3A_2529 = arith.index_cast %add3A_2476 : i32 to index
      %get3A_2530 = arith.index_cast %get3A_2528 : i32 to index
      %get3A_2531 = arith.constant 16 : index
      %get3A_2532 = tpu.vector_load %arg8[%get3A_2529, %get3A_2530, %get3A_2531] {strides = array<i32>} : memref<32x2x128xf32, #tpu.memory_space<vmem>>, vector<1x1x16xf32>,
      %get3A_2533 = vector.shape_cast %get3A_2532 : vector<1x1x16xf32> to vector<16xf32>
      %swap3A_2534 = arith.constant 126 : i32
      %swap3A_2535 = arith.index_cast %swap3A_2534 : i32 to index
      %swap3A_2536 = arith.constant 16 : index
      %swap3A_2537 = tpu.vector_load %arg12[%swap3A_2535, %swap3A_2536] {strides = array<i32>} : memref<128x128xf32, #tpu.memory_space<vmem>>, vector<1x16xf32>,
      %swap3A_2538 = vector.shape_cast %swap3A_2537 : vector<1x16xf32> to vector<16xf32>
      %swap3A_2539 = vector.shape_cast %get3A_2533 : vector<16xf32> to vector<1x16xf32>
      tpu.vector_store %arg12[%swap3A_2535, %swap3A_2536], %swap3A_2539 {strides = array<i32>} : memref<128x128xf32, #tpu.memory_space<vmem>>, vector<1x16xf32>,
      %get3A_2540 = arith.constant 0 : i32
      %get3A_2541 = arith.index_cast %add3A_2476 : i32 to index
      %get3A_2542 = arith.index_cast %get3A_2540 : i32 to index
      %get3A_2543 = arith.constant 32 : index
      %get3A_2544 = tpu.vector_load %arg8[%get3A_2541, %get3A_2542, %get3A_2543] {strides = array<i32>} : memref<32x2x128xf32, #tpu.memory_space<vmem>>, vector<1x1x16xf32>,
      %get3A_2545 = vector.shape_cast %get3A_2544 : vector<1x1x16xf32> to vector<16xf32>
      %swap3A_2546 = arith.constant 123 : i32
      %swap3A_2547 = arith.index_cast %swap3A_2546 : i32 to index
      %swap3A_2548 = arith.constant 32 : index
      %swap3A_2549 = tpu.vector_load %arg12[%swap3A_2547, %swap3A_2548] {strides = array<i32>} : memref<128x128xf32, #tpu.memory_space<vmem>>, vector<1x16xf32>,
      %swap3A_2550 = vector.shape_cast %swap3A_2549 : vector<1x16xf32> to vector<16xf32>
      %swap3A_2551 = vector.shape_cast %get3A_2545 : vector<16xf32> to vector<1x16xf32>
      tpu.vector_store %arg12[%swap3A_2547, %swap3A_2548], %swap3A_2551 {strides = array<i32>} : memref<128x128xf32, #tpu.memory_space<vmem>>, vector<1x16xf32>,
      %get3A_2552 = arith.constant 1 : i32
      %get3A_2553 = arith.index_cast %add3A_2476 : i32 to index
      %get3A_2554 = arith.index_cast %get3A_2552 : i32 to index
      %get3A_2555 = arith.constant 32 : index
      %get3A_2556 = tpu.vector_load %arg8[%get3A_2553, %get3A_2554, %get3A_2555] {strides = array<i32>} : memref<32x2x128xf32, #tpu.memory_space<vmem>>, vector<1x1x16xf32>,
      %get3A_2557 = vector.shape_cast %get3A_2556 : vector<1x1x16xf32> to vector<16xf32>
      %swap3A_2558 = arith.constant 126 : i32
      %swap3A_2559 = arith.index_cast %swap3A_2558 : i32 to index
      %swap3A_2560 = arith.constant 32 : index
      %swap3A_2561 = tpu.vector_load %arg12[%swap3A_2559, %swap3A_2560] {strides = array<i32>} : memref<128x128xf32, #tpu.memory_space<vmem>>, vector<1x16xf32>,
      %swap3A_2562 = vector.shape_cast %swap3A_2561 : vector<1x16xf32> to vector<16xf32>
      %swap3A_2563 = vector.shape_cast %get3A_2557 : vector<16xf32> to vector<1x16xf32>
      tpu.vector_store %arg12[%swap3A_2559, %swap3A_2560], %swap3A_2563 {strides = array<i32>} : memref<128x128xf32, #tpu.memory_space<vmem>>, vector<1x16xf32>,
      %get3A_2564 = arith.constant 0 : i32
      %get3A_2565 = arith.index_cast %add3A_2476 : i32 to index
      %get3A_2566 = arith.index_cast %get3A_2564 : i32 to index
      %get3A_2567 = arith.constant 48 : index
      %get3A_2568 = tpu.vector_load %arg8[%get3A_2565, %get3A_2566, %get3A_2567] {strides = array<i32>} : memref<32x2x128xf32, #tpu.memory_space<vmem>>, vector<1x1x16xf32>,
      %get3A_2569 = vector.shape_cast %get3A_2568 : vector<1x1x16xf32> to vector<16xf32>
      %swap3A_2570 = arith.constant 123 : i32
      %swap3A_2571 = arith.index_cast %swap3A_2570 : i32 to index
      %swap3A_2572 = arith.constant 48 : index
      %swap3A_2573 = tpu.vector_load %arg12[%swap3A_2571, %swap3A_2572] {strides = array<i32>} : memref<128x128xf32, #tpu.memory_space<vmem>>, vector<1x16xf32>,
      %swap3A_2574 = vector.shape_cast %swap3A_2573 : vector<1x16xf32> to vector<16xf32>
      %swap3A_2575 = vector.shape_cast %get3A_2569 : vector<16xf32> to vector<1x16xf32>
      tpu.vector_store %arg12[%swap3A_2571, %swap3A_2572], %swap3A_2575 {strides = array<i32>} : memref<128x128xf32, #tpu.memory_space<vmem>>, vector<1x16xf32>,
      %get3A_2576 = arith.constant 1 : i32
      %get3A_2577 = arith.index_cast %add3A_2476 : i32 to index
      %get3A_2578 = arith.index_cast %get3A_2576 : i32 to index
      %get3A_2579 = arith.constant 48 : index
      %get3A_2580 = tpu.vector_load %arg8[%get3A_2577, %get3A_2578, %get3A_2579] {strides = array<i32>} : memref<32x2x128xf32, #tpu.memory_space<vmem>>, vector<1x1x16xf32>,
      %get3A_2581 = vector.shape_cast %get3A_2580 : vector<1x1x16xf32> to vector<16xf32>
      %swap3A_2582 = arith.constant 126 : i32
      %swap3A_2583 = arith.index_cast %swap3A_2582 : i32 to index
      %swap3A_2584 = arith.constant 48 : index
      %swap3A_2585 = tpu.vector_load %arg12[%swap3A_2583, %swap3A_2584] {strides = array<i32>} : memref<128x128xf32, #tpu.memory_space<vmem>>, vector<1x16xf32>,
      %swap3A_2586 = vector.shape_cast %swap3A_2585 : vector<1x16xf32> to vector<16xf32>
      %swap3A_2587 = vector.shape_cast %get3A_2581 : vector<16xf32> to vector<1x16xf32>
      tpu.vector_store %arg12[%swap3A_2583, %swap3A_2584], %swap3A_2587 {strides = array<i32>} : memref<128x128xf32, #tpu.memory_space<vmem>>, vector<1x16xf32>,
      %get3A_2588 = arith.constant 0 : i32
      %get3A_2589 = arith.index_cast %add3A_2476 : i32 to index
      %get3A_2590 = arith.index_cast %get3A_2588 : i32 to index
      %get3A_2591 = arith.constant 64 : index
      %get3A_2592 = tpu.vector_load %arg8[%get3A_2589, %get3A_2590, %get3A_2591] {strides = array<i32>} : memref<32x2x128xf32, #tpu.memory_space<vmem>>, vector<1x1x16xf32>,
      %get3A_2593 = vector.shape_cast %get3A_2592 : vector<1x1x16xf32> to vector<16xf32>
      %swap3A_2594 = arith.constant 123 : i32
      %swap3A_2595 = arith.index_cast %swap3A_2594 : i32 to index
      %swap3A_2596 = arith.constant 64 : index
      %swap3A_2597 = tpu.vector_load %arg12[%swap3A_2595, %swap3A_2596] {strides = array<i32>} : memref<128x128xf32, #tpu.memory_space<vmem>>, vector<1x16xf32>,
      %swap3A_2598 = vector.shape_cast %swap3A_2597 : vector<1x16xf32> to vector<16xf32>
      %swap3A_2599 = vector.shape_cast %get3A_2593 : vector<16xf32> to vector<1x16xf32>
      tpu.vector_store %arg12[%swap3A_2595, %swap3A_2596], %swap3A_2599 {strides = array<i32>} : memref<128x128xf32, #tpu.memory_space<vmem>>, vector<1x16xf32>,
      %get3A_2600 = arith.constant 1 : i32
      %get3A_2601 = arith.index_cast %add3A_2476 : i32 to index
      %get3A_2602 = arith.index_cast %get3A_2600 : i32 to index
      %get3A_2603 = arith.constant 64 : index
      %get3A_2604 = tpu.vector_load %arg8[%get3A_2601, %get3A_2602, %get3A_2603] {strides = array<i32>} : memref<32x2x128xf32, #tpu.memory_space<vmem>>, vector<1x1x16xf32>,
      %get3A_2605 = vector.shape_cast %get3A_2604 : vector<1x1x16xf32> to vector<16xf32>
      %swap3A_2606 = arith.constant 126 : i32
      %swap3A_2607 = arith.index_cast %swap3A_2606 : i32 to index
      %swap3A_2608 = arith.constant 64 : index
      %swap3A_2609 = tpu.vector_load %arg12[%swap3A_2607, %swap3A_2608] {strides = array<i32>} : memref<128x128xf32, #tpu.memory_space<vmem>>, vector<1x16xf32>,
      %swap3A_2610 = vector.shape_cast %swap3A_2609 : vector<1x16xf32> to vector<16xf32>
      %swap3A_2611 = vector.shape_cast %get3A_2605 : vector<16xf32> to vector<1x16xf32>
      tpu.vector_store %arg12[%swap3A_2607, %swap3A_2608], %swap3A_2611 {strides = array<i32>} : memref<128x128xf32, #tpu.memory_space<vmem>>, vector<1x16xf32>,
      %get3A_2612 = arith.constant 0 : i32
      %get3A_2613 = arith.index_cast %add3A_2476 : i32 to index
      %get3A_2614 = arith.index_cast %get3A_2612 : i32 to index
      %get3A_2615 = arith.constant 80 : index
      %get3A_2616 = tpu.vector_load %arg8[%get3A_2613, %get3A_2614, %get3A_2615] {strides = array<i32>} : memref<32x2x128xf32, #tpu.memory_space<vmem>>, vector<1x1x16xf32>,
      %get3A_2617 = vector.shape_cast %get3A_2616 : vector<1x1x16xf32> to vector<16xf32>
      %swap3A_2618 = arith.constant 123 : i32
      %swap3A_2619 = arith.index_cast %swap3A_2618 : i32 to index
      %swap3A_2620 = arith.constant 80 : index
      %swap3A_2621 = tpu.vector_load %arg12[%swap3A_2619, %swap3A_2620] {strides = array<i32>} : memref<128x128xf32, #tpu.memory_space<vmem>>, vector<1x16xf32>,
      %swap3A_2622 = vector.shape_cast %swap3A_2621 : vector<1x16xf32> to vector<16xf32>
      %swap3A_2623 = vector.shape_cast %get3A_2617 : vector<16xf32> to vector<1x16xf32>
      tpu.vector_store %arg12[%swap3A_2619, %swap3A_2620], %swap3A_2623 {strides = array<i32>} : memref<128x128xf32, #tpu.memory_space<vmem>>, vector<1x16xf32>,
      %get3A_2624 = arith.constant 1 : i32
      %get3A_2625 = arith.index_cast %add3A_2476 : i32 to index
      %get3A_2626 = arith.index_cast %get3A_2624 : i32 to index
      %get3A_2627 = arith.constant 80 : index
      %get3A_2628 = tpu.vector_load %arg8[%get3A_2625, %get3A_2626, %get3A_2627] {strides = array<i32>} : memref<32x2x128xf32, #tpu.memory_space<vmem>>, vector<1x1x16xf32>,
      %get3A_2629 = vector.shape_cast %get3A_2628 : vector<1x1x16xf32> to vector<16xf32>
      %swap3A_2630 = arith.constant 126 : i32
      %swap3A_2631 = arith.index_cast %swap3A_2630 : i32 to index
      %swap3A_2632 = arith.constant 80 : index
      %swap3A_2633 = tpu.vector_load %arg12[%swap3A_2631, %swap3A_2632] {strides = array<i32>} : memref<128x128xf32, #tpu.memory_space<vmem>>, vector<1x16xf32>,
      %swap3A_2634 = vector.shape_cast %swap3A_2633 : vector<1x16xf32> to vector<16xf32>
      %swap3A_2635 = vector.shape_cast %get3A_2629 : vector<16xf32> to vector<1x16xf32>
      tpu.vector_store %arg12[%swap3A_2631, %swap3A_2632], %swap3A_2635 {strides = array<i32>} : memref<128x128xf32, #tpu.memory_space<vmem>>, vector<1x16xf32>,
      %get3A_2636 = arith.constant 0 : i32
      %get3A_2637 = arith.index_cast %add3A_2476 : i32 to index
      %get3A_2638 = arith.index_cast %get3A_2636 : i32 to index
      %get3A_2639 = arith.constant 96 : index
      %get3A_2640 = tpu.vector_load %arg8[%get3A_2637, %get3A_2638, %get3A_2639] {strides = array<i32>} : memref<32x2x128xf32, #tpu.memory_space<vmem>>, vector<1x1x16xf32>,
      %get3A_2641 = vector.shape_cast %get3A_2640 : vector<1x1x16xf32> to vector<16xf32>
      %swap3A_2642 = arith.constant 123 : i32
      %swap3A_2643 = arith.index_cast %swap3A_2642 : i32 to index
      %swap3A_2644 = arith.constant 96 : index
      %swap3A_2645 = tpu.vector_load %arg12[%swap3A_2643, %swap3A_2644] {strides = array<i32>} : memref<128x128xf32, #tpu.memory_space<vmem>>, vector<1x16xf32>,
      %swap3A_2646 = vector.shape_cast %swap3A_2645 : vector<1x16xf32> to vector<16xf32>
      %swap3A_2647 = vector.shape_cast %get3A_2641 : vector<16xf32> to vector<1x16xf32>
      tpu.vector_store %arg12[%swap3A_2643, %swap3A_2644], %swap3A_2647 {strides = array<i32>} : memref<128x128xf32, #tpu.memory_space<vmem>>, vector<1x16xf32>,
      %get3A_2648 = arith.constant 1 : i32
      %get3A_2649 = arith.index_cast %add3A_2476 : i32 to index
      %get3A_2650 = arith.index_cast %get3A_2648 : i32 to index
      %get3A_2651 = arith.constant 96 : index
      %get3A_2652 = tpu.vector_load %arg8[%get3A_2649, %get3A_2650, %get3A_2651] {strides = array<i32>} : memref<32x2x128xf32, #tpu.memory_space<vmem>>, vector<1x1x16xf32>,
      %get3A_2653 = vector.shape_cast %get3A_2652 : vector<1x1x16xf32> to vector<16xf32>
      %swap3A_2654 = arith.constant 126 : i32
      %swap3A_2655 = arith.index_cast %swap3A_2654 : i32 to index
      %swap3A_2656 = arith.constant 96 : index
      %swap3A_2657 = tpu.vector_load %arg12[%swap3A_2655, %swap3A_2656] {strides = array<i32>} : memref<128x128xf32, #tpu.memory_space<vmem>>, vector<1x16xf32>,
      %swap3A_2658 = vector.shape_cast %swap3A_2657 : vector<1x16xf32> to vector<16xf32>
      %swap3A_2659 = vector.shape_cast %get3A_2653 : vector<16xf32> to vector<1x16xf32>
      tpu.vector_store %arg12[%swap3A_2655, %swap3A_2656], %swap3A_2659 {strides = array<i32>} : memref<128x128xf32, #tpu.memory_space<vmem>>, vector<1x16xf32>,
      %get3A_2660 = arith.constant 0 : i32
      %get3A_2661 = arith.index_cast %add3A_2476 : i32 to index
      %get3A_2662 = arith.index_cast %get3A_2660 : i32 to index
      %get3A_2663 = arith.constant 112 : index
      %get3A_2664 = tpu.vector_load %arg8[%get3A_2661, %get3A_2662, %get3A_2663] {strides = array<i32>} : memref<32x2x128xf32, #tpu.memory_space<vmem>>, vector<1x1x16xf32>,
      %get3A_2665 = vector.shape_cast %get3A_2664 : vector<1x1x16xf32> to vector<16xf32>
      %swap3A_2666 = arith.constant 123 : i32
      %swap3A_2667 = arith.index_cast %swap3A_2666 : i32 to index
      %swap3A_2668 = arith.constant 112 : index
      %swap3A_2669 = tpu.vector_load %arg12[%swap3A_2667, %swap3A_2668] {strides = array<i32>} : memref<128x128xf32, #tpu.memory_space<vmem>>, vector<1x16xf32>,
      %swap3A_2670 = vector.shape_cast %swap3A_2669 : vector<1x16xf32> to vector<16xf32>
      %swap3A_2671 = vector.shape_cast %get3A_2665 : vector<16xf32> to vector<1x16xf32>
      tpu.vector_store %arg12[%swap3A_2667, %swap3A_2668], %swap3A_2671 {strides = array<i32>} : memref<128x128xf32, #tpu.memory_space<vmem>>, vector<1x16xf32>,
      %get3A_2672 = arith.constant 1 : i32
      %get3A_2673 = arith.index_cast %add3A_2476 : i32 to index
      %get3A_2674 = arith.index_cast %get3A_2672 : i32 to index
      %get3A_2675 = arith.constant 112 : index
      %get3A_2676 = tpu.vector_load %arg8[%get3A_2673, %get3A_2674, %get3A_2675] {strides = array<i32>} : memref<32x2x128xf32, #tpu.memory_space<vmem>>, vector<1x1x16xf32>,
      %get3A_2677 = vector.shape_cast %get3A_2676 : vector<1x1x16xf32> to vector<16xf32>
      %swap3A_2678 = arith.constant 126 : i32
      %swap3A_2679 = arith.index_cast %swap3A_2678 : i32 to index
      %swap3A_2680 = arith.constant 112 : index
      %swap3A_2681 = tpu.vector_load %arg12[%swap3A_2679, %swap3A_2680] {strides = array<i32>} : memref<128x128xf32, #tpu.memory_space<vmem>>, vector<1x16xf32>,
      %swap3A_2682 = vector.shape_cast %swap3A_2681 : vector<1x16xf32> to vector<16xf32>
      %swap3A_2683 = vector.shape_cast %get3A_2677 : vector<16xf32> to vector<1x16xf32>
      tpu.vector_store %arg12[%swap3A_2679, %swap3A_2680], %swap3A_2683 {strides = array<i32>} : memref<128x128xf32, #tpu.memory_space<vmem>>, vector<1x16xf32>,
      %add3A_2684 = arith.addi %mul3A_2, %add3A_2476 : i32
      %dma_start3A_2685 = arith.constant 0 : i32
      %dma_start3A_2686 = arith.constant 0 : i32
      %dma_start3A_2687 = tpu.memref_slice %arg6[%add3A_2684, %dma_start3A_2685, %dma_start3A_2686] : memref<1024x128x128xf32, #tpu.memory_space<hbm>> -> memref<1x128x128xf32, #tpu.memory_space<hbm>>
      %dma_start3A_2688 = tpu.memref_squeeze %dma_start3A_2687 : memref<1x128x128xf32, #tpu.memory_space<hbm>> -> memref<128x128xf32, #tpu.memory_space<hbm>>
      %dma_start3A_2689 = arith.constant 0 : i32
      %dma_start3A_2690 = arith.constant 0 : i32
      %dma_start3A_2691 = tpu.memref_slice %arg6[%add3A_2684, %dma_start3A_2689, %dma_start3A_2690] : memref<1024x128x128xf32, #tpu.memory_space<hbm>> -> memref<1x128x128xf32, #tpu.memory_space<hbm>>
      %dma_start3A_2692 = tpu.memref_squeeze %dma_start3A_2691 : memref<1x128x128xf32, #tpu.memory_space<hbm>> -> memref<128x128xf32, #tpu.memory_space<hbm>>
      tpu.enqueue_dma source(%arg12 : memref<128x128xf32, #tpu.memory_space<vmem>>) target(%dma_start3A_2692 : memref<128x128xf32, #tpu.memory_space<hbm>>) target_semaphore(%arg20 : memref<!tpu.dma_semaphore, #tpu.memory_space<semaphore_mem>>)
      %add3A_2693 = arith.constant 3 : i32
      %add3A_2694 = arith.addi %add3A_2476, %add3A_2693 : i32
      %ge3A_2695 = arith.constant 1 : i32
      %ge3A_2696 = arith.cmpi sge, %add3A_2476, %ge3A_2695 : i32
      %lt3A_2697 = arith.constant 32 : i32
      %lt3A_2698 = arith.cmpi slt, %add3A_2694, %lt3A_2697 : i32
      %and3A_2699 = arith.andi %ge3A_2696, %lt3A_2698 : i1
      %convert_element_type3A_2700 = arith.extui %and3A_2699 : i1 to i32
      %cond3A_2701 = arith.constant 0 : i32
      %cond3A_2702 = arith.cmpi ne, %convert_element_type3A_2700, %cond3A_2701 : i32
      scf.if %cond3A_2702 {
        %add3A_3178 = arith.addi %mul3A_2, %add3A_2476 : i32
        %sub3A = arith.constant 1 : i32
        %sub3A_3179 = arith.subi %add3A_3178, %sub3A : i32
        %dma_wait3A_3180 = arith.constant 0 : i32
        %dma_wait3A_3181 = arith.constant 0 : i32
        %dma_wait3A_3182 = tpu.memref_slice %arg6[%sub3A_3179, %dma_wait3A_3180, %dma_wait3A_3181] : memref<1024x128x128xf32, #tpu.memory_space<hbm>> -> memref<1x128x128xf32, #tpu.memory_space<hbm>>
        %dma_wait3A_3183 = tpu.memref_squeeze %dma_wait3A_3182 : memref<1x128x128xf32, #tpu.memory_space<hbm>> -> memref<128x128xf32, #tpu.memory_space<hbm>>
        %dma_wait3A_3184 = arith.constant 0 : i32
        %dma_wait3A_3185 = arith.constant 0 : i32
        %dma_wait3A_3186 = tpu.memref_slice %arg6[%sub3A_3179, %dma_wait3A_3184, %dma_wait3A_3185] : memref<1024x128x128xf32, #tpu.memory_space<hbm>> -> memref<1x128x128xf32, #tpu.memory_space<hbm>>
        %dma_wait3A_3187 = tpu.memref_squeeze %dma_wait3A_3186 : memref<1x128x128xf32, #tpu.memory_space<hbm>> -> memref<128x128xf32, #tpu.memory_space<hbm>>
        tpu.wait_dma2 semaphore(%arg19 : memref<!tpu.dma_semaphore, #tpu.memory_space<semaphore_mem>>) src(%arg11 : memref<128x128xf32, #tpu.memory_space<vmem>>) dst(%dma_wait3A_3187 : memref<128x128xf32, #tpu.memory_space<hbm>>)
      } else {
      }
      %lt3A_2703 = arith.constant 32 : i32
      %lt3A_2704 = arith.cmpi slt, %add3A_2694, %lt3A_2703 : i32
      %convert_element_type3A_2705 = arith.extui %lt3A_2704 : i1 to i32
      %cond3A_2706 = arith.constant 0 : i32
      %cond3A_2707 = arith.cmpi ne, %convert_element_type3A_2705, %cond3A_2706 : i32
      scf.if %cond3A_2707 {
        %dma_start3A_3178 = arith.constant 0 : i32
        %dma_start3A_3179 = arith.constant 0 : i32
        %dma_start3A_3180 = tpu.memref_slice %arg11[%dma_start3A_3178, %dma_start3A_3179] : memref<128x128xf32, #tpu.memory_space<vmem>> -> memref<122x128xf32, #tpu.memory_space<vmem>>
        %dma_start3A_3181 = arith.constant 0 : i32
        %dma_start3A_3182 = tpu.memref_slice %arg7[%add3A_2694, %dma_start3A_3181] : memref<32x128xi32, #tpu.memory_space<vmem>> -> memref<1x122xi32, #tpu.memory_space<vmem>>
        %dma_start3A_3183 = tpu.memref_squeeze %dma_start3A_3182 : memref<1x122xi32, #tpu.memory_space<vmem>> -> memref<122xi32, #tpu.memory_space<vmem>>
        %dma_start3A_3184 = arith.constant 0 : i32
        %dma_start3A_3185 = arith.constant 0 : i32
        %dma_start3A_3186 = tpu.memref_slice %arg3[%dma_start3A_3184, %dma_start3A_3185] : memref<100000x128xf32, #tpu.memory_space<hbm>> -> memref<100000x128xf32, #tpu.memory_space<hbm>>
        tpu.enqueue_indirect_dma source(%dma_start3A_3186 : memref<100000x128xf32, #tpu.memory_space<hbm>>) target(%dma_start3A_3180 : memref<122x128xf32, #tpu.memory_space<vmem>>) offsets(%dma_start3A_3183 : memref<122xi32, #tpu.memory_space<vmem>>) semaphore(%arg15 : memref<!tpu.dma_semaphore, #tpu.memory_space<semaphore_mem>>)
      } else {
      }
      %mul3A_2708 = arith.constant 4 : i32
      %mul3A_2709 = arith.muli %scan3A_2242, %mul3A_2708 : i32
      %add3A_2710 = arith.constant 2 : i32
      %add3A_2711 = arith.addi %mul3A_2709, %add3A_2710 : i32
      %dma_wait3A_2712 = arith.constant 0 : i32
      %dma_wait3A_2713 = arith.constant 0 : i32
      %dma_wait3A_2714 = tpu.memref_slice %arg13[%dma_wait3A_2712, %dma_wait3A_2713] : memref<128x128xf32, #tpu.memory_space<vmem>> -> memref<122x128xf32, #tpu.memory_space<vmem>>
      %dma_wait3A_2715 = arith.constant 0 : i32
      %dma_wait3A_2716 = tpu.memref_slice %arg7[%add3A_2711, %dma_wait3A_2715] : memref<32x128xi32, #tpu.memory_space<vmem>> -> memref<1x122xi32, #tpu.memory_space<vmem>>
      %dma_wait3A_2717 = tpu.memref_squeeze %dma_wait3A_2716 : memref<1x122xi32, #tpu.memory_space<vmem>> -> memref<122xi32, #tpu.memory_space<vmem>>
      %dma_wait3A_2718 = arith.constant 0 : i32
      %dma_wait3A_2719 = arith.constant 0 : i32
      %dma_wait3A_2720 = tpu.memref_slice %arg3[%dma_wait3A_2718, %dma_wait3A_2719] : memref<100000x128xf32, #tpu.memory_space<hbm>> -> memref<100000x128xf32, #tpu.memory_space<hbm>>
      tpu.wait_indirect_dma semaphore(%arg17 : memref<!tpu.dma_semaphore, #tpu.memory_space<semaphore_mem>>) src(%dma_wait3A_2720 : memref<100000x128xf32, #tpu.memory_space<hbm>>) dst(%dma_wait3A_2714 : memref<122x128xf32, #tpu.memory_space<vmem>>)
      %scan3A_2721 = arith.constant 0 : i32
      %scan3A_2722 = arith.constant 0 : i32
      %scan3A_2723 = arith.constant 61 : i32
      %scan3A_2724 = arith.addi %scan3A_2722, %scan3A_2723 : i32
      %scan3A_2725 = arith.constant 1 : i32
      scf.for %scan3A_3178 = %scan3A_2722 to %scan3A_2724 step %scan3A_2725  : i32 {
        %mul3A_3179 = arith.constant 2 : i32
        %mul3A_3180 = arith.muli %scan3A_3178, %mul3A_3179 : i32
        %add3A_3181 = arith.constant 0 : i32
        %add3A_3182 = arith.addi %mul3A_3180, %add3A_3181 : i32
        %get3A_3183 = arith.index_cast %add3A_3182 : i32 to index
        %get3A_3184 = arith.constant 0 : index
        %get3A_3185 = tpu.vector_load %arg13[%get3A_3183, %get3A_3184] {strides = array<i32>} : memref<128x128xf32, #tpu.memory_space<vmem>>, vector<1x16xf32>,
        %get3A_3186 = vector.shape_cast %get3A_3185 : vector<1x16xf32> to vector<16xf32>
        %get3A_3187 = arith.index_cast %add3A_3182 : i32 to index
        %get3A_3188 = arith.constant 0 : index
        %get3A_3189 = tpu.vector_load %arg9[%get3A_3187, %get3A_3188] {strides = array<i32>} : memref<128x128xf32, #tpu.memory_space<vmem>>, vector<1x16xf32>,
        %get3A_3190 = vector.shape_cast %get3A_3189 : vector<1x16xf32> to vector<16xf32>
        %add3A_3191 = arith.addf %get3A_3186, %get3A_3190 : vector<16xf32>
        %swap3A_3192 = arith.index_cast %add3A_3182 : i32 to index
        %swap3A_3193 = arith.constant 0 : index
        %swap3A_3194 = tpu.vector_load %arg13[%swap3A_3192, %swap3A_3193] {strides = array<i32>} : memref<128x128xf32, #tpu.memory_space<vmem>>, vector<1x16xf32>,
        %swap3A_3195 = vector.shape_cast %swap3A_3194 : vector<1x16xf32> to vector<16xf32>
        %swap3A_3196 = vector.shape_cast %add3A_3191 : vector<16xf32> to vector<1x16xf32>
        tpu.vector_store %arg13[%swap3A_3192, %swap3A_3193], %swap3A_3196 {strides = array<i32>} : memref<128x128xf32, #tpu.memory_space<vmem>>, vector<1x16xf32>,
        %get3A_3197 = arith.index_cast %add3A_3182 : i32 to index
        %get3A_3198 = arith.constant 16 : index
        %get3A_3199 = tpu.vector_load %arg13[%get3A_3197, %get3A_3198] {strides = array<i32>} : memref<128x128xf32, #tpu.memory_space<vmem>>, vector<1x16xf32>,
        %get3A_3200 = vector.shape_cast %get3A_3199 : vector<1x16xf32> to vector<16xf32>
        %get3A_3201 = arith.index_cast %add3A_3182 : i32 to index
        %get3A_3202 = arith.constant 16 : index
        %get3A_3203 = tpu.vector_load %arg9[%get3A_3201, %get3A_3202] {strides = array<i32>} : memref<128x128xf32, #tpu.memory_space<vmem>>, vector<1x16xf32>,
        %get3A_3204 = vector.shape_cast %get3A_3203 : vector<1x16xf32> to vector<16xf32>
        %add3A_3205 = arith.addf %get3A_3200, %get3A_3204 : vector<16xf32>
        %swap3A_3206 = arith.index_cast %add3A_3182 : i32 to index
        %swap3A_3207 = arith.constant 16 : index
        %swap3A_3208 = tpu.vector_load %arg13[%swap3A_3206, %swap3A_3207] {strides = array<i32>} : memref<128x128xf32, #tpu.memory_space<vmem>>, vector<1x16xf32>,
        %swap3A_3209 = vector.shape_cast %swap3A_3208 : vector<1x16xf32> to vector<16xf32>
        %swap3A_3210 = vector.shape_cast %add3A_3205 : vector<16xf32> to vector<1x16xf32>
        tpu.vector_store %arg13[%swap3A_3206, %swap3A_3207], %swap3A_3210 {strides = array<i32>} : memref<128x128xf32, #tpu.memory_space<vmem>>, vector<1x16xf32>,
        %get3A_3211 = arith.index_cast %add3A_3182 : i32 to index
        %get3A_3212 = arith.constant 32 : index
        %get3A_3213 = tpu.vector_load %arg13[%get3A_3211, %get3A_3212] {strides = array<i32>} : memref<128x128xf32, #tpu.memory_space<vmem>>, vector<1x16xf32>,
        %get3A_3214 = vector.shape_cast %get3A_3213 : vector<1x16xf32> to vector<16xf32>
        %get3A_3215 = arith.index_cast %add3A_3182 : i32 to index
        %get3A_3216 = arith.constant 32 : index
        %get3A_3217 = tpu.vector_load %arg9[%get3A_3215, %get3A_3216] {strides = array<i32>} : memref<128x128xf32, #tpu.memory_space<vmem>>, vector<1x16xf32>,
        %get3A_3218 = vector.shape_cast %get3A_3217 : vector<1x16xf32> to vector<16xf32>
        %add3A_3219 = arith.addf %get3A_3214, %get3A_3218 : vector<16xf32>
        %swap3A_3220 = arith.index_cast %add3A_3182 : i32 to index
        %swap3A_3221 = arith.constant 32 : index
        %swap3A_3222 = tpu.vector_load %arg13[%swap3A_3220, %swap3A_3221] {strides = array<i32>} : memref<128x128xf32, #tpu.memory_space<vmem>>, vector<1x16xf32>,
        %swap3A_3223 = vector.shape_cast %swap3A_3222 : vector<1x16xf32> to vector<16xf32>
        %swap3A_3224 = vector.shape_cast %add3A_3219 : vector<16xf32> to vector<1x16xf32>
        tpu.vector_store %arg13[%swap3A_3220, %swap3A_3221], %swap3A_3224 {strides = array<i32>} : memref<128x128xf32, #tpu.memory_space<vmem>>, vector<1x16xf32>,
        %get3A_3225 = arith.index_cast %add3A_3182 : i32 to index
        %get3A_3226 = arith.constant 48 : index
        %get3A_3227 = tpu.vector_load %arg13[%get3A_3225, %get3A_3226] {strides = array<i32>} : memref<128x128xf32, #tpu.memory_space<vmem>>, vector<1x16xf32>,
        %get3A_3228 = vector.shape_cast %get3A_3227 : vector<1x16xf32> to vector<16xf32>
        %get3A_3229 = arith.index_cast %add3A_3182 : i32 to index
        %get3A_3230 = arith.constant 48 : index
        %get3A_3231 = tpu.vector_load %arg9[%get3A_3229, %get3A_3230] {strides = array<i32>} : memref<128x128xf32, #tpu.memory_space<vmem>>, vector<1x16xf32>,
        %get3A_3232 = vector.shape_cast %get3A_3231 : vector<1x16xf32> to vector<16xf32>
        %add3A_3233 = arith.addf %get3A_3228, %get3A_3232 : vector<16xf32>
        %swap3A_3234 = arith.index_cast %add3A_3182 : i32 to index
        %swap3A_3235 = arith.constant 48 : index
        %swap3A_3236 = tpu.vector_load %arg13[%swap3A_3234, %swap3A_3235] {strides = array<i32>} : memref<128x128xf32, #tpu.memory_space<vmem>>, vector<1x16xf32>,
        %swap3A_3237 = vector.shape_cast %swap3A_3236 : vector<1x16xf32> to vector<16xf32>
        %swap3A_3238 = vector.shape_cast %add3A_3233 : vector<16xf32> to vector<1x16xf32>
        tpu.vector_store %arg13[%swap3A_3234, %swap3A_3235], %swap3A_3238 {strides = array<i32>} : memref<128x128xf32, #tpu.memory_space<vmem>>, vector<1x16xf32>,
        %get3A_3239 = arith.index_cast %add3A_3182 : i32 to index
        %get3A_3240 = arith.constant 64 : index
        %get3A_3241 = tpu.vector_load %arg13[%get3A_3239, %get3A_3240] {strides = array<i32>} : memref<128x128xf32, #tpu.memory_space<vmem>>, vector<1x16xf32>,
        %get3A_3242 = vector.shape_cast %get3A_3241 : vector<1x16xf32> to vector<16xf32>
        %get3A_3243 = arith.index_cast %add3A_3182 : i32 to index
        %get3A_3244 = arith.constant 64 : index
        %get3A_3245 = tpu.vector_load %arg9[%get3A_3243, %get3A_3244] {strides = array<i32>} : memref<128x128xf32, #tpu.memory_space<vmem>>, vector<1x16xf32>,
        %get3A_3246 = vector.shape_cast %get3A_3245 : vector<1x16xf32> to vector<16xf32>
        %add3A_3247 = arith.addf %get3A_3242, %get3A_3246 : vector<16xf32>
        %swap3A_3248 = arith.index_cast %add3A_3182 : i32 to index
        %swap3A_3249 = arith.constant 64 : index
        %swap3A_3250 = tpu.vector_load %arg13[%swap3A_3248, %swap3A_3249] {strides = array<i32>} : memref<128x128xf32, #tpu.memory_space<vmem>>, vector<1x16xf32>,
        %swap3A_3251 = vector.shape_cast %swap3A_3250 : vector<1x16xf32> to vector<16xf32>
        %swap3A_3252 = vector.shape_cast %add3A_3247 : vector<16xf32> to vector<1x16xf32>
        tpu.vector_store %arg13[%swap3A_3248, %swap3A_3249], %swap3A_3252 {strides = array<i32>} : memref<128x128xf32, #tpu.memory_space<vmem>>, vector<1x16xf32>,
        %get3A_3253 = arith.index_cast %add3A_3182 : i32 to index
        %get3A_3254 = arith.constant 80 : index
        %get3A_3255 = tpu.vector_load %arg13[%get3A_3253, %get3A_3254] {strides = array<i32>} : memref<128x128xf32, #tpu.memory_space<vmem>>, vector<1x16xf32>,
        %get3A_3256 = vector.shape_cast %get3A_3255 : vector<1x16xf32> to vector<16xf32>
        %get3A_3257 = arith.index_cast %add3A_3182 : i32 to index
        %get3A_3258 = arith.constant 80 : index
        %get3A_3259 = tpu.vector_load %arg9[%get3A_3257, %get3A_3258] {strides = array<i32>} : memref<128x128xf32, #tpu.memory_space<vmem>>, vector<1x16xf32>,
        %get3A_3260 = vector.shape_cast %get3A_3259 : vector<1x16xf32> to vector<16xf32>
        %add3A_3261 = arith.addf %get3A_3256, %get3A_3260 : vector<16xf32>
        %swap3A_3262 = arith.index_cast %add3A_3182 : i32 to index
        %swap3A_3263 = arith.constant 80 : index
        %swap3A_3264 = tpu.vector_load %arg13[%swap3A_3262, %swap3A_3263] {strides = array<i32>} : memref<128x128xf32, #tpu.memory_space<vmem>>, vector<1x16xf32>,
        %swap3A_3265 = vector.shape_cast %swap3A_3264 : vector<1x16xf32> to vector<16xf32>
        %swap3A_3266 = vector.shape_cast %add3A_3261 : vector<16xf32> to vector<1x16xf32>
        tpu.vector_store %arg13[%swap3A_3262, %swap3A_3263], %swap3A_3266 {strides = array<i32>} : memref<128x128xf32, #tpu.memory_space<vmem>>, vector<1x16xf32>,
        %get3A_3267 = arith.index_cast %add3A_3182 : i32 to index
        %get3A_3268 = arith.constant 96 : index
        %get3A_3269 = tpu.vector_load %arg13[%get3A_3267, %get3A_3268] {strides = array<i32>} : memref<128x128xf32, #tpu.memory_space<vmem>>, vector<1x16xf32>,
        %get3A_3270 = vector.shape_cast %get3A_3269 : vector<1x16xf32> to vector<16xf32>
        %get3A_3271 = arith.index_cast %add3A_3182 : i32 to index
        %get3A_3272 = arith.constant 96 : index
        %get3A_3273 = tpu.vector_load %arg9[%get3A_3271, %get3A_3272] {strides = array<i32>} : memref<128x128xf32, #tpu.memory_space<vmem>>, vector<1x16xf32>,
        %get3A_3274 = vector.shape_cast %get3A_3273 : vector<1x16xf32> to vector<16xf32>
        %add3A_3275 = arith.addf %get3A_3270, %get3A_3274 : vector<16xf32>
        %swap3A_3276 = arith.index_cast %add3A_3182 : i32 to index
        %swap3A_3277 = arith.constant 96 : index
        %swap3A_3278 = tpu.vector_load %arg13[%swap3A_3276, %swap3A_3277] {strides = array<i32>} : memref<128x128xf32, #tpu.memory_space<vmem>>, vector<1x16xf32>,
        %swap3A_3279 = vector.shape_cast %swap3A_3278 : vector<1x16xf32> to vector<16xf32>
        %swap3A_3280 = vector.shape_cast %add3A_3275 : vector<16xf32> to vector<1x16xf32>
        tpu.vector_store %arg13[%swap3A_3276, %swap3A_3277], %swap3A_3280 {strides = array<i32>} : memref<128x128xf32, #tpu.memory_space<vmem>>, vector<1x16xf32>,
        %get3A_3281 = arith.index_cast %add3A_3182 : i32 to index
        %get3A_3282 = arith.constant 112 : index
        %get3A_3283 = tpu.vector_load %arg13[%get3A_3281, %get3A_3282] {strides = array<i32>} : memref<128x128xf32, #tpu.memory_space<vmem>>, vector<1x16xf32>,
        %get3A_3284 = vector.shape_cast %get3A_3283 : vector<1x16xf32> to vector<16xf32>
        %get3A_3285 = arith.index_cast %add3A_3182 : i32 to index
        %get3A_3286 = arith.constant 112 : index
        %get3A_3287 = tpu.vector_load %arg9[%get3A_3285, %get3A_3286] {strides = array<i32>} : memref<128x128xf32, #tpu.memory_space<vmem>>, vector<1x16xf32>,
        %get3A_3288 = vector.shape_cast %get3A_3287 : vector<1x16xf32> to vector<16xf32>
        %add3A_3289 = arith.addf %get3A_3284, %get3A_3288 : vector<16xf32>
        %swap3A_3290 = arith.index_cast %add3A_3182 : i32 to index
        %swap3A_3291 = arith.constant 112 : index
        %swap3A_3292 = tpu.vector_load %arg13[%swap3A_3290, %swap3A_3291] {strides = array<i32>} : memref<128x128xf32, #tpu.memory_space<vmem>>, vector<1x16xf32>,
        %swap3A_3293 = vector.shape_cast %swap3A_3292 : vector<1x16xf32> to vector<16xf32>
        %swap3A_3294 = vector.shape_cast %add3A_3289 : vector<16xf32> to vector<1x16xf32>
        tpu.vector_store %arg13[%swap3A_3290, %swap3A_3291], %swap3A_3294 {strides = array<i32>} : memref<128x128xf32, #tpu.memory_space<vmem>>, vector<1x16xf32>,
        %mul3A_3295 = arith.constant 2 : i32
        %mul3A_3296 = arith.muli %scan3A_3178, %mul3A_3295 : i32
        %add3A_3297 = arith.constant 1 : i32
        %add3A_3298 = arith.addi %mul3A_3296, %add3A_3297 : i32
        %get3A_3299 = arith.index_cast %add3A_3298 : i32 to index
        %get3A_3300 = arith.constant 0 : index
        %get3A_3301 = tpu.vector_load %arg13[%get3A_3299, %get3A_3300] {strides = array<i32>} : memref<128x128xf32, #tpu.memory_space<vmem>>, vector<1x16xf32>,
        %get3A_3302 = vector.shape_cast %get3A_3301 : vector<1x16xf32> to vector<16xf32>
        %get3A_3303 = arith.index_cast %add3A_3298 : i32 to index
        %get3A_3304 = arith.constant 0 : index
        %get3A_3305 = tpu.vector_load %arg9[%get3A_3303, %get3A_3304] {strides = array<i32>} : memref<128x128xf32, #tpu.memory_space<vmem>>, vector<1x16xf32>,
        %get3A_3306 = vector.shape_cast %get3A_3305 : vector<1x16xf32> to vector<16xf32>
        %add3A_3307 = arith.addf %get3A_3302, %get3A_3306 : vector<16xf32>
        %swap3A_3308 = arith.index_cast %add3A_3298 : i32 to index
        %swap3A_3309 = arith.constant 0 : index
        %swap3A_3310 = tpu.vector_load %arg13[%swap3A_3308, %swap3A_3309] {strides = array<i32>} : memref<128x128xf32, #tpu.memory_space<vmem>>, vector<1x16xf32>,
        %swap3A_3311 = vector.shape_cast %swap3A_3310 : vector<1x16xf32> to vector<16xf32>
        %swap3A_3312 = vector.shape_cast %add3A_3307 : vector<16xf32> to vector<1x16xf32>
        tpu.vector_store %arg13[%swap3A_3308, %swap3A_3309], %swap3A_3312 {strides = array<i32>} : memref<128x128xf32, #tpu.memory_space<vmem>>, vector<1x16xf32>,
        %get3A_3313 = arith.index_cast %add3A_3298 : i32 to index
        %get3A_3314 = arith.constant 16 : index
        %get3A_3315 = tpu.vector_load %arg13[%get3A_3313, %get3A_3314] {strides = array<i32>} : memref<128x128xf32, #tpu.memory_space<vmem>>, vector<1x16xf32>,
        %get3A_3316 = vector.shape_cast %get3A_3315 : vector<1x16xf32> to vector<16xf32>
        %get3A_3317 = arith.index_cast %add3A_3298 : i32 to index
        %get3A_3318 = arith.constant 16 : index
        %get3A_3319 = tpu.vector_load %arg9[%get3A_3317, %get3A_3318] {strides = array<i32>} : memref<128x128xf32, #tpu.memory_space<vmem>>, vector<1x16xf32>,
        %get3A_3320 = vector.shape_cast %get3A_3319 : vector<1x16xf32> to vector<16xf32>
        %add3A_3321 = arith.addf %get3A_3316, %get3A_3320 : vector<16xf32>
        %swap3A_3322 = arith.index_cast %add3A_3298 : i32 to index
        %swap3A_3323 = arith.constant 16 : index
        %swap3A_3324 = tpu.vector_load %arg13[%swap3A_3322, %swap3A_3323] {strides = array<i32>} : memref<128x128xf32, #tpu.memory_space<vmem>>, vector<1x16xf32>,
        %swap3A_3325 = vector.shape_cast %swap3A_3324 : vector<1x16xf32> to vector<16xf32>
        %swap3A_3326 = vector.shape_cast %add3A_3321 : vector<16xf32> to vector<1x16xf32>
        tpu.vector_store %arg13[%swap3A_3322, %swap3A_3323], %swap3A_3326 {strides = array<i32>} : memref<128x128xf32, #tpu.memory_space<vmem>>, vector<1x16xf32>,
        %get3A_3327 = arith.index_cast %add3A_3298 : i32 to index
        %get3A_3328 = arith.constant 32 : index
        %get3A_3329 = tpu.vector_load %arg13[%get3A_3327, %get3A_3328] {strides = array<i32>} : memref<128x128xf32, #tpu.memory_space<vmem>>, vector<1x16xf32>,
        %get3A_3330 = vector.shape_cast %get3A_3329 : vector<1x16xf32> to vector<16xf32>
        %get3A_3331 = arith.index_cast %add3A_3298 : i32 to index
        %get3A_3332 = arith.constant 32 : index
        %get3A_3333 = tpu.vector_load %arg9[%get3A_3331, %get3A_3332] {strides = array<i32>} : memref<128x128xf32, #tpu.memory_space<vmem>>, vector<1x16xf32>,
        %get3A_3334 = vector.shape_cast %get3A_3333 : vector<1x16xf32> to vector<16xf32>
        %add3A_3335 = arith.addf %get3A_3330, %get3A_3334 : vector<16xf32>
        %swap3A_3336 = arith.index_cast %add3A_3298 : i32 to index
        %swap3A_3337 = arith.constant 32 : index
        %swap3A_3338 = tpu.vector_load %arg13[%swap3A_3336, %swap3A_3337] {strides = array<i32>} : memref<128x128xf32, #tpu.memory_space<vmem>>, vector<1x16xf32>,
        %swap3A_3339 = vector.shape_cast %swap3A_3338 : vector<1x16xf32> to vector<16xf32>
        %swap3A_3340 = vector.shape_cast %add3A_3335 : vector<16xf32> to vector<1x16xf32>
        tpu.vector_store %arg13[%swap3A_3336, %swap3A_3337], %swap3A_3340 {strides = array<i32>} : memref<128x128xf32, #tpu.memory_space<vmem>>, vector<1x16xf32>,
        %get3A_3341 = arith.index_cast %add3A_3298 : i32 to index
        %get3A_3342 = arith.constant 48 : index
        %get3A_3343 = tpu.vector_load %arg13[%get3A_3341, %get3A_3342] {strides = array<i32>} : memref<128x128xf32, #tpu.memory_space<vmem>>, vector<1x16xf32>,
        %get3A_3344 = vector.shape_cast %get3A_3343 : vector<1x16xf32> to vector<16xf32>
        %get3A_3345 = arith.index_cast %add3A_3298 : i32 to index
        %get3A_3346 = arith.constant 48 : index
        %get3A_3347 = tpu.vector_load %arg9[%get3A_3345, %get3A_3346] {strides = array<i32>} : memref<128x128xf32, #tpu.memory_space<vmem>>, vector<1x16xf32>,
        %get3A_3348 = vector.shape_cast %get3A_3347 : vector<1x16xf32> to vector<16xf32>
        %add3A_3349 = arith.addf %get3A_3344, %get3A_3348 : vector<16xf32>
        %swap3A_3350 = arith.index_cast %add3A_3298 : i32 to index
        %swap3A_3351 = arith.constant 48 : index
        %swap3A_3352 = tpu.vector_load %arg13[%swap3A_3350, %swap3A_3351] {strides = array<i32>} : memref<128x128xf32, #tpu.memory_space<vmem>>, vector<1x16xf32>,
        %swap3A_3353 = vector.shape_cast %swap3A_3352 : vector<1x16xf32> to vector<16xf32>
        %swap3A_3354 = vector.shape_cast %add3A_3349 : vector<16xf32> to vector<1x16xf32>
        tpu.vector_store %arg13[%swap3A_3350, %swap3A_3351], %swap3A_3354 {strides = array<i32>} : memref<128x128xf32, #tpu.memory_space<vmem>>, vector<1x16xf32>,
        %get3A_3355 = arith.index_cast %add3A_3298 : i32 to index
        %get3A_3356 = arith.constant 64 : index
        %get3A_3357 = tpu.vector_load %arg13[%get3A_3355, %get3A_3356] {strides = array<i32>} : memref<128x128xf32, #tpu.memory_space<vmem>>, vector<1x16xf32>,
        %get3A_3358 = vector.shape_cast %get3A_3357 : vector<1x16xf32> to vector<16xf32>
        %get3A_3359 = arith.index_cast %add3A_3298 : i32 to index
        %get3A_3360 = arith.constant 64 : index
        %get3A_3361 = tpu.vector_load %arg9[%get3A_3359, %get3A_3360] {strides = array<i32>} : memref<128x128xf32, #tpu.memory_space<vmem>>, vector<1x16xf32>,
        %get3A_3362 = vector.shape_cast %get3A_3361 : vector<1x16xf32> to vector<16xf32>
        %add3A_3363 = arith.addf %get3A_3358, %get3A_3362 : vector<16xf32>
        %swap3A_3364 = arith.index_cast %add3A_3298 : i32 to index
        %swap3A_3365 = arith.constant 64 : index
        %swap3A_3366 = tpu.vector_load %arg13[%swap3A_3364, %swap3A_3365] {strides = array<i32>} : memref<128x128xf32, #tpu.memory_space<vmem>>, vector<1x16xf32>,
        %swap3A_3367 = vector.shape_cast %swap3A_3366 : vector<1x16xf32> to vector<16xf32>
        %swap3A_3368 = vector.shape_cast %add3A_3363 : vector<16xf32> to vector<1x16xf32>
        tpu.vector_store %arg13[%swap3A_3364, %swap3A_3365], %swap3A_3368 {strides = array<i32>} : memref<128x128xf32, #tpu.memory_space<vmem>>, vector<1x16xf32>,
        %get3A_3369 = arith.index_cast %add3A_3298 : i32 to index
        %get3A_3370 = arith.constant 80 : index
        %get3A_3371 = tpu.vector_load %arg13[%get3A_3369, %get3A_3370] {strides = array<i32>} : memref<128x128xf32, #tpu.memory_space<vmem>>, vector<1x16xf32>,
        %get3A_3372 = vector.shape_cast %get3A_3371 : vector<1x16xf32> to vector<16xf32>
        %get3A_3373 = arith.index_cast %add3A_3298 : i32 to index
        %get3A_3374 = arith.constant 80 : index
        %get3A_3375 = tpu.vector_load %arg9[%get3A_3373, %get3A_3374] {strides = array<i32>} : memref<128x128xf32, #tpu.memory_space<vmem>>, vector<1x16xf32>,
        %get3A_3376 = vector.shape_cast %get3A_3375 : vector<1x16xf32> to vector<16xf32>
        %add3A_3377 = arith.addf %get3A_3372, %get3A_3376 : vector<16xf32>
        %swap3A_3378 = arith.index_cast %add3A_3298 : i32 to index
        %swap3A_3379 = arith.constant 80 : index
        %swap3A_3380 = tpu.vector_load %arg13[%swap3A_3378, %swap3A_3379] {strides = array<i32>} : memref<128x128xf32, #tpu.memory_space<vmem>>, vector<1x16xf32>,
        %swap3A_3381 = vector.shape_cast %swap3A_3380 : vector<1x16xf32> to vector<16xf32>
        %swap3A_3382 = vector.shape_cast %add3A_3377 : vector<16xf32> to vector<1x16xf32>
        tpu.vector_store %arg13[%swap3A_3378, %swap3A_3379], %swap3A_3382 {strides = array<i32>} : memref<128x128xf32, #tpu.memory_space<vmem>>, vector<1x16xf32>,
        %get3A_3383 = arith.index_cast %add3A_3298 : i32 to index
        %get3A_3384 = arith.constant 96 : index
        %get3A_3385 = tpu.vector_load %arg13[%get3A_3383, %get3A_3384] {strides = array<i32>} : memref<128x128xf32, #tpu.memory_space<vmem>>, vector<1x16xf32>,
        %get3A_3386 = vector.shape_cast %get3A_3385 : vector<1x16xf32> to vector<16xf32>
        %get3A_3387 = arith.index_cast %add3A_3298 : i32 to index
        %get3A_3388 = arith.constant 96 : index
        %get3A_3389 = tpu.vector_load %arg9[%get3A_3387, %get3A_3388] {strides = array<i32>} : memref<128x128xf32, #tpu.memory_space<vmem>>, vector<1x16xf32>,
        %get3A_3390 = vector.shape_cast %get3A_3389 : vector<1x16xf32> to vector<16xf32>
        %add3A_3391 = arith.addf %get3A_3386, %get3A_3390 : vector<16xf32>
        %swap3A_3392 = arith.index_cast %add3A_3298 : i32 to index
        %swap3A_3393 = arith.constant 96 : index
        %swap3A_3394 = tpu.vector_load %arg13[%swap3A_3392, %swap3A_3393] {strides = array<i32>} : memref<128x128xf32, #tpu.memory_space<vmem>>, vector<1x16xf32>,
        %swap3A_3395 = vector.shape_cast %swap3A_3394 : vector<1x16xf32> to vector<16xf32>
        %swap3A_3396 = vector.shape_cast %add3A_3391 : vector<16xf32> to vector<1x16xf32>
        tpu.vector_store %arg13[%swap3A_3392, %swap3A_3393], %swap3A_3396 {strides = array<i32>} : memref<128x128xf32, #tpu.memory_space<vmem>>, vector<1x16xf32>,
        %get3A_3397 = arith.index_cast %add3A_3298 : i32 to index
        %get3A_3398 = arith.constant 112 : index
        %get3A_3399 = tpu.vector_load %arg13[%get3A_3397, %get3A_3398] {strides = array<i32>} : memref<128x128xf32, #tpu.memory_space<vmem>>, vector<1x16xf32>,
        %get3A_3400 = vector.shape_cast %get3A_3399 : vector<1x16xf32> to vector<16xf32>
        %get3A_3401 = arith.index_cast %add3A_3298 : i32 to index
        %get3A_3402 = arith.constant 112 : index
        %get3A_3403 = tpu.vector_load %arg9[%get3A_3401, %get3A_3402] {strides = array<i32>} : memref<128x128xf32, #tpu.memory_space<vmem>>, vector<1x16xf32>,
        %get3A_3404 = vector.shape_cast %get3A_3403 : vector<1x16xf32> to vector<16xf32>
        %add3A_3405 = arith.addf %get3A_3400, %get3A_3404 : vector<16xf32>
        %swap3A_3406 = arith.index_cast %add3A_3298 : i32 to index
        %swap3A_3407 = arith.constant 112 : index
        %swap3A_3408 = tpu.vector_load %arg13[%swap3A_3406, %swap3A_3407] {strides = array<i32>} : memref<128x128xf32, #tpu.memory_space<vmem>>, vector<1x16xf32>,
        %swap3A_3409 = vector.shape_cast %swap3A_3408 : vector<1x16xf32> to vector<16xf32>
        %swap3A_3410 = vector.shape_cast %add3A_3405 : vector<16xf32> to vector<1x16xf32>
        tpu.vector_store %arg13[%swap3A_3406, %swap3A_3407], %swap3A_3410 {strides = array<i32>} : memref<128x128xf32, #tpu.memory_space<vmem>>, vector<1x16xf32>,
      }
      %scan3A_2726 = arith.constant 61 : i32
      %get3A_2727 = arith.constant 0 : i32
      %get3A_2728 = arith.index_cast %add3A_2711 : i32 to index
      %get3A_2729 = arith.index_cast %get3A_2727 : i32 to index
      %get3A_2730 = arith.constant 0 : index
      %get3A_2731 = tpu.vector_load %arg8[%get3A_2728, %get3A_2729, %get3A_2730] {strides = array<i32>} : memref<32x2x128xf32, #tpu.memory_space<vmem>>, vector<1x1x16xf32>,
      %get3A_2732 = vector.shape_cast %get3A_2731 : vector<1x1x16xf32> to vector<16xf32>
      %swap3A_2733 = arith.constant 123 : i32
      %swap3A_2734 = arith.index_cast %swap3A_2733 : i32 to index
      %swap3A_2735 = arith.constant 0 : index
      %swap3A_2736 = tpu.vector_load %arg13[%swap3A_2734, %swap3A_2735] {strides = array<i32>} : memref<128x128xf32, #tpu.memory_space<vmem>>, vector<1x16xf32>,
      %swap3A_2737 = vector.shape_cast %swap3A_2736 : vector<1x16xf32> to vector<16xf32>
      %swap3A_2738 = vector.shape_cast %get3A_2732 : vector<16xf32> to vector<1x16xf32>
      tpu.vector_store %arg13[%swap3A_2734, %swap3A_2735], %swap3A_2738 {strides = array<i32>} : memref<128x128xf32, #tpu.memory_space<vmem>>, vector<1x16xf32>,
      %get3A_2739 = arith.constant 1 : i32
      %get3A_2740 = arith.index_cast %add3A_2711 : i32 to index
      %get3A_2741 = arith.index_cast %get3A_2739 : i32 to index
      %get3A_2742 = arith.constant 0 : index
      %get3A_2743 = tpu.vector_load %arg8[%get3A_2740, %get3A_2741, %get3A_2742] {strides = array<i32>} : memref<32x2x128xf32, #tpu.memory_space<vmem>>, vector<1x1x16xf32>,
      %get3A_2744 = vector.shape_cast %get3A_2743 : vector<1x1x16xf32> to vector<16xf32>
      %swap3A_2745 = arith.constant 126 : i32
      %swap3A_2746 = arith.index_cast %swap3A_2745 : i32 to index
      %swap3A_2747 = arith.constant 0 : index
      %swap3A_2748 = tpu.vector_load %arg13[%swap3A_2746, %swap3A_2747] {strides = array<i32>} : memref<128x128xf32, #tpu.memory_space<vmem>>, vector<1x16xf32>,
      %swap3A_2749 = vector.shape_cast %swap3A_2748 : vector<1x16xf32> to vector<16xf32>
      %swap3A_2750 = vector.shape_cast %get3A_2744 : vector<16xf32> to vector<1x16xf32>
      tpu.vector_store %arg13[%swap3A_2746, %swap3A_2747], %swap3A_2750 {strides = array<i32>} : memref<128x128xf32, #tpu.memory_space<vmem>>, vector<1x16xf32>,
      %get3A_2751 = arith.constant 0 : i32
      %get3A_2752 = arith.index_cast %add3A_2711 : i32 to index
      %get3A_2753 = arith.index_cast %get3A_2751 : i32 to index
      %get3A_2754 = arith.constant 16 : index
      %get3A_2755 = tpu.vector_load %arg8[%get3A_2752, %get3A_2753, %get3A_2754] {strides = array<i32>} : memref<32x2x128xf32, #tpu.memory_space<vmem>>, vector<1x1x16xf32>,
      %get3A_2756 = vector.shape_cast %get3A_2755 : vector<1x1x16xf32> to vector<16xf32>
      %swap3A_2757 = arith.constant 123 : i32
      %swap3A_2758 = arith.index_cast %swap3A_2757 : i32 to index
      %swap3A_2759 = arith.constant 16 : index
      %swap3A_2760 = tpu.vector_load %arg13[%swap3A_2758, %swap3A_2759] {strides = array<i32>} : memref<128x128xf32, #tpu.memory_space<vmem>>, vector<1x16xf32>,
      %swap3A_2761 = vector.shape_cast %swap3A_2760 : vector<1x16xf32> to vector<16xf32>
      %swap3A_2762 = vector.shape_cast %get3A_2756 : vector<16xf32> to vector<1x16xf32>
      tpu.vector_store %arg13[%swap3A_2758, %swap3A_2759], %swap3A_2762 {strides = array<i32>} : memref<128x128xf32, #tpu.memory_space<vmem>>, vector<1x16xf32>,
      %get3A_2763 = arith.constant 1 : i32
      %get3A_2764 = arith.index_cast %add3A_2711 : i32 to index
      %get3A_2765 = arith.index_cast %get3A_2763 : i32 to index
      %get3A_2766 = arith.constant 16 : index
      %get3A_2767 = tpu.vector_load %arg8[%get3A_2764, %get3A_2765, %get3A_2766] {strides = array<i32>} : memref<32x2x128xf32, #tpu.memory_space<vmem>>, vector<1x1x16xf32>,
      %get3A_2768 = vector.shape_cast %get3A_2767 : vector<1x1x16xf32> to vector<16xf32>
      %swap3A_2769 = arith.constant 126 : i32
      %swap3A_2770 = arith.index_cast %swap3A_2769 : i32 to index
      %swap3A_2771 = arith.constant 16 : index
      %swap3A_2772 = tpu.vector_load %arg13[%swap3A_2770, %swap3A_2771] {strides = array<i32>} : memref<128x128xf32, #tpu.memory_space<vmem>>, vector<1x16xf32>,
      %swap3A_2773 = vector.shape_cast %swap3A_2772 : vector<1x16xf32> to vector<16xf32>
      %swap3A_2774 = vector.shape_cast %get3A_2768 : vector<16xf32> to vector<1x16xf32>
      tpu.vector_store %arg13[%swap3A_2770, %swap3A_2771], %swap3A_2774 {strides = array<i32>} : memref<128x128xf32, #tpu.memory_space<vmem>>, vector<1x16xf32>,
      %get3A_2775 = arith.constant 0 : i32
      %get3A_2776 = arith.index_cast %add3A_2711 : i32 to index
      %get3A_2777 = arith.index_cast %get3A_2775 : i32 to index
      %get3A_2778 = arith.constant 32 : index
      %get3A_2779 = tpu.vector_load %arg8[%get3A_2776, %get3A_2777, %get3A_2778] {strides = array<i32>} : memref<32x2x128xf32, #tpu.memory_space<vmem>>, vector<1x1x16xf32>,
      %get3A_2780 = vector.shape_cast %get3A_2779 : vector<1x1x16xf32> to vector<16xf32>
      %swap3A_2781 = arith.constant 123 : i32
      %swap3A_2782 = arith.index_cast %swap3A_2781 : i32 to index
      %swap3A_2783 = arith.constant 32 : index
      %swap3A_2784 = tpu.vector_load %arg13[%swap3A_2782, %swap3A_2783] {strides = array<i32>} : memref<128x128xf32, #tpu.memory_space<vmem>>, vector<1x16xf32>,
      %swap3A_2785 = vector.shape_cast %swap3A_2784 : vector<1x16xf32> to vector<16xf32>
      %swap3A_2786 = vector.shape_cast %get3A_2780 : vector<16xf32> to vector<1x16xf32>
      tpu.vector_store %arg13[%swap3A_2782, %swap3A_2783], %swap3A_2786 {strides = array<i32>} : memref<128x128xf32, #tpu.memory_space<vmem>>, vector<1x16xf32>,
      %get3A_2787 = arith.constant 1 : i32
      %get3A_2788 = arith.index_cast %add3A_2711 : i32 to index
      %get3A_2789 = arith.index_cast %get3A_2787 : i32 to index
      %get3A_2790 = arith.constant 32 : index
      %get3A_2791 = tpu.vector_load %arg8[%get3A_2788, %get3A_2789, %get3A_2790] {strides = array<i32>} : memref<32x2x128xf32, #tpu.memory_space<vmem>>, vector<1x1x16xf32>,
      %get3A_2792 = vector.shape_cast %get3A_2791 : vector<1x1x16xf32> to vector<16xf32>
      %swap3A_2793 = arith.constant 126 : i32
      %swap3A_2794 = arith.index_cast %swap3A_2793 : i32 to index
      %swap3A_2795 = arith.constant 32 : index
      %swap3A_2796 = tpu.vector_load %arg13[%swap3A_2794, %swap3A_2795] {strides = array<i32>} : memref<128x128xf32, #tpu.memory_space<vmem>>, vector<1x16xf32>,
      %swap3A_2797 = vector.shape_cast %swap3A_2796 : vector<1x16xf32> to vector<16xf32>
      %swap3A_2798 = vector.shape_cast %get3A_2792 : vector<16xf32> to vector<1x16xf32>
      tpu.vector_store %arg13[%swap3A_2794, %swap3A_2795], %swap3A_2798 {strides = array<i32>} : memref<128x128xf32, #tpu.memory_space<vmem>>, vector<1x16xf32>,
      %get3A_2799 = arith.constant 0 : i32
      %get3A_2800 = arith.index_cast %add3A_2711 : i32 to index
      %get3A_2801 = arith.index_cast %get3A_2799 : i32 to index
      %get3A_2802 = arith.constant 48 : index
      %get3A_2803 = tpu.vector_load %arg8[%get3A_2800, %get3A_2801, %get3A_2802] {strides = array<i32>} : memref<32x2x128xf32, #tpu.memory_space<vmem>>, vector<1x1x16xf32>,
      %get3A_2804 = vector.shape_cast %get3A_2803 : vector<1x1x16xf32> to vector<16xf32>
      %swap3A_2805 = arith.constant 123 : i32
      %swap3A_2806 = arith.index_cast %swap3A_2805 : i32 to index
      %swap3A_2807 = arith.constant 48 : index
      %swap3A_2808 = tpu.vector_load %arg13[%swap3A_2806, %swap3A_2807] {strides = array<i32>} : memref<128x128xf32, #tpu.memory_space<vmem>>, vector<1x16xf32>,
      %swap3A_2809 = vector.shape_cast %swap3A_2808 : vector<1x16xf32> to vector<16xf32>
      %swap3A_2810 = vector.shape_cast %get3A_2804 : vector<16xf32> to vector<1x16xf32>
      tpu.vector_store %arg13[%swap3A_2806, %swap3A_2807], %swap3A_2810 {strides = array<i32>} : memref<128x128xf32, #tpu.memory_space<vmem>>, vector<1x16xf32>,
      %get3A_2811 = arith.constant 1 : i32
      %get3A_2812 = arith.index_cast %add3A_2711 : i32 to index
      %get3A_2813 = arith.index_cast %get3A_2811 : i32 to index
      %get3A_2814 = arith.constant 48 : index
      %get3A_2815 = tpu.vector_load %arg8[%get3A_2812, %get3A_2813, %get3A_2814] {strides = array<i32>} : memref<32x2x128xf32, #tpu.memory_space<vmem>>, vector<1x1x16xf32>,
      %get3A_2816 = vector.shape_cast %get3A_2815 : vector<1x1x16xf32> to vector<16xf32>
      %swap3A_2817 = arith.constant 126 : i32
      %swap3A_2818 = arith.index_cast %swap3A_2817 : i32 to index
      %swap3A_2819 = arith.constant 48 : index
      %swap3A_2820 = tpu.vector_load %arg13[%swap3A_2818, %swap3A_2819] {strides = array<i32>} : memref<128x128xf32, #tpu.memory_space<vmem>>, vector<1x16xf32>,
      %swap3A_2821 = vector.shape_cast %swap3A_2820 : vector<1x16xf32> to vector<16xf32>
      %swap3A_2822 = vector.shape_cast %get3A_2816 : vector<16xf32> to vector<1x16xf32>
      tpu.vector_store %arg13[%swap3A_2818, %swap3A_2819], %swap3A_2822 {strides = array<i32>} : memref<128x128xf32, #tpu.memory_space<vmem>>, vector<1x16xf32>,
      %get3A_2823 = arith.constant 0 : i32
      %get3A_2824 = arith.index_cast %add3A_2711 : i32 to index
      %get3A_2825 = arith.index_cast %get3A_2823 : i32 to index
      %get3A_2826 = arith.constant 64 : index
      %get3A_2827 = tpu.vector_load %arg8[%get3A_2824, %get3A_2825, %get3A_2826] {strides = array<i32>} : memref<32x2x128xf32, #tpu.memory_space<vmem>>, vector<1x1x16xf32>,
      %get3A_2828 = vector.shape_cast %get3A_2827 : vector<1x1x16xf32> to vector<16xf32>
      %swap3A_2829 = arith.constant 123 : i32
      %swap3A_2830 = arith.index_cast %swap3A_2829 : i32 to index
      %swap3A_2831 = arith.constant 64 : index
      %swap3A_2832 = tpu.vector_load %arg13[%swap3A_2830, %swap3A_2831] {strides = array<i32>} : memref<128x128xf32, #tpu.memory_space<vmem>>, vector<1x16xf32>,
      %swap3A_2833 = vector.shape_cast %swap3A_2832 : vector<1x16xf32> to vector<16xf32>
      %swap3A_2834 = vector.shape_cast %get3A_2828 : vector<16xf32> to vector<1x16xf32>
      tpu.vector_store %arg13[%swap3A_2830, %swap3A_2831], %swap3A_2834 {strides = array<i32>} : memref<128x128xf32, #tpu.memory_space<vmem>>, vector<1x16xf32>,
      %get3A_2835 = arith.constant 1 : i32
      %get3A_2836 = arith.index_cast %add3A_2711 : i32 to index
      %get3A_2837 = arith.index_cast %get3A_2835 : i32 to index
      %get3A_2838 = arith.constant 64 : index
      %get3A_2839 = tpu.vector_load %arg8[%get3A_2836, %get3A_2837, %get3A_2838] {strides = array<i32>} : memref<32x2x128xf32, #tpu.memory_space<vmem>>, vector<1x1x16xf32>,
      %get3A_2840 = vector.shape_cast %get3A_2839 : vector<1x1x16xf32> to vector<16xf32>
      %swap3A_2841 = arith.constant 126 : i32
      %swap3A_2842 = arith.index_cast %swap3A_2841 : i32 to index
      %swap3A_2843 = arith.constant 64 : index
      %swap3A_2844 = tpu.vector_load %arg13[%swap3A_2842, %swap3A_2843] {strides = array<i32>} : memref<128x128xf32, #tpu.memory_space<vmem>>, vector<1x16xf32>,
      %swap3A_2845 = vector.shape_cast %swap3A_2844 : vector<1x16xf32> to vector<16xf32>
      %swap3A_2846 = vector.shape_cast %get3A_2840 : vector<16xf32> to vector<1x16xf32>
      tpu.vector_store %arg13[%swap3A_2842, %swap3A_2843], %swap3A_2846 {strides = array<i32>} : memref<128x128xf32, #tpu.memory_space<vmem>>, vector<1x16xf32>,
      %get3A_2847 = arith.constant 0 : i32
      %get3A_2848 = arith.index_cast %add3A_2711 : i32 to index
      %get3A_2849 = arith.index_cast %get3A_2847 : i32 to index
      %get3A_2850 = arith.constant 80 : index
      %get3A_2851 = tpu.vector_load %arg8[%get3A_2848, %get3A_2849, %get3A_2850] {strides = array<i32>} : memref<32x2x128xf32, #tpu.memory_space<vmem>>, vector<1x1x16xf32>,
      %get3A_2852 = vector.shape_cast %get3A_2851 : vector<1x1x16xf32> to vector<16xf32>
      %swap3A_2853 = arith.constant 123 : i32
      %swap3A_2854 = arith.index_cast %swap3A_2853 : i32 to index
      %swap3A_2855 = arith.constant 80 : index
      %swap3A_2856 = tpu.vector_load %arg13[%swap3A_2854, %swap3A_2855] {strides = array<i32>} : memref<128x128xf32, #tpu.memory_space<vmem>>, vector<1x16xf32>,
      %swap3A_2857 = vector.shape_cast %swap3A_2856 : vector<1x16xf32> to vector<16xf32>
      %swap3A_2858 = vector.shape_cast %get3A_2852 : vector<16xf32> to vector<1x16xf32>
      tpu.vector_store %arg13[%swap3A_2854, %swap3A_2855], %swap3A_2858 {strides = array<i32>} : memref<128x128xf32, #tpu.memory_space<vmem>>, vector<1x16xf32>,
      %get3A_2859 = arith.constant 1 : i32
      %get3A_2860 = arith.index_cast %add3A_2711 : i32 to index
      %get3A_2861 = arith.index_cast %get3A_2859 : i32 to index
      %get3A_2862 = arith.constant 80 : index
      %get3A_2863 = tpu.vector_load %arg8[%get3A_2860, %get3A_2861, %get3A_2862] {strides = array<i32>} : memref<32x2x128xf32, #tpu.memory_space<vmem>>, vector<1x1x16xf32>,
      %get3A_2864 = vector.shape_cast %get3A_2863 : vector<1x1x16xf32> to vector<16xf32>
      %swap3A_2865 = arith.constant 126 : i32
      %swap3A_2866 = arith.index_cast %swap3A_2865 : i32 to index
      %swap3A_2867 = arith.constant 80 : index
      %swap3A_2868 = tpu.vector_load %arg13[%swap3A_2866, %swap3A_2867] {strides = array<i32>} : memref<128x128xf32, #tpu.memory_space<vmem>>, vector<1x16xf32>,
      %swap3A_2869 = vector.shape_cast %swap3A_2868 : vector<1x16xf32> to vector<16xf32>
      %swap3A_2870 = vector.shape_cast %get3A_2864 : vector<16xf32> to vector<1x16xf32>
      tpu.vector_store %arg13[%swap3A_2866, %swap3A_2867], %swap3A_2870 {strides = array<i32>} : memref<128x128xf32, #tpu.memory_space<vmem>>, vector<1x16xf32>,
      %get3A_2871 = arith.constant 0 : i32
      %get3A_2872 = arith.index_cast %add3A_2711 : i32 to index
      %get3A_2873 = arith.index_cast %get3A_2871 : i32 to index
      %get3A_2874 = arith.constant 96 : index
      %get3A_2875 = tpu.vector_load %arg8[%get3A_2872, %get3A_2873, %get3A_2874] {strides = array<i32>} : memref<32x2x128xf32, #tpu.memory_space<vmem>>, vector<1x1x16xf32>,
      %get3A_2876 = vector.shape_cast %get3A_2875 : vector<1x1x16xf32> to vector<16xf32>
      %swap3A_2877 = arith.constant 123 : i32
      %swap3A_2878 = arith.index_cast %swap3A_2877 : i32 to index
      %swap3A_2879 = arith.constant 96 : index
      %swap3A_2880 = tpu.vector_load %arg13[%swap3A_2878, %swap3A_2879] {strides = array<i32>} : memref<128x128xf32, #tpu.memory_space<vmem>>, vector<1x16xf32>,
      %swap3A_2881 = vector.shape_cast %swap3A_2880 : vector<1x16xf32> to vector<16xf32>
      %swap3A_2882 = vector.shape_cast %get3A_2876 : vector<16xf32> to vector<1x16xf32>
      tpu.vector_store %arg13[%swap3A_2878, %swap3A_2879], %swap3A_2882 {strides = array<i32>} : memref<128x128xf32, #tpu.memory_space<vmem>>, vector<1x16xf32>,
      %get3A_2883 = arith.constant 1 : i32
      %get3A_2884 = arith.index_cast %add3A_2711 : i32 to index
      %get3A_2885 = arith.index_cast %get3A_2883 : i32 to index
      %get3A_2886 = arith.constant 96 : index
      %get3A_2887 = tpu.vector_load %arg8[%get3A_2884, %get3A_2885, %get3A_2886] {strides = array<i32>} : memref<32x2x128xf32, #tpu.memory_space<vmem>>, vector<1x1x16xf32>,
      %get3A_2888 = vector.shape_cast %get3A_2887 : vector<1x1x16xf32> to vector<16xf32>
      %swap3A_2889 = arith.constant 126 : i32
      %swap3A_2890 = arith.index_cast %swap3A_2889 : i32 to index
      %swap3A_2891 = arith.constant 96 : index
      %swap3A_2892 = tpu.vector_load %arg13[%swap3A_2890, %swap3A_2891] {strides = array<i32>} : memref<128x128xf32, #tpu.memory_space<vmem>>, vector<1x16xf32>,
      %swap3A_2893 = vector.shape_cast %swap3A_2892 : vector<1x16xf32> to vector<16xf32>
      %swap3A_2894 = vector.shape_cast %get3A_2888 : vector<16xf32> to vector<1x16xf32>
      tpu.vector_store %arg13[%swap3A_2890, %swap3A_2891], %swap3A_2894 {strides = array<i32>} : memref<128x128xf32, #tpu.memory_space<vmem>>, vector<1x16xf32>,
      %get3A_2895 = arith.constant 0 : i32
      %get3A_2896 = arith.index_cast %add3A_2711 : i32 to index
      %get3A_2897 = arith.index_cast %get3A_2895 : i32 to index
      %get3A_2898 = arith.constant 112 : index
      %get3A_2899 = tpu.vector_load %arg8[%get3A_2896, %get3A_2897, %get3A_2898] {strides = array<i32>} : memref<32x2x128xf32, #tpu.memory_space<vmem>>, vector<1x1x16xf32>,
      %get3A_2900 = vector.shape_cast %get3A_2899 : vector<1x1x16xf32> to vector<16xf32>
      %swap3A_2901 = arith.constant 123 : i32
      %swap3A_2902 = arith.index_cast %swap3A_2901 : i32 to index
      %swap3A_2903 = arith.constant 112 : index
      %swap3A_2904 = tpu.vector_load %arg13[%swap3A_2902, %swap3A_2903] {strides = array<i32>} : memref<128x128xf32, #tpu.memory_space<vmem>>, vector<1x16xf32>,
      %swap3A_2905 = vector.shape_cast %swap3A_2904 : vector<1x16xf32> to vector<16xf32>
      %swap3A_2906 = vector.shape_cast %get3A_2900 : vector<16xf32> to vector<1x16xf32>
      tpu.vector_store %arg13[%swap3A_2902, %swap3A_2903], %swap3A_2906 {strides = array<i32>} : memref<128x128xf32, #tpu.memory_space<vmem>>, vector<1x16xf32>,
      %get3A_2907 = arith.constant 1 : i32
      %get3A_2908 = arith.index_cast %add3A_2711 : i32 to index
      %get3A_2909 = arith.index_cast %get3A_2907 : i32 to index
      %get3A_2910 = arith.constant 112 : index
      %get3A_2911 = tpu.vector_load %arg8[%get3A_2908, %get3A_2909, %get3A_2910] {strides = array<i32>} : memref<32x2x128xf32, #tpu.memory_space<vmem>>, vector<1x1x16xf32>,
      %get3A_2912 = vector.shape_cast %get3A_2911 : vector<1x1x16xf32> to vector<16xf32>
      %swap3A_2913 = arith.constant 126 : i32
      %swap3A_2914 = arith.index_cast %swap3A_2913 : i32 to index
      %swap3A_2915 = arith.constant 112 : index
      %swap3A_2916 = tpu.vector_load %arg13[%swap3A_2914, %swap3A_2915] {strides = array<i32>} : memref<128x128xf32, #tpu.memory_space<vmem>>, vector<1x16xf32>,
      %swap3A_2917 = vector.shape_cast %swap3A_2916 : vector<1x16xf32> to vector<16xf32>
      %swap3A_2918 = vector.shape_cast %get3A_2912 : vector<16xf32> to vector<1x16xf32>
      tpu.vector_store %arg13[%swap3A_2914, %swap3A_2915], %swap3A_2918 {strides = array<i32>} : memref<128x128xf32, #tpu.memory_space<vmem>>, vector<1x16xf32>,
      %add3A_2919 = arith.addi %mul3A_2, %add3A_2711 : i32
      %dma_start3A_2920 = arith.constant 0 : i32
      %dma_start3A_2921 = arith.constant 0 : i32
      %dma_start3A_2922 = tpu.memref_slice %arg6[%add3A_2919, %dma_start3A_2920, %dma_start3A_2921] : memref<1024x128x128xf32, #tpu.memory_space<hbm>> -> memref<1x128x128xf32, #tpu.memory_space<hbm>>
      %dma_start3A_2923 = tpu.memref_squeeze %dma_start3A_2922 : memref<1x128x128xf32, #tpu.memory_space<hbm>> -> memref<128x128xf32, #tpu.memory_space<hbm>>
      %dma_start3A_2924 = arith.constant 0 : i32
      %dma_start3A_2925 = arith.constant 0 : i32
      %dma_start3A_2926 = tpu.memref_slice %arg6[%add3A_2919, %dma_start3A_2924, %dma_start3A_2925] : memref<1024x128x128xf32, #tpu.memory_space<hbm>> -> memref<1x128x128xf32, #tpu.memory_space<hbm>>
      %dma_start3A_2927 = tpu.memref_squeeze %dma_start3A_2926 : memref<1x128x128xf32, #tpu.memory_space<hbm>> -> memref<128x128xf32, #tpu.memory_space<hbm>>
      tpu.enqueue_dma source(%arg13 : memref<128x128xf32, #tpu.memory_space<vmem>>) target(%dma_start3A_2927 : memref<128x128xf32, #tpu.memory_space<hbm>>) target_semaphore(%arg21 : memref<!tpu.dma_semaphore, #tpu.memory_space<semaphore_mem>>)
      %add3A_2928 = arith.constant 3 : i32
      %add3A_2929 = arith.addi %add3A_2711, %add3A_2928 : i32
      %ge3A_2930 = arith.constant 1 : i32
      %ge3A_2931 = arith.cmpi sge, %add3A_2711, %ge3A_2930 : i32
      %lt3A_2932 = arith.constant 32 : i32
      %lt3A_2933 = arith.cmpi slt, %add3A_2929, %lt3A_2932 : i32
      %and3A_2934 = arith.andi %ge3A_2931, %lt3A_2933 : i1
      %convert_element_type3A_2935 = arith.extui %and3A_2934 : i1 to i32
      %cond3A_2936 = arith.constant 0 : i32
      %cond3A_2937 = arith.cmpi ne, %convert_element_type3A_2935, %cond3A_2936 : i32
      scf.if %cond3A_2937 {
        %add3A_3178 = arith.addi %mul3A_2, %add3A_2711 : i32
        %sub3A = arith.constant 1 : i32
        %sub3A_3179 = arith.subi %add3A_3178, %sub3A : i32
        %dma_wait3A_3180 = arith.constant 0 : i32
        %dma_wait3A_3181 = arith.constant 0 : i32
        %dma_wait3A_3182 = tpu.memref_slice %arg6[%sub3A_3179, %dma_wait3A_3180, %dma_wait3A_3181] : memref<1024x128x128xf32, #tpu.memory_space<hbm>> -> memref<1x128x128xf32, #tpu.memory_space<hbm>>
        %dma_wait3A_3183 = tpu.memref_squeeze %dma_wait3A_3182 : memref<1x128x128xf32, #tpu.memory_space<hbm>> -> memref<128x128xf32, #tpu.memory_space<hbm>>
        %dma_wait3A_3184 = arith.constant 0 : i32
        %dma_wait3A_3185 = arith.constant 0 : i32
        %dma_wait3A_3186 = tpu.memref_slice %arg6[%sub3A_3179, %dma_wait3A_3184, %dma_wait3A_3185] : memref<1024x128x128xf32, #tpu.memory_space<hbm>> -> memref<1x128x128xf32, #tpu.memory_space<hbm>>
        %dma_wait3A_3187 = tpu.memref_squeeze %dma_wait3A_3186 : memref<1x128x128xf32, #tpu.memory_space<hbm>> -> memref<128x128xf32, #tpu.memory_space<hbm>>
        tpu.wait_dma2 semaphore(%arg20 : memref<!tpu.dma_semaphore, #tpu.memory_space<semaphore_mem>>) src(%arg12 : memref<128x128xf32, #tpu.memory_space<vmem>>) dst(%dma_wait3A_3187 : memref<128x128xf32, #tpu.memory_space<hbm>>)
      } else {
      }
      %lt3A_2938 = arith.constant 32 : i32
      %lt3A_2939 = arith.cmpi slt, %add3A_2929, %lt3A_2938 : i32
      %convert_element_type3A_2940 = arith.extui %lt3A_2939 : i1 to i32
      %cond3A_2941 = arith.constant 0 : i32
      %cond3A_2942 = arith.cmpi ne, %convert_element_type3A_2940, %cond3A_2941 : i32
      scf.if %cond3A_2942 {
        %dma_start3A_3178 = arith.constant 0 : i32
        %dma_start3A_3179 = arith.constant 0 : i32
        %dma_start3A_3180 = tpu.memref_slice %arg12[%dma_start3A_3178, %dma_start3A_3179] : memref<128x128xf32, #tpu.memory_space<vmem>> -> memref<122x128xf32, #tpu.memory_space<vmem>>
        %dma_start3A_3181 = arith.constant 0 : i32
        %dma_start3A_3182 = tpu.memref_slice %arg7[%add3A_2929, %dma_start3A_3181] : memref<32x128xi32, #tpu.memory_space<vmem>> -> memref<1x122xi32, #tpu.memory_space<vmem>>
        %dma_start3A_3183 = tpu.memref_squeeze %dma_start3A_3182 : memref<1x122xi32, #tpu.memory_space<vmem>> -> memref<122xi32, #tpu.memory_space<vmem>>
        %dma_start3A_3184 = arith.constant 0 : i32
        %dma_start3A_3185 = arith.constant 0 : i32
        %dma_start3A_3186 = tpu.memref_slice %arg3[%dma_start3A_3184, %dma_start3A_3185] : memref<100000x128xf32, #tpu.memory_space<hbm>> -> memref<100000x128xf32, #tpu.memory_space<hbm>>
        tpu.enqueue_indirect_dma source(%dma_start3A_3186 : memref<100000x128xf32, #tpu.memory_space<hbm>>) target(%dma_start3A_3180 : memref<122x128xf32, #tpu.memory_space<vmem>>) offsets(%dma_start3A_3183 : memref<122xi32, #tpu.memory_space<vmem>>) semaphore(%arg16 : memref<!tpu.dma_semaphore, #tpu.memory_space<semaphore_mem>>)
      } else {
      }
      %mul3A_2943 = arith.constant 4 : i32
      %mul3A_2944 = arith.muli %scan3A_2242, %mul3A_2943 : i32
      %add3A_2945 = arith.constant 3 : i32
      %add3A_2946 = arith.addi %mul3A_2944, %add3A_2945 : i32
      %dma_wait3A_2947 = arith.constant 0 : i32
      %dma_wait3A_2948 = arith.constant 0 : i32
      %dma_wait3A_2949 = tpu.memref_slice %arg14[%dma_wait3A_2947, %dma_wait3A_2948] : memref<128x128xf32, #tpu.memory_space<vmem>> -> memref<122x128xf32, #tpu.memory_space<vmem>>
      %dma_wait3A_2950 = arith.constant 0 : i32
      %dma_wait3A_2951 = tpu.memref_slice %arg7[%add3A_2946, %dma_wait3A_2950] : memref<32x128xi32, #tpu.memory_space<vmem>> -> memref<1x122xi32, #tpu.memory_space<vmem>>
      %dma_wait3A_2952 = tpu.memref_squeeze %dma_wait3A_2951 : memref<1x122xi32, #tpu.memory_space<vmem>> -> memref<122xi32, #tpu.memory_space<vmem>>
      %dma_wait3A_2953 = arith.constant 0 : i32
      %dma_wait3A_2954 = arith.constant 0 : i32
      %dma_wait3A_2955 = tpu.memref_slice %arg3[%dma_wait3A_2953, %dma_wait3A_2954] : memref<100000x128xf32, #tpu.memory_space<hbm>> -> memref<100000x128xf32, #tpu.memory_space<hbm>>
      tpu.wait_indirect_dma semaphore(%arg18 : memref<!tpu.dma_semaphore, #tpu.memory_space<semaphore_mem>>) src(%dma_wait3A_2955 : memref<100000x128xf32, #tpu.memory_space<hbm>>) dst(%dma_wait3A_2949 : memref<122x128xf32, #tpu.memory_space<vmem>>)
      %scan3A_2956 = arith.constant 0 : i32
      %scan3A_2957 = arith.constant 0 : i32
      %scan3A_2958 = arith.constant 61 : i32
      %scan3A_2959 = arith.addi %scan3A_2957, %scan3A_2958 : i32
      %scan3A_2960 = arith.constant 1 : i32
      scf.for %scan3A_3178 = %scan3A_2957 to %scan3A_2959 step %scan3A_2960  : i32 {
        %mul3A_3179 = arith.constant 2 : i32
        %mul3A_3180 = arith.muli %scan3A_3178, %mul3A_3179 : i32
        %add3A_3181 = arith.constant 0 : i32
        %add3A_3182 = arith.addi %mul3A_3180, %add3A_3181 : i32
        %get3A_3183 = arith.index_cast %add3A_3182 : i32 to index
        %get3A_3184 = arith.constant 0 : index
        %get3A_3185 = tpu.vector_load %arg14[%get3A_3183, %get3A_3184] {strides = array<i32>} : memref<128x128xf32, #tpu.memory_space<vmem>>, vector<1x16xf32>,
        %get3A_3186 = vector.shape_cast %get3A_3185 : vector<1x16xf32> to vector<16xf32>
        %get3A_3187 = arith.index_cast %add3A_3182 : i32 to index
        %get3A_3188 = arith.constant 0 : index
        %get3A_3189 = tpu.vector_load %arg9[%get3A_3187, %get3A_3188] {strides = array<i32>} : memref<128x128xf32, #tpu.memory_space<vmem>>, vector<1x16xf32>,
        %get3A_3190 = vector.shape_cast %get3A_3189 : vector<1x16xf32> to vector<16xf32>
        %add3A_3191 = arith.addf %get3A_3186, %get3A_3190 : vector<16xf32>
        %swap3A_3192 = arith.index_cast %add3A_3182 : i32 to index
        %swap3A_3193 = arith.constant 0 : index
        %swap3A_3194 = tpu.vector_load %arg14[%swap3A_3192, %swap3A_3193] {strides = array<i32>} : memref<128x128xf32, #tpu.memory_space<vmem>>, vector<1x16xf32>,
        %swap3A_3195 = vector.shape_cast %swap3A_3194 : vector<1x16xf32> to vector<16xf32>
        %swap3A_3196 = vector.shape_cast %add3A_3191 : vector<16xf32> to vector<1x16xf32>
        tpu.vector_store %arg14[%swap3A_3192, %swap3A_3193], %swap3A_3196 {strides = array<i32>} : memref<128x128xf32, #tpu.memory_space<vmem>>, vector<1x16xf32>,
        %get3A_3197 = arith.index_cast %add3A_3182 : i32 to index
        %get3A_3198 = arith.constant 16 : index
        %get3A_3199 = tpu.vector_load %arg14[%get3A_3197, %get3A_3198] {strides = array<i32>} : memref<128x128xf32, #tpu.memory_space<vmem>>, vector<1x16xf32>,
        %get3A_3200 = vector.shape_cast %get3A_3199 : vector<1x16xf32> to vector<16xf32>
        %get3A_3201 = arith.index_cast %add3A_3182 : i32 to index
        %get3A_3202 = arith.constant 16 : index
        %get3A_3203 = tpu.vector_load %arg9[%get3A_3201, %get3A_3202] {strides = array<i32>} : memref<128x128xf32, #tpu.memory_space<vmem>>, vector<1x16xf32>,
        %get3A_3204 = vector.shape_cast %get3A_3203 : vector<1x16xf32> to vector<16xf32>
        %add3A_3205 = arith.addf %get3A_3200, %get3A_3204 : vector<16xf32>
        %swap3A_3206 = arith.index_cast %add3A_3182 : i32 to index
        %swap3A_3207 = arith.constant 16 : index
        %swap3A_3208 = tpu.vector_load %arg14[%swap3A_3206, %swap3A_3207] {strides = array<i32>} : memref<128x128xf32, #tpu.memory_space<vmem>>, vector<1x16xf32>,
        %swap3A_3209 = vector.shape_cast %swap3A_3208 : vector<1x16xf32> to vector<16xf32>
        %swap3A_3210 = vector.shape_cast %add3A_3205 : vector<16xf32> to vector<1x16xf32>
        tpu.vector_store %arg14[%swap3A_3206, %swap3A_3207], %swap3A_3210 {strides = array<i32>} : memref<128x128xf32, #tpu.memory_space<vmem>>, vector<1x16xf32>,
        %get3A_3211 = arith.index_cast %add3A_3182 : i32 to index
        %get3A_3212 = arith.constant 32 : index
        %get3A_3213 = tpu.vector_load %arg14[%get3A_3211, %get3A_3212] {strides = array<i32>} : memref<128x128xf32, #tpu.memory_space<vmem>>, vector<1x16xf32>,
        %get3A_3214 = vector.shape_cast %get3A_3213 : vector<1x16xf32> to vector<16xf32>
        %get3A_3215 = arith.index_cast %add3A_3182 : i32 to index
        %get3A_3216 = arith.constant 32 : index
        %get3A_3217 = tpu.vector_load %arg9[%get3A_3215, %get3A_3216] {strides = array<i32>} : memref<128x128xf32, #tpu.memory_space<vmem>>, vector<1x16xf32>,
        %get3A_3218 = vector.shape_cast %get3A_3217 : vector<1x16xf32> to vector<16xf32>
        %add3A_3219 = arith.addf %get3A_3214, %get3A_3218 : vector<16xf32>
        %swap3A_3220 = arith.index_cast %add3A_3182 : i32 to index
        %swap3A_3221 = arith.constant 32 : index
        %swap3A_3222 = tpu.vector_load %arg14[%swap3A_3220, %swap3A_3221] {strides = array<i32>} : memref<128x128xf32, #tpu.memory_space<vmem>>, vector<1x16xf32>,
        %swap3A_3223 = vector.shape_cast %swap3A_3222 : vector<1x16xf32> to vector<16xf32>
        %swap3A_3224 = vector.shape_cast %add3A_3219 : vector<16xf32> to vector<1x16xf32>
        tpu.vector_store %arg14[%swap3A_3220, %swap3A_3221], %swap3A_3224 {strides = array<i32>} : memref<128x128xf32, #tpu.memory_space<vmem>>, vector<1x16xf32>,
        %get3A_3225 = arith.index_cast %add3A_3182 : i32 to index
        %get3A_3226 = arith.constant 48 : index
        %get3A_3227 = tpu.vector_load %arg14[%get3A_3225, %get3A_3226] {strides = array<i32>} : memref<128x128xf32, #tpu.memory_space<vmem>>, vector<1x16xf32>,
        %get3A_3228 = vector.shape_cast %get3A_3227 : vector<1x16xf32> to vector<16xf32>
        %get3A_3229 = arith.index_cast %add3A_3182 : i32 to index
        %get3A_3230 = arith.constant 48 : index
        %get3A_3231 = tpu.vector_load %arg9[%get3A_3229, %get3A_3230] {strides = array<i32>} : memref<128x128xf32, #tpu.memory_space<vmem>>, vector<1x16xf32>,
        %get3A_3232 = vector.shape_cast %get3A_3231 : vector<1x16xf32> to vector<16xf32>
        %add3A_3233 = arith.addf %get3A_3228, %get3A_3232 : vector<16xf32>
        %swap3A_3234 = arith.index_cast %add3A_3182 : i32 to index
        %swap3A_3235 = arith.constant 48 : index
        %swap3A_3236 = tpu.vector_load %arg14[%swap3A_3234, %swap3A_3235] {strides = array<i32>} : memref<128x128xf32, #tpu.memory_space<vmem>>, vector<1x16xf32>,
        %swap3A_3237 = vector.shape_cast %swap3A_3236 : vector<1x16xf32> to vector<16xf32>
        %swap3A_3238 = vector.shape_cast %add3A_3233 : vector<16xf32> to vector<1x16xf32>
        tpu.vector_store %arg14[%swap3A_3234, %swap3A_3235], %swap3A_3238 {strides = array<i32>} : memref<128x128xf32, #tpu.memory_space<vmem>>, vector<1x16xf32>,
        %get3A_3239 = arith.index_cast %add3A_3182 : i32 to index
        %get3A_3240 = arith.constant 64 : index
        %get3A_3241 = tpu.vector_load %arg14[%get3A_3239, %get3A_3240] {strides = array<i32>} : memref<128x128xf32, #tpu.memory_space<vmem>>, vector<1x16xf32>,
        %get3A_3242 = vector.shape_cast %get3A_3241 : vector<1x16xf32> to vector<16xf32>
        %get3A_3243 = arith.index_cast %add3A_3182 : i32 to index
        %get3A_3244 = arith.constant 64 : index
        %get3A_3245 = tpu.vector_load %arg9[%get3A_3243, %get3A_3244] {strides = array<i32>} : memref<128x128xf32, #tpu.memory_space<vmem>>, vector<1x16xf32>,
        %get3A_3246 = vector.shape_cast %get3A_3245 : vector<1x16xf32> to vector<16xf32>
        %add3A_3247 = arith.addf %get3A_3242, %get3A_3246 : vector<16xf32>
        %swap3A_3248 = arith.index_cast %add3A_3182 : i32 to index
        %swap3A_3249 = arith.constant 64 : index
        %swap3A_3250 = tpu.vector_load %arg14[%swap3A_3248, %swap3A_3249] {strides = array<i32>} : memref<128x128xf32, #tpu.memory_space<vmem>>, vector<1x16xf32>,
        %swap3A_3251 = vector.shape_cast %swap3A_3250 : vector<1x16xf32> to vector<16xf32>
        %swap3A_3252 = vector.shape_cast %add3A_3247 : vector<16xf32> to vector<1x16xf32>
        tpu.vector_store %arg14[%swap3A_3248, %swap3A_3249], %swap3A_3252 {strides = array<i32>} : memref<128x128xf32, #tpu.memory_space<vmem>>, vector<1x16xf32>,
        %get3A_3253 = arith.index_cast %add3A_3182 : i32 to index
        %get3A_3254 = arith.constant 80 : index
        %get3A_3255 = tpu.vector_load %arg14[%get3A_3253, %get3A_3254] {strides = array<i32>} : memref<128x128xf32, #tpu.memory_space<vmem>>, vector<1x16xf32>,
        %get3A_3256 = vector.shape_cast %get3A_3255 : vector<1x16xf32> to vector<16xf32>
        %get3A_3257 = arith.index_cast %add3A_3182 : i32 to index
        %get3A_3258 = arith.constant 80 : index
        %get3A_3259 = tpu.vector_load %arg9[%get3A_3257, %get3A_3258] {strides = array<i32>} : memref<128x128xf32, #tpu.memory_space<vmem>>, vector<1x16xf32>,
        %get3A_3260 = vector.shape_cast %get3A_3259 : vector<1x16xf32> to vector<16xf32>
        %add3A_3261 = arith.addf %get3A_3256, %get3A_3260 : vector<16xf32>
        %swap3A_3262 = arith.index_cast %add3A_3182 : i32 to index
        %swap3A_3263 = arith.constant 80 : index
        %swap3A_3264 = tpu.vector_load %arg14[%swap3A_3262, %swap3A_3263] {strides = array<i32>} : memref<128x128xf32, #tpu.memory_space<vmem>>, vector<1x16xf32>,
        %swap3A_3265 = vector.shape_cast %swap3A_3264 : vector<1x16xf32> to vector<16xf32>
        %swap3A_3266 = vector.shape_cast %add3A_3261 : vector<16xf32> to vector<1x16xf32>
        tpu.vector_store %arg14[%swap3A_3262, %swap3A_3263], %swap3A_3266 {strides = array<i32>} : memref<128x128xf32, #tpu.memory_space<vmem>>, vector<1x16xf32>,
        %get3A_3267 = arith.index_cast %add3A_3182 : i32 to index
        %get3A_3268 = arith.constant 96 : index
        %get3A_3269 = tpu.vector_load %arg14[%get3A_3267, %get3A_3268] {strides = array<i32>} : memref<128x128xf32, #tpu.memory_space<vmem>>, vector<1x16xf32>,
        %get3A_3270 = vector.shape_cast %get3A_3269 : vector<1x16xf32> to vector<16xf32>
        %get3A_3271 = arith.index_cast %add3A_3182 : i32 to index
        %get3A_3272 = arith.constant 96 : index
        %get3A_3273 = tpu.vector_load %arg9[%get3A_3271, %get3A_3272] {strides = array<i32>} : memref<128x128xf32, #tpu.memory_space<vmem>>, vector<1x16xf32>,
        %get3A_3274 = vector.shape_cast %get3A_3273 : vector<1x16xf32> to vector<16xf32>
        %add3A_3275 = arith.addf %get3A_3270, %get3A_3274 : vector<16xf32>
        %swap3A_3276 = arith.index_cast %add3A_3182 : i32 to index
        %swap3A_3277 = arith.constant 96 : index
        %swap3A_3278 = tpu.vector_load %arg14[%swap3A_3276, %swap3A_3277] {strides = array<i32>} : memref<128x128xf32, #tpu.memory_space<vmem>>, vector<1x16xf32>,
        %swap3A_3279 = vector.shape_cast %swap3A_3278 : vector<1x16xf32> to vector<16xf32>
        %swap3A_3280 = vector.shape_cast %add3A_3275 : vector<16xf32> to vector<1x16xf32>
        tpu.vector_store %arg14[%swap3A_3276, %swap3A_3277], %swap3A_3280 {strides = array<i32>} : memref<128x128xf32, #tpu.memory_space<vmem>>, vector<1x16xf32>,
        %get3A_3281 = arith.index_cast %add3A_3182 : i32 to index
        %get3A_3282 = arith.constant 112 : index
        %get3A_3283 = tpu.vector_load %arg14[%get3A_3281, %get3A_3282] {strides = array<i32>} : memref<128x128xf32, #tpu.memory_space<vmem>>, vector<1x16xf32>,
        %get3A_3284 = vector.shape_cast %get3A_3283 : vector<1x16xf32> to vector<16xf32>
        %get3A_3285 = arith.index_cast %add3A_3182 : i32 to index
        %get3A_3286 = arith.constant 112 : index
        %get3A_3287 = tpu.vector_load %arg9[%get3A_3285, %get3A_3286] {strides = array<i32>} : memref<128x128xf32, #tpu.memory_space<vmem>>, vector<1x16xf32>,
        %get3A_3288 = vector.shape_cast %get3A_3287 : vector<1x16xf32> to vector<16xf32>
        %add3A_3289 = arith.addf %get3A_3284, %get3A_3288 : vector<16xf32>
        %swap3A_3290 = arith.index_cast %add3A_3182 : i32 to index
        %swap3A_3291 = arith.constant 112 : index
        %swap3A_3292 = tpu.vector_load %arg14[%swap3A_3290, %swap3A_3291] {strides = array<i32>} : memref<128x128xf32, #tpu.memory_space<vmem>>, vector<1x16xf32>,
        %swap3A_3293 = vector.shape_cast %swap3A_3292 : vector<1x16xf32> to vector<16xf32>
        %swap3A_3294 = vector.shape_cast %add3A_3289 : vector<16xf32> to vector<1x16xf32>
        tpu.vector_store %arg14[%swap3A_3290, %swap3A_3291], %swap3A_3294 {strides = array<i32>} : memref<128x128xf32, #tpu.memory_space<vmem>>, vector<1x16xf32>,
        %mul3A_3295 = arith.constant 2 : i32
        %mul3A_3296 = arith.muli %scan3A_3178, %mul3A_3295 : i32
        %add3A_3297 = arith.constant 1 : i32
        %add3A_3298 = arith.addi %mul3A_3296, %add3A_3297 : i32
        %get3A_3299 = arith.index_cast %add3A_3298 : i32 to index
        %get3A_3300 = arith.constant 0 : index
        %get3A_3301 = tpu.vector_load %arg14[%get3A_3299, %get3A_3300] {strides = array<i32>} : memref<128x128xf32, #tpu.memory_space<vmem>>, vector<1x16xf32>,
        %get3A_3302 = vector.shape_cast %get3A_3301 : vector<1x16xf32> to vector<16xf32>
        %get3A_3303 = arith.index_cast %add3A_3298 : i32 to index
        %get3A_3304 = arith.constant 0 : index
        %get3A_3305 = tpu.vector_load %arg9[%get3A_3303, %get3A_3304] {strides = array<i32>} : memref<128x128xf32, #tpu.memory_space<vmem>>, vector<1x16xf32>,
        %get3A_3306 = vector.shape_cast %get3A_3305 : vector<1x16xf32> to vector<16xf32>
        %add3A_3307 = arith.addf %get3A_3302, %get3A_3306 : vector<16xf32>
        %swap3A_3308 = arith.index_cast %add3A_3298 : i32 to index
        %swap3A_3309 = arith.constant 0 : index
        %swap3A_3310 = tpu.vector_load %arg14[%swap3A_3308, %swap3A_3309] {strides = array<i32>} : memref<128x128xf32, #tpu.memory_space<vmem>>, vector<1x16xf32>,
        %swap3A_3311 = vector.shape_cast %swap3A_3310 : vector<1x16xf32> to vector<16xf32>
        %swap3A_3312 = vector.shape_cast %add3A_3307 : vector<16xf32> to vector<1x16xf32>
        tpu.vector_store %arg14[%swap3A_3308, %swap3A_3309], %swap3A_3312 {strides = array<i32>} : memref<128x128xf32, #tpu.memory_space<vmem>>, vector<1x16xf32>,
        %get3A_3313 = arith.index_cast %add3A_3298 : i32 to index
        %get3A_3314 = arith.constant 16 : index
        %get3A_3315 = tpu.vector_load %arg14[%get3A_3313, %get3A_3314] {strides = array<i32>} : memref<128x128xf32, #tpu.memory_space<vmem>>, vector<1x16xf32>,
        %get3A_3316 = vector.shape_cast %get3A_3315 : vector<1x16xf32> to vector<16xf32>
        %get3A_3317 = arith.index_cast %add3A_3298 : i32 to index
        %get3A_3318 = arith.constant 16 : index
        %get3A_3319 = tpu.vector_load %arg9[%get3A_3317, %get3A_3318] {strides = array<i32>} : memref<128x128xf32, #tpu.memory_space<vmem>>, vector<1x16xf32>,
        %get3A_3320 = vector.shape_cast %get3A_3319 : vector<1x16xf32> to vector<16xf32>
        %add3A_3321 = arith.addf %get3A_3316, %get3A_3320 : vector<16xf32>
        %swap3A_3322 = arith.index_cast %add3A_3298 : i32 to index
        %swap3A_3323 = arith.constant 16 : index
        %swap3A_3324 = tpu.vector_load %arg14[%swap3A_3322, %swap3A_3323] {strides = array<i32>} : memref<128x128xf32, #tpu.memory_space<vmem>>, vector<1x16xf32>,
        %swap3A_3325 = vector.shape_cast %swap3A_3324 : vector<1x16xf32> to vector<16xf32>
        %swap3A_3326 = vector.shape_cast %add3A_3321 : vector<16xf32> to vector<1x16xf32>
        tpu.vector_store %arg14[%swap3A_3322, %swap3A_3323], %swap3A_3326 {strides = array<i32>} : memref<128x128xf32, #tpu.memory_space<vmem>>, vector<1x16xf32>,
        %get3A_3327 = arith.index_cast %add3A_3298 : i32 to index
        %get3A_3328 = arith.constant 32 : index
        %get3A_3329 = tpu.vector_load %arg14[%get3A_3327, %get3A_3328] {strides = array<i32>} : memref<128x128xf32, #tpu.memory_space<vmem>>, vector<1x16xf32>,
        %get3A_3330 = vector.shape_cast %get3A_3329 : vector<1x16xf32> to vector<16xf32>
        %get3A_3331 = arith.index_cast %add3A_3298 : i32 to index
        %get3A_3332 = arith.constant 32 : index
        %get3A_3333 = tpu.vector_load %arg9[%get3A_3331, %get3A_3332] {strides = array<i32>} : memref<128x128xf32, #tpu.memory_space<vmem>>, vector<1x16xf32>,
        %get3A_3334 = vector.shape_cast %get3A_3333 : vector<1x16xf32> to vector<16xf32>
        %add3A_3335 = arith.addf %get3A_3330, %get3A_3334 : vector<16xf32>
        %swap3A_3336 = arith.index_cast %add3A_3298 : i32 to index
        %swap3A_3337 = arith.constant 32 : index
        %swap3A_3338 = tpu.vector_load %arg14[%swap3A_3336, %swap3A_3337] {strides = array<i32>} : memref<128x128xf32, #tpu.memory_space<vmem>>, vector<1x16xf32>,
        %swap3A_3339 = vector.shape_cast %swap3A_3338 : vector<1x16xf32> to vector<16xf32>
        %swap3A_3340 = vector.shape_cast %add3A_3335 : vector<16xf32> to vector<1x16xf32>
        tpu.vector_store %arg14[%swap3A_3336, %swap3A_3337], %swap3A_3340 {strides = array<i32>} : memref<128x128xf32, #tpu.memory_space<vmem>>, vector<1x16xf32>,
        %get3A_3341 = arith.index_cast %add3A_3298 : i32 to index
        %get3A_3342 = arith.constant 48 : index
        %get3A_3343 = tpu.vector_load %arg14[%get3A_3341, %get3A_3342] {strides = array<i32>} : memref<128x128xf32, #tpu.memory_space<vmem>>, vector<1x16xf32>,
        %get3A_3344 = vector.shape_cast %get3A_3343 : vector<1x16xf32> to vector<16xf32>
        %get3A_3345 = arith.index_cast %add3A_3298 : i32 to index
        %get3A_3346 = arith.constant 48 : index
        %get3A_3347 = tpu.vector_load %arg9[%get3A_3345, %get3A_3346] {strides = array<i32>} : memref<128x128xf32, #tpu.memory_space<vmem>>, vector<1x16xf32>,
        %get3A_3348 = vector.shape_cast %get3A_3347 : vector<1x16xf32> to vector<16xf32>
        %add3A_3349 = arith.addf %get3A_3344, %get3A_3348 : vector<16xf32>
        %swap3A_3350 = arith.index_cast %add3A_3298 : i32 to index
        %swap3A_3351 = arith.constant 48 : index
        %swap3A_3352 = tpu.vector_load %arg14[%swap3A_3350, %swap3A_3351] {strides = array<i32>} : memref<128x128xf32, #tpu.memory_space<vmem>>, vector<1x16xf32>,
        %swap3A_3353 = vector.shape_cast %swap3A_3352 : vector<1x16xf32> to vector<16xf32>
        %swap3A_3354 = vector.shape_cast %add3A_3349 : vector<16xf32> to vector<1x16xf32>
        tpu.vector_store %arg14[%swap3A_3350, %swap3A_3351], %swap3A_3354 {strides = array<i32>} : memref<128x128xf32, #tpu.memory_space<vmem>>, vector<1x16xf32>,
        %get3A_3355 = arith.index_cast %add3A_3298 : i32 to index
        %get3A_3356 = arith.constant 64 : index
        %get3A_3357 = tpu.vector_load %arg14[%get3A_3355, %get3A_3356] {strides = array<i32>} : memref<128x128xf32, #tpu.memory_space<vmem>>, vector<1x16xf32>,
        %get3A_3358 = vector.shape_cast %get3A_3357 : vector<1x16xf32> to vector<16xf32>
        %get3A_3359 = arith.index_cast %add3A_3298 : i32 to index
        %get3A_3360 = arith.constant 64 : index
        %get3A_3361 = tpu.vector_load %arg9[%get3A_3359, %get3A_3360] {strides = array<i32>} : memref<128x128xf32, #tpu.memory_space<vmem>>, vector<1x16xf32>,
        %get3A_3362 = vector.shape_cast %get3A_3361 : vector<1x16xf32> to vector<16xf32>
        %add3A_3363 = arith.addf %get3A_3358, %get3A_3362 : vector<16xf32>
        %swap3A_3364 = arith.index_cast %add3A_3298 : i32 to index
        %swap3A_3365 = arith.constant 64 : index
        %swap3A_3366 = tpu.vector_load %arg14[%swap3A_3364, %swap3A_3365] {strides = array<i32>} : memref<128x128xf32, #tpu.memory_space<vmem>>, vector<1x16xf32>,
        %swap3A_3367 = vector.shape_cast %swap3A_3366 : vector<1x16xf32> to vector<16xf32>
        %swap3A_3368 = vector.shape_cast %add3A_3363 : vector<16xf32> to vector<1x16xf32>
        tpu.vector_store %arg14[%swap3A_3364, %swap3A_3365], %swap3A_3368 {strides = array<i32>} : memref<128x128xf32, #tpu.memory_space<vmem>>, vector<1x16xf32>,
        %get3A_3369 = arith.index_cast %add3A_3298 : i32 to index
        %get3A_3370 = arith.constant 80 : index
        %get3A_3371 = tpu.vector_load %arg14[%get3A_3369, %get3A_3370] {strides = array<i32>} : memref<128x128xf32, #tpu.memory_space<vmem>>, vector<1x16xf32>,
        %get3A_3372 = vector.shape_cast %get3A_3371 : vector<1x16xf32> to vector<16xf32>
        %get3A_3373 = arith.index_cast %add3A_3298 : i32 to index
        %get3A_3374 = arith.constant 80 : index
        %get3A_3375 = tpu.vector_load %arg9[%get3A_3373, %get3A_3374] {strides = array<i32>} : memref<128x128xf32, #tpu.memory_space<vmem>>, vector<1x16xf32>,
        %get3A_3376 = vector.shape_cast %get3A_3375 : vector<1x16xf32> to vector<16xf32>
        %add3A_3377 = arith.addf %get3A_3372, %get3A_3376 : vector<16xf32>
        %swap3A_3378 = arith.index_cast %add3A_3298 : i32 to index
        %swap3A_3379 = arith.constant 80 : index
        %swap3A_3380 = tpu.vector_load %arg14[%swap3A_3378, %swap3A_3379] {strides = array<i32>} : memref<128x128xf32, #tpu.memory_space<vmem>>, vector<1x16xf32>,
        %swap3A_3381 = vector.shape_cast %swap3A_3380 : vector<1x16xf32> to vector<16xf32>
        %swap3A_3382 = vector.shape_cast %add3A_3377 : vector<16xf32> to vector<1x16xf32>
        tpu.vector_store %arg14[%swap3A_3378, %swap3A_3379], %swap3A_3382 {strides = array<i32>} : memref<128x128xf32, #tpu.memory_space<vmem>>, vector<1x16xf32>,
        %get3A_3383 = arith.index_cast %add3A_3298 : i32 to index
        %get3A_3384 = arith.constant 96 : index
        %get3A_3385 = tpu.vector_load %arg14[%get3A_3383, %get3A_3384] {strides = array<i32>} : memref<128x128xf32, #tpu.memory_space<vmem>>, vector<1x16xf32>,
        %get3A_3386 = vector.shape_cast %get3A_3385 : vector<1x16xf32> to vector<16xf32>
        %get3A_3387 = arith.index_cast %add3A_3298 : i32 to index
        %get3A_3388 = arith.constant 96 : index
        %get3A_3389 = tpu.vector_load %arg9[%get3A_3387, %get3A_3388] {strides = array<i32>} : memref<128x128xf32, #tpu.memory_space<vmem>>, vector<1x16xf32>,
        %get3A_3390 = vector.shape_cast %get3A_3389 : vector<1x16xf32> to vector<16xf32>
        %add3A_3391 = arith.addf %get3A_3386, %get3A_3390 : vector<16xf32>
        %swap3A_3392 = arith.index_cast %add3A_3298 : i32 to index
        %swap3A_3393 = arith.constant 96 : index
        %swap3A_3394 = tpu.vector_load %arg14[%swap3A_3392, %swap3A_3393] {strides = array<i32>} : memref<128x128xf32, #tpu.memory_space<vmem>>, vector<1x16xf32>,
        %swap3A_3395 = vector.shape_cast %swap3A_3394 : vector<1x16xf32> to vector<16xf32>
        %swap3A_3396 = vector.shape_cast %add3A_3391 : vector<16xf32> to vector<1x16xf32>
        tpu.vector_store %arg14[%swap3A_3392, %swap3A_3393], %swap3A_3396 {strides = array<i32>} : memref<128x128xf32, #tpu.memory_space<vmem>>, vector<1x16xf32>,
        %get3A_3397 = arith.index_cast %add3A_3298 : i32 to index
        %get3A_3398 = arith.constant 112 : index
        %get3A_3399 = tpu.vector_load %arg14[%get3A_3397, %get3A_3398] {strides = array<i32>} : memref<128x128xf32, #tpu.memory_space<vmem>>, vector<1x16xf32>,
        %get3A_3400 = vector.shape_cast %get3A_3399 : vector<1x16xf32> to vector<16xf32>
        %get3A_3401 = arith.index_cast %add3A_3298 : i32 to index
        %get3A_3402 = arith.constant 112 : index
        %get3A_3403 = tpu.vector_load %arg9[%get3A_3401, %get3A_3402] {strides = array<i32>} : memref<128x128xf32, #tpu.memory_space<vmem>>, vector<1x16xf32>,
        %get3A_3404 = vector.shape_cast %get3A_3403 : vector<1x16xf32> to vector<16xf32>
        %add3A_3405 = arith.addf %get3A_3400, %get3A_3404 : vector<16xf32>
        %swap3A_3406 = arith.index_cast %add3A_3298 : i32 to index
        %swap3A_3407 = arith.constant 112 : index
        %swap3A_3408 = tpu.vector_load %arg14[%swap3A_3406, %swap3A_3407] {strides = array<i32>} : memref<128x128xf32, #tpu.memory_space<vmem>>, vector<1x16xf32>,
        %swap3A_3409 = vector.shape_cast %swap3A_3408 : vector<1x16xf32> to vector<16xf32>
        %swap3A_3410 = vector.shape_cast %add3A_3405 : vector<16xf32> to vector<1x16xf32>
        tpu.vector_store %arg14[%swap3A_3406, %swap3A_3407], %swap3A_3410 {strides = array<i32>} : memref<128x128xf32, #tpu.memory_space<vmem>>, vector<1x16xf32>,
      }
      %scan3A_2961 = arith.constant 61 : i32
      %get3A_2962 = arith.constant 0 : i32
      %get3A_2963 = arith.index_cast %add3A_2946 : i32 to index
      %get3A_2964 = arith.index_cast %get3A_2962 : i32 to index
      %get3A_2965 = arith.constant 0 : index
      %get3A_2966 = tpu.vector_load %arg8[%get3A_2963, %get3A_2964, %get3A_2965] {strides = array<i32>} : memref<32x2x128xf32, #tpu.memory_space<vmem>>, vector<1x1x16xf32>,
      %get3A_2967 = vector.shape_cast %get3A_2966 : vector<1x1x16xf32> to vector<16xf32>
      %swap3A_2968 = arith.constant 123 : i32
      %swap3A_2969 = arith.index_cast %swap3A_2968 : i32 to index
      %swap3A_2970 = arith.constant 0 : index
      %swap3A_2971 = tpu.vector_load %arg14[%swap3A_2969, %swap3A_2970] {strides = array<i32>} : memref<128x128xf32, #tpu.memory_space<vmem>>, vector<1x16xf32>,
      %swap3A_2972 = vector.shape_cast %swap3A_2971 : vector<1x16xf32> to vector<16xf32>
      %swap3A_2973 = vector.shape_cast %get3A_2967 : vector<16xf32> to vector<1x16xf32>
      tpu.vector_store %arg14[%swap3A_2969, %swap3A_2970], %swap3A_2973 {strides = array<i32>} : memref<128x128xf32, #tpu.memory_space<vmem>>, vector<1x16xf32>,
      %get3A_2974 = arith.constant 1 : i32
      %get3A_2975 = arith.index_cast %add3A_2946 : i32 to index
      %get3A_2976 = arith.index_cast %get3A_2974 : i32 to index
      %get3A_2977 = arith.constant 0 : index
      %get3A_2978 = tpu.vector_load %arg8[%get3A_2975, %get3A_2976, %get3A_2977] {strides = array<i32>} : memref<32x2x128xf32, #tpu.memory_space<vmem>>, vector<1x1x16xf32>,
      %get3A_2979 = vector.shape_cast %get3A_2978 : vector<1x1x16xf32> to vector<16xf32>
      %swap3A_2980 = arith.constant 126 : i32
      %swap3A_2981 = arith.index_cast %swap3A_2980 : i32 to index
      %swap3A_2982 = arith.constant 0 : index
      %swap3A_2983 = tpu.vector_load %arg14[%swap3A_2981, %swap3A_2982] {strides = array<i32>} : memref<128x128xf32, #tpu.memory_space<vmem>>, vector<1x16xf32>,
      %swap3A_2984 = vector.shape_cast %swap3A_2983 : vector<1x16xf32> to vector<16xf32>
      %swap3A_2985 = vector.shape_cast %get3A_2979 : vector<16xf32> to vector<1x16xf32>
      tpu.vector_store %arg14[%swap3A_2981, %swap3A_2982], %swap3A_2985 {strides = array<i32>} : memref<128x128xf32, #tpu.memory_space<vmem>>, vector<1x16xf32>,
      %get3A_2986 = arith.constant 0 : i32
      %get3A_2987 = arith.index_cast %add3A_2946 : i32 to index
      %get3A_2988 = arith.index_cast %get3A_2986 : i32 to index
      %get3A_2989 = arith.constant 16 : index
      %get3A_2990 = tpu.vector_load %arg8[%get3A_2987, %get3A_2988, %get3A_2989] {strides = array<i32>} : memref<32x2x128xf32, #tpu.memory_space<vmem>>, vector<1x1x16xf32>,
      %get3A_2991 = vector.shape_cast %get3A_2990 : vector<1x1x16xf32> to vector<16xf32>
      %swap3A_2992 = arith.constant 123 : i32
      %swap3A_2993 = arith.index_cast %swap3A_2992 : i32 to index
      %swap3A_2994 = arith.constant 16 : index
      %swap3A_2995 = tpu.vector_load %arg14[%swap3A_2993, %swap3A_2994] {strides = array<i32>} : memref<128x128xf32, #tpu.memory_space<vmem>>, vector<1x16xf32>,
      %swap3A_2996 = vector.shape_cast %swap3A_2995 : vector<1x16xf32> to vector<16xf32>
      %swap3A_2997 = vector.shape_cast %get3A_2991 : vector<16xf32> to vector<1x16xf32>
      tpu.vector_store %arg14[%swap3A_2993, %swap3A_2994], %swap3A_2997 {strides = array<i32>} : memref<128x128xf32, #tpu.memory_space<vmem>>, vector<1x16xf32>,
      %get3A_2998 = arith.constant 1 : i32
      %get3A_2999 = arith.index_cast %add3A_2946 : i32 to index
      %get3A_3000 = arith.index_cast %get3A_2998 : i32 to index
      %get3A_3001 = arith.constant 16 : index
      %get3A_3002 = tpu.vector_load %arg8[%get3A_2999, %get3A_3000, %get3A_3001] {strides = array<i32>} : memref<32x2x128xf32, #tpu.memory_space<vmem>>, vector<1x1x16xf32>,
      %get3A_3003 = vector.shape_cast %get3A_3002 : vector<1x1x16xf32> to vector<16xf32>
      %swap3A_3004 = arith.constant 126 : i32
      %swap3A_3005 = arith.index_cast %swap3A_3004 : i32 to index
      %swap3A_3006 = arith.constant 16 : index
      %swap3A_3007 = tpu.vector_load %arg14[%swap3A_3005, %swap3A_3006] {strides = array<i32>} : memref<128x128xf32, #tpu.memory_space<vmem>>, vector<1x16xf32>,
      %swap3A_3008 = vector.shape_cast %swap3A_3007 : vector<1x16xf32> to vector<16xf32>
      %swap3A_3009 = vector.shape_cast %get3A_3003 : vector<16xf32> to vector<1x16xf32>
      tpu.vector_store %arg14[%swap3A_3005, %swap3A_3006], %swap3A_3009 {strides = array<i32>} : memref<128x128xf32, #tpu.memory_space<vmem>>, vector<1x16xf32>,
      %get3A_3010 = arith.constant 0 : i32
      %get3A_3011 = arith.index_cast %add3A_2946 : i32 to index
      %get3A_3012 = arith.index_cast %get3A_3010 : i32 to index
      %get3A_3013 = arith.constant 32 : index
      %get3A_3014 = tpu.vector_load %arg8[%get3A_3011, %get3A_3012, %get3A_3013] {strides = array<i32>} : memref<32x2x128xf32, #tpu.memory_space<vmem>>, vector<1x1x16xf32>,
      %get3A_3015 = vector.shape_cast %get3A_3014 : vector<1x1x16xf32> to vector<16xf32>
      %swap3A_3016 = arith.constant 123 : i32
      %swap3A_3017 = arith.index_cast %swap3A_3016 : i32 to index
      %swap3A_3018 = arith.constant 32 : index
      %swap3A_3019 = tpu.vector_load %arg14[%swap3A_3017, %swap3A_3018] {strides = array<i32>} : memref<128x128xf32, #tpu.memory_space<vmem>>, vector<1x16xf32>,
      %swap3A_3020 = vector.shape_cast %swap3A_3019 : vector<1x16xf32> to vector<16xf32>
      %swap3A_3021 = vector.shape_cast %get3A_3015 : vector<16xf32> to vector<1x16xf32>
      tpu.vector_store %arg14[%swap3A_3017, %swap3A_3018], %swap3A_3021 {strides = array<i32>} : memref<128x128xf32, #tpu.memory_space<vmem>>, vector<1x16xf32>,
      %get3A_3022 = arith.constant 1 : i32
      %get3A_3023 = arith.index_cast %add3A_2946 : i32 to index
      %get3A_3024 = arith.index_cast %get3A_3022 : i32 to index
      %get3A_3025 = arith.constant 32 : index
      %get3A_3026 = tpu.vector_load %arg8[%get3A_3023, %get3A_3024, %get3A_3025] {strides = array<i32>} : memref<32x2x128xf32, #tpu.memory_space<vmem>>, vector<1x1x16xf32>,
      %get3A_3027 = vector.shape_cast %get3A_3026 : vector<1x1x16xf32> to vector<16xf32>
      %swap3A_3028 = arith.constant 126 : i32
      %swap3A_3029 = arith.index_cast %swap3A_3028 : i32 to index
      %swap3A_3030 = arith.constant 32 : index
      %swap3A_3031 = tpu.vector_load %arg14[%swap3A_3029, %swap3A_3030] {strides = array<i32>} : memref<128x128xf32, #tpu.memory_space<vmem>>, vector<1x16xf32>,
      %swap3A_3032 = vector.shape_cast %swap3A_3031 : vector<1x16xf32> to vector<16xf32>
      %swap3A_3033 = vector.shape_cast %get3A_3027 : vector<16xf32> to vector<1x16xf32>
      tpu.vector_store %arg14[%swap3A_3029, %swap3A_3030], %swap3A_3033 {strides = array<i32>} : memref<128x128xf32, #tpu.memory_space<vmem>>, vector<1x16xf32>,
      %get3A_3034 = arith.constant 0 : i32
      %get3A_3035 = arith.index_cast %add3A_2946 : i32 to index
      %get3A_3036 = arith.index_cast %get3A_3034 : i32 to index
      %get3A_3037 = arith.constant 48 : index
      %get3A_3038 = tpu.vector_load %arg8[%get3A_3035, %get3A_3036, %get3A_3037] {strides = array<i32>} : memref<32x2x128xf32, #tpu.memory_space<vmem>>, vector<1x1x16xf32>,
      %get3A_3039 = vector.shape_cast %get3A_3038 : vector<1x1x16xf32> to vector<16xf32>
      %swap3A_3040 = arith.constant 123 : i32
      %swap3A_3041 = arith.index_cast %swap3A_3040 : i32 to index
      %swap3A_3042 = arith.constant 48 : index
      %swap3A_3043 = tpu.vector_load %arg14[%swap3A_3041, %swap3A_3042] {strides = array<i32>} : memref<128x128xf32, #tpu.memory_space<vmem>>, vector<1x16xf32>,
      %swap3A_3044 = vector.shape_cast %swap3A_3043 : vector<1x16xf32> to vector<16xf32>
      %swap3A_3045 = vector.shape_cast %get3A_3039 : vector<16xf32> to vector<1x16xf32>
      tpu.vector_store %arg14[%swap3A_3041, %swap3A_3042], %swap3A_3045 {strides = array<i32>} : memref<128x128xf32, #tpu.memory_space<vmem>>, vector<1x16xf32>,
      %get3A_3046 = arith.constant 1 : i32
      %get3A_3047 = arith.index_cast %add3A_2946 : i32 to index
      %get3A_3048 = arith.index_cast %get3A_3046 : i32 to index
      %get3A_3049 = arith.constant 48 : index
      %get3A_3050 = tpu.vector_load %arg8[%get3A_3047, %get3A_3048, %get3A_3049] {strides = array<i32>} : memref<32x2x128xf32, #tpu.memory_space<vmem>>, vector<1x1x16xf32>,
      %get3A_3051 = vector.shape_cast %get3A_3050 : vector<1x1x16xf32> to vector<16xf32>
      %swap3A_3052 = arith.constant 126 : i32
      %swap3A_3053 = arith.index_cast %swap3A_3052 : i32 to index
      %swap3A_3054 = arith.constant 48 : index
      %swap3A_3055 = tpu.vector_load %arg14[%swap3A_3053, %swap3A_3054] {strides = array<i32>} : memref<128x128xf32, #tpu.memory_space<vmem>>, vector<1x16xf32>,
      %swap3A_3056 = vector.shape_cast %swap3A_3055 : vector<1x16xf32> to vector<16xf32>
      %swap3A_3057 = vector.shape_cast %get3A_3051 : vector<16xf32> to vector<1x16xf32>
      tpu.vector_store %arg14[%swap3A_3053, %swap3A_3054], %swap3A_3057 {strides = array<i32>} : memref<128x128xf32, #tpu.memory_space<vmem>>, vector<1x16xf32>,
      %get3A_3058 = arith.constant 0 : i32
      %get3A_3059 = arith.index_cast %add3A_2946 : i32 to index
      %get3A_3060 = arith.index_cast %get3A_3058 : i32 to index
      %get3A_3061 = arith.constant 64 : index
      %get3A_3062 = tpu.vector_load %arg8[%get3A_3059, %get3A_3060, %get3A_3061] {strides = array<i32>} : memref<32x2x128xf32, #tpu.memory_space<vmem>>, vector<1x1x16xf32>,
      %get3A_3063 = vector.shape_cast %get3A_3062 : vector<1x1x16xf32> to vector<16xf32>
      %swap3A_3064 = arith.constant 123 : i32
      %swap3A_3065 = arith.index_cast %swap3A_3064 : i32 to index
      %swap3A_3066 = arith.constant 64 : index
      %swap3A_3067 = tpu.vector_load %arg14[%swap3A_3065, %swap3A_3066] {strides = array<i32>} : memref<128x128xf32, #tpu.memory_space<vmem>>, vector<1x16xf32>,
      %swap3A_3068 = vector.shape_cast %swap3A_3067 : vector<1x16xf32> to vector<16xf32>
      %swap3A_3069 = vector.shape_cast %get3A_3063 : vector<16xf32> to vector<1x16xf32>
      tpu.vector_store %arg14[%swap3A_3065, %swap3A_3066], %swap3A_3069 {strides = array<i32>} : memref<128x128xf32, #tpu.memory_space<vmem>>, vector<1x16xf32>,
      %get3A_3070 = arith.constant 1 : i32
      %get3A_3071 = arith.index_cast %add3A_2946 : i32 to index
      %get3A_3072 = arith.index_cast %get3A_3070 : i32 to index
      %get3A_3073 = arith.constant 64 : index
      %get3A_3074 = tpu.vector_load %arg8[%get3A_3071, %get3A_3072, %get3A_3073] {strides = array<i32>} : memref<32x2x128xf32, #tpu.memory_space<vmem>>, vector<1x1x16xf32>,
      %get3A_3075 = vector.shape_cast %get3A_3074 : vector<1x1x16xf32> to vector<16xf32>
      %swap3A_3076 = arith.constant 126 : i32
      %swap3A_3077 = arith.index_cast %swap3A_3076 : i32 to index
      %swap3A_3078 = arith.constant 64 : index
      %swap3A_3079 = tpu.vector_load %arg14[%swap3A_3077, %swap3A_3078] {strides = array<i32>} : memref<128x128xf32, #tpu.memory_space<vmem>>, vector<1x16xf32>,
      %swap3A_3080 = vector.shape_cast %swap3A_3079 : vector<1x16xf32> to vector<16xf32>
      %swap3A_3081 = vector.shape_cast %get3A_3075 : vector<16xf32> to vector<1x16xf32>
      tpu.vector_store %arg14[%swap3A_3077, %swap3A_3078], %swap3A_3081 {strides = array<i32>} : memref<128x128xf32, #tpu.memory_space<vmem>>, vector<1x16xf32>,
      %get3A_3082 = arith.constant 0 : i32
      %get3A_3083 = arith.index_cast %add3A_2946 : i32 to index
      %get3A_3084 = arith.index_cast %get3A_3082 : i32 to index
      %get3A_3085 = arith.constant 80 : index
      %get3A_3086 = tpu.vector_load %arg8[%get3A_3083, %get3A_3084, %get3A_3085] {strides = array<i32>} : memref<32x2x128xf32, #tpu.memory_space<vmem>>, vector<1x1x16xf32>,
      %get3A_3087 = vector.shape_cast %get3A_3086 : vector<1x1x16xf32> to vector<16xf32>
      %swap3A_3088 = arith.constant 123 : i32
      %swap3A_3089 = arith.index_cast %swap3A_3088 : i32 to index
      %swap3A_3090 = arith.constant 80 : index
      %swap3A_3091 = tpu.vector_load %arg14[%swap3A_3089, %swap3A_3090] {strides = array<i32>} : memref<128x128xf32, #tpu.memory_space<vmem>>, vector<1x16xf32>,
      %swap3A_3092 = vector.shape_cast %swap3A_3091 : vector<1x16xf32> to vector<16xf32>
      %swap3A_3093 = vector.shape_cast %get3A_3087 : vector<16xf32> to vector<1x16xf32>
      tpu.vector_store %arg14[%swap3A_3089, %swap3A_3090], %swap3A_3093 {strides = array<i32>} : memref<128x128xf32, #tpu.memory_space<vmem>>, vector<1x16xf32>,
      %get3A_3094 = arith.constant 1 : i32
      %get3A_3095 = arith.index_cast %add3A_2946 : i32 to index
      %get3A_3096 = arith.index_cast %get3A_3094 : i32 to index
      %get3A_3097 = arith.constant 80 : index
      %get3A_3098 = tpu.vector_load %arg8[%get3A_3095, %get3A_3096, %get3A_3097] {strides = array<i32>} : memref<32x2x128xf32, #tpu.memory_space<vmem>>, vector<1x1x16xf32>,
      %get3A_3099 = vector.shape_cast %get3A_3098 : vector<1x1x16xf32> to vector<16xf32>
      %swap3A_3100 = arith.constant 126 : i32
      %swap3A_3101 = arith.index_cast %swap3A_3100 : i32 to index
      %swap3A_3102 = arith.constant 80 : index
      %swap3A_3103 = tpu.vector_load %arg14[%swap3A_3101, %swap3A_3102] {strides = array<i32>} : memref<128x128xf32, #tpu.memory_space<vmem>>, vector<1x16xf32>,
      %swap3A_3104 = vector.shape_cast %swap3A_3103 : vector<1x16xf32> to vector<16xf32>
      %swap3A_3105 = vector.shape_cast %get3A_3099 : vector<16xf32> to vector<1x16xf32>
      tpu.vector_store %arg14[%swap3A_3101, %swap3A_3102], %swap3A_3105 {strides = array<i32>} : memref<128x128xf32, #tpu.memory_space<vmem>>, vector<1x16xf32>,
      %get3A_3106 = arith.constant 0 : i32
      %get3A_3107 = arith.index_cast %add3A_2946 : i32 to index
      %get3A_3108 = arith.index_cast %get3A_3106 : i32 to index
      %get3A_3109 = arith.constant 96 : index
      %get3A_3110 = tpu.vector_load %arg8[%get3A_3107, %get3A_3108, %get3A_3109] {strides = array<i32>} : memref<32x2x128xf32, #tpu.memory_space<vmem>>, vector<1x1x16xf32>,
      %get3A_3111 = vector.shape_cast %get3A_3110 : vector<1x1x16xf32> to vector<16xf32>
      %swap3A_3112 = arith.constant 123 : i32
      %swap3A_3113 = arith.index_cast %swap3A_3112 : i32 to index
      %swap3A_3114 = arith.constant 96 : index
      %swap3A_3115 = tpu.vector_load %arg14[%swap3A_3113, %swap3A_3114] {strides = array<i32>} : memref<128x128xf32, #tpu.memory_space<vmem>>, vector<1x16xf32>,
      %swap3A_3116 = vector.shape_cast %swap3A_3115 : vector<1x16xf32> to vector<16xf32>
      %swap3A_3117 = vector.shape_cast %get3A_3111 : vector<16xf32> to vector<1x16xf32>
      tpu.vector_store %arg14[%swap3A_3113, %swap3A_3114], %swap3A_3117 {strides = array<i32>} : memref<128x128xf32, #tpu.memory_space<vmem>>, vector<1x16xf32>,
      %get3A_3118 = arith.constant 1 : i32
      %get3A_3119 = arith.index_cast %add3A_2946 : i32 to index
      %get3A_3120 = arith.index_cast %get3A_3118 : i32 to index
      %get3A_3121 = arith.constant 96 : index
      %get3A_3122 = tpu.vector_load %arg8[%get3A_3119, %get3A_3120, %get3A_3121] {strides = array<i32>} : memref<32x2x128xf32, #tpu.memory_space<vmem>>, vector<1x1x16xf32>,
      %get3A_3123 = vector.shape_cast %get3A_3122 : vector<1x1x16xf32> to vector<16xf32>
      %swap3A_3124 = arith.constant 126 : i32
      %swap3A_3125 = arith.index_cast %swap3A_3124 : i32 to index
      %swap3A_3126 = arith.constant 96 : index
      %swap3A_3127 = tpu.vector_load %arg14[%swap3A_3125, %swap3A_3126] {strides = array<i32>} : memref<128x128xf32, #tpu.memory_space<vmem>>, vector<1x16xf32>,
      %swap3A_3128 = vector.shape_cast %swap3A_3127 : vector<1x16xf32> to vector<16xf32>
      %swap3A_3129 = vector.shape_cast %get3A_3123 : vector<16xf32> to vector<1x16xf32>
      tpu.vector_store %arg14[%swap3A_3125, %swap3A_3126], %swap3A_3129 {strides = array<i32>} : memref<128x128xf32, #tpu.memory_space<vmem>>, vector<1x16xf32>,
      %get3A_3130 = arith.constant 0 : i32
      %get3A_3131 = arith.index_cast %add3A_2946 : i32 to index
      %get3A_3132 = arith.index_cast %get3A_3130 : i32 to index
      %get3A_3133 = arith.constant 112 : index
      %get3A_3134 = tpu.vector_load %arg8[%get3A_3131, %get3A_3132, %get3A_3133] {strides = array<i32>} : memref<32x2x128xf32, #tpu.memory_space<vmem>>, vector<1x1x16xf32>,
      %get3A_3135 = vector.shape_cast %get3A_3134 : vector<1x1x16xf32> to vector<16xf32>
      %swap3A_3136 = arith.constant 123 : i32
      %swap3A_3137 = arith.index_cast %swap3A_3136 : i32 to index
      %swap3A_3138 = arith.constant 112 : index
      %swap3A_3139 = tpu.vector_load %arg14[%swap3A_3137, %swap3A_3138] {strides = array<i32>} : memref<128x128xf32, #tpu.memory_space<vmem>>, vector<1x16xf32>,
      %swap3A_3140 = vector.shape_cast %swap3A_3139 : vector<1x16xf32> to vector<16xf32>
      %swap3A_3141 = vector.shape_cast %get3A_3135 : vector<16xf32> to vector<1x16xf32>
      tpu.vector_store %arg14[%swap3A_3137, %swap3A_3138], %swap3A_3141 {strides = array<i32>} : memref<128x128xf32, #tpu.memory_space<vmem>>, vector<1x16xf32>,
      %get3A_3142 = arith.constant 1 : i32
      %get3A_3143 = arith.index_cast %add3A_2946 : i32 to index
      %get3A_3144 = arith.index_cast %get3A_3142 : i32 to index
      %get3A_3145 = arith.constant 112 : index
      %get3A_3146 = tpu.vector_load %arg8[%get3A_3143, %get3A_3144, %get3A_3145] {strides = array<i32>} : memref<32x2x128xf32, #tpu.memory_space<vmem>>, vector<1x1x16xf32>,
      %get3A_3147 = vector.shape_cast %get3A_3146 : vector<1x1x16xf32> to vector<16xf32>
      %swap3A_3148 = arith.constant 126 : i32
      %swap3A_3149 = arith.index_cast %swap3A_3148 : i32 to index
      %swap3A_3150 = arith.constant 112 : index
      %swap3A_3151 = tpu.vector_load %arg14[%swap3A_3149, %swap3A_3150] {strides = array<i32>} : memref<128x128xf32, #tpu.memory_space<vmem>>, vector<1x16xf32>,
      %swap3A_3152 = vector.shape_cast %swap3A_3151 : vector<1x16xf32> to vector<16xf32>
      %swap3A_3153 = vector.shape_cast %get3A_3147 : vector<16xf32> to vector<1x16xf32>
      tpu.vector_store %arg14[%swap3A_3149, %swap3A_3150], %swap3A_3153 {strides = array<i32>} : memref<128x128xf32, #tpu.memory_space<vmem>>, vector<1x16xf32>,
      %add3A_3154 = arith.addi %mul3A_2, %add3A_2946 : i32
      %dma_start3A_3155 = arith.constant 0 : i32
      %dma_start3A_3156 = arith.constant 0 : i32
      %dma_start3A_3157 = tpu.memref_slice %arg6[%add3A_3154, %dma_start3A_3155, %dma_start3A_3156] : memref<1024x128x128xf32, #tpu.memory_space<hbm>> -> memref<1x128x128xf32, #tpu.memory_space<hbm>>
      %dma_start3A_3158 = tpu.memref_squeeze %dma_start3A_3157 : memref<1x128x128xf32, #tpu.memory_space<hbm>> -> memref<128x128xf32, #tpu.memory_space<hbm>>
      %dma_start3A_3159 = arith.constant 0 : i32
      %dma_start3A_3160 = arith.constant 0 : i32
      %dma_start3A_3161 = tpu.memref_slice %arg6[%add3A_3154, %dma_start3A_3159, %dma_start3A_3160] : memref<1024x128x128xf32, #tpu.memory_space<hbm>> -> memref<1x128x128xf32, #tpu.memory_space<hbm>>
      %dma_start3A_3162 = tpu.memref_squeeze %dma_start3A_3161 : memref<1x128x128xf32, #tpu.memory_space<hbm>> -> memref<128x128xf32, #tpu.memory_space<hbm>>
      tpu.enqueue_dma source(%arg14 : memref<128x128xf32, #tpu.memory_space<vmem>>) target(%dma_start3A_3162 : memref<128x128xf32, #tpu.memory_space<hbm>>) target_semaphore(%arg22 : memref<!tpu.dma_semaphore, #tpu.memory_space<semaphore_mem>>)
      %add3A_3163 = arith.constant 3 : i32
      %add3A_3164 = arith.addi %add3A_2946, %add3A_3163 : i32
      %ge3A_3165 = arith.constant 1 : i32
      %ge3A_3166 = arith.cmpi sge, %add3A_2946, %ge3A_3165 : i32
      %lt3A_3167 = arith.constant 32 : i32
      %lt3A_3168 = arith.cmpi slt, %add3A_3164, %lt3A_3167 : i32
      %and3A_3169 = arith.andi %ge3A_3166, %lt3A_3168 : i1
      %convert_element_type3A_3170 = arith.extui %and3A_3169 : i1 to i32
      %cond3A_3171 = arith.constant 0 : i32
      %cond3A_3172 = arith.cmpi ne, %convert_element_type3A_3170, %cond3A_3171 : i32
      scf.if %cond3A_3172 {
        %add3A_3178 = arith.addi %mul3A_2, %add3A_2946 : i32
        %sub3A = arith.constant 1 : i32
        %sub3A_3179 = arith.subi %add3A_3178, %sub3A : i32
        %dma_wait3A_3180 = arith.constant 0 : i32
        %dma_wait3A_3181 = arith.constant 0 : i32
        %dma_wait3A_3182 = tpu.memref_slice %arg6[%sub3A_3179, %dma_wait3A_3180, %dma_wait3A_3181] : memref<1024x128x128xf32, #tpu.memory_space<hbm>> -> memref<1x128x128xf32, #tpu.memory_space<hbm>>
        %dma_wait3A_3183 = tpu.memref_squeeze %dma_wait3A_3182 : memref<1x128x128xf32, #tpu.memory_space<hbm>> -> memref<128x128xf32, #tpu.memory_space<hbm>>
        %dma_wait3A_3184 = arith.constant 0 : i32
        %dma_wait3A_3185 = arith.constant 0 : i32
        %dma_wait3A_3186 = tpu.memref_slice %arg6[%sub3A_3179, %dma_wait3A_3184, %dma_wait3A_3185] : memref<1024x128x128xf32, #tpu.memory_space<hbm>> -> memref<1x128x128xf32, #tpu.memory_space<hbm>>
        %dma_wait3A_3187 = tpu.memref_squeeze %dma_wait3A_3186 : memref<1x128x128xf32, #tpu.memory_space<hbm>> -> memref<128x128xf32, #tpu.memory_space<hbm>>
        tpu.wait_dma2 semaphore(%arg21 : memref<!tpu.dma_semaphore, #tpu.memory_space<semaphore_mem>>) src(%arg13 : memref<128x128xf32, #tpu.memory_space<vmem>>) dst(%dma_wait3A_3187 : memref<128x128xf32, #tpu.memory_space<hbm>>)
      } else {
      }
      %lt3A_3173 = arith.constant 32 : i32
      %lt3A_3174 = arith.cmpi slt, %add3A_3164, %lt3A_3173 : i32
      %convert_element_type3A_3175 = arith.extui %lt3A_3174 : i1 to i32
      %cond3A_3176 = arith.constant 0 : i32
      %cond3A_3177 = arith.cmpi ne, %convert_element_type3A_3175, %cond3A_3176 : i32
      scf.if %cond3A_3177 {
        %dma_start3A_3178 = arith.constant 0 : i32
        %dma_start3A_3179 = arith.constant 0 : i32
        %dma_start3A_3180 = tpu.memref_slice %arg13[%dma_start3A_3178, %dma_start3A_3179] : memref<128x128xf32, #tpu.memory_space<vmem>> -> memref<122x128xf32, #tpu.memory_space<vmem>>
        %dma_start3A_3181 = arith.constant 0 : i32
        %dma_start3A_3182 = tpu.memref_slice %arg7[%add3A_3164, %dma_start3A_3181] : memref<32x128xi32, #tpu.memory_space<vmem>> -> memref<1x122xi32, #tpu.memory_space<vmem>>
        %dma_start3A_3183 = tpu.memref_squeeze %dma_start3A_3182 : memref<1x122xi32, #tpu.memory_space<vmem>> -> memref<122xi32, #tpu.memory_space<vmem>>
        %dma_start3A_3184 = arith.constant 0 : i32
        %dma_start3A_3185 = arith.constant 0 : i32
        %dma_start3A_3186 = tpu.memref_slice %arg3[%dma_start3A_3184, %dma_start3A_3185] : memref<100000x128xf32, #tpu.memory_space<hbm>> -> memref<100000x128xf32, #tpu.memory_space<hbm>>
        tpu.enqueue_indirect_dma source(%dma_start3A_3186 : memref<100000x128xf32, #tpu.memory_space<hbm>>) target(%dma_start3A_3180 : memref<122x128xf32, #tpu.memory_space<vmem>>) offsets(%dma_start3A_3183 : memref<122xi32, #tpu.memory_space<vmem>>) semaphore(%arg17 : memref<!tpu.dma_semaphore, #tpu.memory_space<semaphore_mem>>)
      } else {
      }
    }
    %scan3A_2210 = arith.constant 8 : i32
    %dma_wait3A = arith.constant 0 : i32
    %dma_wait3A_2211 = arith.constant 0 : i32
    %dma_wait3A_2212 = tpu.memref_slice %arg6[%mul3A_2, %dma_wait3A, %dma_wait3A_2211] : memref<1024x128x128xf32, #tpu.memory_space<hbm>> -> memref<1x128x128xf32, #tpu.memory_space<hbm>>
    %dma_wait3A_2213 = tpu.memref_squeeze %dma_wait3A_2212 : memref<1x128x128xf32, #tpu.memory_space<hbm>> -> memref<128x128xf32, #tpu.memory_space<hbm>>
    %dma_wait3A_2214 = arith.constant 0 : i32
    %dma_wait3A_2215 = arith.constant 0 : i32
    %dma_wait3A_2216 = tpu.memref_slice %arg6[%mul3A_2, %dma_wait3A_2214, %dma_wait3A_2215] : memref<1024x128x128xf32, #tpu.memory_space<hbm>> -> memref<1x128x128xf32, #tpu.memory_space<hbm>>
    %dma_wait3A_2217 = tpu.memref_squeeze %dma_wait3A_2216 : memref<1x128x128xf32, #tpu.memory_space<hbm>> -> memref<128x128xf32, #tpu.memory_space<hbm>>
    tpu.wait_dma2 semaphore(%arg19 : memref<!tpu.dma_semaphore, #tpu.memory_space<semaphore_mem>>) src(%arg11 : memref<128x128xf32, #tpu.memory_space<vmem>>) dst(%dma_wait3A_2217 : memref<128x128xf32, #tpu.memory_space<hbm>>)
    %dma_wait3A_2218 = arith.constant 0 : i32
    %dma_wait3A_2219 = arith.constant 0 : i32
    %dma_wait3A_2220 = tpu.memref_slice %arg6[%mul3A_2, %dma_wait3A_2218, %dma_wait3A_2219] : memref<1024x128x128xf32, #tpu.memory_space<hbm>> -> memref<1x128x128xf32, #tpu.memory_space<hbm>>
    %dma_wait3A_2221 = tpu.memref_squeeze %dma_wait3A_2220 : memref<1x128x128xf32, #tpu.memory_space<hbm>> -> memref<128x128xf32, #tpu.memory_space<hbm>>
    %dma_wait3A_2222 = arith.constant 0 : i32
    %dma_wait3A_2223 = arith.constant 0 : i32
    %dma_wait3A_2224 = tpu.memref_slice %arg6[%mul3A_2, %dma_wait3A_2222, %dma_wait3A_2223] : memref<1024x128x128xf32, #tpu.memory_space<hbm>> -> memref<1x128x128xf32, #tpu.memory_space<hbm>>
    %dma_wait3A_2225 = tpu.memref_squeeze %dma_wait3A_2224 : memref<1x128x128xf32, #tpu.memory_space<hbm>> -> memref<128x128xf32, #tpu.memory_space<hbm>>
    tpu.wait_dma2 semaphore(%arg20 : memref<!tpu.dma_semaphore, #tpu.memory_space<semaphore_mem>>) src(%arg12 : memref<128x128xf32, #tpu.memory_space<vmem>>) dst(%dma_wait3A_2225 : memref<128x128xf32, #tpu.memory_space<hbm>>)
    %dma_wait3A_2226 = arith.constant 0 : i32
    %dma_wait3A_2227 = arith.constant 0 : i32
    %dma_wait3A_2228 = tpu.memref_slice %arg6[%mul3A_2, %dma_wait3A_2226, %dma_wait3A_2227] : memref<1024x128x128xf32, #tpu.memory_space<hbm>> -> memref<1x128x128xf32, #tpu.memory_space<hbm>>
    %dma_wait3A_2229 = tpu.memref_squeeze %dma_wait3A_2228 : memref<1x128x128xf32, #tpu.memory_space<hbm>> -> memref<128x128xf32, #tpu.memory_space<hbm>>
    %dma_wait3A_2230 = arith.constant 0 : i32
    %dma_wait3A_2231 = arith.constant 0 : i32
    %dma_wait3A_2232 = tpu.memref_slice %arg6[%mul3A_2, %dma_wait3A_2230, %dma_wait3A_2231] : memref<1024x128x128xf32, #tpu.memory_space<hbm>> -> memref<1x128x128xf32, #tpu.memory_space<hbm>>
    %dma_wait3A_2233 = tpu.memref_squeeze %dma_wait3A_2232 : memref<1x128x128xf32, #tpu.memory_space<hbm>> -> memref<128x128xf32, #tpu.memory_space<hbm>>
    tpu.wait_dma2 semaphore(%arg21 : memref<!tpu.dma_semaphore, #tpu.memory_space<semaphore_mem>>) src(%arg13 : memref<128x128xf32, #tpu.memory_space<vmem>>) dst(%dma_wait3A_2233 : memref<128x128xf32, #tpu.memory_space<hbm>>)
    %dma_wait3A_2234 = arith.constant 0 : i32
    %dma_wait3A_2235 = arith.constant 0 : i32
    %dma_wait3A_2236 = tpu.memref_slice %arg6[%mul3A_2, %dma_wait3A_2234, %dma_wait3A_2235] : memref<1024x128x128xf32, #tpu.memory_space<hbm>> -> memref<1x128x128xf32, #tpu.memory_space<hbm>>
    %dma_wait3A_2237 = tpu.memref_squeeze %dma_wait3A_2236 : memref<1x128x128xf32, #tpu.memory_space<hbm>> -> memref<128x128xf32, #tpu.memory_space<hbm>>
    %dma_wait3A_2238 = arith.constant 0 : i32
    %dma_wait3A_2239 = arith.constant 0 : i32
    %dma_wait3A_2240 = tpu.memref_slice %arg6[%mul3A_2, %dma_wait3A_2238, %dma_wait3A_2239] : memref<1024x128x128xf32, #tpu.memory_space<hbm>> -> memref<1x128x128xf32, #tpu.memory_space<hbm>>
    %dma_wait3A_2241 = tpu.memref_squeeze %dma_wait3A_2240 : memref<1x128x128xf32, #tpu.memory_space<hbm>> -> memref<128x128xf32, #tpu.memory_space<hbm>>
    tpu.wait_dma2 semaphore(%arg22 : memref<!tpu.dma_semaphore, #tpu.memory_space<semaphore_mem>>) src(%arg14 : memref<128x128xf32, #tpu.memory_space<vmem>>) dst(%dma_wait3A_2241 : memref<128x128xf32, #tpu.memory_space<hbm>>)
    return
  }
}

module attributes {stable_mosaic.version = 14 : i64} {
  func.func @_proj_body(%arg0: i32, %arg1: memref<1024x512xf32, #tpu.memory_space<vmem>>, %arg2: memref<1024x512xf32, #tpu.memory_space<vmem>>, %arg3: memref<128x512xf32, #tpu.memory_space<vmem>>, %arg4: memref<1x128xf32, #tpu.memory_space<vmem>>, %arg5: memref<8x128xf32, #tpu.memory_space<vmem>>, %arg6: memref<1024x122xi32, #tpu.memory_space<vmem>>, %arg7: memref<1024x2x128xf32, #tpu.memory_space<vmem>>, %arg8: memref<1024x128xi32, #tpu.memory_space<vmem>>) attributes {dimension_semantics = [#tpu.dimension_semantics<arbitrary>], iteration_bounds = array<i64: 1>, scalar_prefetch = 0 : i64, scratch_operands = 0 : i64, tpu.core_type = #tpu.core_type<tc>, window_params = [{transform_indices = @transform_0, window_bounds = array<i64: 1024, 512>}, {transform_indices = @transform_1, window_bounds = array<i64: 1024, 512>}, {pipeline_mode = #tpu.pipeline_mode<synchronous>, transform_indices = @transform_2, window_bounds = array<i64: 128, 512>}, {pipeline_mode = #tpu.pipeline_mode<synchronous>, transform_indices = @transform_3, window_bounds = array<i64: 1, 128>}, {transform_indices = @transform_4, window_bounds = array<i64: 8, 128>}, {transform_indices = @transform_5, window_bounds = array<i64: 1024, 122>}, {transform_indices = @transform_6, window_bounds = array<i64: 1024, 2, 128>}, {transform_indices = @transform_7, window_bounds = array<i64: 1024, 128>}]} {
    %get3A = arith.constant 0 : index
    %get3A_0 = arith.constant 0 : index
    %get3A_1 = vector.load %arg3[%get3A, %get3A_0] : memref<128x512xf32, #tpu.memory_space<vmem>>, vector<128x512xf32>
    %get3A_2 = arith.constant 0 : index
    %get3A_3 = arith.constant 0 : index
    %get3A_4 = vector.load %arg1[%get3A_2, %get3A_3] : memref<1024x512xf32, #tpu.memory_space<vmem>>, vector<1024x512xf32>
    %dot_general3A = arith.constant dense<0.000000e+00> : vector<1024x128xf32>
    %dot_general3A_5 = tpu.matmul %get3A_4, %get3A_1, %dot_general3A {dimension_numbers = #tpu.dot_dimension_numbers<[1], [1], [0], [0], [0, 0, 1, 0], [], []>, transpose_lhs_hint = false} : vector<1024x512xf32>, vector<128x512xf32>, vector<1024x128xf32> -> vector<1024x128xf32>
    %get3A_6 = arith.constant 0 : index
    %get3A_7 = arith.constant 0 : index
    %get3A_8 = vector.load %arg4[%get3A_6, %get3A_7] : memref<1x128xf32, #tpu.memory_space<vmem>>, vector<1x128xf32>
    %get3A_9 = arith.constant 3 : index
    %get3A_10 = arith.constant 0 : index
    %get3A_11 = vector.load %arg5[%get3A_9, %get3A_10] : memref<8x128xf32, #tpu.memory_space<vmem>>, vector<1x128xf32>
    %add3A = arith.addf %get3A_8, %get3A_11 : vector<1x128xf32>
    %add3A_12 = vector.broadcast %add3A : vector<1x128xf32> to vector<1024x128xf32>
    %add3A_13 = arith.addf %dot_general3A_5, %add3A_12 : vector<1024x128xf32>
    %swap3A = arith.constant 0 : index
    %swap3A_14 = arith.constant 0 : index
    %swap3A_15 = arith.constant 0 : index
    %swap3A_16 = vector.load %arg7[%swap3A, %swap3A_14, %swap3A_15] : memref<1024x2x128xf32, #tpu.memory_space<vmem>>, vector<1024x1x128xf32>
    %swap3A_17 = vector.shape_cast %swap3A_16 : vector<1024x1x128xf32> to vector<1024x128xf32>
    %swap3A_18 = vector.shape_cast %add3A_13 : vector<1024x128xf32> to vector<1024x1x128xf32>
    tpu.vector_store %arg7[%swap3A, %swap3A_14, %swap3A_15], %swap3A_18 {strides = array<i32>} : memref<1024x2x128xf32, #tpu.memory_space<vmem>>, vector<1024x1x128xf32>,
    %get3A_19 = arith.constant 0 : index
    %get3A_20 = arith.constant 0 : index
    %get3A_21 = vector.load %arg2[%get3A_19, %get3A_20] : memref<1024x512xf32, #tpu.memory_space<vmem>>, vector<1024x512xf32>
    %dot_general3A_22 = arith.constant dense<0.000000e+00> : vector<1024x128xf32>
    %dot_general3A_23 = tpu.matmul %get3A_21, %get3A_1, %dot_general3A_22 {dimension_numbers = #tpu.dot_dimension_numbers<[1], [1], [0], [0], [0, 0, 1, 0], [], []>, transpose_lhs_hint = false} : vector<1024x512xf32>, vector<128x512xf32>, vector<1024x128xf32> -> vector<1024x128xf32>
    %get3A_24 = arith.constant 0 : index
    %get3A_25 = arith.constant 0 : index
    %get3A_26 = vector.load %arg4[%get3A_24, %get3A_25] : memref<1x128xf32, #tpu.memory_space<vmem>>, vector<1x128xf32>
    %get3A_27 = arith.constant 6 : index
    %get3A_28 = arith.constant 0 : index
    %get3A_29 = vector.load %arg5[%get3A_27, %get3A_28] : memref<8x128xf32, #tpu.memory_space<vmem>>, vector<1x128xf32>
    %add3A_30 = arith.addf %get3A_26, %get3A_29 : vector<1x128xf32>
    %add3A_31 = vector.broadcast %add3A_30 : vector<1x128xf32> to vector<1024x128xf32>
    %add3A_32 = arith.addf %dot_general3A_23, %add3A_31 : vector<1024x128xf32>
    %swap3A_33 = arith.constant 0 : index
    %swap3A_34 = arith.constant 1 : index
    %swap3A_35 = arith.constant 0 : index
    %swap3A_36 = vector.load %arg7[%swap3A_33, %swap3A_34, %swap3A_35] : memref<1024x2x128xf32, #tpu.memory_space<vmem>>, vector<1024x1x128xf32>
    %swap3A_37 = vector.shape_cast %swap3A_36 : vector<1024x1x128xf32> to vector<1024x128xf32>
    %swap3A_38 = vector.shape_cast %add3A_32 : vector<1024x128xf32> to vector<1024x1x128xf32>
    tpu.vector_store %arg7[%swap3A_33, %swap3A_34, %swap3A_35], %swap3A_38 {strides = array<i32>} : memref<1024x2x128xf32, #tpu.memory_space<vmem>>, vector<1024x1x128xf32>,
    %get3A_39 = arith.constant 0 : index
    %get3A_40 = arith.constant 0 : index
    %get3A_41 = vector.load %arg6[%get3A_39, %get3A_40] : memref<1024x122xi32, #tpu.memory_space<vmem>>, vector<1024x122xi32>
    %broadcast_in_dim3A = arith.constant 0 : i32
    %broadcast_in_dim3A_42 = vector.broadcast %broadcast_in_dim3A : i32 to vector<1024x6xi32>
    %concatenate3A = tpu.concatenate %get3A_41, %broadcast_in_dim3A_42 in 1 : vector<1024x122xi32>, vector<1024x6xi32> -> vector<1024x128xi32>
    %swap3A_43 = arith.constant 0 : index
    %swap3A_44 = arith.constant 0 : index
    %swap3A_45 = vector.load %arg8[%swap3A_43, %swap3A_44] : memref<1024x128xi32, #tpu.memory_space<vmem>>, vector<1024x128xi32>
    tpu.vector_store %arg8[%swap3A_43, %swap3A_44], %concatenate3A {strides = array<i32>} : memref<1024x128xi32, #tpu.memory_space<vmem>>, vector<1024x128xi32>,
    return
  }
  func.func @transform_0(%arg0: i32) -> (i32, i32) {
    %c0_i32 = arith.constant 0 : i32
    %c0_i32_0 = arith.constant 0 : i32
    return %arg0, %c0_i32 : i32, i32
  }
  func.func @transform_1(%arg0: i32) -> (i32, i32) {
    %c0_i32 = arith.constant 0 : i32
    %c0_i32_0 = arith.constant 0 : i32
    return %arg0, %c0_i32 : i32, i32
  }
  func.func @transform_2(%arg0: i32) -> (i32, i32) {
    %c0_i32 = arith.constant 0 : i32
    %c0_i32_0 = arith.constant 0 : i32
    %c0_i32_1 = arith.constant 0 : i32
    return %c0_i32, %c0_i32_0 : i32, i32
  }
  func.func @transform_3(%arg0: i32) -> (i32, i32) {
    %c0_i32 = arith.constant 0 : i32
    %c0_i32_0 = arith.constant 0 : i32
    %c0_i32_1 = arith.constant 0 : i32
    return %c0_i32, %c0_i32_0 : i32, i32
  }
  func.func @transform_4(%arg0: i32) -> (i32, i32) {
    %c15_i32 = arith.constant 15 : i32
    %c0_i32 = arith.constant 0 : i32
    %c0_i32_0 = arith.constant 0 : i32
    return %c15_i32, %c0_i32 : i32, i32
  }
  func.func @transform_5(%arg0: i32) -> (i32, i32) {
    %c0_i32 = arith.constant 0 : i32
    %c0_i32_0 = arith.constant 0 : i32
    return %arg0, %c0_i32 : i32, i32
  }
  func.func @transform_6(%arg0: i32) -> (i32, i32, i32) {
    %c0_i32 = arith.constant 0 : i32
    %c0_i32_0 = arith.constant 0 : i32
    %c0_i32_1 = arith.constant 0 : i32
    return %arg0, %c0_i32, %c0_i32_0 : i32, i32, i32
  }
  func.func @transform_7(%arg0: i32) -> (i32, i32) {
    %c0_i32 = arith.constant 0 : i32
    %c0_i32_0 = arith.constant 0 : i32
    return %arg0, %c0_i32 : i32, i32
  }
}

</mosaic_0001>

<sc_bundles>
// kernel: kernel.4.cloned.1.call-start
scs
__scs_entry_jumppad:
0x0: {  	(pc) =	sbr.rel $0x88, $3  }
0x1: {  	(tag) =	ssettag $0x0;
	lr =	simm.s32 $0x1  }
0x2: {  	[smem:$0x3F9A] =	sst lr;
	_ =	strace $0xD0000000  }
0x3: {  	_ = 	snop  }
0x4: {  	_ = 	snop  }
0x5: {  	_ = 	snop  }
0x6: {  	_ = 	snop  }
0x7: {  	_ = 	snop  }
__scs_overlays_trampoline_lowered:
0x8: {  	[smem:$0x3FA9] =	sst s0  }
0x9: {  	[smem:$0x3FAA] =	sst s1  }
0xa: {  	[smem:$0x3FAB] =	sst s2  }
0xb: {  	[smem:$0x3FAC] =	sst s3  }
0xc: {  	[smem:$0x3FAD] =	sst s4  }
0xd: {  	[smem:$0x3FAE] =	sst s5  }
0xe: {  	[smem:$0x3FAF] =	sst s6  }
0xf: {  	[smem:$0x3FB0] =	sst s7  }
0x10: {  	[smem:$0x3FB1] =	sst s8  }
0x11: {  	[smem:$0x3FB2] =	sst s9;
	s0 =	simm.s32 @!p0 $0x0  }
0x12: {  	s1 =	sld [smem:$0x3F98];
	s0 =	simm.s32 @p0 $0x1  }
0x13: {  	[smem:$0x3FB3] =	sst s0;
	s0 =	simm.s32 @!p1 $0x0  }
0x14: {  	s2 =	sld [smem:$0x3F97];
	s0 =	simm.s32 @p1 $0x1  }
0x15: {  	[smem:$0x3FB4] =	sst s0;
	s0 =	simm.s32 @!p2 $0x0  }
0x16: {  	s3 =	sld [smem:$0x3FDB];
	s0 =	simm.s32 @p2 $0x1  }
0x17: {  	s4 =	simm.s32 $0x1BF5;
	[smem:$0x3FB6] =	sst s0  }
0x18: {  	s0 =	sld [smem:$0x3F99];
	_ =	swait.ge [sflag:s4], $0x0  }
0x19: {  	s7 =	sld [smem:$0x3F9A]  }
0x1a: {  	s8 =	sadd.s32 $0xFFFFE003, lr  }
0x1b: {  	s9 =	sadd.s32 $0xFFFFFEF7, lr;
	s5 =	simm.s32 $0xFFFFFFFF;
	p2 =	slt.u32 s8, $0xFFFFF086  }
0x1c: {  	p1 =	slt.u32 s9, $0xF7A;
	s5 =	simm.s32 @!p2 $0x0  }
0x1d: {  	s5 =	simm.s32 @p1 $0x1;
	p0 =	seq.s32 s7, s2  }
0x1e: {  	s7 =	smul.u32 @!p0 $0xF7A, s2;
	p2 =	seq.s32 @!p0 s5, $0x0  }
0x1f: {  	s9 =	smul.u32 $0xF7A, s1;
	s8 =	simm.s32 @!p0 $0x1BF5;
	p2 =	por !p2, p0  }
0x20: {  	[sflag:s8] =	ssyncset.s32 @!p0 $0xFFFFF086;
	s6 =	sadd.s32 @!p0 s3, s7;
	s7 =	simm.s32 @!p0 $0x108  }
0x21: {  	s3 =	sadd.s32 s3, s9;
	s6 =	sadd.s32 @!p0 $0x88, s6;
	s7 =	simm.s32 @p2 $0x1082  }
0x22: {  	[simem:s7], [sflag:s8] =	dma.local @!p0 [hbm:s6], $0xF7A  }
0x23: {  	s9 =	sor.u32 $0xD0000000, s2;
	s6 =	simm.s32 $0x108;
	_ =	swait.ge @!p0 [sflag:s8], $0x0  }
0x24: {  	s3 =	sadd.s32 $0x88, s3;
	s6 =	simm.s32 @!p1 $0x1082;
	[sflag:s4] =	ssyncset.s32 $0xFFFFF086  }
0x25: {  	[simem:s6], [sflag:s4] =	dma.local [hbm:s3], $0xF7A  }
0x26: {  	[smem:$0x3F9A] =	sst s1;
	(tag) =	ssettag s2;
	_ =	strace s9  }
0x27: {  	s1 =	sld [smem:$0x3FAA]  }
0x28: {  	s2 =	sld [smem:$0x3FAB]  }
0x29: {  	s4 =	sld [smem:$0x3FAD]  }
0x2a: {  	p0 =	seq.s32 s5, $0x0;
	s5 =	sld [smem:$0x3FAE]  }
0x2b: {  	s6 =	sld [smem:$0x3FAF]  }
0x2c: {  	s7 =	sld [smem:$0x3FB0]  }
0x2d: {  	s3 =	simm.s32 $0x108;
	s8 =	sld [smem:$0x3FB1]  }
0x2e: {  	s3 =	simm.s32 @!p0 $0x1082;
	s9 =	sld [smem:$0x3FB2]  }
0x2f: {  	lr =	sadd.s32 s0, s3;
	s0 =	sld [smem:$0x3FA9]  }
0x30: {  	s3 =	sld [smem:$0x3FAC]  }
0x31: {  	[smem:$0x3FB5] =	sst s10  }
0x32: {  	s10 =	sld [smem:$0x3FB3];
	_ =	sdelay $0x3  }
0x33: {  	p0 =	seq.s32 s10, $0x1;
	s10 =	sld [smem:$0x3FB5];
	_ =	sdelay $0x3  }
0x34: {  	[smem:$0x3FB5] =	sst s10  }
0x35: {  	s10 =	sld [smem:$0x3FB4];
	_ =	sdelay $0x3  }
0x36: {  	p1 =	seq.s32 s10, $0x1;
	s10 =	sld [smem:$0x3FB5];
	_ =	sdelay $0x3  }
0x37: {  	[smem:$0x3FB5] =	sst s10  }
0x38: {  	s10 =	sld [smem:$0x3FB6]  }
0x39: {  	_ = 	snop;
	(pc) =	sbr.ind lr, $3  }
0x3a: {  	_ = 	snop  }
0x3b: {  	_ = 	snop  }
0x3c: {  	p2 =	seq.s32 s10, $0x1;
	s10 =	sld [smem:$0x3FB5]  }
0x3d: {  	_ =	shalt  }
0x3e: {  	_ =	shalt  }
0x3f: {  	_ =	shalt  }
0x40: {  	_ =	shalt  }
0x41: {  	_ =	shalt  }
0x42: {  	_ =	shalt  }
0x43: {  	_ =	shalt  }
0x44: {  	_ =	shalt  }
0x45: {  	_ =	shalt  }
0x46: {  	_ =	shalt  }
0x47: {  	_ =	shalt  }
0x48: {  	_ =	shalt  }
0x49: {  	_ =	shalt  }
0x4a: {  	_ =	shalt  }
0x4b: {  	_ =	shalt  }
0x4c: {  	_ =	shalt  }
0x4d: {  	_ =	shalt  }
0x4e: {  	_ =	shalt  }
0x4f: {  	_ =	shalt  }
0x50: {  	_ =	shalt  }
0x51: {  	_ =	shalt  }
0x52: {  	_ =	shalt  }
0x53: {  	_ =	shalt  }
0x54: {  	_ =	shalt  }
0x55: {  	_ =	shalt  }
0x56: {  	_ =	shalt  }
0x57: {  	_ =	shalt  }
0x58: {  	_ =	shalt  }
0x59: {  	_ =	shalt  }
0x5a: {  	_ =	shalt  }
0x5b: {  	_ =	shalt  }
0x5c: {  	_ =	shalt  }
0x5d: {  	_ =	shalt  }
0x5e: {  	_ =	shalt  }
0x5f: {  	_ =	shalt  }
0x60: {  	_ =	shalt  }
0x61: {  	_ =	shalt  }
0x62: {  	_ =	shalt  }
0x63: {  	_ =	shalt  }
0x64: {  	_ =	shalt  }
0x65: {  	_ =	shalt  }
0x66: {  	_ =	shalt  }
0x67: {  	_ =	shalt  }
0x68: {  	_ =	shalt  }
0x69: {  	_ =	shalt  }
0x6a: {  	_ =	shalt  }
0x6b: {  	_ =	shalt  }
0x6c: {  	_ =	shalt  }
0x6d: {  	_ =	shalt  }
0x6e: {  	_ =	shalt  }
0x6f: {  	_ =	shalt  }
0x70: {  	_ =	shalt  }
0x71: {  	_ =	shalt  }
0x72: {  	_ =	shalt  }
0x73: {  	_ =	shalt  }
0x74: {  	_ =	shalt  }
0x75: {  	_ =	shalt  }
0x76: {  	_ =	shalt  }
0x77: {  	_ =	shalt  }
0x78: {  	_ =	shalt  }
0x79: {  	_ =	shalt  }
0x7a: {  	_ =	shalt  }
0x7b: {  	_ =	shalt  }
0x7c: {  	_ =	shalt  }
0x7d: {  	_ =	shalt  }
0x7e: {  	_ =	shalt  }
0x7f: {  	_ =	shalt  }
0x80: {  	_ =	shalt  }
0x81: {  	_ =	shalt  }
0x82: {  	_ =	shalt  }
0x83: {  	_ =	shalt  }
0x84: {  	_ =	shalt  }
0x85: {  	_ =	shalt  }
0x86: {  	_ =	shalt  }
0x87: {  	_ =	shalt  }
.Lfunc_end0:
.L_simem_size_0:
called_computation_lowered:
.L_overlay_start_0:
0x88: {  	s2 =	sld [smem:$0x3FD9]  }
0x89: {  	s3 =	sld [smem:$0x3FFE];
	_ =	sdelay $0x1  }
0x8a: {  	s1 =	srdreg.scid  }
0x8b: {  	s0 =	sand.u32 $0x1, s1  }
0x8c: {  	s17 =	sshll.u32 s0, $0xA;
	s2 =	sadd.s32 s3, s2  }
0x8d: {  	s2 =	sadd.s32 s2, s17  }
0x8e: {  	[smem:$0x3FC1] =	sst s2  }
0x8f: {  	_ = 	snop  }
0x90: {  	s2 =	sld [smem:$0x3FC6]  }
0x91: {  	s18 =	sld [smem:$0x3FC3]  }
0x92: {  	s4 =	sld [smem:$0x3FD0];
	(tm) =	ssettm $0x1  }
0x93: {  	s5 =	sld [smem:$0x3FFB];
	_ =	sdelay $0x3  }
0x94: {  	_ =	strace s5  }
0x95: {  	s5 =	sld [smem:$0x3FFC];
	_ =	sdelay $0x3  }
0x96: {  	_ =	strace s5  }
0x97: {  	s5 =	sld [smem:$0x3FFD];
	_ =	sdelay $0x3  }
0x98: {  	_ =	strace s5  }
0x99: {  	_ =	strace $0x8FFFFFFF  }
0x9a: {  	s19 =	sld [smem:$0x3FDB];
	_ =	sdelay $0x1  }
0x9b: {  	s6 =	simm.s32 $_scs_section_size  }
0x9c: {  	s7 =	simm.s32 $_size__tile_overlayer_lowered;
	s8 =	simm.s32 $_tile_overlayer_lowered  }
0x9d: {  	s22 =	simm.s32 $0x1BFF;
	s21 =	sshll.u32 s8, $0x1;
	s5 =	sadd.s32 s6, s19  }
0x9e: {  	s9 =	simm.s32 $0x0;
	s20 =	sshll.u32 s7, $0x1;
	s7 =	sadd.s32 s21, s5  }
0x9f: {  	[timem:s9], [sflag:s22] =	dma.local [hbm:s7], s20  }
0xa0: {  	_ =	swait.ge [sflag:s22], s20  }
0xa1: {  	s6 =	ssub.s32 $0x0, s20;
	[sflag:s22] =	ssyncset.done $0x0  }
0xa2: {  	[sflag:s22] =	ssyncadd.s32 s6;
	_ =	sdelay $0x1  }
0xa3: {  	s23 =	simm.s32 $0x1B8B  }
0xa4: {  	_ =	swait.ge [sflag:s23], $0x1  }
0xa5: {  	[sflag:s23] =	ssyncset.done $0x0  }
0xa6: {  	s25 =	simm.s32 $0x1B8E;
	s24 =	sld [smem:$0x3FFE];
	[sflag:s23] =	ssyncadd.s32 $0xFFFFFFFF  }
0xa7: {  	s26 =	simm.s32 $execute0_lowered;
	[smem:$0x3FD2] =	sst s25  }
0xa8: {  	s7 =	sshll.u32 s26, $0x1;
	_ =	strace $0x80000046;
	[dreg:$0x1] =	wrdreg $0xFFFFFFFF  }
0xa9: {  	s28 =	simm.s32 $_size_execute0_lowered;
	s5 =	sadd.s32 s5, s7;
	[dreg:$0x0] =	wrdreg $0x0  }
0xaa: {  	s7 =	sshll.u32 s28, $0x1;
	[dreg:$0x2] =	wrdreg s5  }
0xab: {  	[dreg:$0x3] =	wrdreg s7  }
0xac: {  	[dreg:$0x4] =	wrdreg $0xC0  }
0xad: {  	_ =	task [dreg:s9], $0x5FFFF  }
0xae: {  	[dreg:$0x1] =	wrdreg $0xFFFFFFFF  }
0xaf: {  	[dreg:$0x0] =	wrdreg $0x60  }
0xb0: {  	[dreg:$0x2] =	wrdreg s24  }
0xb1: {  	[dreg:$0x3] =	wrdreg s2  }
0xb2: {  	[dreg:$0x4] =	wrdreg s18  }
0xb3: {  	[dreg:$0x5] =	wrdreg s4  }
0xb4: {  	[dreg:$0x6] =	wrdreg $0x9  }
0xb5: {  	_ =	task.clear_ibuf [dreg:s9], $0x7FFFF;
	_ =	strace $0x90000046  }
0xb6: {  	s29 =	simm.s32 $0x9;
	_ =	strace $0x80000048  }
0xb7: {  	_ =	swait.ge [sflag:s29], $0x1  }
0xb8: {  	[sflag:s29] =	ssyncadd.s32 $0xFFFFFFFF  }
0xb9: {  	_ =	strace $0x90000048  }
0xba: {  	_ =	sfence  }
0xbb: {  	s30 =	sld [smem:$0x0];
	_ =	sdelay $0x2  }
0xbc: {  	s31 =	sshll.u32 s1, $0xD;
	s1 =	sshrl.u32 s1, $0x2  }
0xbd: {  	s3 =	sand.u32 $0x4000, s31;
	s1 =	sadd.s32 s1, s30  }
0xbe: {  	s0 =	sor.u32 s3, s0;
	s1 =	sshll.u32 s1, $0x11  }
0xbf: {  	s0 =	sor.u32 s1, s0  }
0xc0: {  	s0 =	sadd.s32 $0x8F2B, s0  }
0xc1: {  	[sflag:s0] =	ssyncadd.remote.s32 $0x1  }
0xc2: {  	_ =	sfence.sel $0xFFFF  }
0xc3: {  	[dreg:$0x0] =	wrdreg $0xFFFFFFFF;
	(pc) =	sbr.abs _section_cstart, $3  }
0xc4: {  	[dreg:$0x1] =	wrdreg $0xFFFFFFFF  }
0xc5: {  	_ =	task.clear_ibuf [dreg:s9], $0x2FFFF;
	_ =	strace $0x9FFFFFFF  }
0xc6: {  	(tm) =	ssettm $0x7FFFFFFF  }
0xc7: {  	_ =	shalt  }
tec
execute0_lowered:
.L_overlay_start_1:
0x0: {  	(tag) =	ssettag $0x1  }
0x1: {  	s0 =	rddreg [dreg:$0x0]  }
0x2: {  	s1 =	rddreg [dreg:$0x1]  }
0x3: {  	s4 =	rddreg [dreg:$0x3];
	s2 =	srdreg.scid  }
0x4: {  	s5 =	simm.s32 $0x0;
	s3 =	stileid.u32;
	s11 =	simm.s32 $0x9  }
0x5: {  	s12 =	simm.s32 $0x7A;
	s13 =	simm.s32 $0x7100;
	s15 =	simm.s32 $0xB100  }
0x6: {  	s17 =	simm.s32 $0xF100;
	s20 =	simm.s32 $0x7000;
	s21 =	simm.s32 $0x1  }
0x7: {  	s22 =	simm.s32 $0x13100;
	s23 =	simm.s32 $0x2;
	s24 =	simm.s32 $0x3  }
0x8: {  	s25 =	simm.s32 $0x4;
	s26 =	simm.s32 $0x5;
	s28 =	simm.s32 $0x6  }
0x9: {  	s29 =	simm.s32 $0x7;
	s30 =	simm.s32 $0x8;
	s31 =	simm.s32 $0x0  }
0xa: {  	s2 =	sand.u32 $0x1, s2;
	[smem:$0x7FF] =	sst s5;
	s3 =	sshll.u32 s3, $0x6  }
.Ltmp0:
0xb: {  	s9 =	sadd.s32 $0x1869E0, s1;
	s6 =	sshll.u32 s2, $0x5;
	(pc) =	sbr.rel .LBB2_1-.Ltmp0, $4  }
0xc: {  	_ =	strace $0x80000047;
	s2 =	ssub.s32 $0x2, s2;
	s6 =	sor.u32 s6, s3  }
0xd: {  	s8 =	sshrl.u32 s2, $0x1;
	s3 =	sshll.u32 s6, $0x4;
	s7 =	sshll.u32 s6, $0x5  }
0xe: {  	s2 =	ssub.s32 s2, s8;
	s3 =	sadd.s32 s3, s0;
	s0 =	sadd.s32 s7, s0  }
0xf: {  	s10 =	smax.u32 s2, $0x1;
	s7 =	sadd.s32 $0x9600, s3;
	s8 =	sadd.s32 $0x1600, s0  }
.LBB2_12:
0x10: {  	_ =	swait.ge [sflag:s26], $0x4000  }
0x11: {  	[sflag:s26] =	ssyncset.done $0x0  }
0x12: {  	[sflag:s26] =	ssyncadd.s32 $0xFFFFC000  }
0x13: {  	_ =	swait.ge [sflag:s28], $0x4000  }
0x14: {  	[sflag:s28] =	ssyncset.done $0x0  }
0x15: {  	s31 =	sadd.s32 $0x1, s31;
	[sflag:s28] =	ssyncadd.s32 $0xFFFFC000  }
0x16: {  	p0 =	sne.s32 s31, s10;
	_ =	swait.ge [sflag:s29], $0x4000  }
.Ltmp1:
0x17: {  	[sflag:s29] =	ssyncset.done $0x0;
	(pc) =	sbr.rel @!p0 .LBB2_13-.Ltmp1, $4  }
0x18: {  	[sflag:s29] =	ssyncadd.s32 $0xFFFFC000  }
0x19: {  	_ =	swait.ge [sflag:s30], $0x4000  }
0x1a: {  	[sflag:s30] =	ssyncset.done $0x0  }
0x1b: {  	[sflag:s30] =	ssyncadd.s32 $0xFFFFC000  }
.LBB2_1:
0x1c: {  	[tilespmem:s5], [sflag:$0x9] =	stream.linear.gather [hbm4b:s7+s5], $0x1000, $0x38;
	[tilespmem:$0x17100] =	vst v63  }
0x1d: {  	_ =	swait.ge [sflag:s11], $0x1000  }
0x1e: {  	[sflag:s11] =	ssyncset.done $0x0  }
0x1f: {  	[sflag:s11] =	ssyncadd.s32 $0xFFFFF000  }
0x20: {  	[tilespmem:s13], [sflag:$0x1] =	stream.indirect.gather [hbm4b:s1+s12], $0x80, s5, s12, $0xb8;
	[tilespmem:$0x17100] =	vst v63  }
0x21: {  	s0 =	simm.s32 $0x80  }
0x22: {  	[tilespmem:s15], [sflag:$0x2] =	stream.indirect.gather [hbm4b:s1+s12], $0x80, s0, s12, $0xb8;
	[tilespmem:$0x17100] =	vst v63  }
0x23: {  	s16 =	simm.s32 $0x100  }
0x24: {  	[tilespmem:s17], [sflag:$0x3] =	stream.indirect.gather [hbm4b:s1+s12], $0x80, s16, s12, $0xb8;
	[tilespmem:$0x17100] =	vst v63  }
0x25: {  	s18 =	simm.s32 $0x1000  }
0x26: {  	[tilespmem:s18], [sflag:$0x9] =	stream.linear.gather [hbm4b:s8+s5], $0x2000, $0x38;
	[tilespmem:$0x17100] =	vst v63  }
0x27: {  	_ =	swait.ge [sflag:s11], $0x2000  }
0x28: {  	[sflag:s11] =	ssyncset.done $0x0  }
0x29: {  	[sflag:s11] =	ssyncadd.s32 $0xFFFFE000  }
0x2a: {  	s2 =	simm.s32 $0x3000;
	s19 =	rddreg [dreg:$0x2]  }
0x2b: {  	[tilespmem:s2], [sflag:$0x9] =	stream.linear.gather [hbm4b:s19+s5], $0x4000, $0x38;
	[tilespmem:$0x17100] =	vst v63  }
0x2c: {  	_ =	swait.ge [sflag:s11], $0x4000  }
0x2d: {  	[sflag:s11] =	ssyncset.done $0x0  }
0x2e: {  	[sflag:s11] =	ssyncadd.s32 $0xFFFFC000  }
0x2f: {  	[tilespmem:s20], [sflag:$0x9] =	stream.linear.gather [hbm4b:s9+s5], $0x100, $0x38;
	[tilespmem:$0x17100] =	vst v63  }
0x30: {  	_ =	swait.ge [sflag:s11], $0x100  }
0x31: {  	[sflag:s11] =	ssyncset.done $0x0  }
0x32: {  	[sflag:s11] =	ssyncadd.s32 $0xFFFFFF00  }
0x33: {  	v3 =	vld [tilespmem:$0x7000]  }
0x34: {  	v0 =	vld [tilespmem:$0x6D00]  }
0x35: {  	v4 =	vld [tilespmem:$0x7080]  }
0x36: {  	v1 =	vld [tilespmem:$0x6E00]  }
0x37: {  	v6 =	vld [tilespmem:$0x7000]  }
0x38: {  	v2 =	vld [tilespmem:$0x6E80]  }
0x39: {  	v8 =	vld [tilespmem:$0x7080]  }
0x3a: {  	v5 =	vld [tilespmem:$0x6F80]  }
0x3b: {  	v10 =	vld [tilespmem:$0x7010]  }
0x3c: {  	v7 =	vld [tilespmem:$0x6D10]  }
0x3d: {  	v12 =	vld [tilespmem:$0x7090]  }
0x3e: {  	v9 =	vld [tilespmem:$0x6E10]  }
0x3f: {  	v14 =	vld [tilespmem:$0x7010]  }
0x40: {  	v11 =	vld [tilespmem:$0x6E90]  }
0x41: {  	v16 =	vld [tilespmem:$0x7090]  }
0x42: {  	v13 =	vld [tilespmem:$0x6F90]  }
0x43: {  	v18 =	vld [tilespmem:$0x7020]  }
0x44: {  	v15 =	vld [tilespmem:$0x6D20]  }
0x45: {  	v20 =	vld [tilespmem:$0x70A0]  }
0x46: {  	v17 =	vld [tilespmem:$0x6E20]  }
0x47: {  	v22 =	vld [tilespmem:$0x7020]  }
0x48: {  	v19 =	vld [tilespmem:$0x6EA0]  }
0x49: {  	v24 =	vld [tilespmem:$0x70A0]  }
0x4a: {  	v21 =	vld [tilespmem:$0x6FA0]  }
0x4b: {  	v26 =	vld [tilespmem:$0x7030]  }
0x4c: {  	v23 =	vld [tilespmem:$0x6D30]  }
0x4d: {  	v28 =	vld [tilespmem:$0x70B0]  }
0x4e: {  	v25 =	vld [tilespmem:$0x6E30]  }
0x4f: {  	v58 =	vld [tilespmem:$0x7030]  }
0x50: {  	v27 =	vld [tilespmem:$0x6EB0]  }
0x51: {  	v59 =	vld [tilespmem:$0x70B0]  }
0x52: {  	v29 =	vld [tilespmem:$0x6FB0]  }
0x53: {  	v50 =	vld [tilespmem:$0x7040]  }
0x54: {  	v30 =	vld [tilespmem:$0x6D40]  }
0x55: {  	v47 =	vld [tilespmem:$0x70C0]  }
0x56: {  	v31 =	vld [tilespmem:$0x6E40]  }
0x57: {  	v38 =	vld [tilespmem:$0x7040]  }
0x58: {  	v32 =	vld [tilespmem:$0x6EC0]  }
0x59: {  	v39 =	vld [tilespmem:$0x70C0]  }
0x5a: {  	v33 =	vld [tilespmem:$0x6FC0]  }
0x5b: {  	v36 =	vld [tilespmem:$0x7050]  }
0x5c: {  	v34 =	vld [tilespmem:$0x6D50]  }
0x5d: {  	v40 =	vld [tilespmem:$0x70D0]  }
0x5e: {  	v35 =	vld [tilespmem:$0x6E50]  }
0x5f: {  	v42 =	vld [tilespmem:$0x7050]  }
0x60: {  	v37 =	vld [tilespmem:$0x6ED0]  }
0x61: {  	v43 =	vld [tilespmem:$0x70D0]  }
0x62: {  	v41 =	vld [tilespmem:$0x6FD0]  }
0x63: {  	v46 =	vld [tilespmem:$0x7060]  }
0x64: {  	v44 =	vld [tilespmem:$0x6D60]  }
0x65: {  	v49 =	vld [tilespmem:$0x70E0]  }
0x66: {  	v63 =	vld [tilespmem:$0x7000];
	_ =	sdelay $0x4  }
0x67: {  	[tilespmem:$0x1FAE0] =	vst v63;
	v63 =	vld [tilespmem:$0x6D00];
	_ =	sdelay $0x4  }
0x68: {  	[tilespmem:$0x1FAF0] =	vst v63;
	v63 =	vld [tilespmem:$0x7080];
	_ =	sdelay $0x4  }
0x69: {  	[tilespmem:$0x1FB00] =	vst v63;
	v63 =	vld [tilespmem:$0x6E00];
	_ =	sdelay $0x4  }
0x6a: {  	[tilespmem:$0x1FB10] =	vst v63;
	v63 =	vld [tilespmem:$0x7000];
	_ =	sdelay $0x4  }
0x6b: {  	[tilespmem:$0x1FB20] =	vst v63;
	v63 =	vld [tilespmem:$0x6E80];
	_ =	sdelay $0x4  }
0x6c: {  	[tilespmem:$0x1FB30] =	vst v63;
	v63 =	vld [tilespmem:$0x7080];
	_ =	sdelay $0x4  }
0x6d: {  	[tilespmem:$0x1FB40] =	vst v63;
	v63 =	vld [tilespmem:$0x6F80];
	_ =	sdelay $0x4  }
0x6e: {  	[tilespmem:$0x1FB50] =	vst v63;
	v63 =	vld [tilespmem:$0x7010];
	_ =	sdelay $0x4  }
0x6f: {  	[tilespmem:$0x1FB60] =	vst v63;
	v63 =	vld [tilespmem:$0x6D10];
	_ =	sdelay $0x4  }
0x70: {  	[tilespmem:$0x1FB70] =	vst v63;
	v63 =	vld [tilespmem:$0x7090];
	_ =	sdelay $0x4  }
0x71: {  	[tilespmem:$0x1FB80] =	vst v63;
	v63 =	vld [tilespmem:$0x6E10];
	_ =	sdelay $0x4  }
0x72: {  	[tilespmem:$0x1FB90] =	vst v63;
	v63 =	vld [tilespmem:$0x7010];
	_ =	sdelay $0x4  }
0x73: {  	[tilespmem:$0x1FBA0] =	vst v63;
	v63 =	vld [tilespmem:$0x6E90];
	_ =	sdelay $0x4  }
0x74: {  	[tilespmem:$0x1FBB0] =	vst v63;
	v63 =	vld [tilespmem:$0x7090];
	_ =	sdelay $0x4  }
0x75: {  	[tilespmem:$0x1FBC0] =	vst v63;
	v63 =	vld [tilespmem:$0x6F90];
	_ =	sdelay $0x4  }
0x76: {  	[tilespmem:$0x1FBD0] =	vst v63;
	v63 =	vld [tilespmem:$0x7020];
	_ =	sdelay $0x4  }
0x77: {  	[tilespmem:$0x1FBE0] =	vst v63;
	v63 =	vld [tilespmem:$0x6D20];
	_ =	sdelay $0x4  }
0x78: {  	[tilespmem:$0x1FBF0] =	vst v63;
	v63 =	vld [tilespmem:$0x70A0];
	_ =	sdelay $0x4  }
0x79: {  	[tilespmem:$0x1FC00] =	vst v63;
	v63 =	vld [tilespmem:$0x6E20];
	_ =	sdelay $0x4  }
0x7a: {  	[tilespmem:$0x1FC10] =	vst v63;
	v63 =	vld [tilespmem:$0x7020];
	_ =	sdelay $0x4  }
0x7b: {  	[tilespmem:$0x1FC20] =	vst v63;
	v63 =	vld [tilespmem:$0x6EA0];
	_ =	sdelay $0x4  }
0x7c: {  	[tilespmem:$0x1FC30] =	vst v63;
	v63 =	vld [tilespmem:$0x70A0];
	_ =	sdelay $0x4  }
0x7d: {  	[tilespmem:$0x1FC40] =	vst v63;
	v63 =	vld [tilespmem:$0x6FA0];
	_ =	sdelay $0x4  }
0x7e: {  	[tilespmem:$0x1FC50] =	vst v63;
	v63 =	vld [tilespmem:$0x7030];
	_ =	sdelay $0x4  }
0x7f: {  	[tilespmem:$0x1FC60] =	vst v63;
	v63 =	vld [tilespmem:$0x6D30];
	_ =	sdelay $0x4  }
0x80: {  	[tilespmem:$0x1FC70] =	vst v63;
	v63 =	vld [tilespmem:$0x70B0];
	_ =	sdelay $0x4  }
0x81: {  	[tilespmem:$0x1FC80] =	vst v63;
	v63 =	vld [tilespmem:$0x6E30];
	_ =	sdelay $0x3  }
0x82: {  	v45 =	vld [tilespmem:$0x6E60]  }
0x83: {  	[tilespmem:$0x1FC90] =	vst v63;
	v63 =	vld [tilespmem:$0x7030]  }
0x84: {  	v52 =	vld [tilespmem:$0x7060]  }
0x85: {  	v48 =	vld [tilespmem:$0x6EE0]  }
0x86: {  	v54 =	vld [tilespmem:$0x70E0]  }
0x87: {  	v51 =	vld [tilespmem:$0x6FE0]  }
0x88: {  	[tilespmem:$0x1FCA0] =	vst v63;
	v63 =	vld [tilespmem:$0x6EB0]  }
0x89: {  	v56 =	vld [tilespmem:$0x7070]  }
0x8a: {  	v53 =	vld [tilespmem:$0x6D70]  }
0x8b: {  	v57 =	vld [tilespmem:$0x70F0]  }
0x8c: {  	v61 =	vld [tilespmem:$0x70F0]  }
0x8d: {  	[tilespmem:$0x1FCB0] =	vst v63;
	v63 =	vld [tilespmem:$0x70B0]  }
0x8e: {  	v55 =	vld [tilespmem:$0x6E70]  }
0x8f: {  	v62 =	vld [tilespmem:$0x7070]  }
0x90: {  	v60 =	vld [tilespmem:$0x6EF0]  }
0x91: {  	[tilespmem:$0x1FAD0] =	vst v61;
	v61 =	vld [tilespmem:$0x6FF0]  }
0x92: {  	[tilespmem:$0x1FCC0] =	vst v63;
	v63 =	vld [tilespmem:$0x6FB0]  }
0x93: {  	v1 =	vadd.f32 v1, v4;
	v4 =	vld [tilespmem:$0x6F80]  }
0x94: {  	v5 =	vadd.f32 v5, v8;
	v8 =	vld [tilespmem:$0x6D10]  }
0x95: {  	v7 =	vadd.f32 v7, v10;
	v10 =	vld [tilespmem:$0x7090]  }
0x96: {  	v9 =	vadd.f32 v9, v12;
	v12 =	vld [tilespmem:$0x6E10]  }
0x97: {  	[tilespmem:$0x1FCD0] =	vst v63;
	v63 =	vld [tilespmem:$0x7040]  }
0x98: {  	v11 =	vadd.f32 v11, v14;
	v14 =	vld [tilespmem:$0x7010]  }
0x99: {  	v13 =	vadd.f32 v13, v16;
	v16 =	vld [tilespmem:$0x6E90]  }
0x9a: {  	v15 =	vadd.f32 v15, v18;
	v18 =	vld [tilespmem:$0x7090]  }
0x9b: {  	v17 =	vadd.f32 v17, v20;
	v20 =	vld [tilespmem:$0x6F90]  }
0x9c: {  	[tilespmem:$0x1FCE0] =	vst v63;
	v63 =	vld [tilespmem:$0x6D40]  }
0x9d: {  	v19 =	vadd.f32 v19, v22;
	v22 =	vld [tilespmem:$0x7020]  }
0x9e: {  	v21 =	vadd.f32 v21, v24;
	v24 =	vld [tilespmem:$0x6D20]  }
0x9f: {  	v23 =	vadd.f32 v23, v26;
	v26 =	vld [tilespmem:$0x70A0]  }
0xa0: {  	v25 =	vadd.f32 v25, v28;
	v28 =	vadd.f32 v27, v58;
	v58 =	vld [tilespmem:$0x6E20]  }
0xa1: {  	[tilespmem:$0x1FCF0] =	vst v63;
	v63 =	vld [tilespmem:$0x70C0]  }
0xa2: {  	v29 =	vadd.f32 v29, v59;
	v59 =	vld [tilespmem:$0x7020]  }
0xa3: {  	v30 =	vadd.f32 v30, v50;
	v50 =	vld [tilespmem:$0x6EA0]  }
0xa4: {  	v31 =	vadd.f32 v31, v47;
	v47 =	vld [tilespmem:$0x70A0]  }
0xa5: {  	v32 =	vadd.f32 v32, v38;
	v38 =	vld [tilespmem:$0x6FA0]  }
0xa6: {  	[tilespmem:$0x1FD00] =	vst v63;
	v63 =	vld [tilespmem:$0x6E40]  }
0xa7: {  	v33 =	vadd.f32 v33, v39;
	v39 =	vld [tilespmem:$0x7030]  }
0xa8: {  	v27 =	vld [tilespmem:$0x70B0]  }
0xa9: {  	v0 =	vadd.f32 v0, v3;
	v44 =	vadd.f32 v44, v46;
	v3 =	vld [tilespmem:$0x70C0]  }
0xaa: {  	v46 =	vadd.f32 v45, v49;
	v49 =	vadd.f32 v51, v54;
	v54 =	vld [tilespmem:$0x1FAD0]  }
0xab: {  	[tilespmem:$0x1FD10] =	vst v63;
	v63 =	vld [tilespmem:$0x7040]  }
0xac: {  	v51 =	vadd.f32 v53, v56;
	v56 =	vld [tilespmem:$0x1FAE0]  }
0xad: {  	[tilespmem:$0xAE00] =	vst v0;
	v0 =	vadd.f32 v2, v6;
	v6 =	vld [tilespmem:$0x7010]  }
0xae: {  	[tilespmem:$0xAE40] =	vst v30;
	v30 =	vld [tilespmem:$0x6D30]  }
0xaf: {  	[tilespmem:$0xAFA0] =	vst v19;
	v19 =	vld [tilespmem:$0x7030]  }
0xb0: {  	[tilespmem:$0x1FD20] =	vst v63;
	v63 =	vld [tilespmem:$0x6EC0]  }
0xb1: {  	[tilespmem:$0xAE10] =	vst v7;
	v7 =	vld [tilespmem:$0x70B0]  }
0xb2: {  	[tilespmem:$0xAF00] =	vst v1;
	v1 =	vld [tilespmem:$0x7040]  }
0xb3: {  	v2 =	vld [tilespmem:$0x6D40]  }
0xb4: {  	[tilespmem:$0xB080] =	vst v5;
	v5 =	vld [tilespmem:$0x7040]  }
0xb5: {  	[tilespmem:$0x1FD30] =	vst v63;
	v63 =	vld [tilespmem:$0x70C0]  }
0xb6: {  	[tilespmem:$0xAF80] =	vst v0;
	v0 =	vld [tilespmem:$0x6FB0]  }
0xb7: {  	[tilespmem:$0x1FFB0] =	vst v18;
	v18 =	vld [tilespmem:$0x6E30]  }
0xb8: {  	[tilespmem:$0x1FF70] =	vst v10;
	v10 =	vld [tilespmem:$0x6EB0]  }
0xb9: {  	v48 =	vadd.f32 v48, v52;
	v52 =	vadd.f32 v55, v57;
	v57 =	vld [tilespmem:$0x1FAF0]  }
0xba: {  	[tilespmem:$0x1FD40] =	vst v63;
	v63 =	vld [tilespmem:$0x6FC0]  }
0xbb: {  	[tilespmem:$0x1FF40] =	vst v4;
	v4 =	vld [tilespmem:$0x6E40]  }
0xbc: {  	[tilespmem:$0x1FF60] =	vst v8;
	v8 =	vld [tilespmem:$0x70C0]  }
0xbd: {  	[tilespmem:$0x1FF50] =	vst v6;
	v6 =	vld [tilespmem:$0x6EC0]  }
0xbe: {  	[tilespmem:$0xAF10] =	vst v9;
	v1 =	vadd.f32 v2, v1;
	v2 =	vld [tilespmem:$0x6EA0];
	v9 =	vadd.f32 v57, v56  }
0xbf: {  	[tilespmem:$0x1FD50] =	vst v63;
	v63 =	vld [tilespmem:$0x7050]  }
0xc0: {  	[tilespmem:$0xEE00] =	vst v9;
	v9 =	vld [tilespmem:$0x6FC0]  }
0xc1: {  	v0 =	vadd.f32 v0, v7;
	v7 =	vld [tilespmem:$0x7020]  }
0xc2: {  	v53 =	vadd.f32 v60, v62;
	[tilespmem:$0xAF90] =	vst v11;
	v60 =	vld [tilespmem:$0x1FB00]  }
0xc3: {  	[tilespmem:$0xB090] =	vst v13;
	v55 =	vadd.f32 v61, v54;
	v10 =	vadd.f32 v10, v19;
	v61 =	vld [tilespmem:$0x1FB10]  }
0xc4: {  	[tilespmem:$0x1FD60] =	vst v63;
	v63 =	vld [tilespmem:$0x6D50]  }
0xc5: {  	[tilespmem:$0x12FB0] =	vst v10;
	v10 =	vadd.f32 v9, v8;
	v8 =	vld [tilespmem:$0x70B0]  }
0xc6: {  	[tilespmem:$0xAF20] =	vst v17;
	v9 =	vld [tilespmem:$0x6E30]  }
0xc7: {  	[tilespmem:$0xB0A0] =	vst v21;
	v62 =	vld [tilespmem:$0x1FB20]  }
0xc8: {  	[tilespmem:$0x1FFA0] =	vst v16;
	v16 =	vld [tilespmem:$0x1FB30]  }
0xc9: {  	[tilespmem:$0x1FD70] =	vst v63;
	v63 =	vld [tilespmem:$0x70D0]  }
0xca: {  	[tilespmem:$0x1FF80] =	vst v12;
	v17 =	vld [tilespmem:$0x1FB40]  }
0xcb: {  	[tilespmem:$0x1FFC0] =	vst v20;
	v20 =	vld [tilespmem:$0x1FB50]  }
0xcc: {  	[tilespmem:$0x1FF90] =	vst v14;
	v21 =	vld [tilespmem:$0x1FB60]  }
0xcd: {  	[tilespmem:$0x1FFD0] =	vst v22;
	v22 =	vld [tilespmem:$0x1FB70]  }
0xce: {  	v11 =	vadd.f32 v61, v60;
	[tilespmem:$0x1FD80] =	vst v63;
	v63 =	vld [tilespmem:$0x6E50]  }
0xcf: {  	[tilespmem:$0x130C0] =	vst v10;
	v10 =	vld [tilespmem:$0x7030];
	v12 =	vadd.f32 v16, v62  }
0xd0: {  	[tilespmem:$0xEF00] =	vst v11;
	v11 =	vld [tilespmem:$0x7050];
	v13 =	vadd.f32 v20, v17  }
0xd1: {  	[tilespmem:$0xEF80] =	vst v12;
	v12 =	vld [tilespmem:$0x6D50]  }
0xd2: {  	[tilespmem:$0xF080] =	vst v13;
	v13 =	vld [tilespmem:$0x70D0]  }
0xd3: {  	v14 =	vadd.f32 v22, v21;
	[tilespmem:$0x1FD90] =	vst v63;
	v63 =	vld [tilespmem:$0x7050]  }
0xd4: {  	[tilespmem:$0xAE30] =	vst v23;
	v23 =	vld [tilespmem:$0x1FB80]  }
0xd5: {  	[tilespmem:$0xEE10] =	vst v14;
	v14 =	vld [tilespmem:$0x6E50]  }
0xd6: {  	[tilespmem:$0x1FFE0] =	vst v24;
	v24 =	vld [tilespmem:$0x1FB90]  }
0xd7: {  	[tilespmem:$0xAF30] =	vst v25;
	v25 =	vld [tilespmem:$0x1FBA0]  }
0xd8: {  	[tilespmem:$0x1FDA0] =	vst v63;
	v63 =	vld [tilespmem:$0x6ED0]  }
0xd9: {  	[tilespmem:$0x1FFF0] =	vst v26;
	v12 =	vadd.f32 v12, v11;
	v26 =	vld [tilespmem:$0x1FBB0]  }
0xda: {  	v11 =	vld [tilespmem:$0x6EB0]  }
0xdb: {  	[tilespmem:$0x12E50] =	vst v12;
	v12 =	vld [tilespmem:$0x70B0]  }
0xdc: {  	[tilespmem:$0xAE20] =	vst v15;
	v14 =	vadd.f32 v14, v13;
	v13 =	vld [tilespmem:$0x6FB0]  }
0xdd: {  	v15 =	vadd.f32 v24, v23;
	[tilespmem:$0x1FDB0] =	vst v63;
	v63 =	vld [tilespmem:$0x70D0]  }
0xde: {  	[tilespmem:$0x12F50] =	vst v14;
	v14 =	vld [tilespmem:$0x7040];
	v16 =	vadd.f32 v26, v25  }
0xdf: {  	[tilespmem:$0xEF10] =	vst v15;
	v15 =	vld [tilespmem:$0x7050]  }
0xe0: {  	[tilespmem:$0xEF90] =	vst v16;
	v16 =	vld [tilespmem:$0x6ED0]  }
0xe1: {  	[tilespmem:$0xAFB0] =	vst v28;
	v28 =	vld [tilespmem:$0x1FBC0]  }
0xe2: {  	[tilespmem:$0x1FDC0] =	vst v63;
	v63 =	vld [tilespmem:$0x6FD0]  }
0xe3: {  	v18 =	vadd.f32 v18, v27;
	v26 =	vld [tilespmem:$0x6E60]  }
0xe4: {  	[tilespmem:$0xB0B0] =	vst v29;
	v29 =	vld [tilespmem:$0x1FBD0]  }
0xe5: {  	[tilespmem:$0x12F30] =	vst v18;
	v18 =	vadd.f32 v16, v15;
	v15 =	vld [tilespmem:$0x6D40]  }
0xe6: {  	v16 =	vld [tilespmem:$0x70C0]  }
0xe7: {  	[tilespmem:$0x1FDD0] =	vst v63;
	v63 =	vld [tilespmem:$0x7060]  }
0xe8: {  	[tilespmem:$0xAF40] =	vst v31;
	v31 =	vld [tilespmem:$0x1FBE0]  }
0xe9: {  	[tilespmem:$0xAFC0] =	vst v32;
	v32 =	vld [tilespmem:$0x1FBF0]  }
0xea: {  	[tilespmem:$0x12FD0] =	vst v18;
	v18 =	vld [tilespmem:$0x7040]  }
0xeb: {  	v17 =	vadd.f32 v29, v28;
	v28 =	vld [tilespmem:$0x7060]  }
0xec: {  	[tilespmem:$0x1FDE0] =	vst v63;
	v63 =	vld [tilespmem:$0x6D60]  }
0xed: {  	[tilespmem:$0xF090] =	vst v17;
	v17 =	vld [tilespmem:$0x70D0]  }
0xee: {  	v20 =	vadd.f32 v32, v31;
	v31 =	vld [tilespmem:$0x70E0]  }
0xef: {  	v32 =	vld [tilespmem:$0x6FE0]  }
0xf0: {  	[tilespmem:$0xEE20] =	vst v20;
	v20 =	vld [tilespmem:$0x6FD0]  }
0xf1: {  	[tilespmem:$0x1FDF0] =	vst v63;
	v63 =	vld [tilespmem:$0x70E0]  }
0xf2: {  	v29 =	vld [tilespmem:$0x6EE0]  }
0xf3: {  	[tilespmem:$0xB0C0] =	vst v33;
	v33 =	vld [tilespmem:$0x1FC00]  }
0xf4: {  	v36 =	vadd.f32 v34, v36;
	v34 =	vld [tilespmem:$0x1FC10]  }
0xf5: {  	v32 =	vadd.f32 v32, v31;
	v20 =	vadd.f32 v20, v17;
	v17 =	vld [tilespmem:$0x6E40]  }
0xf6: {  	[tilespmem:$0x1FE00] =	vst v63;
	v63 =	vld [tilespmem:$0x6E60]  }
0xf7: {  	[tilespmem:$0x130E0] =	vst v32;
	v32 =	vld [tilespmem:$0x70E0]  }
0xf8: {  	v40 =	vadd.f32 v35, v40;
	v35 =	vld [tilespmem:$0x1FC20]  }
0xf9: {  	v21 =	vadd.f32 v34, v33;
	v33 =	vld [tilespmem:$0x7070]  }
0xfa: {  	v34 =	vld [tilespmem:$0x6D70]  }
0xfb: {  	[tilespmem:$0x1FE10] =	vst v63;
	v63 =	vld [tilespmem:$0x7060]  }
0xfc: {  	[tilespmem:$0xAE50] =	vst v36;
	v36 =	vld [tilespmem:$0x1FC30]  }
0xfd: {  	[tilespmem:$0xEF20] =	vst v21;
	v21 =	vld [tilespmem:$0x7060]  }
0xfe: {  	v42 =	vadd.f32 v37, v42;
	v37 =	vld [tilespmem:$0x1FC40]  }
0xff: {  	[tilespmem:$0xAF50] =	vst v40;
	v34 =	vadd.f32 v34, v33;
	v40 =	vld [tilespmem:$0x1FC50]  }
0x100: {  	[tilespmem:$0x1FE20] =	vst v63;
	v63 =	vld [tilespmem:$0x6EE0]  }
0x101: {  	[tilespmem:$0x12E70] =	vst v34;
	v34 =	vld [tilespmem:$0x6E60];
	v22 =	vadd.f32 v36, v35  }
0x102: {  	v35 =	vld [tilespmem:$0x70F0]  }
0x103: {  	[tilespmem:$0xEFA0] =	vst v22;
	v22 =	vld [tilespmem:$0x6D60]  }
0x104: {  	v43 =	vadd.f32 v41, v43;
	v23 =	vadd.f32 v40, v37;
	v41 =	vld [tilespmem:$0x1FC60]  }
0x105: {  	[tilespmem:$0x1FE30] =	vst v63;
	v63 =	vld [tilespmem:$0x70E0]  }
0x106: {  	[tilespmem:$0xF0A0] =	vst v23;
	v23 =	vld [tilespmem:$0x70E0]  }
0x107: {  	[tilespmem:$0xAFD0] =	vst v42;
	v42 =	vld [tilespmem:$0x1FC70]  }
0x108: {  	[tilespmem:$0xB0D0] =	vst v43;
	v43 =	vld [tilespmem:$0x1FC80]  }
0x109: {  	[tilespmem:$0xAE60] =	vst v44;
	v44 =	vld [tilespmem:$0x1FC90]  }
0x10a: {  	[tilespmem:$0x1FE40] =	vst v63;
	v63 =	vld [tilespmem:$0x6FE0]  }
0x10b: {  	v45 =	vld [tilespmem:$0x1FCA0]  }
0x10c: {  	[tilespmem:$0xAF60] =	vst v46;
	v46 =	vld [tilespmem:$0x1FCB0]  }
0x10d: {  	[tilespmem:$0xAFE0] =	vst v48;
	v48 =	vld [tilespmem:$0x1FCC0]  }
0x10e: {  	[tilespmem:$0xB0E0] =	vst v49;
	v49 =	vld [tilespmem:$0x1FCD0]  }
0x10f: {  	[tilespmem:$0x1FE50] =	vst v63;
	v63 =	vld [tilespmem:$0x7070]  }
0x110: {  	[tilespmem:$0xAE70] =	vst v51;
	v51 =	vld [tilespmem:$0x1FCE0]  }
0x111: {  	[tilespmem:$0xAF70] =	vst v52;
	v52 =	vld [tilespmem:$0x1FCF0]  }
0x112: {  	[tilespmem:$0xAFF0] =	vst v53;
	v53 =	vld [tilespmem:$0x1FD00]  }
0x113: {  	v54 =	vld [tilespmem:$0x1FD10]  }
0x114: {  	v25 =	vadd.f32 v44, v43;
	[tilespmem:$0x1FE60] =	vst v63;
	v63 =	vld [tilespmem:$0x6D70]  }
0x115: {  	v57 =	vld [tilespmem:$0x1FD40]  }
0x116: {  	[tilespmem:$0xEF30] =	vst v25;
	v25 =	vadd.f32 v49, v48;
	v60 =	vld [tilespmem:$0x1FD50]  }
0x117: {  	v36 =	vld [tilespmem:$0x1FD80]  }
0x118: {  	[tilespmem:$0xF0B0] =	vst v25;
	v37 =	vld [tilespmem:$0x1FD90]  }
0x119: {  	v25 =	vadd.f32 v54, v53;
	[tilespmem:$0x1FE70] =	vst v63;
	v63 =	vld [tilespmem:$0x70F0]  }
0x11a: {  	[tilespmem:$0xB0F0] =	vst v55;
	v55 =	vld [tilespmem:$0x1FD20]  }
0x11b: {  	[tilespmem:$0xEF40] =	vst v25;
	v56 =	vld [tilespmem:$0x1FD30];
	v25 =	vadd.f32 v60, v57  }
0x11c: {  	v61 =	vld [tilespmem:$0x1FD60]  }
0x11d: {  	[tilespmem:$0xF0C0] =	vst v25;
	v25 =	vadd.f32 v37, v36;
	v36 =	vld [tilespmem:$0x6E70]  }
0x11e: {  	v24 =	vadd.f32 v42, v41;
	[tilespmem:$0x1FE80] =	vst v63;
	v63 =	vld [tilespmem:$0x6E70]  }
0x11f: {  	v62 =	vld [tilespmem:$0x1FD70]  }
0x120: {  	[tilespmem:$0xEE30] =	vst v24;
	v24 =	vadd.f32 v46, v45;
	v40 =	vld [tilespmem:$0x1FDA0]  }
0x121: {  	v37 =	vld [tilespmem:$0x7070]  }
0x122: {  	[tilespmem:$0xEFB0] =	vst v24;
	v41 =	vld [tilespmem:$0x1FDB0];
	v36 =	vadd.f32 v36, v35  }
0x123: {  	v24 =	vadd.f32 v52, v51;
	[tilespmem:$0x1FE90] =	vst v63;
	v63 =	vld [tilespmem:$0x7070]  }
0x124: {  	[tilespmem:$0x12F70] =	vst v36;
	v36 =	vld [tilespmem:$0x7060]  }
0x125: {  	[tilespmem:$0xEE40] =	vst v24;
	v24 =	vadd.f32 v56, v55;
	v42 =	vld [tilespmem:$0x1FDC0]  }
0x126: {  	v43 =	vld [tilespmem:$0x1FDD0]  }
0x127: {  	[tilespmem:$0xEFC0] =	vst v24;
	v44 =	vld [tilespmem:$0x1FDE0]  }
0x128: {  	v24 =	vadd.f32 v62, v61;
	[tilespmem:$0x1FEA0] =	vst v63;
	v63 =	vld [tilespmem:$0x6EF0]  }
0x129: {  	v45 =	vld [tilespmem:$0x1FDF0]  }
0x12a: {  	[tilespmem:$0xEE50] =	vst v24;
	v24 =	vadd.f32 v41, v40;
	v40 =	vld [tilespmem:$0x6EF0]  }
0x12b: {  	v41 =	vld [tilespmem:$0x70F0]  }
0x12c: {  	[tilespmem:$0xEF50] =	vst v25;
	v25 =	vadd.f32 v43, v42;
	v43 =	vld [tilespmem:$0x7000]  }
0x12d: {  	[tilespmem:$0x1FEB0] =	vst v63;
	v63 =	vld [tilespmem:$0x70F0]  }
0x12e: {  	[tilespmem:$0xEFD0] =	vst v24;
	v24 =	vadd.f32 v45, v44;
	v44 =	vld [tilespmem:$0x6D00]  }
0x12f: {  	v42 =	vld [tilespmem:$0x6FF0]  }
0x130: {  	v46 =	vld [tilespmem:$0x1FE00]  }
0x131: {  	v45 =	vld [tilespmem:$0x7080]  }
0x132: {  	[tilespmem:$0x1FEC0] =	vst v63;
	v63 =	vld [tilespmem:$0x6FF0]  }
0x133: {  	v37 =	vadd.f32 v40, v37;
	v48 =	vld [tilespmem:$0x1FE10];
	v40 =	vadd.f32 v44, v43  }
0x134: {  	v44 =	vld [tilespmem:$0x6FC0]  }
0x135: {  	[tilespmem:$0x16E00] =	vst v40;
	v40 =	vld [tilespmem:$0x70E0]  }
0x136: {  	v49 =	vld [tilespmem:$0x1FE20]  }
0x137: {  	[tilespmem:$0x1FED0] =	vst v63;
	v63 =	vld [tilespmem:$0x7000]  }
0x138: {  	v51 =	vld [tilespmem:$0x1FE30]  }
0x139: {  	[tilespmem:$0xF0D0] =	vst v25;
	v25 =	vadd.f32 v48, v46;
	v46 =	vld [tilespmem:$0x6E00]  }
0x13a: {  	v48 =	vld [tilespmem:$0x7000]  }
0x13b: {  	v52 =	vld [tilespmem:$0x1FE40]  }
0x13c: {  	[tilespmem:$0x1FEE0] =	vst v63;
	v63 =	vld [tilespmem:$0x6D00]  }
0x13d: {  	[tilespmem:$0xEE60] =	vst v24;
	v24 =	vadd.f32 v51, v49;
	v49 =	vld [tilespmem:$0x6E80]  }
0x13e: {  	v51 =	vld [tilespmem:$0x7080]  }
0x13f: {  	v53 =	vld [tilespmem:$0x1FE50]  }
0x140: {  	v54 =	vld [tilespmem:$0x1FE60]  }
0x141: {  	[tilespmem:$0x1FEF0] =	vst v63;
	v63 =	vld [tilespmem:$0x7080]  }
0x142: {  	v55 =	vld [tilespmem:$0x1FE70]  }
0x143: {  	v56 =	vld [tilespmem:$0x1FE80]  }
0x144: {  	v57 =	vld [tilespmem:$0x1FE90]  }
0x145: {  	v60 =	vld [tilespmem:$0x1FEA0]  }
0x146: {  	[tilespmem:$0x1FF00] =	vst v63;
	v63 =	vld [tilespmem:$0x6E00]  }
0x147: {  	v61 =	vld [tilespmem:$0x1FEB0]  }
0x148: {  	[tilespmem:$0xEF60] =	vst v25;
	v25 =	vadd.f32 v53, v52;
	v62 =	vld [tilespmem:$0x1FEC0]  }
0x149: {  	[tilespmem:$0xEFE0] =	vst v24;
	v52 =	vld [tilespmem:$0x1FED0]  }
0x14a: {  	v43 =	vadd.f32 v49, v48;
	v48 =	vld [tilespmem:$0x6D50];
	[tilespmem:$0xF0E0] =	vst v25;
	v24 =	vadd.f32 v55, v54  }
0x14b: {  	[tilespmem:$0x1FF10] =	vst v63;
	v63 =	vld [tilespmem:$0x7000]  }
0x14c: {  	[tilespmem:$0xEE70] =	vst v24;
	v25 =	vadd.f32 v57, v56;
	v24 =	vadd.f32 v61, v60;
	v61 =	vld [tilespmem:$0x1FF40]  }
0x14d: {  	v53 =	vld [tilespmem:$0x1FEE0]  }
0x14e: {  	[tilespmem:$0xEF70] =	vst v25;
	v25 =	vadd.f32 v52, v62;
	v52 =	vld [tilespmem:$0x6F80]  }
0x14f: {  	v54 =	vld [tilespmem:$0x1FEF0]  }
0x150: {  	[tilespmem:$0x1FF20] =	vst v63;
	v63 =	vld [tilespmem:$0x6E80]  }
0x151: {  	v62 =	vld [tilespmem:$0x1FF50]  }
0x152: {  	v55 =	vld [tilespmem:$0x1FF00]  }
0x153: {  	v56 =	vld [tilespmem:$0x1FF10]  }
0x154: {  	[tilespmem:$0xEFF0] =	vst v24;
	v24 =	vadd.f32 v54, v53;
	v53 =	vld [tilespmem:$0x7010]  }
0x155: {  	[tilespmem:$0x1FF30] =	vst v63;
	v63 =	vld [tilespmem:$0x7080]  }
0x156: {  	[tilespmem:$0x12E40] =	vst v1;
	v57 =	vld [tilespmem:$0x1FF20]  }
0x157: {  	[tilespmem:$0x130B0] =	vst v0;
	v29 =	vadd.f32 v29, v28;
	v60 =	vld [tilespmem:$0x1FF30]  }
0x158: {  	[tilespmem:$0xF0F0] =	vst v25;
	v54 =	vld [tilespmem:$0x6D10];
	v25 =	vadd.f32 v56, v55  }
0x159: {  	[tilespmem:$0x12FE0] =	vst v29;
	v31 =	vadd.f32 v9, v8;
	v55 =	vld [tilespmem:$0x7090]  }
0x15a: {  	[tilespmem:$0x12F00] =	vst v25;
	v25 =	vadd.f32 v61, v63;
	v63 =	vld [tilespmem:$0x1FF60]  }
0x15b: {  	[tilespmem:$0x16F30] =	vst v31;
	v56 =	vld [tilespmem:$0x6E10]  }
0x15c: {  	v33 =	vadd.f32 v11, v10;
	[tilespmem:$0x12E00] =	vst v24;
	v24 =	vadd.f32 v60, v57;
	v57 =	vld [tilespmem:$0x1FF70]  }
0x15d: {  	[tilespmem:$0x130D0] =	vst v20;
	v60 =	vld [tilespmem:$0x1FF80]  }
0x15e: {  	[tilespmem:$0x16FB0] =	vst v33;
	v27 =	vadd.f32 v26, v23;
	v61 =	vld [tilespmem:$0x1FF90]  }
0x15f: {  	v35 =	vadd.f32 v13, v12;
	[tilespmem:$0x12F80] =	vst v24;
	v24 =	vadd.f32 v63, v62;
	v62 =	vld [tilespmem:$0x1FFA0]  }
0x160: {  	[tilespmem:$0x12F60] =	vst v27;
	v49 =	vadd.f32 v56, v55;
	v55 =	vld [tilespmem:$0x7050]  }
0x161: {  	[tilespmem:$0x170B0] =	vst v35;
	v63 =	vld [tilespmem:$0x1FFB0]  }
0x162: {  	[tilespmem:$0x13080] =	vst v25;
	v25 =	vadd.f32 v60, v57;
	v60 =	vld [tilespmem:$0x1FFC0]  }
0x163: {  	[tilespmem:$0x12FF0] =	vst v37;
	v37 =	vadd.f32 v15, v14;
	v57 =	vld [tilespmem:$0x7010]  }
0x164: {  	[tilespmem:$0x12E10] =	vst v24;
	v24 =	vadd.f32 v62, v61;
	v61 =	vld [tilespmem:$0x1FFF0]  }
0x165: {  	[tilespmem:$0x16E40] =	vst v37;
	v62 =	vadd.f32 v50, v59;
	v50 =	vld [tilespmem:$0x6F90]  }
0x166: {  	[tilespmem:$0x16F80] =	vst v43;
	v59 =	vld [tilespmem:$0x6E20]  }
0x167: {  	[tilespmem:$0x12F10] =	vst v25;
	v25 =	vadd.f32 v60, v63;
	v60 =	vld [tilespmem:$0x1FFE0]  }
0x168: {  	[tilespmem:$0x16F10] =	vst v49;
	v63 =	vadd.f32 v38, v47;
	v38 =	vld [tilespmem:$0x7020]  }
0x169: {  	v47 =	vadd.f32 v30, v39;
	v30 =	vld [tilespmem:$0x6D20];
	[tilespmem:$0x12F90] =	vst v24  }
0x16a: {  	v39 =	vadd.f32 v42, v41;
	v41 =	vld [tilespmem:$0x6EC0];
	[tilespmem:$0x12FA0] =	vst v62  }
0x16b: {  	v42 =	vadd.f32 v46, v45;
	v46 =	vld [tilespmem:$0x7050];
	[tilespmem:$0x13090] =	vst v25  }
0x16c: {  	v45 =	vadd.f32 v52, v51;
	v51 =	vld [tilespmem:$0x70D0];
	[tilespmem:$0x130A0] =	vst v63  }
0x16d: {  	v24 =	vld [tilespmem:$0x1FFD0];
	[tilespmem:$0x12E30] =	vst v47  }
0x16e: {  	v62 =	vadd.f32 v6, v5;
	v5 =	vld [tilespmem:$0x7030];
	[tilespmem:$0x130F0] =	vst v39  }
0x16f: {  	v6 =	vld [tilespmem:$0x6D30];
	[tilespmem:$0x16F00] =	vst v42  }
0x170: {  	v63 =	vld [tilespmem:$0x6FA0];
	v47 =	vadd.f32 v54, v53;
	[tilespmem:$0x17080] =	vst v45  }
0x171: {  	v53 =	vld [tilespmem:$0x6E50];
	v39 =	vadd.f32 v17, v16;
	[tilespmem:$0x12FC0] =	vst v62  }
0x172: {  	v42 =	vld [tilespmem:$0x6FE0];
	v25 =	vadd.f32 v58, v61;
	[tilespmem:$0x16E10] =	vst v47  }
0x173: {  	v58 =	vld [tilespmem:$0x7090];
	v61 =	vadd.f32 v4, v3;
	[tilespmem:$0x16F40] =	vst v39  }
0x174: {  	v3 =	vld [tilespmem:$0x70A0];
	v56 =	vadd.f32 v30, v38;
	[tilespmem:$0x12F20] =	vst v25  }
0x175: {  	v30 =	vld [tilespmem:$0x6D60];
	v41 =	vadd.f32 v41, v18;
	[tilespmem:$0x12F40] =	vst v61  }
0x176: {  	v38 =	vld [tilespmem:$0x6EE0];
	v45 =	vadd.f32 v48, v46;
	[tilespmem:$0x16E20] =	vst v56  }
0x177: {  	v24 =	vadd.f32 v60, v24;
	v60 =	vld [tilespmem:$0x6E90];
	[tilespmem:$0x16FC0] =	vst v41  }
0x178: {  	v25 =	vld [tilespmem:$0x70A0];
	v47 =	vadd.f32 v53, v51;
	[tilespmem:$0x16E50] =	vst v45  }
0x179: {  	v46 =	vld [tilespmem:$0x6D70];
	[tilespmem:$0x12E20] =	vst v24;
	v24 =	vadd.f32 v22, v21  }
0x17a: {  	v61 =	vld [tilespmem:$0x6FD0];
	v54 =	vadd.f32 v50, v58;
	[tilespmem:$0x16F50] =	vst v47  }
0x17b: {  	v21 =	vld [tilespmem:$0x70C0];
	v62 =	vadd.f32 v63, v3;
	[tilespmem:$0x12E60] =	vst v24  }
0x17c: {  	v63 =	vld [tilespmem:$0x7060];
	v52 =	vadd.f32 v60, v57;
	[tilespmem:$0x17090] =	vst v54  }
0x17d: {  	v57 =	vld [tilespmem:$0x6ED0];
	v58 =	vadd.f32 v59, v25;
	[tilespmem:$0x170A0] =	vst v62  }
0x17e: {  	v59 =	vld [tilespmem:$0x70D0];
	v60 =	vadd.f32 v2, v7;
	[tilespmem:$0x16F90] =	vst v52  }
0x17f: {  	v48 =	vld [tilespmem:$0x70F0];
	v25 =	vadd.f32 v6, v5;
	[tilespmem:$0x16F20] =	vst v58  }
0x180: {  	v56 =	vld [tilespmem:$0x70F0];
	[tilespmem:$0x16FA0] =	vst v60;
	v43 =	vadd.f32 v44, v21  }
0x181: {  	v50 =	vld [tilespmem:$0x6E70];
	[tilespmem:$0x16E30] =	vst v25;
	v53 =	vadd.f32 v30, v63  }
0x182: {  	v54 =	vld [tilespmem:$0x6EF0];
	[tilespmem:$0x170C0] =	vst v43;
	v49 =	vadd.f32 v57, v55  }
0x183: {  	v44 =	vld [tilespmem:$0x7070];
	v51 =	vadd.f32 v61, v59;
	[tilespmem:$0x16E60] =	vst v53  }
0x184: {  	v52 =	vld [tilespmem:$0x7070];
	v55 =	vadd.f32 v34, v32;
	[tilespmem:$0x16FD0] =	vst v49  }
0x185: {  	v58 =	vld [tilespmem:$0x6FF0];
	v57 =	vadd.f32 v38, v36;
	[tilespmem:$0x170D0] =	vst v51  }
0x186: {  	v59 =	vadd.f32 v42, v40;
	[tilespmem:$0x16F60] =	vst v55  }
0x187: {  	v61 =	vadd.f32 v50, v48;
	[tilespmem:$0x16FE0] =	vst v57  }
0x188: {  	v60 =	vadd.f32 v46, v44;
	[tilespmem:$0x170E0] =	vst v59  }
0x189: {  	v62 =	vadd.f32 v54, v52;
	[tilespmem:$0x16F70] =	vst v61  }
0x18a: {  	v63 =	vadd.f32 v58, v56;
	[tilespmem:$0x16E70] =	vst v60  }
0x18b: {  	[tilespmem:$0x16FF0] =	vst v62  }
0x18c: {  	s0 =	simm.s32 $0x0;
	[tilespmem:$0x170F0] =	vst v63  }
.LBB2_2:
0x18d: {  	_ =	swait.ge [sflag:s21], $0x3D00  }
0x18e: {  	[sflag:s21] =	ssyncset.done $0x0  }
0x18f: {  	s2 =	simm.s32 $0xF0;
	[sflag:s21] =	ssyncadd.s32 $0xFFFFC300  }
0x190: {  	v6 =	vld [tilespmem:s2+$0x2F10]  }
0x191: {  	v7 =	vld [tilespmem:s2+$0x2F20]  }
0x192: {  	v8 =	vld [tilespmem:s2+$0x2F30]  }
0x193: {  	v9 =	vld [tilespmem:s2+$0x2F40]  }
0x194: {  	v10 =	vld [tilespmem:s2+$0x2F50]  }
0x195: {  	v11 =	vld [tilespmem:s2+$0x2F60]  }
0x196: {  	v12 =	vld [tilespmem:s2+$0x2F70]  }
0x197: {  	v13 =	vld [tilespmem:s2+$0x2F80]  }
0x198: {  	v14 =	vld [tilespmem:s2+$0x2F90]  }
0x199: {  	v15 =	vld [tilespmem:s2+$0x2FA0]  }
0x19a: {  	v5 =	vld [tilespmem:s2+$0x2FB0]  }
0x19b: {  	v4 =	vld [tilespmem:s2+$0x2FC0]  }
0x19c: {  	v3 =	vld [tilespmem:s2+$0x2FD0]  }
0x19d: {  	v2 =	vld [tilespmem:s2+$0x2FE0]  }
0x19e: {  	v1 =	vld [tilespmem:s2+$0x2FF0]  }
0x19f: {  	v0 =	vld [tilespmem:s2+$0x3000]  }
0x1a0: {  	v16 =	vld [tilespmem:s2+$0x7010]  }
0x1a1: {  	v17 =	vld [tilespmem:s2+$0x7020]  }
0x1a2: {  	v18 =	vld [tilespmem:s2+$0x7030]  }
0x1a3: {  	v19 =	vld [tilespmem:s2+$0x7040]  }
0x1a4: {  	v20 =	vld [tilespmem:s2+$0x7050]  }
0x1a5: {  	v60 =	vld [tilespmem:s2+$0x7060];
	v6 =	vadd.f32 v6, v16  }
0x1a6: {  	v21 =	vld [tilespmem:s2+$0x7070];
	v7 =	vadd.f32 v7, v17  }
0x1a7: {  	v61 =	vld [tilespmem:s2+$0x7080];
	[tilespmem:s2+$0x7010] =	vst v6;
	v6 =	vadd.f32 v8, v18  }
0x1a8: {  	v62 =	vld [tilespmem:s2+$0x7090];
	[tilespmem:s2+$0x7020] =	vst v7;
	v7 =	vadd.f32 v9, v19  }
0x1a9: {  	v63 =	vld [tilespmem:s2+$0x70A0];
	[tilespmem:s2+$0x7030] =	vst v6;
	v6 =	vadd.f32 v10, v20  }
0x1aa: {  	v8 =	vadd.f32 v11, v60;
	[tilespmem:s2+$0x7040] =	vst v7;
	v7 =	vld [tilespmem:s2+$0x70B0]  }
0x1ab: {  	v9 =	vadd.f32 v12, v21;
	[tilespmem:s2+$0x7050] =	vst v6;
	v6 =	vld [tilespmem:s2+$0x70C0]  }
0x1ac: {  	[tilespmem:s2+$0x7060] =	vst v8;
	v8 =	vld [tilespmem:s2+$0x70D0];
	v10 =	vadd.f32 v13, v61  }
0x1ad: {  	v12 =	vadd.f32 v14, v62;
	[tilespmem:s2+$0x7070] =	vst v9;
	v9 =	vld [tilespmem:s2+$0x70E0]  }
0x1ae: {  	s3 =	simm.s32 $0x7C0;
	v11 =	vadd.f32 v15, v63;
	[tilespmem:s2+$0x7080] =	vst v10;
	v10 =	vld [tilespmem:s2+$0x70F0]  }
.LBB2_3:
0x1af: {  	s14 =	sshra.s32 s3, $0x2;
	p0 =	sne.s32 s3, $0xF3C0;
	[tilespmem:s2+$0x7090] =	vst v12;
	v5 =	vadd.f32 v5, v7;
	v7 =	vld [tilespmem:s2+$0x7100]  }
0x1b0: {  	v12 =	vld [tilespmem:s14+$0x2F10];
	[tilespmem:s2+$0x70A0] =	vst v11;
	v4 =	vadd.f32 v4, v6  }
0x1b1: {  	v6 =	vld [tilespmem:s14+$0x2F20];
	[tilespmem:s2+$0x70B0] =	vst v5;
	v3 =	vadd.f32 v3, v8  }
0x1b2: {  	v8 =	vld [tilespmem:s14+$0x2F30];
	[tilespmem:s2+$0x70C0] =	vst v4;
	v2 =	vadd.f32 v2, v9  }
0x1b3: {  	v9 =	vld [tilespmem:s14+$0x2F40];
	[tilespmem:s2+$0x70D0] =	vst v3;
	v1 =	vadd.f32 v1, v10  }
0x1b4: {  	v10 =	vld [tilespmem:s14+$0x2F50];
	[tilespmem:s2+$0x70E0] =	vst v2;
	v0 =	vadd.f32 v0, v7  }
0x1b5: {  	v7 =	vld [tilespmem:s14+$0x2F60];
	[tilespmem:s2+$0x70F0] =	vst v1  }
0x1b6: {  	v11 =	vld [tilespmem:s14+$0x2F70];
	[tilespmem:s2+$0x7100] =	vst v0;
	s2 =	smov.u32 s14  }
0x1b7: {  	v13 =	vld [tilespmem:s2+$0x2F80]  }
0x1b8: {  	v14 =	vld [tilespmem:s2+$0x2F90]  }
0x1b9: {  	v15 =	vld [tilespmem:s2+$0x2FA0]  }
0x1ba: {  	v5 =	vld [tilespmem:s2+$0x2FB0]  }
0x1bb: {  	v4 =	vld [tilespmem:s2+$0x2FC0]  }
0x1bc: {  	v3 =	vld [tilespmem:s2+$0x2FD0]  }
0x1bd: {  	v2 =	vld [tilespmem:s2+$0x2FE0]  }
0x1be: {  	v1 =	vld [tilespmem:s2+$0x2FF0]  }
0x1bf: {  	v0 =	vld [tilespmem:s2+$0x3000]  }
0x1c0: {  	v16 =	vld [tilespmem:s2+$0x7010]  }
0x1c1: {  	v17 =	vld [tilespmem:s2+$0x7020]  }
0x1c2: {  	v18 =	vld [tilespmem:s2+$0x7030]  }
0x1c3: {  	v19 =	vld [tilespmem:s2+$0x7040]  }
0x1c4: {  	v20 =	vld [tilespmem:s2+$0x7050]  }
0x1c5: {  	v12 =	vadd.f32 v12, v16;
	v16 =	vld [tilespmem:s2+$0x7060]  }
0x1c6: {  	v6 =	vadd.f32 v6, v17;
	v17 =	vld [tilespmem:s2+$0x7070]  }
0x1c7: {  	[tilespmem:s2+$0x7010] =	vst v12;
	v8 =	vadd.f32 v8, v18;
	v12 =	vld [tilespmem:s2+$0x7080]  }
0x1c8: {  	[tilespmem:s2+$0x7020] =	vst v6;
	v6 =	vadd.f32 v9, v19;
	v9 =	vld [tilespmem:s2+$0x7090]  }
0x1c9: {  	[tilespmem:s2+$0x7030] =	vst v8;
	v8 =	vadd.f32 v10, v20;
	v10 =	vld [tilespmem:s2+$0x70A0]  }
.Ltmp2:
0x1ca: {  	[tilespmem:s2+$0x7040] =	vst v6;
	v16 =	vadd.f32 v7, v16;
	v7 =	vld [tilespmem:s2+$0x70B0];
	(pc) =	sbr.rel @p0 .LBB2_3-.Ltmp2, $4  }
0x1cb: {  	[tilespmem:s2+$0x7050] =	vst v8;
	v11 =	vadd.f32 v11, v17;
	v6 =	vld [tilespmem:s2+$0x70C0]  }
0x1cc: {  	[tilespmem:s2+$0x7060] =	vst v16;
	v13 =	vadd.f32 v13, v12;
	v8 =	vld [tilespmem:s2+$0x70D0]  }
0x1cd: {  	[tilespmem:s2+$0x7070] =	vst v11;
	v12 =	vadd.f32 v14, v9;
	v9 =	vld [tilespmem:s2+$0x70E0]  }
0x1ce: {  	s3 =	sadd.s32 $0x400, s3;
	[tilespmem:s2+$0x7080] =	vst v13;
	v11 =	vadd.f32 v15, v10;
	v10 =	vld [tilespmem:s2+$0x70F0]  }
0x1cf: {  	[tilespmem:s2+$0x7090] =	vst v12;
	v5 =	vadd.f32 v5, v7;
	v7 =	vld [tilespmem:s2+$0x7100]  }
0x1d0: {  	[tilespmem:s2+$0x70A0] =	vst v11;
	v4 =	vadd.f32 v4, v6  }
0x1d1: {  	[tilespmem:s2+$0x70B0] =	vst v5;
	v3 =	vadd.f32 v3, v8  }
0x1d2: {  	[tilespmem:s2+$0x70C0] =	vst v4;
	v2 =	vadd.f32 v2, v9  }
0x1d3: {  	[tilespmem:s2+$0x70D0] =	vst v3;
	v1 =	vadd.f32 v1, v10  }
0x1d4: {  	[tilespmem:s2+$0x70E0] =	vst v2;
	v0 =	vadd.f32 v0, v7  }
0x1d5: {  	s3 =	sshll.u32 s0, $0xA;
	[tilespmem:s2+$0x70F0] =	vst v1  }
0x1d6: {  	s16 =	sand.u32 $0x3FFFFC00, s3;
	[tilespmem:s2+$0x7100] =	vst v0  }
0x1d7: {  	v0 =	vld [tilespmem:s16+$0x1000];
	_ =	sdelay $0x4  }
0x1d8: {  	[tilespmem:$0xAE80] =	vst v0  }
0x1d9: {  	v0 =	vld [tilespmem:s16+$0x1080];
	_ =	sdelay $0x4  }
0x1da: {  	[tilespmem:$0xB000] =	vst v0  }
0x1db: {  	v0 =	vld [tilespmem:s16+$0x1010];
	_ =	sdelay $0x4  }
0x1dc: {  	[tilespmem:$0xAE90] =	vst v0  }
0x1dd: {  	v0 =	vld [tilespmem:s16+$0x1090];
	_ =	sdelay $0x4  }
0x1de: {  	[tilespmem:$0xB010] =	vst v0  }
0x1df: {  	v0 =	vld [tilespmem:s16+$0x1020];
	_ =	sdelay $0x4  }
0x1e0: {  	[tilespmem:$0xAEA0] =	vst v0  }
0x1e1: {  	v0 =	vld [tilespmem:s16+$0x10A0];
	_ =	sdelay $0x4  }
0x1e2: {  	[tilespmem:$0xB020] =	vst v0  }
0x1e3: {  	v0 =	vld [tilespmem:s16+$0x1030];
	_ =	sdelay $0x4  }
0x1e4: {  	[tilespmem:$0xAEB0] =	vst v0  }
0x1e5: {  	v0 =	vld [tilespmem:s16+$0x10B0];
	_ =	sdelay $0x4  }
0x1e6: {  	[tilespmem:$0xB030] =	vst v0  }
0x1e7: {  	v0 =	vld [tilespmem:s16+$0x1040];
	_ =	sdelay $0x4  }
0x1e8: {  	[tilespmem:$0xAEC0] =	vst v0  }
0x1e9: {  	v0 =	vld [tilespmem:s16+$0x10C0];
	_ =	sdelay $0x4  }
0x1ea: {  	[tilespmem:$0xB040] =	vst v0  }
0x1eb: {  	v0 =	vld [tilespmem:s16+$0x1050];
	_ =	sdelay $0x4  }
0x1ec: {  	[tilespmem:$0xAED0] =	vst v0  }
0x1ed: {  	v0 =	vld [tilespmem:s16+$0x10D0];
	_ =	sdelay $0x4  }
0x1ee: {  	[tilespmem:$0xB050] =	vst v0  }
0x1ef: {  	v0 =	vld [tilespmem:s16+$0x1060];
	_ =	sdelay $0x4  }
0x1f0: {  	[tilespmem:$0xAEE0] =	vst v0  }
0x1f1: {  	v0 =	vld [tilespmem:s16+$0x10E0];
	_ =	sdelay $0x4  }
0x1f2: {  	[tilespmem:$0xB060] =	vst v0  }
0x1f3: {  	v0 =	vld [tilespmem:s16+$0x1070];
	_ =	sdelay $0x4  }
0x1f4: {  	[tilespmem:$0xAEF0] =	vst v0  }
0x1f5: {  	v0 =	vld [tilespmem:s16+$0x10F0];
	_ =	sdelay $0x1  }
0x1f6: {  	s2 =	sshll.u32 s0, $0x2  }
0x1f7: {  	s18 =	sadd.s32 s6, s2  }
0x1f8: {  	p0 =	seq.s32 s0, $0x0;
	s3 =	sshll.u32 s18, $0xB  }
0x1f9: {  	s14 =	simm.s32 @!p0 $0x8;
	s3 =	sadd.s32 s4, s3;
	[tilespmem:$0xB070] =	vst v0  }
0x1fa: {  	[hbm4b:s3+s5] =	stream.linear.scatter [tilespmem:s13], [sflag:$0x5], $0x4000, $0x38;
	[tilespmem:$0x17100] =	vst v63  }
0x1fb: {  	s3 =	sshllo.u32 s0, $0x2;
	_ =	swait.ge @!p0 [sflag:s14], $0x4000  }
0x1fc: {  	s16 =	sshll.u32 s3, $0x7;
	[sflag:s14] =	ssyncset.done @!p0 $0x0  }
0x1fd: {  	s19 =	sand.u32 $0x3FFFFF80, s16;
	[sflag:s14] =	ssyncadd.s32 @!p0 $0xFFFFC000  }
0x1fe: {  	[tilespmem:s22], [sflag:$0x4] =	stream.indirect.gather [hbm4b:s1+s12], $0x80, s19, s12, $0xb8;
	[tilespmem:$0x17100] =	vst v63  }
0x1ff: {  	_ =	swait.ge [sflag:s23], $0x3D00  }
0x200: {  	[sflag:s23] =	ssyncset.done $0x0  }
0x201: {  	s14 =	simm.s32 $0xF0;
	[sflag:s23] =	ssyncadd.s32 $0xFFFFC300  }
0x202: {  	v6 =	vld [tilespmem:s14+$0x2F10]  }
0x203: {  	v7 =	vld [tilespmem:s14+$0x2F20]  }
0x204: {  	v8 =	vld [tilespmem:s14+$0x2F30]  }
0x205: {  	v9 =	vld [tilespmem:s14+$0x2F40]  }
0x206: {  	v10 =	vld [tilespmem:s14+$0x2F50]  }
0x207: {  	v11 =	vld [tilespmem:s14+$0x2F60]  }
0x208: {  	v12 =	vld [tilespmem:s14+$0x2F70]  }
0x209: {  	v13 =	vld [tilespmem:s14+$0x2F80]  }
0x20a: {  	v14 =	vld [tilespmem:s14+$0x2F90]  }
0x20b: {  	v15 =	vld [tilespmem:s14+$0x2FA0]  }
0x20c: {  	v5 =	vld [tilespmem:s14+$0x2FB0]  }
0x20d: {  	v4 =	vld [tilespmem:s14+$0x2FC0]  }
0x20e: {  	v3 =	vld [tilespmem:s14+$0x2FD0]  }
0x20f: {  	v2 =	vld [tilespmem:s14+$0x2FE0]  }
0x210: {  	v1 =	vld [tilespmem:s14+$0x2FF0]  }
0x211: {  	v0 =	vld [tilespmem:s14+$0x3000]  }
0x212: {  	v16 =	vld [tilespmem:s14+$0xB010]  }
0x213: {  	v17 =	vld [tilespmem:s14+$0xB020]  }
0x214: {  	v18 =	vld [tilespmem:s14+$0xB030]  }
0x215: {  	v19 =	vld [tilespmem:s14+$0xB040]  }
0x216: {  	v20 =	vld [tilespmem:s14+$0xB050]  }
0x217: {  	v60 =	vld [tilespmem:s14+$0xB060];
	v6 =	vadd.f32 v6, v16  }
0x218: {  	v21 =	vld [tilespmem:s14+$0xB070];
	v7 =	vadd.f32 v7, v17  }
0x219: {  	v61 =	vld [tilespmem:s14+$0xB080];
	[tilespmem:s14+$0xB010] =	vst v6;
	v6 =	vadd.f32 v8, v18  }
0x21a: {  	v62 =	vld [tilespmem:s14+$0xB090];
	[tilespmem:s14+$0xB020] =	vst v7;
	v7 =	vadd.f32 v9, v19  }
0x21b: {  	v63 =	vld [tilespmem:s14+$0xB0A0];
	[tilespmem:s14+$0xB030] =	vst v6;
	v6 =	vadd.f32 v10, v20  }
0x21c: {  	v8 =	vadd.f32 v11, v60;
	[tilespmem:s14+$0xB040] =	vst v7;
	v7 =	vld [tilespmem:s14+$0xB0B0]  }
0x21d: {  	v9 =	vadd.f32 v12, v21;
	[tilespmem:s14+$0xB050] =	vst v6;
	v6 =	vld [tilespmem:s14+$0xB0C0]  }
0x21e: {  	[tilespmem:s14+$0xB060] =	vst v8;
	v8 =	vld [tilespmem:s14+$0xB0D0];
	v10 =	vadd.f32 v13, v61  }
0x21f: {  	v12 =	vadd.f32 v14, v62;
	[tilespmem:s14+$0xB070] =	vst v9;
	v9 =	vld [tilespmem:s14+$0xB0E0]  }
0x220: {  	s16 =	simm.s32 $0x7C0;
	v11 =	vadd.f32 v15, v63;
	[tilespmem:s14+$0xB080] =	vst v10;
	v10 =	vld [tilespmem:s14+$0xB0F0]  }
.LBB2_5:
0x221: {  	s18 =	sshra.s32 s16, $0x2;
	p0 =	sne.s32 s16, $0xF3C0;
	[tilespmem:s14+$0xB090] =	vst v12;
	v5 =	vadd.f32 v5, v7;
	v7 =	vld [tilespmem:s14+$0xB100]  }
0x222: {  	v12 =	vld [tilespmem:s18+$0x2F10];
	[tilespmem:s14+$0xB0A0] =	vst v11;
	v4 =	vadd.f32 v4, v6  }
0x223: {  	v6 =	vld [tilespmem:s18+$0x2F20];
	[tilespmem:s14+$0xB0B0] =	vst v5;
	v3 =	vadd.f32 v3, v8  }
0x224: {  	v8 =	vld [tilespmem:s18+$0x2F30];
	[tilespmem:s14+$0xB0C0] =	vst v4;
	v2 =	vadd.f32 v2, v9  }
0x225: {  	v9 =	vld [tilespmem:s18+$0x2F40];
	[tilespmem:s14+$0xB0D0] =	vst v3;
	v1 =	vadd.f32 v1, v10  }
0x226: {  	v10 =	vld [tilespmem:s18+$0x2F50];
	[tilespmem:s14+$0xB0E0] =	vst v2;
	v0 =	vadd.f32 v0, v7  }
0x227: {  	v7 =	vld [tilespmem:s18+$0x2F60];
	[tilespmem:s14+$0xB0F0] =	vst v1  }
0x228: {  	v11 =	vld [tilespmem:s18+$0x2F70];
	[tilespmem:s14+$0xB100] =	vst v0;
	s14 =	smov.u32 s18  }
0x229: {  	v13 =	vld [tilespmem:s14+$0x2F80]  }
0x22a: {  	v14 =	vld [tilespmem:s14+$0x2F90]  }
0x22b: {  	v15 =	vld [tilespmem:s14+$0x2FA0]  }
0x22c: {  	v5 =	vld [tilespmem:s14+$0x2FB0]  }
0x22d: {  	v4 =	vld [tilespmem:s14+$0x2FC0]  }
0x22e: {  	v3 =	vld [tilespmem:s14+$0x2FD0]  }
0x22f: {  	v2 =	vld [tilespmem:s14+$0x2FE0]  }
0x230: {  	v1 =	vld [tilespmem:s14+$0x2FF0]  }
0x231: {  	v0 =	vld [tilespmem:s14+$0x3000]  }
0x232: {  	v16 =	vld [tilespmem:s14+$0xB010]  }
0x233: {  	v17 =	vld [tilespmem:s14+$0xB020]  }
0x234: {  	v18 =	vld [tilespmem:s14+$0xB030]  }
0x235: {  	v19 =	vld [tilespmem:s14+$0xB040]  }
0x236: {  	v20 =	vld [tilespmem:s14+$0xB050]  }
0x237: {  	v12 =	vadd.f32 v12, v16;
	v16 =	vld [tilespmem:s14+$0xB060]  }
0x238: {  	v6 =	vadd.f32 v6, v17;
	v17 =	vld [tilespmem:s14+$0xB070]  }
0x239: {  	[tilespmem:s14+$0xB010] =	vst v12;
	v8 =	vadd.f32 v8, v18;
	v12 =	vld [tilespmem:s14+$0xB080]  }
0x23a: {  	[tilespmem:s14+$0xB020] =	vst v6;
	v6 =	vadd.f32 v9, v19;
	v9 =	vld [tilespmem:s14+$0xB090]  }
0x23b: {  	[tilespmem:s14+$0xB030] =	vst v8;
	v8 =	vadd.f32 v10, v20;
	v10 =	vld [tilespmem:s14+$0xB0A0]  }
.Ltmp3:
0x23c: {  	[tilespmem:s14+$0xB040] =	vst v6;
	v16 =	vadd.f32 v7, v16;
	v7 =	vld [tilespmem:s14+$0xB0B0];
	(pc) =	sbr.rel @p0 .LBB2_5-.Ltmp3, $4  }
0x23d: {  	[tilespmem:s14+$0xB050] =	vst v8;
	v11 =	vadd.f32 v11, v17;
	v6 =	vld [tilespmem:s14+$0xB0C0]  }
0x23e: {  	[tilespmem:s14+$0xB060] =	vst v16;
	v13 =	vadd.f32 v13, v12;
	v8 =	vld [tilespmem:s14+$0xB0D0]  }
0x23f: {  	[tilespmem:s14+$0xB070] =	vst v11;
	v12 =	vadd.f32 v14, v9;
	v9 =	vld [tilespmem:s14+$0xB0E0]  }
0x240: {  	s16 =	sadd.s32 $0x400, s16;
	[tilespmem:s14+$0xB080] =	vst v13;
	v11 =	vadd.f32 v15, v10;
	v10 =	vld [tilespmem:s14+$0xB0F0]  }
0x241: {  	[tilespmem:s14+$0xB090] =	vst v12;
	v5 =	vadd.f32 v5, v7;
	v7 =	vld [tilespmem:s14+$0xB100]  }
0x242: {  	[tilespmem:s14+$0xB0A0] =	vst v11;
	v4 =	vadd.f32 v4, v6  }
0x243: {  	[tilespmem:s14+$0xB0B0] =	vst v5;
	v3 =	vadd.f32 v3, v8  }
0x244: {  	[tilespmem:s14+$0xB0C0] =	vst v4;
	v2 =	vadd.f32 v2, v9  }
0x245: {  	[tilespmem:s14+$0xB0D0] =	vst v3;
	v1 =	vadd.f32 v1, v10  }
0x246: {  	s16 =	sor.u32 $0x1, s2;
	[tilespmem:s14+$0xB0E0] =	vst v2;
	v0 =	vadd.f32 v0, v7  }
0x247: {  	s18 =	sshll.u32 s16, $0x8;
	[tilespmem:s14+$0xB0F0] =	vst v1  }
0x248: {  	s18 =	sand.u32 $0x3FFFFF00, s18;
	[tilespmem:s14+$0xB100] =	vst v0  }
0x249: {  	v0 =	vld [tilespmem:s18+$0x1000];
	_ =	sdelay $0x4  }
0x24a: {  	[tilespmem:$0xEE80] =	vst v0  }
0x24b: {  	v0 =	vld [tilespmem:s18+$0x1080];
	_ =	sdelay $0x4  }
0x24c: {  	[tilespmem:$0xF000] =	vst v0  }
0x24d: {  	v0 =	vld [tilespmem:s18+$0x1010];
	_ =	sdelay $0x4  }
0x24e: {  	[tilespmem:$0xEE90] =	vst v0  }
0x24f: {  	v0 =	vld [tilespmem:s18+$0x1090];
	_ =	sdelay $0x4  }
0x250: {  	[tilespmem:$0xF010] =	vst v0  }
0x251: {  	v0 =	vld [tilespmem:s18+$0x1020];
	_ =	sdelay $0x4  }
0x252: {  	[tilespmem:$0xEEA0] =	vst v0  }
0x253: {  	v0 =	vld [tilespmem:s18+$0x10A0];
	_ =	sdelay $0x4  }
0x254: {  	[tilespmem:$0xF020] =	vst v0  }
0x255: {  	v0 =	vld [tilespmem:s18+$0x1030];
	_ =	sdelay $0x4  }
0x256: {  	[tilespmem:$0xEEB0] =	vst v0  }
0x257: {  	v0 =	vld [tilespmem:s18+$0x10B0];
	_ =	sdelay $0x4  }
0x258: {  	[tilespmem:$0xF030] =	vst v0  }
0x259: {  	v0 =	vld [tilespmem:s18+$0x1040];
	_ =	sdelay $0x4  }
0x25a: {  	[tilespmem:$0xEEC0] =	vst v0  }
0x25b: {  	v0 =	vld [tilespmem:s18+$0x10C0];
	_ =	sdelay $0x4  }
0x25c: {  	[tilespmem:$0xF040] =	vst v0  }
0x25d: {  	v0 =	vld [tilespmem:s18+$0x1050];
	_ =	sdelay $0x4  }
0x25e: {  	[tilespmem:$0xEED0] =	vst v0  }
0x25f: {  	v0 =	vld [tilespmem:s18+$0x10D0];
	_ =	sdelay $0x4  }
0x260: {  	[tilespmem:$0xF050] =	vst v0  }
0x261: {  	v0 =	vld [tilespmem:s18+$0x1060];
	_ =	sdelay $0x4  }
0x262: {  	[tilespmem:$0xEEE0] =	vst v0  }
0x263: {  	v0 =	vld [tilespmem:s18+$0x10E0];
	_ =	sdelay $0x4  }
0x264: {  	[tilespmem:$0xF060] =	vst v0  }
0x265: {  	v0 =	vld [tilespmem:s18+$0x1070];
	_ =	sdelay $0x4  }
0x266: {  	[tilespmem:$0xEEF0] =	vst v0  }
0x267: {  	v0 =	vld [tilespmem:s18+$0x10F0];
	_ =	sdelay $0x2  }
0x268: {  	s19 =	sadd.s32 s6, s16  }
0x269: {  	s14 =	sshll.u32 s19, $0xB  }
0x26a: {  	p0 =	seq.s32 s0, $0x7;
	s14 =	sadd.s32 s4, s14;
	[tilespmem:$0xF070] =	vst v0  }
0x26b: {  	[hbm4b:s14+s5] =	stream.linear.scatter [tilespmem:s15], [sflag:$0x6], $0x4000, $0x38;
	[tilespmem:$0x17100] =	vst v63  }
0x26c: {  	s14 =	simm.s32 @!p0 $0x5  }
0x26d: {  	_ =	swait.ge @!p0 [sflag:s14], $0x4000  }
0x26e: {  	s16 =	sshll.u32 @!p0 s0, $0x9;
	[sflag:s14] =	ssyncset.done @!p0 $0x0  }
0x26f: {  	[sflag:s14] =	ssyncadd.s32 @!p0 $0xFFFFC000;
	s14 =	sand.u32 @!p0 $0x3FFFFE00, s16  }
0x270: {  	s19 =	simm.s32 @!p0 $0x7100;
	s18 =	simm.s32 @!p0 $0x7A;
	s16 =	sadd.s32 @!p0 $0x200, s14  }
0x271: {  	[tilespmem:s19], [sflag:$0x1] =	stream.indirect.gather @!p0 [hbm4b:s1+s18], $0x80, s16, s18, $0xb8;
	[tilespmem:$0x17100] =	vst v63  }
0x272: {  	_ =	swait.ge [sflag:s24], $0x3D00  }
0x273: {  	[sflag:s24] =	ssyncset.done $0x0  }
0x274: {  	s16 =	simm.s32 $0xF0;
	[sflag:s24] =	ssyncadd.s32 $0xFFFFC300  }
0x275: {  	v6 =	vld [tilespmem:s16+$0x2F10]  }
0x276: {  	v7 =	vld [tilespmem:s16+$0x2F20]  }
0x277: {  	v8 =	vld [tilespmem:s16+$0x2F30]  }
0x278: {  	v9 =	vld [tilespmem:s16+$0x2F40]  }
0x279: {  	v10 =	vld [tilespmem:s16+$0x2F50]  }
0x27a: {  	v11 =	vld [tilespmem:s16+$0x2F60]  }
0x27b: {  	v12 =	vld [tilespmem:s16+$0x2F70]  }
0x27c: {  	v13 =	vld [tilespmem:s16+$0x2F80]  }
0x27d: {  	v14 =	vld [tilespmem:s16+$0x2F90]  }
0x27e: {  	v15 =	vld [tilespmem:s16+$0x2FA0]  }
0x27f: {  	v5 =	vld [tilespmem:s16+$0x2FB0]  }
0x280: {  	v4 =	vld [tilespmem:s16+$0x2FC0]  }
0x281: {  	v3 =	vld [tilespmem:s16+$0x2FD0]  }
0x282: {  	v2 =	vld [tilespmem:s16+$0x2FE0]  }
0x283: {  	v1 =	vld [tilespmem:s16+$0x2FF0]  }
0x284: {  	v0 =	vld [tilespmem:s16+$0x3000]  }
0x285: {  	v16 =	vld [tilespmem:s16+$0xF010]  }
0x286: {  	v17 =	vld [tilespmem:s16+$0xF020]  }
0x287: {  	v18 =	vld [tilespmem:s16+$0xF030]  }
0x288: {  	v19 =	vld [tilespmem:s16+$0xF040]  }
0x289: {  	v20 =	vld [tilespmem:s16+$0xF050]  }
0x28a: {  	v60 =	vld [tilespmem:s16+$0xF060];
	v6 =	vadd.f32 v6, v16  }
0x28b: {  	v21 =	vld [tilespmem:s16+$0xF070];
	v7 =	vadd.f32 v7, v17  }
0x28c: {  	v61 =	vld [tilespmem:s16+$0xF080];
	[tilespmem:s16+$0xF010] =	vst v6;
	v6 =	vadd.f32 v8, v18  }
0x28d: {  	v62 =	vld [tilespmem:s16+$0xF090];
	[tilespmem:s16+$0xF020] =	vst v7;
	v7 =	vadd.f32 v9, v19  }
0x28e: {  	v63 =	vld [tilespmem:s16+$0xF0A0];
	[tilespmem:s16+$0xF030] =	vst v6;
	v6 =	vadd.f32 v10, v20  }
0x28f: {  	v8 =	vadd.f32 v11, v60;
	[tilespmem:s16+$0xF040] =	vst v7;
	v7 =	vld [tilespmem:s16+$0xF0B0]  }
0x290: {  	v9 =	vadd.f32 v12, v21;
	[tilespmem:s16+$0xF050] =	vst v6;
	v6 =	vld [tilespmem:s16+$0xF0C0]  }
0x291: {  	[tilespmem:s16+$0xF060] =	vst v8;
	v8 =	vld [tilespmem:s16+$0xF0D0];
	v10 =	vadd.f32 v13, v61  }
0x292: {  	v12 =	vadd.f32 v14, v62;
	[tilespmem:s16+$0xF070] =	vst v9;
	v9 =	vld [tilespmem:s16+$0xF0E0]  }
0x293: {  	s18 =	simm.s32 $0x7C0;
	v11 =	vadd.f32 v15, v63;
	[tilespmem:s16+$0xF080] =	vst v10;
	v10 =	vld [tilespmem:s16+$0xF0F0]  }
.LBB2_7:
0x294: {  	s19 =	sshra.s32 s18, $0x2;
	p1 =	sne.s32 s18, $0xF3C0;
	[tilespmem:s16+$0xF090] =	vst v12;
	v5 =	vadd.f32 v5, v7;
	v7 =	vld [tilespmem:s16+$0xF100]  }
0x295: {  	v12 =	vld [tilespmem:s19+$0x2F10];
	[tilespmem:s16+$0xF0A0] =	vst v11;
	v4 =	vadd.f32 v4, v6  }
0x296: {  	v6 =	vld [tilespmem:s19+$0x2F20];
	[tilespmem:s16+$0xF0B0] =	vst v5;
	v3 =	vadd.f32 v3, v8  }
0x297: {  	v8 =	vld [tilespmem:s19+$0x2F30];
	[tilespmem:s16+$0xF0C0] =	vst v4;
	v2 =	vadd.f32 v2, v9  }
0x298: {  	v9 =	vld [tilespmem:s19+$0x2F40];
	[tilespmem:s16+$0xF0D0] =	vst v3;
	v1 =	vadd.f32 v1, v10  }
0x299: {  	v10 =	vld [tilespmem:s19+$0x2F50];
	[tilespmem:s16+$0xF0E0] =	vst v2;
	v0 =	vadd.f32 v0, v7  }
0x29a: {  	v7 =	vld [tilespmem:s19+$0x2F60];
	[tilespmem:s16+$0xF0F0] =	vst v1  }
0x29b: {  	v11 =	vld [tilespmem:s19+$0x2F70];
	[tilespmem:s16+$0xF100] =	vst v0;
	s16 =	smov.u32 s19  }
0x29c: {  	v13 =	vld [tilespmem:s16+$0x2F80]  }
0x29d: {  	v14 =	vld [tilespmem:s16+$0x2F90]  }
0x29e: {  	v15 =	vld [tilespmem:s16+$0x2FA0]  }
0x29f: {  	v5 =	vld [tilespmem:s16+$0x2FB0]  }
0x2a0: {  	v4 =	vld [tilespmem:s16+$0x2FC0]  }
0x2a1: {  	v3 =	vld [tilespmem:s16+$0x2FD0]  }
0x2a2: {  	v2 =	vld [tilespmem:s16+$0x2FE0]  }
0x2a3: {  	v1 =	vld [tilespmem:s16+$0x2FF0]  }
0x2a4: {  	v0 =	vld [tilespmem:s16+$0x3000]  }
0x2a5: {  	v16 =	vld [tilespmem:s16+$0xF010]  }
0x2a6: {  	v17 =	vld [tilespmem:s16+$0xF020]  }
0x2a7: {  	v18 =	vld [tilespmem:s16+$0xF030]  }
0x2a8: {  	v19 =	vld [tilespmem:s16+$0xF040]  }
0x2a9: {  	v20 =	vld [tilespmem:s16+$0xF050]  }
0x2aa: {  	v12 =	vadd.f32 v12, v16;
	v16 =	vld [tilespmem:s16+$0xF060]  }
0x2ab: {  	v6 =	vadd.f32 v6, v17;
	v17 =	vld [tilespmem:s16+$0xF070]  }
0x2ac: {  	[tilespmem:s16+$0xF010] =	vst v12;
	v8 =	vadd.f32 v8, v18;
	v12 =	vld [tilespmem:s16+$0xF080]  }
0x2ad: {  	[tilespmem:s16+$0xF020] =	vst v6;
	v6 =	vadd.f32 v9, v19;
	v9 =	vld [tilespmem:s16+$0xF090]  }
0x2ae: {  	[tilespmem:s16+$0xF030] =	vst v8;
	v8 =	vadd.f32 v10, v20;
	v10 =	vld [tilespmem:s16+$0xF0A0]  }
.Ltmp4:
0x2af: {  	[tilespmem:s16+$0xF040] =	vst v6;
	v16 =	vadd.f32 v7, v16;
	v7 =	vld [tilespmem:s16+$0xF0B0];
	(pc) =	sbr.rel @p1 .LBB2_7-.Ltmp4, $4  }
0x2b0: {  	[tilespmem:s16+$0xF050] =	vst v8;
	v11 =	vadd.f32 v11, v17;
	v6 =	vld [tilespmem:s16+$0xF0C0]  }
0x2b1: {  	[tilespmem:s16+$0xF060] =	vst v16;
	v13 =	vadd.f32 v13, v12;
	v8 =	vld [tilespmem:s16+$0xF0D0]  }
0x2b2: {  	[tilespmem:s16+$0xF070] =	vst v11;
	v12 =	vadd.f32 v14, v9;
	v9 =	vld [tilespmem:s16+$0xF0E0]  }
0x2b3: {  	s18 =	sadd.s32 $0x400, s18;
	[tilespmem:s16+$0xF080] =	vst v13;
	v11 =	vadd.f32 v15, v10;
	v10 =	vld [tilespmem:s16+$0xF0F0]  }
0x2b4: {  	[tilespmem:s16+$0xF090] =	vst v12;
	v5 =	vadd.f32 v5, v7;
	v7 =	vld [tilespmem:s16+$0xF100]  }
0x2b5: {  	[tilespmem:s16+$0xF0A0] =	vst v11;
	v4 =	vadd.f32 v4, v6  }
0x2b6: {  	[tilespmem:s16+$0xF0B0] =	vst v5;
	v3 =	vadd.f32 v3, v8  }
0x2b7: {  	[tilespmem:s16+$0xF0C0] =	vst v4;
	v2 =	vadd.f32 v2, v9  }
0x2b8: {  	[tilespmem:s16+$0xF0D0] =	vst v3;
	v1 =	vadd.f32 v1, v10  }
0x2b9: {  	s2 =	sor.u32 $0x2, s2;
	[tilespmem:s16+$0xF0E0] =	vst v2;
	v0 =	vadd.f32 v0, v7  }
0x2ba: {  	s18 =	sshll.u32 s2, $0x8;
	[tilespmem:s16+$0xF0F0] =	vst v1  }
0x2bb: {  	s19 =	sand.u32 $0x3FFFFF00, s18;
	[tilespmem:s16+$0xF100] =	vst v0  }
0x2bc: {  	v0 =	vld [tilespmem:s19+$0x1000];
	_ =	sdelay $0x4  }
0x2bd: {  	[tilespmem:$0x12E80] =	vst v0  }
0x2be: {  	v0 =	vld [tilespmem:s19+$0x1080];
	_ =	sdelay $0x4  }
0x2bf: {  	[tilespmem:$0x13000] =	vst v0  }
0x2c0: {  	v0 =	vld [tilespmem:s19+$0x1010];
	_ =	sdelay $0x4  }
0x2c1: {  	[tilespmem:$0x12E90] =	vst v0  }
0x2c2: {  	v0 =	vld [tilespmem:s19+$0x1090];
	_ =	sdelay $0x4  }
0x2c3: {  	[tilespmem:$0x13010] =	vst v0  }
0x2c4: {  	v0 =	vld [tilespmem:s19+$0x1020];
	_ =	sdelay $0x4  }
0x2c5: {  	[tilespmem:$0x12EA0] =	vst v0  }
0x2c6: {  	v0 =	vld [tilespmem:s19+$0x10A0];
	_ =	sdelay $0x4  }
0x2c7: {  	[tilespmem:$0x13020] =	vst v0  }
0x2c8: {  	v0 =	vld [tilespmem:s19+$0x1030];
	_ =	sdelay $0x4  }
0x2c9: {  	[tilespmem:$0x12EB0] =	vst v0  }
0x2ca: {  	v0 =	vld [tilespmem:s19+$0x10B0];
	_ =	sdelay $0x4  }
0x2cb: {  	[tilespmem:$0x13030] =	vst v0  }
0x2cc: {  	v0 =	vld [tilespmem:s19+$0x1040];
	_ =	sdelay $0x4  }
0x2cd: {  	[tilespmem:$0x12EC0] =	vst v0  }
0x2ce: {  	v0 =	vld [tilespmem:s19+$0x10C0];
	_ =	sdelay $0x4  }
0x2cf: {  	[tilespmem:$0x13040] =	vst v0  }
0x2d0: {  	v0 =	vld [tilespmem:s19+$0x1050];
	_ =	sdelay $0x4  }
0x2d1: {  	[tilespmem:$0x12ED0] =	vst v0  }
0x2d2: {  	v0 =	vld [tilespmem:s19+$0x10D0];
	_ =	sdelay $0x4  }
0x2d3: {  	[tilespmem:$0x13050] =	vst v0  }
0x2d4: {  	v0 =	vld [tilespmem:s19+$0x1060];
	_ =	sdelay $0x4  }
0x2d5: {  	[tilespmem:$0x12EE0] =	vst v0  }
0x2d6: {  	v0 =	vld [tilespmem:s19+$0x10E0];
	_ =	sdelay $0x4  }
0x2d7: {  	[tilespmem:$0x13060] =	vst v0  }
0x2d8: {  	v0 =	vld [tilespmem:s19+$0x1070];
	_ =	sdelay $0x4  }
0x2d9: {  	[tilespmem:$0x12EF0] =	vst v0  }
0x2da: {  	v0 =	vld [tilespmem:s19+$0x10F0];
	_ =	sdelay $0x2  }
0x2db: {  	s2 =	sadd.s32 s6, s2  }
0x2dc: {  	s2 =	sshll.u32 s2, $0xB  }
0x2dd: {  	s2 =	sadd.s32 s4, s2;
	[tilespmem:$0x13070] =	vst v0  }
0x2de: {  	[hbm4b:s2+s5] =	stream.linear.scatter [tilespmem:s17], [sflag:$0x7], $0x4000, $0x38;
	[tilespmem:$0x17100] =	vst v63  }
0x2df: {  	s2 =	simm.s32 @!p0 $0x6  }
0x2e0: {  	_ =	swait.ge @!p0 [sflag:s2], $0x4000  }
0x2e1: {  	s16 =	simm.s32 @!p0 $0xB100;
	[sflag:s2] =	ssyncset.done @!p0 $0x0  }
0x2e2: {  	[sflag:s2] =	ssyncadd.s32 @!p0 $0xFFFFC000;
	s2 =	sadd.s32 @!p0 $0x280, s14;
	s14 =	simm.s32 @!p0 $0x7A  }
0x2e3: {  	[tilespmem:s16], [sflag:$0x2] =	stream.indirect.gather @!p0 [hbm4b:s1+s14], $0x80, s2, s14, $0xb8;
	[tilespmem:$0x17100] =	vst v63  }
0x2e4: {  	_ =	swait.ge [sflag:s25], $0x3D00  }
0x2e5: {  	[sflag:s25] =	ssyncset.done $0x0  }
0x2e6: {  	s2 =	simm.s32 $0xF0;
	[sflag:s25] =	ssyncadd.s32 $0xFFFFC300  }
0x2e7: {  	v6 =	vld [tilespmem:s2+$0x2F10]  }
0x2e8: {  	v7 =	vld [tilespmem:s2+$0x2F20]  }
0x2e9: {  	v8 =	vld [tilespmem:s2+$0x2F30]  }
0x2ea: {  	v9 =	vld [tilespmem:s2+$0x2F40]  }
0x2eb: {  	v10 =	vld [tilespmem:s2+$0x2F50]  }
0x2ec: {  	v11 =	vld [tilespmem:s2+$0x2F60]  }
0x2ed: {  	v12 =	vld [tilespmem:s2+$0x2F70]  }
0x2ee: {  	v13 =	vld [tilespmem:s2+$0x2F80]  }
0x2ef: {  	v14 =	vld [tilespmem:s2+$0x2F90]  }
0x2f0: {  	v15 =	vld [tilespmem:s2+$0x2FA0]  }
0x2f1: {  	v5 =	vld [tilespmem:s2+$0x2FB0]  }
0x2f2: {  	v4 =	vld [tilespmem:s2+$0x2FC0]  }
0x2f3: {  	v3 =	vld [tilespmem:s2+$0x2FD0]  }
0x2f4: {  	v2 =	vld [tilespmem:s2+$0x2FE0]  }
0x2f5: {  	v1 =	vld [tilespmem:s2+$0x2FF0]  }
0x2f6: {  	v0 =	vld [tilespmem:s2+$0x3000]  }
0x2f7: {  	v16 =	vld [tilespmem:s2+$0x13010]  }
0x2f8: {  	v17 =	vld [tilespmem:s2+$0x13020]  }
0x2f9: {  	v18 =	vld [tilespmem:s2+$0x13030]  }
0x2fa: {  	v19 =	vld [tilespmem:s2+$0x13040]  }
0x2fb: {  	v20 =	vld [tilespmem:s2+$0x13050]  }
0x2fc: {  	v60 =	vld [tilespmem:s2+$0x13060];
	v6 =	vadd.f32 v6, v16  }
0x2fd: {  	v21 =	vld [tilespmem:s2+$0x13070];
	v7 =	vadd.f32 v7, v17  }
0x2fe: {  	v61 =	vld [tilespmem:s2+$0x13080];
	[tilespmem:s2+$0x13010] =	vst v6;
	v6 =	vadd.f32 v8, v18  }
0x2ff: {  	v62 =	vld [tilespmem:s2+$0x13090];
	[tilespmem:s2+$0x13020] =	vst v7;
	v7 =	vadd.f32 v9, v19  }
0x300: {  	v63 =	vld [tilespmem:s2+$0x130A0];
	[tilespmem:s2+$0x13030] =	vst v6;
	v6 =	vadd.f32 v10, v20  }
0x301: {  	v8 =	vadd.f32 v11, v60;
	[tilespmem:s2+$0x13040] =	vst v7;
	v7 =	vld [tilespmem:s2+$0x130B0]  }
0x302: {  	v9 =	vadd.f32 v12, v21;
	[tilespmem:s2+$0x13050] =	vst v6;
	v6 =	vld [tilespmem:s2+$0x130C0]  }
0x303: {  	[tilespmem:s2+$0x13060] =	vst v8;
	v8 =	vld [tilespmem:s2+$0x130D0];
	v10 =	vadd.f32 v13, v61  }
0x304: {  	v12 =	vadd.f32 v14, v62;
	[tilespmem:s2+$0x13070] =	vst v9;
	v9 =	vld [tilespmem:s2+$0x130E0]  }
0x305: {  	s14 =	simm.s32 $0x7C0;
	v11 =	vadd.f32 v15, v63;
	[tilespmem:s2+$0x13080] =	vst v10;
	v10 =	vld [tilespmem:s2+$0x130F0]  }
.LBB2_9:
0x306: {  	s16 =	sshra.s32 s14, $0x2;
	p1 =	sne.s32 s14, $0xF3C0;
	[tilespmem:s2+$0x13090] =	vst v12;
	v5 =	vadd.f32 v5, v7;
	v7 =	vld [tilespmem:s2+$0x13100]  }
0x307: {  	v12 =	vld [tilespmem:s16+$0x2F10];
	[tilespmem:s2+$0x130A0] =	vst v11;
	v4 =	vadd.f32 v4, v6  }
0x308: {  	v6 =	vld [tilespmem:s16+$0x2F20];
	[tilespmem:s2+$0x130B0] =	vst v5;
	v3 =	vadd.f32 v3, v8  }
0x309: {  	v8 =	vld [tilespmem:s16+$0x2F30];
	[tilespmem:s2+$0x130C0] =	vst v4;
	v2 =	vadd.f32 v2, v9  }
0x30a: {  	v9 =	vld [tilespmem:s16+$0x2F40];
	[tilespmem:s2+$0x130D0] =	vst v3;
	v1 =	vadd.f32 v1, v10  }
0x30b: {  	v10 =	vld [tilespmem:s16+$0x2F50];
	[tilespmem:s2+$0x130E0] =	vst v2;
	v0 =	vadd.f32 v0, v7  }
0x30c: {  	v7 =	vld [tilespmem:s16+$0x2F60];
	[tilespmem:s2+$0x130F0] =	vst v1  }
0x30d: {  	v11 =	vld [tilespmem:s16+$0x2F70];
	[tilespmem:s2+$0x13100] =	vst v0;
	s2 =	smov.u32 s16  }
0x30e: {  	v13 =	vld [tilespmem:s2+$0x2F80]  }
0x30f: {  	v14 =	vld [tilespmem:s2+$0x2F90]  }
0x310: {  	v15 =	vld [tilespmem:s2+$0x2FA0]  }
0x311: {  	v5 =	vld [tilespmem:s2+$0x2FB0]  }
0x312: {  	v4 =	vld [tilespmem:s2+$0x2FC0]  }
0x313: {  	v3 =	vld [tilespmem:s2+$0x2FD0]  }
0x314: {  	v2 =	vld [tilespmem:s2+$0x2FE0]  }
0x315: {  	v1 =	vld [tilespmem:s2+$0x2FF0]  }
0x316: {  	v0 =	vld [tilespmem:s2+$0x3000]  }
0x317: {  	v16 =	vld [tilespmem:s2+$0x13010]  }
0x318: {  	v17 =	vld [tilespmem:s2+$0x13020]  }
0x319: {  	v18 =	vld [tilespmem:s2+$0x13030]  }
0x31a: {  	v19 =	vld [tilespmem:s2+$0x13040]  }
0x31b: {  	v20 =	vld [tilespmem:s2+$0x13050]  }
0x31c: {  	v12 =	vadd.f32 v12, v16;
	v16 =	vld [tilespmem:s2+$0x13060]  }
0x31d: {  	v6 =	vadd.f32 v6, v17;
	v17 =	vld [tilespmem:s2+$0x13070]  }
0x31e: {  	[tilespmem:s2+$0x13010] =	vst v12;
	v8 =	vadd.f32 v8, v18;
	v12 =	vld [tilespmem:s2+$0x13080]  }
0x31f: {  	[tilespmem:s2+$0x13020] =	vst v6;
	v6 =	vadd.f32 v9, v19;
	v9 =	vld [tilespmem:s2+$0x13090]  }
0x320: {  	[tilespmem:s2+$0x13030] =	vst v8;
	v8 =	vadd.f32 v10, v20;
	v10 =	vld [tilespmem:s2+$0x130A0]  }
.Ltmp5:
0x321: {  	[tilespmem:s2+$0x13040] =	vst v6;
	v16 =	vadd.f32 v7, v16;
	v7 =	vld [tilespmem:s2+$0x130B0];
	(pc) =	sbr.rel @p1 .LBB2_9-.Ltmp5, $4  }
0x322: {  	[tilespmem:s2+$0x13050] =	vst v8;
	v11 =	vadd.f32 v11, v17;
	v6 =	vld [tilespmem:s2+$0x130C0]  }
0x323: {  	[tilespmem:s2+$0x13060] =	vst v16;
	v13 =	vadd.f32 v13, v12;
	v8 =	vld [tilespmem:s2+$0x130D0]  }
0x324: {  	[tilespmem:s2+$0x13070] =	vst v11;
	v12 =	vadd.f32 v14, v9;
	v9 =	vld [tilespmem:s2+$0x130E0]  }
0x325: {  	s14 =	sadd.s32 $0x400, s14;
	[tilespmem:s2+$0x13080] =	vst v13;
	v11 =	vadd.f32 v15, v10;
	v10 =	vld [tilespmem:s2+$0x130F0]  }
0x326: {  	[tilespmem:s2+$0x13090] =	vst v12;
	v5 =	vadd.f32 v5, v7;
	v63 =	vld [tilespmem:s2+$0x13100]  }
0x327: {  	[tilespmem:s2+$0x130A0] =	vst v11;
	v4 =	vadd.f32 v4, v6  }
0x328: {  	[tilespmem:s2+$0x130B0] =	vst v5;
	v3 =	vadd.f32 v3, v8  }
0x329: {  	[tilespmem:s2+$0x130C0] =	vst v4;
	v2 =	vadd.f32 v2, v9  }
0x32a: {  	[tilespmem:s2+$0x130D0] =	vst v3;
	v1 =	vadd.f32 v1, v10  }
0x32b: {  	[tilespmem:s2+$0x130E0] =	vst v2;
	v0 =	vadd.f32 v0, v63  }
0x32c: {  	s14 =	sshll.u32 s3, $0x8;
	[tilespmem:s2+$0x130F0] =	vst v1  }
0x32d: {  	s18 =	sand.u32 $0x3FFFFF00, s14;
	[tilespmem:s2+$0x13100] =	vst v0  }
0x32e: {  	v0 =	vld [tilespmem:s18+$0x1000];
	_ =	sdelay $0x4  }
0x32f: {  	[tilespmem:$0x16E80] =	vst v0  }
0x330: {  	v0 =	vld [tilespmem:s18+$0x1080];
	_ =	sdelay $0x4  }
0x331: {  	[tilespmem:$0x17000] =	vst v0  }
0x332: {  	v0 =	vld [tilespmem:s18+$0x1010];
	_ =	sdelay $0x4  }
0x333: {  	[tilespmem:$0x16E90] =	vst v0  }
0x334: {  	v0 =	vld [tilespmem:s18+$0x1090];
	_ =	sdelay $0x4  }
0x335: {  	[tilespmem:$0x17010] =	vst v0  }
0x336: {  	v0 =	vld [tilespmem:s18+$0x1020];
	_ =	sdelay $0x4  }
0x337: {  	[tilespmem:$0x16EA0] =	vst v0  }
0x338: {  	v0 =	vld [tilespmem:s18+$0x10A0];
	_ =	sdelay $0x4  }
0x339: {  	[tilespmem:$0x17020] =	vst v0  }
0x33a: {  	v0 =	vld [tilespmem:s18+$0x1030];
	_ =	sdelay $0x4  }
0x33b: {  	[tilespmem:$0x16EB0] =	vst v0  }
0x33c: {  	v0 =	vld [tilespmem:s18+$0x10B0];
	_ =	sdelay $0x4  }
0x33d: {  	[tilespmem:$0x17030] =	vst v0  }
0x33e: {  	v0 =	vld [tilespmem:s18+$0x1040];
	_ =	sdelay $0x4  }
0x33f: {  	[tilespmem:$0x16EC0] =	vst v0  }
0x340: {  	v0 =	vld [tilespmem:s18+$0x10C0];
	_ =	sdelay $0x4  }
0x341: {  	[tilespmem:$0x17040] =	vst v0  }
0x342: {  	v0 =	vld [tilespmem:s18+$0x1050];
	_ =	sdelay $0x4  }
0x343: {  	[tilespmem:$0x16ED0] =	vst v0  }
0x344: {  	v0 =	vld [tilespmem:s18+$0x10D0];
	_ =	sdelay $0x4  }
0x345: {  	[tilespmem:$0x17050] =	vst v0  }
0x346: {  	v0 =	vld [tilespmem:s18+$0x1060];
	_ =	sdelay $0x4  }
0x347: {  	[tilespmem:$0x16EE0] =	vst v0  }
0x348: {  	v0 =	vld [tilespmem:s18+$0x10E0];
	_ =	sdelay $0x4  }
0x349: {  	[tilespmem:$0x17060] =	vst v0  }
0x34a: {  	v0 =	vld [tilespmem:s18+$0x1070];
	_ =	sdelay $0x4  }
0x34b: {  	[tilespmem:$0x16EF0] =	vst v0  }
0x34c: {  	v0 =	vld [tilespmem:s18+$0x10F0];
	_ =	sdelay $0x1  }
.Ltmp6:
0x34d: {  	_ = 	snop;
	(pc) =	sbr.rel @p0 .LBB2_12-.Ltmp6, $4  }
0x34e: {  	s19 =	sadd.s32 s6, s3  }
0x34f: {  	s2 =	sshll.u32 s19, $0xB  }
0x350: {  	s2 =	sadd.s32 s4, s2;
	[tilespmem:$0x17070] =	vst v0  }
0x351: {  	[hbm4b:s2+s5] =	stream.linear.scatter [tilespmem:s22], [sflag:$0x8], $0x4000, $0x38;
	[tilespmem:$0x17100] =	vst v63  }
.Ltmp7:
0x352: {  	(pc) =	sbr.rel .LBB2_2-.Ltmp7, $4  }
0x353: {  	_ =	swait.ge [sflag:s29], $0x4000;
	s2 =	sshll.u32 s0, $0x9  }
0x354: {  	[sflag:s29] =	ssyncset.done $0x0;
	s2 =	sand.u32 $0x3FFFFE00, s2  }
0x355: {  	s0 =	sadd.s32 $0x1, s0;
	[sflag:s29] =	ssyncadd.s32 $0xFFFFC000;
	s2 =	sadd.s32 $0x300, s2  }
0x356: {  	[tilespmem:s17], [sflag:$0x3] =	stream.indirect.gather [hbm4b:s1+s12], $0x80, s2, s12, $0xb8;
	[tilespmem:$0x17100] =	vst v63  }
.LBB2_13:
0x357: {  	_ =	sfence.sel $0x180000  }
0x358: {  	[bflag:$0x0] =	sbarrier.arrive $0xFFFF  }
0x359: {  	_ =	strace $0x90000047  }
0x35a: {  	s0 =	stileid.u32;
	[bflag:$0x2] =	sbarrier.arrive $0xFFFF  }
0x35b: {  	p0 =	sne.s32 s0, $0x0;
	s0 =	rddreg [dreg:$0x4]  }
0x35c: {  	s0 =	sadd.s32 @!p0 $0x100000, s0  }
0x35d: {  	[sflag:s0] =	ssyncadd.tile.s32 @!p0 $0x1;
	_ =	shalt  }
.Lfunc_end2:
_tile_overlayer_lowered:
.L_overlay_start_2:
0x35e: {  	(tag) =	ssettag $0x2  }
0x35f: {  	s0 =	rddreg [dreg:$0x0];
	s2 =	stileid.u32  }
0x360: {  	s1 =	rddreg [dreg:$0x1];
	p0 =	sne.s32 s2, $0x0  }
0x361: {  	s3 =	rddreg [dreg:$0x2];
	[bflag:$0x3] =	sbarrier.arrive $0xFFFF;
	s2 =	simm.s32 @!p0 $0x1C09  }
0x362: {  	[timem:s3], [sflag:s2] =	dma.local @!p0 [hbm:s0], s1  }
0x363: {  	s0 =	simm.s32 @!p0 $0x9  }
0x364: {  	_ =	swait.ge @!p0 [sflag:s0], s1  }
0x365: {  	s1 =	ssub.s32 @!p0 $0x0, s1;
	[sflag:s0] =	ssyncset.done @!p0 $0x0  }
0x366: {  	[sflag:s0] =	ssyncadd.s32 @!p0 s1  }
0x367: {  	[bflag:$0x3] =	sbarrier.arrive $0xFFFF  }
0x368: {  	_ =	shalt  }

</sc_bundles>
